<compile_context>
chip_gen: v7x
topology: tpu7x:2x2x1
jax: 0.10.2.dev20260603
libtpu: 0.0.44.dev20260713+nightly
codegen_flags: <defaults>
</compile_context>

<pallas_src>
import jax
import jax.numpy as jnp
from jax import lax
from jax.experimental import pallas as pl
from jax.experimental.pallas import tpu as pltpu
from jax.experimental.pallas import tpu_sc as plsc

_NC = 2
_NS = 16
_CH = 128
_SUP = 4
_EBLK = _CH * _SUP
_NEG = -1e30


def _round_up(a: int, b: int) -> int:
    return (a + b - 1) // b * b


def _sc_mesh():
    return plsc.VectorSubcoreMesh(core_axis_name="c", subcore_axis_name="s")


_SC_PARAMS = pltpu.CompilerParams(use_tc_tiling_on_sc=False)


def _sc_degree(dst3, zeros1, *, Np: int, Ep: int):
    PR = Np // _NS
    EW = Ep // (_NC * _NS)
    nblk = EW // _EBLK

    def body(dst_hbm, z_hbm, out0_hbm, out1_hbm, didx_v, ones_v, acc_sh,
             isem, ssem):
        c = lax.axis_index("c")
        s = lax.axis_index("s")
        w = c * _NS + s
        for i in range(_CH // 16):
            ones_v[pl.ds(i * 16, 16)] = jnp.ones((16,), jnp.float32)
        sl = pl.ds(s * PR, PR)
        pltpu.sync_copy(z_hbm.at[sl], acc_sh.at[sl])
        plsc.subcore_barrier()
        t0 = w * nblk

        def idx_start(j, q):
            pltpu.async_copy(dst_hbm.at[t0 + j], didx_v.at[q], isem.at[q])

        def idx_wait(j, q):
            pltpu.make_async_copy(dst_hbm.at[t0 + j], didx_v.at[q],
                                  isem.at[q]).wait()

        idx_start(0, 0)
        idx_start(1, 1)

        def step(j, carry):
            q = lax.bitwise_and(j, 3)
            q2 = lax.bitwise_and(j + 2, 3)

            idx_wait(j, q)
            for i in range(_SUP):
                @pl.when(j >= 1)
                def _():
                    qp = lax.bitwise_and(j - 1, 3)
                    pltpu.make_async_copy(
                        ones_v, acc_sh.at[didx_v.at[qp].at[i]],
                        ssem.at[i]).wait()

                pltpu.async_copy(ones_v, acc_sh.at[didx_v.at[q].at[i]],
                                 ssem.at[i], add=True)

            @pl.when(j + 2 < nblk)
            def _():
                idx_start(j + 2, q2)
            return carry

        lax.fori_loop(0, nblk, step, 0)
        for i in range(_SUP):
            pltpu.make_async_copy(
                ones_v, acc_sh.at[didx_v.at[(nblk - 1) & 3].at[i]],
                ssem.at[i]).wait()
        plsc.subcore_barrier()

        @pl.when(c == 0)
        def _():
            pltpu.sync_copy(acc_sh.at[sl], out0_hbm.at[sl])

        @pl.when(c == 1)
        def _():
            pltpu.sync_copy(acc_sh.at[sl], out1_hbm.at[sl])

    return pl.kernel(
        body,
        out_type=[jax.ShapeDtypeStruct((Np,), jnp.float32),
                  jax.ShapeDtypeStruct((Np,), jnp.float32)],
        mesh=_sc_mesh(),
        compiler_params=_SC_PARAMS,
        scratch_types=[
            pltpu.VMEM((4, _SUP, _CH), jnp.int32),
            pltpu.VMEM((_CH,), jnp.float32),
            pltpu.VMEM_SHARED((Np,), jnp.float32),
            pltpu.SemaphoreType.DMA((4,)),
            pltpu.SemaphoreType.DMA((_SUP,)),
        ],
    )(dst3, zeros1)


def _sc_aggregate(src3, dst3, table, zeros, *, Np: int, Ep: int, F: int,
                  edge_split: bool):
    PR = Np // _NS
    EW = Ep // (_NC * _NS) if edge_split else Ep // _NS
    nblk = EW // _EBLK

    def body(src_hbm, dst_hbm, tab_hbm, z_hbm, out0_hbm, out1_hbm,
             sidx_v, didx_v, rows_v, acc_sh, gsem, isem, ssem):
        c = lax.axis_index("c")
        s = lax.axis_index("s")
        w = c * _NS + s if edge_split else s
        sl = pl.ds(s * PR, PR)
        view = tab_hbm if edge_split else tab_hbm.at[c]
        pltpu.sync_copy(z_hbm.at[sl], acc_sh.at[sl])
        plsc.subcore_barrier()
        t0 = w * nblk

        def idx_start(j, q):
            pltpu.async_copy(src_hbm.at[t0 + j], sidx_v.at[q], isem.at[q])
            pltpu.async_copy(dst_hbm.at[t0 + j], didx_v.at[q], isem.at[q])

        def idx_wait(j, q):
            pltpu.make_async_copy(src_hbm.at[t0 + j], sidx_v.at[q], isem.at[q]).wait()
            pltpu.make_async_copy(dst_hbm.at[t0 + j], didx_v.at[q], isem.at[q]).wait()

        idx_start(0, 0)
        idx_start(1, 1)

        def step(j, carry):
            q = lax.bitwise_and(j, 3)
            q2 = lax.bitwise_and(j + 2, 3)

            idx_wait(j, q)
            for i in range(_SUP):
                pltpu.async_copy(view.at[sidx_v.at[q].at[i]],
                                 rows_v.at[i], gsem.at[i])
            for i in range(_SUP):
                pltpu.make_async_copy(view.at[sidx_v.at[q].at[i]],
                                      rows_v.at[i], gsem.at[i]).wait()
                pltpu.async_copy(rows_v.at[i],
                                 acc_sh.at[didx_v.at[q].at[i]], ssem.at[i],
                                 add=True)

            @pl.when(j + 2 < nblk)
            def _():
                idx_start(j + 2, q2)

            for i in range(_SUP):
                pltpu.make_async_copy(
                    rows_v.at[i], acc_sh.at[didx_v.at[q].at[i]],
                    ssem.at[i]).wait()
            return carry

        lax.fori_loop(0, nblk, step, 0)
        plsc.subcore_barrier()

        @pl.when(c == 0)
        def _():
            pltpu.sync_copy(acc_sh.at[sl], out0_hbm.at[sl])

        @pl.when(c == 1)
        def _():
            pltpu.sync_copy(acc_sh.at[sl], out1_hbm.at[sl])

    return pl.kernel(
        body,
        out_type=[jax.ShapeDtypeStruct((Np, F), jnp.float32),
                  jax.ShapeDtypeStruct((Np, F), jnp.float32)],
        mesh=_sc_mesh(),
        compiler_params=_SC_PARAMS,
        scratch_types=[
            pltpu.VMEM((4, _SUP, _CH), jnp.int32),
            pltpu.VMEM((4, _SUP, _CH), jnp.int32),
            pltpu.VMEM((_SUP, _CH, F), jnp.float32),
            pltpu.VMEM_SHARED((Np, F), jnp.float32),
            pltpu.SemaphoreType.DMA((_SUP,)),
            pltpu.SemaphoreType.DMA((4,)),
            pltpu.SemaphoreType.DMA((_SUP,)),
        ],
    )(src3, dst3, table, zeros)


def _tc_prep1(d0, d1, xp, W1, *, Np: int, BR: int):

    def body(d0_ref, d1_ref, x_ref, w1_ref, dinv_ref, g1_ref):
        deg = d0_ref[...] + d1_ref[...] + 1.0
        dinv = lax.rsqrt(deg)
        dinv_ref[...] = dinv
        xw = jnp.dot(x_ref[...], w1_ref[...], preferred_element_type=jnp.float32)
        g1_ref[...] = xw * dinv

    return pl.pallas_call(
        body,
        grid=(Np // BR,),
        in_specs=[
            pl.BlockSpec((BR, 1), lambda i: (i, 0)),
            pl.BlockSpec((BR, 1), lambda i: (i, 0)),
            pl.BlockSpec((BR, 3), lambda i: (i, 0)),
            pl.BlockSpec((3, 16), lambda i: (0, 0)),
        ],
        out_specs=[
            pl.BlockSpec((BR, 1), lambda i: (i, 0)),
            pl.BlockSpec((BR, 16), lambda i: (i, 0)),
        ],
        out_shape=[
            jax.ShapeDtypeStruct((Np, 1), jnp.float32),
            jax.ShapeDtypeStruct((Np, 16), jnp.float32),
        ],
    )(d0, d1, xp, W1)


def _tc_mix1(a0, a1, g1, dinv, W2, b1, *, Np: int, BR: int, Nreal: int):

    def body(a0_ref, a1_ref, g_ref, d_ref, w2_ref, b1_ref, out_ref):
        dinv = d_ref[...]
        h1 = jnp.maximum(
            dinv * (a0_ref[...] + a1_ref[...] + g_ref[...]) + b1_ref[...], 0.0)
        g2 = jnp.dot(h1, w2_ref[...], preferred_element_type=jnp.float32) * dinv
        rows = pl.program_id(0) * BR + lax.broadcasted_iota(jnp.int32, (BR, 1), 0)
        g2 = jnp.where(rows < Nreal, g2, 0.0)
        out_ref[0] = g2[:, :32]
        out_ref[1] = g2[:, 32:]

    return pl.pallas_call(
        body,
        grid=(Np // BR,),
        in_specs=[
            pl.BlockSpec((BR, 16), lambda i: (i, 0)),
            pl.BlockSpec((BR, 16), lambda i: (i, 0)),
            pl.BlockSpec((BR, 16), lambda i: (i, 0)),
            pl.BlockSpec((BR, 1), lambda i: (i, 0)),
            pl.BlockSpec((16, 64), lambda i: (0, 0)),
            pl.BlockSpec((16,), lambda i: (0,)),
        ],
        out_specs=pl.BlockSpec((2, BR, 32), lambda i: (0, i, 0)),
        out_shape=jax.ShapeDtypeStruct((2, Np, 32), jnp.float32),
    )(a0, a1, g1, dinv, W2, b1)


def _tc_mix2(a0, a1, g2s, dinv, W3, b2, *, Np: int, BR: int, Nreal: int):

    def body(a0_ref, a1_ref, g_ref, d_ref, w3_ref, b2_ref, out_ref):
        dinv = d_ref[...]
        h0 = jnp.maximum(dinv * (a0_ref[...] + g_ref[0]) + b2_ref[0:32], 0.0)
        h1 = jnp.maximum(dinv * (a1_ref[...] + g_ref[1]) + b2_ref[32:64], 0.0)
        g3 = (jnp.dot(h0, w3_ref[0:32, :], preferred_element_type=jnp.float32)
              + jnp.dot(h1, w3_ref[32:64, :], preferred_element_type=jnp.float32)) * dinv
        rows = pl.program_id(0) * BR + lax.broadcasted_iota(jnp.int32, (BR, 1), 0)
        g3 = jnp.where(rows < Nreal, g3, 0.0)
        out_ref[0] = g3[:, :32]
        out_ref[1] = g3[:, 32:]

    return pl.pallas_call(
        body,
        grid=(Np // BR,),
        in_specs=[
            pl.BlockSpec((BR, 32), lambda i: (i, 0)),
            pl.BlockSpec((BR, 32), lambda i: (i, 0)),
            pl.BlockSpec((2, BR, 32), lambda i: (0, i, 0)),
            pl.BlockSpec((BR, 1), lambda i: (i, 0)),
            pl.BlockSpec((64, 64), lambda i: (0, 0)),
            pl.BlockSpec((64,), lambda i: (0,)),
        ],
        out_specs=pl.BlockSpec((2, BR, 32), lambda i: (0, i, 0)),
        out_shape=jax.ShapeDtypeStruct((2, Np, 32), jnp.float32),
    )(a0, a1, g2s, dinv, W3, b2)


def _tc_final(a0, a1, g3s, dinv, b3, p2, *, Np: int, BR: int):

    def body(a0_ref, a1_ref, g_ref, d_ref, b3_ref, p_ref, h3_ref, s_ref):
        dinv = d_ref[...]
        h0 = jnp.maximum(dinv * (a0_ref[...] + g_ref[0]) + b3_ref[0:32], 0.0)
        h1 = jnp.maximum(dinv * (a1_ref[...] + g_ref[1]) + b3_ref[32:64], 0.0)
        h3_ref[:, :32] = h0
        h3_ref[:, 32:] = h1
        pv = p_ref[...]
        pinv = lax.rsqrt(jnp.sum(pv * pv))
        s_ref[...] = (jnp.dot(h0, pv[0:32, :], preferred_element_type=jnp.float32)
                      + jnp.dot(h1, pv[32:64, :], preferred_element_type=jnp.float32)) * pinv

    return pl.pallas_call(
        body,
        grid=(Np // BR,),
        in_specs=[
            pl.BlockSpec((BR, 32), lambda i: (i, 0)),
            pl.BlockSpec((BR, 32), lambda i: (i, 0)),
            pl.BlockSpec((2, BR, 32), lambda i: (0, i, 0)),
            pl.BlockSpec((BR, 1), lambda i: (i, 0)),
            pl.BlockSpec((64,), lambda i: (0,)),
            pl.BlockSpec((64, 1), lambda i: (0, 0)),
        ],
        out_specs=[
            pl.BlockSpec((BR, 64), lambda i: (i, 0)),
            pl.BlockSpec((BR, 1), lambda i: (i, 0)),
        ],
        out_shape=[
            jax.ShapeDtypeStruct((Np, 64), jnp.float32),
            jax.ShapeDtypeStruct((Np, 1), jnp.float32),
        ],
    )(a0, a1, g3s, dinv, b3, p2)


def _tc_topk_head(score2, h3, Wm, bm, Wl, bl, Ww, bw, *, N: int, Np: int, K: int):
    R = Np // 128

    def body(s_ref, h3_ref, wm_ref, bm_ref, wl_ref, bl_ref, ww_ref, bw_ref,
             mean_ref, ls_ref, w_ref, rows_v, sem):
        row_id = lax.broadcasted_iota(jnp.int32, (R, 128), 0)
        col_id = lax.broadcasted_iota(jnp.int32, (R, 128), 1)
        flat = row_id * 128 + col_id
        sc = jnp.where(flat < N, s_ref[...], _NEG)
        rows_v[...] = jnp.zeros((16, 64), jnp.float32)
        for k in range(K):
            m = jnp.max(sc)
            idx = jnp.min(jnp.where(sc == m, flat, jnp.int32(0x7FFFFFFF)))
            copy = pltpu.make_async_copy(
                h3_ref.at[pl.ds(idx, 1)], rows_v.at[pl.ds(k, 1)], sem)
            copy.start()
            copy.wait()
            tv = jnp.tanh(jnp.full((1, 64), m, jnp.float32))
            rows_v[pl.ds(k, 1), :] = rows_v[pl.ds(k, 1), :] * tv
            sc = jnp.where(flat == idx, _NEG, sc)
        hp = rows_v[...]
        mean = jnp.dot(hp, wm_ref[...], preferred_element_type=jnp.float32) + bm_ref[...]
        ls = jnp.dot(hp, wl_ref[...], preferred_element_type=jnp.float32) + bl_ref[...]
        z = jnp.dot(hp, ww_ref[...], preferred_element_type=jnp.float32) + bw_ref[...]
        zm = jnp.max(z, axis=1, keepdims=True)
        e = jnp.exp(z - zm)
        w = e / jnp.sum(e, axis=1, keepdims=True)
        mean_ref[...] = mean[0:K, :]
        ls_ref[...] = ls[0:K, :]
        w_ref[...] = w[0:K, :]

    return pl.pallas_call(
        body,
        in_specs=[
            pl.BlockSpec(memory_space=pltpu.VMEM),
            pl.BlockSpec(memory_space=pl.ANY),
            pl.BlockSpec(memory_space=pltpu.VMEM),
            pl.BlockSpec(memory_space=pltpu.VMEM),
            pl.BlockSpec(memory_space=pltpu.VMEM),
            pl.BlockSpec(memory_space=pltpu.VMEM),
            pl.BlockSpec(memory_space=pltpu.VMEM),
            pl.BlockSpec(memory_space=pltpu.VMEM),
        ],
        out_shape=[
            jax.ShapeDtypeStruct((K, 2), jnp.float32),
            jax.ShapeDtypeStruct((K, 2), jnp.float32),
            jax.ShapeDtypeStruct((K, 1), jnp.float32),
        ],
        scratch_shapes=[
            pltpu.VMEM((16, 64), jnp.float32),
            pltpu.SemaphoreType.DMA,
        ],
    )(score2, h3, Wm, bm, Wl, bl, Ww, bw)


def kernel(x, edge_index, W1, b1, W2, b2, W3, b3, p, Wm, bm, Wl, bl, Ww, bw):
    N, E = x.shape[0], edge_index.shape[1]
    K = 10
    Np = _round_up(N, 128 * _NS)
    Ep = _round_up(E, _EBLK * _NC * _NS)
    BR = Np // 16

    src = edge_index[0].astype(jnp.int32)
    dst = edge_index[1].astype(jnp.int32)
    fk = jnp.arange(Ep - E, dtype=jnp.int32)
    srcp = jnp.concatenate([src, jnp.full((Ep - E,), Np - 1, jnp.int32)])
    dsta = jnp.concatenate([dst, fk % N])
    dstd = jnp.concatenate([dst, N + fk % (Np - N)])
    src3 = srcp.reshape(Ep // _EBLK, _SUP, _CH)
    dst3 = dsta.reshape(Ep // _EBLK, _SUP, _CH)
    dst3d = dstd.reshape(Ep // _EBLK, _SUP, _CH)
    xp = jnp.pad(x, ((0, Np - N), (0, 0)))
    zeros1 = jnp.zeros((Np,), jnp.float32)
    zeros16 = jnp.zeros((Np, 16), jnp.float32)
    zeros32 = jnp.zeros((Np, 32), jnp.float32)

    d0, d1 = _sc_degree(dst3d, zeros1, Np=Np, Ep=Ep)
    dinv, g1 = _tc_prep1(d0.reshape(Np, 1), d1.reshape(Np, 1), xp, W1,
                         Np=Np, BR=BR)
    a10, a11 = _sc_aggregate(src3, dst3, g1, zeros16, Np=Np, Ep=Ep, F=16,
                             edge_split=True)
    g2s = _tc_mix1(a10, a11, g1, dinv, W2, b1, Np=Np, BR=BR, Nreal=N)
    a20, a21 = _sc_aggregate(src3, dst3, g2s, zeros32, Np=Np, Ep=Ep, F=32,
                             edge_split=False)
    g3s = _tc_mix2(a20, a21, g2s, dinv, W3, b2, Np=Np, BR=BR, Nreal=N)
    a30, a31 = _sc_aggregate(src3, dst3, g3s, zeros32, Np=Np, Ep=Ep, F=32,
                             edge_split=False)
    h3, score = _tc_final(a30, a31, g3s, dinv, b3, p.reshape(64, 1),
                          Np=Np, BR=BR)
    mean, log_std, w = _tc_topk_head(
        score.reshape(Np // 128, 128), h3, Wm, bm, Wl, bl, Ww, bw,
        N=N, Np=Np, K=K)
    return mean, log_std, w

# --- scband reference (transcript-rebuilt; emitter-appended) ---
"""Pipeline reference for scband-gcngmm-17772574671254 (READ-ONLY COPY).

The authoritative reference and input builder live on the scoring server;
editing this copy changes nothing except your own understanding.
"""

import jax, jax.numpy as jnp
import numpy as np

N_NODES = 50000
N_EDGES = 800000
K_GMM = 10

def setup_inputs(seed: int = 0):
    key = jax.random.key(seed)
    ks = jax.random.split(key, 16)
    x = jax.random.normal(ks[0], (N_NODES, 3), dtype=jnp.float32)
    edge_index = jax.random.randint(ks[1], (2, N_EDGES), 0, N_NODES)
    def lin(k, fi, fo):
        return (jax.random.normal(k, (fi, fo), dtype=jnp.float32) / np.sqrt(fi)).astype(jnp.float32)
    W1 = lin(ks[2], 3, 16); b1 = jnp.zeros((16,), jnp.float32)
    W2 = lin(ks[3], 16, 64); b2 = jnp.zeros((64,), jnp.float32)
    W3 = lin(ks[4], 64, 64); b3 = jnp.zeros((64,), jnp.float32)
    p = jax.random.normal(ks[5], (64,), dtype=jnp.float32)
    Wm = lin(ks[6], 64, 2); bm = jnp.zeros((2,), jnp.float32)
    Wl = lin(ks[7], 64, 2); bl = jnp.zeros((2,), jnp.float32)
    Ww = lin(ks[8], 64, 1); bw = jnp.zeros((1,), jnp.float32)
    return {"x": x, "edge_index": edge_index, "W1": W1, "b1": b1, "W2": W2, "b2": b2, "W3": W3, "b3": b3, "p": p, "Wm": Wm, "bm": bm, "Wl": Wl, "bl": bl, "Ww": Ww, "bw": bw}

def _gcn_gmm(x, edge_index, W1, b1, W2, b2, W3, b3, p, Wm, bm, Wl, bl, Ww, bw):
    n = x.shape[0]
    loop = jnp.arange(n, dtype=edge_index.dtype)
    src = jnp.concatenate([edge_index[0], loop])
    dst = jnp.concatenate([edge_index[1], loop])
    deg = jax.ops.segment_sum(jnp.ones(src.shape[0], dtype=jnp.float32), dst, num_segments=n)
    dinv = jnp.where(deg > 0, jax.lax.rsqrt(jnp.maximum(deg, 1e-12)), 0.0)
    norm = dinv[src] * dinv[dst]
    def conv(h, W, b):
        h = h @ W
        msg = h[src] * norm[:, None]
        return jax.ops.segment_sum(msg, dst, num_segments=n) + b
    h = jax.nn.relu(conv(x, W1, b1))
    h = jax.nn.relu(conv(h, W2, b2))
    h = jax.nn.relu(conv(h, W3, b3))
    # TopKPooling (PyG semantics): score = x @ p / ||p||; select top k; x = x[perm] * tanh(score[perm])
    score = (h @ p) / jnp.linalg.norm(p)
    topv, perm = jax.lax.top_k(score, K_GMM)
    hp = h[perm] * jnp.tanh(topv)[:, None]
    mean = hp @ Wm + bm
    log_std = hp @ Wl + bl
    w = jax.nn.softmax(hp @ Ww + bw, axis=1)
    return mean, log_std, w

def reference(x, edge_index, W1, b1, W2, b2, W3, b3, p, Wm, bm, Wl, bl, Ww, bw):
    return _gcn_gmm(x, edge_index, W1, b1, W2, b2, W3, b3, p, Wm, bm, Wl, bl, Ww, bw)

if __name__ == "__main__":
    import jax
    _d = setup_inputs()
    print(jax.jit(kernel)(*tuple(_d.values())))

</pallas_src>

<mosaic_0001>
#map = affine_map<(d0, d1) -> (0, 0, 0)>
#map1 = affine_map<(d0, d1) -> (0, 0)>
module attributes {stable_mosaic.version = 14 : i64} {
  func.func @body(%arg0: i32, %arg1: i32, %arg2: memref<1568x4x128xi32, #tpu.memory_space<hbm>>, %arg3: memref<1568x4x128xi32, #tpu.memory_space<hbm>>, %arg4: memref<51200x16xf32, #tpu.memory_space<hbm>>, %arg5: memref<51200x16xf32, #tpu.memory_space<hbm>>, %arg6: memref<51200x16xf32, #tpu.memory_space<hbm>>, %arg7: memref<51200x16xf32, #tpu.memory_space<hbm>>, %arg8: memref<4x4x128xi32, #tpu.memory_space<vmem>>, %arg9: memref<4x4x128xi32, #tpu.memory_space<vmem>>, %arg10: memref<4x128x16xf32, #tpu.memory_space<vmem>>, %arg11: memref<51200x16xf32, #tpu.memory_space<vmem_shared>>, %arg12: memref<4x!tpu.dma_semaphore, #tpu.memory_space<semaphore_mem>>, %arg13: memref<4x!tpu.dma_semaphore, #tpu.memory_space<semaphore_mem>>, %arg14: memref<4x!tpu.dma_semaphore, #tpu.memory_space<semaphore_mem>>) attributes {dimension_semantics = [#tpu.dimension_semantics<core_parallel>, #tpu.dimension_semantics<subcore_parallel>], iteration_bounds = array<i64: 2, 16>, scalar_prefetch = 0 : i64, scratch_operands = 7 : i64, tpu.core_type = #tpu.core_type<sc_vector_subcore>, window_params = [{transform_indices = #map}, {transform_indices = #map}, {transform_indices = #map1}, {transform_indices = #map1}, {transform_indices = #map1}, {transform_indices = #map1}]} {
    %mul3A = arith.constant 16 : i32
    %mul3A_0 = arith.muli %arg0, %mul3A : i32
    %add3A = arith.addi %mul3A_0, %arg1 : i32
    %mul3A_1 = arith.constant 3200 : i32
    %mul3A_2 = arith.muli %arg1, %mul3A_1 : i32
    "tpu.region"() ({
      %run_scoped3A = tpu.sem_alloc : memref<!tpu.dma_semaphore, #tpu.memory_space<semaphore_mem>>
      %dma_start3A_105 = arith.constant 0 : i32
      %dma_start3A_106 = tpu.memref_slice %arg11[%mul3A_2, %dma_start3A_105] : memref<51200x16xf32, #tpu.memory_space<vmem_shared>> -> memref<3200x16xf32, #tpu.memory_space<vmem_shared>>
      %dma_start3A_107 = arith.constant 0 : i32
      %dma_start3A_108 = tpu.memref_slice %arg5[%mul3A_2, %dma_start3A_107] : memref<51200x16xf32, #tpu.memory_space<hbm>> -> memref<3200x16xf32, #tpu.memory_space<hbm>>
      tpu.enqueue_dma source(%dma_start3A_108 : memref<3200x16xf32, #tpu.memory_space<hbm>>) target(%dma_start3A_106 : memref<3200x16xf32, #tpu.memory_space<vmem_shared>>) target_semaphore(%run_scoped3A : memref<!tpu.dma_semaphore, #tpu.memory_space<semaphore_mem>>)
      %dma_wait3A = arith.constant 0 : i32
      %dma_wait3A_109 = tpu.memref_slice %arg11[%mul3A_2, %dma_wait3A] : memref<51200x16xf32, #tpu.memory_space<vmem_shared>> -> memref<3200x16xf32, #tpu.memory_space<vmem_shared>>
      %dma_wait3A_110 = arith.constant 0 : i32
      %dma_wait3A_111 = tpu.memref_slice %arg5[%mul3A_2, %dma_wait3A_110] : memref<51200x16xf32, #tpu.memory_space<hbm>> -> memref<3200x16xf32, #tpu.memory_space<hbm>>
      tpu.wait_dma2 semaphore(%run_scoped3A : memref<!tpu.dma_semaphore, #tpu.memory_space<semaphore_mem>>) src(%dma_wait3A_111 : memref<3200x16xf32, #tpu.memory_space<hbm>>) dst(%dma_wait3A_109 : memref<3200x16xf32, #tpu.memory_space<vmem_shared>>)
      tpu.yield
    }) : () -> ()
    %barrier3A = arith.constant 0 : index
    tpu.barrier barrier_id(%barrier3A)
    %mul3A_3 = arith.constant 49 : i32
    %mul3A_4 = arith.muli %add3A, %mul3A_3 : i32
    %add3A_5 = arith.constant 0 : i32
    %add3A_6 = arith.addi %mul3A_4, %add3A_5 : i32
    %dma_start3A = arith.constant 0 : i32
    %dma_start3A_7 = arith.constant 0 : i32
    %dma_start3A_8 = arith.constant 0 : i32
    %dma_start3A_9 = arith.constant 0 : i32
    %dma_start3A_10 = tpu.memref_slice %arg8[%dma_start3A, %dma_start3A_8, %dma_start3A_9] : memref<4x4x128xi32, #tpu.memory_space<vmem>> -> memref<1x4x128xi32, #tpu.memory_space<vmem>>
    %dma_start3A_11 = tpu.memref_squeeze %dma_start3A_10 : memref<1x4x128xi32, #tpu.memory_space<vmem>> -> memref<4x128xi32, #tpu.memory_space<vmem>>
    %dma_start3A_12 = arith.constant 0 : i32
    %dma_start3A_13 = arith.constant 0 : i32
    %dma_start3A_14 = tpu.memref_slice %arg2[%add3A_6, %dma_start3A_12, %dma_start3A_13] : memref<1568x4x128xi32, #tpu.memory_space<hbm>> -> memref<1x4x128xi32, #tpu.memory_space<hbm>>
    %dma_start3A_15 = tpu.memref_squeeze %dma_start3A_14 : memref<1x4x128xi32, #tpu.memory_space<hbm>> -> memref<4x128xi32, #tpu.memory_space<hbm>>
    %dma_start3A_16 = tpu.memref_slice %arg13[%dma_start3A_7] : memref<4x!tpu.dma_semaphore, #tpu.memory_space<semaphore_mem>> -> memref<1x!tpu.dma_semaphore, #tpu.memory_space<semaphore_mem>>
    %dma_start3A_17 = tpu.memref_squeeze %dma_start3A_16 : memref<1x!tpu.dma_semaphore, #tpu.memory_space<semaphore_mem>> -> memref<!tpu.dma_semaphore, #tpu.memory_space<semaphore_mem>>
    %dma_start3A_18 = arith.constant 0 : i32
    %dma_start3A_19 = arith.constant 0 : i32
    %dma_start3A_20 = tpu.memref_slice %arg8[%dma_start3A, %dma_start3A_18, %dma_start3A_19] : memref<4x4x128xi32, #tpu.memory_space<vmem>> -> memref<1x4x128xi32, #tpu.memory_space<vmem>>
    %dma_start3A_21 = tpu.memref_squeeze %dma_start3A_20 : memref<1x4x128xi32, #tpu.memory_space<vmem>> -> memref<4x128xi32, #tpu.memory_space<vmem>>
    %dma_start3A_22 = arith.constant 0 : i32
    %dma_start3A_23 = arith.constant 0 : i32
    %dma_start3A_24 = tpu.memref_slice %arg2[%add3A_6, %dma_start3A_22, %dma_start3A_23] : memref<1568x4x128xi32, #tpu.memory_space<hbm>> -> memref<1x4x128xi32, #tpu.memory_space<hbm>>
    %dma_start3A_25 = tpu.memref_squeeze %dma_start3A_24 : memref<1x4x128xi32, #tpu.memory_space<hbm>> -> memref<4x128xi32, #tpu.memory_space<hbm>>
    tpu.enqueue_dma source(%dma_start3A_25 : memref<4x128xi32, #tpu.memory_space<hbm>>) target(%dma_start3A_21 : memref<4x128xi32, #tpu.memory_space<vmem>>) target_semaphore(%dma_start3A_17 : memref<!tpu.dma_semaphore, #tpu.memory_space<semaphore_mem>>)
    %add3A_26 = arith.constant 0 : i32
    %add3A_27 = arith.addi %mul3A_4, %add3A_26 : i32
    %dma_start3A_28 = arith.constant 0 : i32
    %dma_start3A_29 = arith.constant 0 : i32
    %dma_start3A_30 = arith.constant 0 : i32
    %dma_start3A_31 = arith.constant 0 : i32
    %dma_start3A_32 = tpu.memref_slice %arg9[%dma_start3A_28, %dma_start3A_30, %dma_start3A_31] : memref<4x4x128xi32, #tpu.memory_space<vmem>> -> memref<1x4x128xi32, #tpu.memory_space<vmem>>
    %dma_start3A_33 = tpu.memref_squeeze %dma_start3A_32 : memref<1x4x128xi32, #tpu.memory_space<vmem>> -> memref<4x128xi32, #tpu.memory_space<vmem>>
    %dma_start3A_34 = arith.constant 0 : i32
    %dma_start3A_35 = arith.constant 0 : i32
    %dma_start3A_36 = tpu.memref_slice %arg3[%add3A_27, %dma_start3A_34, %dma_start3A_35] : memref<1568x4x128xi32, #tpu.memory_space<hbm>> -> memref<1x4x128xi32, #tpu.memory_space<hbm>>
    %dma_start3A_37 = tpu.memref_squeeze %dma_start3A_36 : memref<1x4x128xi32, #tpu.memory_space<hbm>> -> memref<4x128xi32, #tpu.memory_space<hbm>>
    %dma_start3A_38 = tpu.memref_slice %arg13[%dma_start3A_29] : memref<4x!tpu.dma_semaphore, #tpu.memory_space<semaphore_mem>> -> memref<1x!tpu.dma_semaphore, #tpu.memory_space<semaphore_mem>>
    %dma_start3A_39 = tpu.memref_squeeze %dma_start3A_38 : memref<1x!tpu.dma_semaphore, #tpu.memory_space<semaphore_mem>> -> memref<!tpu.dma_semaphore, #tpu.memory_space<semaphore_mem>>
    %dma_start3A_40 = arith.constant 0 : i32
    %dma_start3A_41 = arith.constant 0 : i32
    %dma_start3A_42 = tpu.memref_slice %arg9[%dma_start3A_28, %dma_start3A_40, %dma_start3A_41] : memref<4x4x128xi32, #tpu.memory_space<vmem>> -> memref<1x4x128xi32, #tpu.memory_space<vmem>>
    %dma_start3A_43 = tpu.memref_squeeze %dma_start3A_42 : memref<1x4x128xi32, #tpu.memory_space<vmem>> -> memref<4x128xi32, #tpu.memory_space<vmem>>
    %dma_start3A_44 = arith.constant 0 : i32
    %dma_start3A_45 = arith.constant 0 : i32
    %dma_start3A_46 = tpu.memref_slice %arg3[%add3A_27, %dma_start3A_44, %dma_start3A_45] : memref<1568x4x128xi32, #tpu.memory_space<hbm>> -> memref<1x4x128xi32, #tpu.memory_space<hbm>>
    %dma_start3A_47 = tpu.memref_squeeze %dma_start3A_46 : memref<1x4x128xi32, #tpu.memory_space<hbm>> -> memref<4x128xi32, #tpu.memory_space<hbm>>
    tpu.enqueue_dma source(%dma_start3A_47 : memref<4x128xi32, #tpu.memory_space<hbm>>) target(%dma_start3A_43 : memref<4x128xi32, #tpu.memory_space<vmem>>) target_semaphore(%dma_start3A_39 : memref<!tpu.dma_semaphore, #tpu.memory_space<semaphore_mem>>)
    %add3A_48 = arith.constant 1 : i32
    %add3A_49 = arith.addi %mul3A_4, %add3A_48 : i32
    %dma_start3A_50 = arith.constant 1 : i32
    %dma_start3A_51 = arith.constant 1 : i32
    %dma_start3A_52 = arith.constant 0 : i32
    %dma_start3A_53 = arith.constant 0 : i32
    %dma_start3A_54 = tpu.memref_slice %arg8[%dma_start3A_50, %dma_start3A_52, %dma_start3A_53] : memref<4x4x128xi32, #tpu.memory_space<vmem>> -> memref<1x4x128xi32, #tpu.memory_space<vmem>>
    %dma_start3A_55 = tpu.memref_squeeze %dma_start3A_54 : memref<1x4x128xi32, #tpu.memory_space<vmem>> -> memref<4x128xi32, #tpu.memory_space<vmem>>
    %dma_start3A_56 = arith.constant 0 : i32
    %dma_start3A_57 = arith.constant 0 : i32
    %dma_start3A_58 = tpu.memref_slice %arg2[%add3A_49, %dma_start3A_56, %dma_start3A_57] : memref<1568x4x128xi32, #tpu.memory_space<hbm>> -> memref<1x4x128xi32, #tpu.memory_space<hbm>>
    %dma_start3A_59 = tpu.memref_squeeze %dma_start3A_58 : memref<1x4x128xi32, #tpu.memory_space<hbm>> -> memref<4x128xi32, #tpu.memory_space<hbm>>
    %dma_start3A_60 = tpu.memref_slice %arg13[%dma_start3A_51] : memref<4x!tpu.dma_semaphore, #tpu.memory_space<semaphore_mem>> -> memref<1x!tpu.dma_semaphore, #tpu.memory_space<semaphore_mem>>
    %dma_start3A_61 = tpu.memref_squeeze %dma_start3A_60 : memref<1x!tpu.dma_semaphore, #tpu.memory_space<semaphore_mem>> -> memref<!tpu.dma_semaphore, #tpu.memory_space<semaphore_mem>>
    %dma_start3A_62 = arith.constant 0 : i32
    %dma_start3A_63 = arith.constant 0 : i32
    %dma_start3A_64 = tpu.memref_slice %arg8[%dma_start3A_50, %dma_start3A_62, %dma_start3A_63] : memref<4x4x128xi32, #tpu.memory_space<vmem>> -> memref<1x4x128xi32, #tpu.memory_space<vmem>>
    %dma_start3A_65 = tpu.memref_squeeze %dma_start3A_64 : memref<1x4x128xi32, #tpu.memory_space<vmem>> -> memref<4x128xi32, #tpu.memory_space<vmem>>
    %dma_start3A_66 = arith.constant 0 : i32
    %dma_start3A_67 = arith.constant 0 : i32
    %dma_start3A_68 = tpu.memref_slice %arg2[%add3A_49, %dma_start3A_66, %dma_start3A_67] : memref<1568x4x128xi32, #tpu.memory_space<hbm>> -> memref<1x4x128xi32, #tpu.memory_space<hbm>>
    %dma_start3A_69 = tpu.memref_squeeze %dma_start3A_68 : memref<1x4x128xi32, #tpu.memory_space<hbm>> -> memref<4x128xi32, #tpu.memory_space<hbm>>
    tpu.enqueue_dma source(%dma_start3A_69 : memref<4x128xi32, #tpu.memory_space<hbm>>) target(%dma_start3A_65 : memref<4x128xi32, #tpu.memory_space<vmem>>) target_semaphore(%dma_start3A_61 : memref<!tpu.dma_semaphore, #tpu.memory_space<semaphore_mem>>)
    %add3A_70 = arith.constant 1 : i32
    %add3A_71 = arith.addi %mul3A_4, %add3A_70 : i32
    %dma_start3A_72 = arith.constant 1 : i32
    %dma_start3A_73 = arith.constant 1 : i32
    %dma_start3A_74 = arith.constant 0 : i32
    %dma_start3A_75 = arith.constant 0 : i32
    %dma_start3A_76 = tpu.memref_slice %arg9[%dma_start3A_72, %dma_start3A_74, %dma_start3A_75] : memref<4x4x128xi32, #tpu.memory_space<vmem>> -> memref<1x4x128xi32, #tpu.memory_space<vmem>>
    %dma_start3A_77 = tpu.memref_squeeze %dma_start3A_76 : memref<1x4x128xi32, #tpu.memory_space<vmem>> -> memref<4x128xi32, #tpu.memory_space<vmem>>
    %dma_start3A_78 = arith.constant 0 : i32
    %dma_start3A_79 = arith.constant 0 : i32
    %dma_start3A_80 = tpu.memref_slice %arg3[%add3A_71, %dma_start3A_78, %dma_start3A_79] : memref<1568x4x128xi32, #tpu.memory_space<hbm>> -> memref<1x4x128xi32, #tpu.memory_space<hbm>>
    %dma_start3A_81 = tpu.memref_squeeze %dma_start3A_80 : memref<1x4x128xi32, #tpu.memory_space<hbm>> -> memref<4x128xi32, #tpu.memory_space<hbm>>
    %dma_start3A_82 = tpu.memref_slice %arg13[%dma_start3A_73] : memref<4x!tpu.dma_semaphore, #tpu.memory_space<semaphore_mem>> -> memref<1x!tpu.dma_semaphore, #tpu.memory_space<semaphore_mem>>
    %dma_start3A_83 = tpu.memref_squeeze %dma_start3A_82 : memref<1x!tpu.dma_semaphore, #tpu.memory_space<semaphore_mem>> -> memref<!tpu.dma_semaphore, #tpu.memory_space<semaphore_mem>>
    %dma_start3A_84 = arith.constant 0 : i32
    %dma_start3A_85 = arith.constant 0 : i32
    %dma_start3A_86 = tpu.memref_slice %arg9[%dma_start3A_72, %dma_start3A_84, %dma_start3A_85] : memref<4x4x128xi32, #tpu.memory_space<vmem>> -> memref<1x4x128xi32, #tpu.memory_space<vmem>>
    %dma_start3A_87 = tpu.memref_squeeze %dma_start3A_86 : memref<1x4x128xi32, #tpu.memory_space<vmem>> -> memref<4x128xi32, #tpu.memory_space<vmem>>
    %dma_start3A_88 = arith.constant 0 : i32
    %dma_start3A_89 = arith.constant 0 : i32
    %dma_start3A_90 = tpu.memref_slice %arg3[%add3A_71, %dma_start3A_88, %dma_start3A_89] : memref<1568x4x128xi32, #tpu.memory_space<hbm>> -> memref<1x4x128xi32, #tpu.memory_space<hbm>>
    %dma_start3A_91 = tpu.memref_squeeze %dma_start3A_90 : memref<1x4x128xi32, #tpu.memory_space<hbm>> -> memref<4x128xi32, #tpu.memory_space<hbm>>
    tpu.enqueue_dma source(%dma_start3A_91 : memref<4x128xi32, #tpu.memory_space<hbm>>) target(%dma_start3A_87 : memref<4x128xi32, #tpu.memory_space<vmem>>) target_semaphore(%dma_start3A_83 : memref<!tpu.dma_semaphore, #tpu.memory_space<semaphore_mem>>)
    %scan3A = arith.constant 0 : i32
    %scan3A_92 = arith.constant 0 : i32
    %scan3A_93 = arith.constant 49 : i32
    %scan3A_94 = arith.addi %scan3A_92, %scan3A_93 : i32
    %scan3A_95 = arith.constant 1 : i32
    scf.for %scan3A_105 = %scan3A_92 to %scan3A_94 step %scan3A_95  : i32 {
      %and3A = arith.constant 3 : i32
      %and3A_106 = arith.andi %scan3A_105, %and3A : i32
      %add3A_107 = arith.constant 2 : i32
      %add3A_108 = arith.addi %scan3A_105, %add3A_107 : i32
      %and3A_109 = arith.constant 3 : i32
      %and3A_110 = arith.andi %add3A_108, %and3A_109 : i32
      %add3A_111 = arith.addi %mul3A_4, %scan3A_105 : i32
      %dma_wait3A = arith.constant 0 : i32
      %dma_wait3A_112 = arith.constant 0 : i32
      %dma_wait3A_113 = tpu.memref_slice %arg8[%and3A_106, %dma_wait3A, %dma_wait3A_112] : memref<4x4x128xi32, #tpu.memory_space<vmem>> -> memref<1x4x128xi32, #tpu.memory_space<vmem>>
      %dma_wait3A_114 = tpu.memref_squeeze %dma_wait3A_113 : memref<1x4x128xi32, #tpu.memory_space<vmem>> -> memref<4x128xi32, #tpu.memory_space<vmem>>
      %dma_wait3A_115 = arith.constant 0 : i32
      %dma_wait3A_116 = arith.constant 0 : i32
      %dma_wait3A_117 = tpu.memref_slice %arg2[%add3A_111, %dma_wait3A_115, %dma_wait3A_116] : memref<1568x4x128xi32, #tpu.memory_space<hbm>> -> memref<1x4x128xi32, #tpu.memory_space<hbm>>
      %dma_wait3A_118 = tpu.memref_squeeze %dma_wait3A_117 : memref<1x4x128xi32, #tpu.memory_space<hbm>> -> memref<4x128xi32, #tpu.memory_space<hbm>>
      %dma_wait3A_119 = tpu.memref_slice %arg13[%and3A_106] : memref<4x!tpu.dma_semaphore, #tpu.memory_space<semaphore_mem>> -> memref<1x!tpu.dma_semaphore, #tpu.memory_space<semaphore_mem>>
      %dma_wait3A_120 = tpu.memref_squeeze %dma_wait3A_119 : memref<1x!tpu.dma_semaphore, #tpu.memory_space<semaphore_mem>> -> memref<!tpu.dma_semaphore, #tpu.memory_space<semaphore_mem>>
      %dma_wait3A_121 = arith.constant 0 : i32
      %dma_wait3A_122 = arith.constant 0 : i32
      %dma_wait3A_123 = tpu.memref_slice %arg8[%and3A_106, %dma_wait3A_121, %dma_wait3A_122] : memref<4x4x128xi32, #tpu.memory_space<vmem>> -> memref<1x4x128xi32, #tpu.memory_space<vmem>>
      %dma_wait3A_124 = tpu.memref_squeeze %dma_wait3A_123 : memref<1x4x128xi32, #tpu.memory_space<vmem>> -> memref<4x128xi32, #tpu.memory_space<vmem>>
      %dma_wait3A_125 = arith.constant 0 : i32
      %dma_wait3A_126 = arith.constant 0 : i32
      %dma_wait3A_127 = tpu.memref_slice %arg2[%add3A_111, %dma_wait3A_125, %dma_wait3A_126] : memref<1568x4x128xi32, #tpu.memory_space<hbm>> -> memref<1x4x128xi32, #tpu.memory_space<hbm>>
      %dma_wait3A_128 = tpu.memref_squeeze %dma_wait3A_127 : memref<1x4x128xi32, #tpu.memory_space<hbm>> -> memref<4x128xi32, #tpu.memory_space<hbm>>
      tpu.wait_dma2 semaphore(%dma_wait3A_120 : memref<!tpu.dma_semaphore, #tpu.memory_space<semaphore_mem>>) src(%dma_wait3A_128 : memref<4x128xi32, #tpu.memory_space<hbm>>) dst(%dma_wait3A_124 : memref<4x128xi32, #tpu.memory_space<vmem>>)
      %add3A_129 = arith.addi %mul3A_4, %scan3A_105 : i32
      %dma_wait3A_130 = arith.constant 0 : i32
      %dma_wait3A_131 = arith.constant 0 : i32
      %dma_wait3A_132 = tpu.memref_slice %arg9[%and3A_106, %dma_wait3A_130, %dma_wait3A_131] : memref<4x4x128xi32, #tpu.memory_space<vmem>> -> memref<1x4x128xi32, #tpu.memory_space<vmem>>
      %dma_wait3A_133 = tpu.memref_squeeze %dma_wait3A_132 : memref<1x4x128xi32, #tpu.memory_space<vmem>> -> memref<4x128xi32, #tpu.memory_space<vmem>>
      %dma_wait3A_134 = arith.constant 0 : i32
      %dma_wait3A_135 = arith.constant 0 : i32
      %dma_wait3A_136 = tpu.memref_slice %arg3[%add3A_129, %dma_wait3A_134, %dma_wait3A_135] : memref<1568x4x128xi32, #tpu.memory_space<hbm>> -> memref<1x4x128xi32, #tpu.memory_space<hbm>>
      %dma_wait3A_137 = tpu.memref_squeeze %dma_wait3A_136 : memref<1x4x128xi32, #tpu.memory_space<hbm>> -> memref<4x128xi32, #tpu.memory_space<hbm>>
      %dma_wait3A_138 = tpu.memref_slice %arg13[%and3A_106] : memref<4x!tpu.dma_semaphore, #tpu.memory_space<semaphore_mem>> -> memref<1x!tpu.dma_semaphore, #tpu.memory_space<semaphore_mem>>
      %dma_wait3A_139 = tpu.memref_squeeze %dma_wait3A_138 : memref<1x!tpu.dma_semaphore, #tpu.memory_space<semaphore_mem>> -> memref<!tpu.dma_semaphore, #tpu.memory_space<semaphore_mem>>
      %dma_wait3A_140 = arith.constant 0 : i32
      %dma_wait3A_141 = arith.constant 0 : i32
      %dma_wait3A_142 = tpu.memref_slice %arg9[%and3A_106, %dma_wait3A_140, %dma_wait3A_141] : memref<4x4x128xi32, #tpu.memory_space<vmem>> -> memref<1x4x128xi32, #tpu.memory_space<vmem>>
      %dma_wait3A_143 = tpu.memref_squeeze %dma_wait3A_142 : memref<1x4x128xi32, #tpu.memory_space<vmem>> -> memref<4x128xi32, #tpu.memory_space<vmem>>
      %dma_wait3A_144 = arith.constant 0 : i32
      %dma_wait3A_145 = arith.constant 0 : i32
      %dma_wait3A_146 = tpu.memref_slice %arg3[%add3A_129, %dma_wait3A_144, %dma_wait3A_145] : memref<1568x4x128xi32, #tpu.memory_space<hbm>> -> memref<1x4x128xi32, #tpu.memory_space<hbm>>
      %dma_wait3A_147 = tpu.memref_squeeze %dma_wait3A_146 : memref<1x4x128xi32, #tpu.memory_space<hbm>> -> memref<4x128xi32, #tpu.memory_space<hbm>>
      tpu.wait_dma2 semaphore(%dma_wait3A_139 : memref<!tpu.dma_semaphore, #tpu.memory_space<semaphore_mem>>) src(%dma_wait3A_147 : memref<4x128xi32, #tpu.memory_space<hbm>>) dst(%dma_wait3A_143 : memref<4x128xi32, #tpu.memory_space<vmem>>)
      %dma_start3A_148 = arith.constant 0 : i32
      %dma_start3A_149 = arith.constant 0 : i32
      %dma_start3A_150 = arith.constant 0 : i32
      %dma_start3A_151 = arith.constant 0 : i32
      %dma_start3A_152 = arith.constant 0 : i32
      %dma_start3A_153 = tpu.memref_slice %arg10[%dma_start3A_149, %dma_start3A_151, %dma_start3A_152] : memref<4x128x16xf32, #tpu.memory_space<vmem>> -> memref<1x128x16xf32, #tpu.memory_space<vmem>>
      %dma_start3A_154 = tpu.memref_squeeze %dma_start3A_153 : memref<1x128x16xf32, #tpu.memory_space<vmem>> -> memref<128x16xf32, #tpu.memory_space<vmem>>
      %dma_start3A_155 = arith.constant 0 : i32
      %dma_start3A_156 = arith.constant 0 : i32
      %dma_start3A_157 = tpu.memref_slice %arg8[%and3A_106, %dma_start3A_155, %dma_start3A_156] : memref<4x4x128xi32, #tpu.memory_space<vmem>> -> memref<1x4x128xi32, #tpu.memory_space<vmem>>
      %dma_start3A_158 = tpu.memref_squeeze %dma_start3A_157 : memref<1x4x128xi32, #tpu.memory_space<vmem>> -> memref<4x128xi32, #tpu.memory_space<vmem>>
      %dma_start3A_159 = arith.constant 0 : i32
      %dma_start3A_160 = tpu.memref_slice %dma_start3A_158[%dma_start3A_148, %dma_start3A_159] : memref<4x128xi32, #tpu.memory_space<vmem>> -> memref<1x128xi32, #tpu.memory_space<vmem>>
      %dma_start3A_161 = tpu.memref_squeeze %dma_start3A_160 : memref<1x128xi32, #tpu.memory_space<vmem>> -> memref<128xi32, #tpu.memory_space<vmem>>
      %dma_start3A_162 = arith.constant 0 : i32
      %dma_start3A_163 = arith.constant 0 : i32
      %dma_start3A_164 = tpu.memref_slice %arg4[%dma_start3A_162, %dma_start3A_163] : memref<51200x16xf32, #tpu.memory_space<hbm>> -> memref<51200x16xf32, #tpu.memory_space<hbm>>
      %dma_start3A_165 = tpu.memref_slice %arg12[%dma_start3A_150] : memref<4x!tpu.dma_semaphore, #tpu.memory_space<semaphore_mem>> -> memref<1x!tpu.dma_semaphore, #tpu.memory_space<semaphore_mem>>
      %dma_start3A_166 = tpu.memref_squeeze %dma_start3A_165 : memref<1x!tpu.dma_semaphore, #tpu.memory_space<semaphore_mem>> -> memref<!tpu.dma_semaphore, #tpu.memory_space<semaphore_mem>>
      tpu.enqueue_indirect_dma source(%dma_start3A_164 : memref<51200x16xf32, #tpu.memory_space<hbm>>) target(%dma_start3A_154 : memref<128x16xf32, #tpu.memory_space<vmem>>) offsets(%dma_start3A_161 : memref<128xi32, #tpu.memory_space<vmem>>) semaphore(%dma_start3A_166 : memref<!tpu.dma_semaphore, #tpu.memory_space<semaphore_mem>>)
      %dma_start3A_167 = arith.constant 1 : i32
      %dma_start3A_168 = arith.constant 1 : i32
      %dma_start3A_169 = arith.constant 1 : i32
      %dma_start3A_170 = arith.constant 0 : i32
      %dma_start3A_171 = arith.constant 0 : i32
      %dma_start3A_172 = tpu.memref_slice %arg10[%dma_start3A_168, %dma_start3A_170, %dma_start3A_171] : memref<4x128x16xf32, #tpu.memory_space<vmem>> -> memref<1x128x16xf32, #tpu.memory_space<vmem>>
      %dma_start3A_173 = tpu.memref_squeeze %dma_start3A_172 : memref<1x128x16xf32, #tpu.memory_space<vmem>> -> memref<128x16xf32, #tpu.memory_space<vmem>>
      %dma_start3A_174 = arith.constant 0 : i32
      %dma_start3A_175 = arith.constant 0 : i32
      %dma_start3A_176 = tpu.memref_slice %arg8[%and3A_106, %dma_start3A_174, %dma_start3A_175] : memref<4x4x128xi32, #tpu.memory_space<vmem>> -> memref<1x4x128xi32, #tpu.memory_space<vmem>>
      %dma_start3A_177 = tpu.memref_squeeze %dma_start3A_176 : memref<1x4x128xi32, #tpu.memory_space<vmem>> -> memref<4x128xi32, #tpu.memory_space<vmem>>
      %dma_start3A_178 = arith.constant 0 : i32
      %dma_start3A_179 = tpu.memref_slice %dma_start3A_177[%dma_start3A_167, %dma_start3A_178] : memref<4x128xi32, #tpu.memory_space<vmem>> -> memref<1x128xi32, #tpu.memory_space<vmem>>
      %dma_start3A_180 = tpu.memref_squeeze %dma_start3A_179 : memref<1x128xi32, #tpu.memory_space<vmem>> -> memref<128xi32, #tpu.memory_space<vmem>>
      %dma_start3A_181 = arith.constant 0 : i32
      %dma_start3A_182 = arith.constant 0 : i32
      %dma_start3A_183 = tpu.memref_slice %arg4[%dma_start3A_181, %dma_start3A_182] : memref<51200x16xf32, #tpu.memory_space<hbm>> -> memref<51200x16xf32, #tpu.memory_space<hbm>>
      %dma_start3A_184 = tpu.memref_slice %arg12[%dma_start3A_169] : memref<4x!tpu.dma_semaphore, #tpu.memory_space<semaphore_mem>> -> memref<1x!tpu.dma_semaphore, #tpu.memory_space<semaphore_mem>>
      %dma_start3A_185 = tpu.memref_squeeze %dma_start3A_184 : memref<1x!tpu.dma_semaphore, #tpu.memory_space<semaphore_mem>> -> memref<!tpu.dma_semaphore, #tpu.memory_space<semaphore_mem>>
      tpu.enqueue_indirect_dma source(%dma_start3A_183 : memref<51200x16xf32, #tpu.memory_space<hbm>>) target(%dma_start3A_173 : memref<128x16xf32, #tpu.memory_space<vmem>>) offsets(%dma_start3A_180 : memref<128xi32, #tpu.memory_space<vmem>>) semaphore(%dma_start3A_185 : memref<!tpu.dma_semaphore, #tpu.memory_space<semaphore_mem>>)
      %dma_start3A_186 = arith.constant 2 : i32
      %dma_start3A_187 = arith.constant 2 : i32
      %dma_start3A_188 = arith.constant 2 : i32
      %dma_start3A_189 = arith.constant 0 : i32
      %dma_start3A_190 = arith.constant 0 : i32
      %dma_start3A_191 = tpu.memref_slice %arg10[%dma_start3A_187, %dma_start3A_189, %dma_start3A_190] : memref<4x128x16xf32, #tpu.memory_space<vmem>> -> memref<1x128x16xf32, #tpu.memory_space<vmem>>
      %dma_start3A_192 = tpu.memref_squeeze %dma_start3A_191 : memref<1x128x16xf32, #tpu.memory_space<vmem>> -> memref<128x16xf32, #tpu.memory_space<vmem>>
      %dma_start3A_193 = arith.constant 0 : i32
      %dma_start3A_194 = arith.constant 0 : i32
      %dma_start3A_195 = tpu.memref_slice %arg8[%and3A_106, %dma_start3A_193, %dma_start3A_194] : memref<4x4x128xi32, #tpu.memory_space<vmem>> -> memref<1x4x128xi32, #tpu.memory_space<vmem>>
      %dma_start3A_196 = tpu.memref_squeeze %dma_start3A_195 : memref<1x4x128xi32, #tpu.memory_space<vmem>> -> memref<4x128xi32, #tpu.memory_space<vmem>>
      %dma_start3A_197 = arith.constant 0 : i32
      %dma_start3A_198 = tpu.memref_slice %dma_start3A_196[%dma_start3A_186, %dma_start3A_197] : memref<4x128xi32, #tpu.memory_space<vmem>> -> memref<1x128xi32, #tpu.memory_space<vmem>>
      %dma_start3A_199 = tpu.memref_squeeze %dma_start3A_198 : memref<1x128xi32, #tpu.memory_space<vmem>> -> memref<128xi32, #tpu.memory_space<vmem>>
      %dma_start3A_200 = arith.constant 0 : i32
      %dma_start3A_201 = arith.constant 0 : i32
      %dma_start3A_202 = tpu.memref_slice %arg4[%dma_start3A_200, %dma_start3A_201] : memref<51200x16xf32, #tpu.memory_space<hbm>> -> memref<51200x16xf32, #tpu.memory_space<hbm>>
      %dma_start3A_203 = tpu.memref_slice %arg12[%dma_start3A_188] : memref<4x!tpu.dma_semaphore, #tpu.memory_space<semaphore_mem>> -> memref<1x!tpu.dma_semaphore, #tpu.memory_space<semaphore_mem>>
      %dma_start3A_204 = tpu.memref_squeeze %dma_start3A_203 : memref<1x!tpu.dma_semaphore, #tpu.memory_space<semaphore_mem>> -> memref<!tpu.dma_semaphore, #tpu.memory_space<semaphore_mem>>
      tpu.enqueue_indirect_dma source(%dma_start3A_202 : memref<51200x16xf32, #tpu.memory_space<hbm>>) target(%dma_start3A_192 : memref<128x16xf32, #tpu.memory_space<vmem>>) offsets(%dma_start3A_199 : memref<128xi32, #tpu.memory_space<vmem>>) semaphore(%dma_start3A_204 : memref<!tpu.dma_semaphore, #tpu.memory_space<semaphore_mem>>)
      %dma_start3A_205 = arith.constant 3 : i32
      %dma_start3A_206 = arith.constant 3 : i32
      %dma_start3A_207 = arith.constant 3 : i32
      %dma_start3A_208 = arith.constant 0 : i32
      %dma_start3A_209 = arith.constant 0 : i32
      %dma_start3A_210 = tpu.memref_slice %arg10[%dma_start3A_206, %dma_start3A_208, %dma_start3A_209] : memref<4x128x16xf32, #tpu.memory_space<vmem>> -> memref<1x128x16xf32, #tpu.memory_space<vmem>>
      %dma_start3A_211 = tpu.memref_squeeze %dma_start3A_210 : memref<1x128x16xf32, #tpu.memory_space<vmem>> -> memref<128x16xf32, #tpu.memory_space<vmem>>
      %dma_start3A_212 = arith.constant 0 : i32
      %dma_start3A_213 = arith.constant 0 : i32
      %dma_start3A_214 = tpu.memref_slice %arg8[%and3A_106, %dma_start3A_212, %dma_start3A_213] : memref<4x4x128xi32, #tpu.memory_space<vmem>> -> memref<1x4x128xi32, #tpu.memory_space<vmem>>
      %dma_start3A_215 = tpu.memref_squeeze %dma_start3A_214 : memref<1x4x128xi32, #tpu.memory_space<vmem>> -> memref<4x128xi32, #tpu.memory_space<vmem>>
      %dma_start3A_216 = arith.constant 0 : i32
      %dma_start3A_217 = tpu.memref_slice %dma_start3A_215[%dma_start3A_205, %dma_start3A_216] : memref<4x128xi32, #tpu.memory_space<vmem>> -> memref<1x128xi32, #tpu.memory_space<vmem>>
      %dma_start3A_218 = tpu.memref_squeeze %dma_start3A_217 : memref<1x128xi32, #tpu.memory_space<vmem>> -> memref<128xi32, #tpu.memory_space<vmem>>
      %dma_start3A_219 = arith.constant 0 : i32
      %dma_start3A_220 = arith.constant 0 : i32
      %dma_start3A_221 = tpu.memref_slice %arg4[%dma_start3A_219, %dma_start3A_220] : memref<51200x16xf32, #tpu.memory_space<hbm>> -> memref<51200x16xf32, #tpu.memory_space<hbm>>
      %dma_start3A_222 = tpu.memref_slice %arg12[%dma_start3A_207] : memref<4x!tpu.dma_semaphore, #tpu.memory_space<semaphore_mem>> -> memref<1x!tpu.dma_semaphore, #tpu.memory_space<semaphore_mem>>
      %dma_start3A_223 = tpu.memref_squeeze %dma_start3A_222 : memref<1x!tpu.dma_semaphore, #tpu.memory_space<semaphore_mem>> -> memref<!tpu.dma_semaphore, #tpu.memory_space<semaphore_mem>>
      tpu.enqueue_indirect_dma source(%dma_start3A_221 : memref<51200x16xf32, #tpu.memory_space<hbm>>) target(%dma_start3A_211 : memref<128x16xf32, #tpu.memory_space<vmem>>) offsets(%dma_start3A_218 : memref<128xi32, #tpu.memory_space<vmem>>) semaphore(%dma_start3A_223 : memref<!tpu.dma_semaphore, #tpu.memory_space<semaphore_mem>>)
      %dma_wait3A_224 = arith.constant 0 : i32
      %dma_wait3A_225 = arith.constant 0 : i32
      %dma_wait3A_226 = arith.constant 0 : i32
      %dma_wait3A_227 = arith.constant 0 : i32
      %dma_wait3A_228 = arith.constant 0 : i32
      %dma_wait3A_229 = tpu.memref_slice %arg10[%dma_wait3A_225, %dma_wait3A_227, %dma_wait3A_228] : memref<4x128x16xf32, #tpu.memory_space<vmem>> -> memref<1x128x16xf32, #tpu.memory_space<vmem>>
      %dma_wait3A_230 = tpu.memref_squeeze %dma_wait3A_229 : memref<1x128x16xf32, #tpu.memory_space<vmem>> -> memref<128x16xf32, #tpu.memory_space<vmem>>
      %dma_wait3A_231 = arith.constant 0 : i32
      %dma_wait3A_232 = arith.constant 0 : i32
      %dma_wait3A_233 = tpu.memref_slice %arg8[%and3A_106, %dma_wait3A_231, %dma_wait3A_232] : memref<4x4x128xi32, #tpu.memory_space<vmem>> -> memref<1x4x128xi32, #tpu.memory_space<vmem>>
      %dma_wait3A_234 = tpu.memref_squeeze %dma_wait3A_233 : memref<1x4x128xi32, #tpu.memory_space<vmem>> -> memref<4x128xi32, #tpu.memory_space<vmem>>
      %dma_wait3A_235 = arith.constant 0 : i32
      %dma_wait3A_236 = tpu.memref_slice %dma_wait3A_234[%dma_wait3A_224, %dma_wait3A_235] : memref<4x128xi32, #tpu.memory_space<vmem>> -> memref<1x128xi32, #tpu.memory_space<vmem>>
      %dma_wait3A_237 = tpu.memref_squeeze %dma_wait3A_236 : memref<1x128xi32, #tpu.memory_space<vmem>> -> memref<128xi32, #tpu.memory_space<vmem>>
      %dma_wait3A_238 = arith.constant 0 : i32
      %dma_wait3A_239 = arith.constant 0 : i32
      %dma_wait3A_240 = tpu.memref_slice %arg4[%dma_wait3A_238, %dma_wait3A_239] : memref<51200x16xf32, #tpu.memory_space<hbm>> -> memref<51200x16xf32, #tpu.memory_space<hbm>>
      %dma_wait3A_241 = tpu.memref_slice %arg12[%dma_wait3A_226] : memref<4x!tpu.dma_semaphore, #tpu.memory_space<semaphore_mem>> -> memref<1x!tpu.dma_semaphore, #tpu.memory_space<semaphore_mem>>
      %dma_wait3A_242 = tpu.memref_squeeze %dma_wait3A_241 : memref<1x!tpu.dma_semaphore, #tpu.memory_space<semaphore_mem>> -> memref<!tpu.dma_semaphore, #tpu.memory_space<semaphore_mem>>
      tpu.wait_indirect_dma semaphore(%dma_wait3A_242 : memref<!tpu.dma_semaphore, #tpu.memory_space<semaphore_mem>>) src(%dma_wait3A_240 : memref<51200x16xf32, #tpu.memory_space<hbm>>) dst(%dma_wait3A_230 : memref<128x16xf32, #tpu.memory_space<vmem>>)
      %dma_start3A_243 = arith.constant 0 : i32
      %dma_start3A_244 = arith.constant 0 : i32
      %dma_start3A_245 = arith.constant 0 : i32
      %dma_start3A_246 = arith.constant 0 : i32
      %dma_start3A_247 = arith.constant 0 : i32
      %dma_start3A_248 = tpu.memref_slice %arg10[%dma_start3A_243, %dma_start3A_246, %dma_start3A_247] : memref<4x128x16xf32, #tpu.memory_space<vmem>> -> memref<1x128x16xf32, #tpu.memory_space<vmem>>
      %dma_start3A_249 = tpu.memref_squeeze %dma_start3A_248 : memref<1x128x16xf32, #tpu.memory_space<vmem>> -> memref<128x16xf32, #tpu.memory_space<vmem>>
      %dma_start3A_250 = arith.constant 0 : i32
      %dma_start3A_251 = arith.constant 0 : i32
      %dma_start3A_252 = tpu.memref_slice %arg9[%and3A_106, %dma_start3A_250, %dma_start3A_251] : memref<4x4x128xi32, #tpu.memory_space<vmem>> -> memref<1x4x128xi32, #tpu.memory_space<vmem>>
      %dma_start3A_253 = tpu.memref_squeeze %dma_start3A_252 : memref<1x4x128xi32, #tpu.memory_space<vmem>> -> memref<4x128xi32, #tpu.memory_space<vmem>>
      %dma_start3A_254 = arith.constant 0 : i32
      %dma_start3A_255 = tpu.memref_slice %dma_start3A_253[%dma_start3A_244, %dma_start3A_254] : memref<4x128xi32, #tpu.memory_space<vmem>> -> memref<1x128xi32, #tpu.memory_space<vmem>>
      %dma_start3A_256 = tpu.memref_squeeze %dma_start3A_255 : memref<1x128xi32, #tpu.memory_space<vmem>> -> memref<128xi32, #tpu.memory_space<vmem>>
      %dma_start3A_257 = arith.constant 0 : i32
      %dma_start3A_258 = arith.constant 0 : i32
      %dma_start3A_259 = tpu.memref_slice %arg11[%dma_start3A_257, %dma_start3A_258] : memref<51200x16xf32, #tpu.memory_space<vmem_shared>> -> memref<51200x16xf32, #tpu.memory_space<vmem_shared>>
      %dma_start3A_260 = tpu.memref_slice %arg14[%dma_start3A_245] : memref<4x!tpu.dma_semaphore, #tpu.memory_space<semaphore_mem>> -> memref<1x!tpu.dma_semaphore, #tpu.memory_space<semaphore_mem>>
      %dma_start3A_261 = tpu.memref_squeeze %dma_start3A_260 : memref<1x!tpu.dma_semaphore, #tpu.memory_space<semaphore_mem>> -> memref<!tpu.dma_semaphore, #tpu.memory_space<semaphore_mem>>
      tpu.enqueue_indirect_dma source(%dma_start3A_249 : memref<128x16xf32, #tpu.memory_space<vmem>>) target(%dma_start3A_259 : memref<51200x16xf32, #tpu.memory_space<vmem_shared>>) offsets(%dma_start3A_256 : memref<128xi32, #tpu.memory_space<vmem>>) semaphore(%dma_start3A_261 : memref<!tpu.dma_semaphore, #tpu.memory_space<semaphore_mem>>) {add = true}
      %dma_wait3A_262 = arith.constant 1 : i32
      %dma_wait3A_263 = arith.constant 1 : i32
      %dma_wait3A_264 = arith.constant 1 : i32
      %dma_wait3A_265 = arith.constant 0 : i32
      %dma_wait3A_266 = arith.constant 0 : i32
      %dma_wait3A_267 = tpu.memref_slice %arg10[%dma_wait3A_263, %dma_wait3A_265, %dma_wait3A_266] : memref<4x128x16xf32, #tpu.memory_space<vmem>> -> memref<1x128x16xf32, #tpu.memory_space<vmem>>
      %dma_wait3A_268 = tpu.memref_squeeze %dma_wait3A_267 : memref<1x128x16xf32, #tpu.memory_space<vmem>> -> memref<128x16xf32, #tpu.memory_space<vmem>>
      %dma_wait3A_269 = arith.constant 0 : i32
      %dma_wait3A_270 = arith.constant 0 : i32
      %dma_wait3A_271 = tpu.memref_slice %arg8[%and3A_106, %dma_wait3A_269, %dma_wait3A_270] : memref<4x4x128xi32, #tpu.memory_space<vmem>> -> memref<1x4x128xi32, #tpu.memory_space<vmem>>
      %dma_wait3A_272 = tpu.memref_squeeze %dma_wait3A_271 : memref<1x4x128xi32, #tpu.memory_space<vmem>> -> memref<4x128xi32, #tpu.memory_space<vmem>>
      %dma_wait3A_273 = arith.constant 0 : i32
      %dma_wait3A_274 = tpu.memref_slice %dma_wait3A_272[%dma_wait3A_262, %dma_wait3A_273] : memref<4x128xi32, #tpu.memory_space<vmem>> -> memref<1x128xi32, #tpu.memory_space<vmem>>
      %dma_wait3A_275 = tpu.memref_squeeze %dma_wait3A_274 : memref<1x128xi32, #tpu.memory_space<vmem>> -> memref<128xi32, #tpu.memory_space<vmem>>
      %dma_wait3A_276 = arith.constant 0 : i32
      %dma_wait3A_277 = arith.constant 0 : i32
      %dma_wait3A_278 = tpu.memref_slice %arg4[%dma_wait3A_276, %dma_wait3A_277] : memref<51200x16xf32, #tpu.memory_space<hbm>> -> memref<51200x16xf32, #tpu.memory_space<hbm>>
      %dma_wait3A_279 = tpu.memref_slice %arg12[%dma_wait3A_264] : memref<4x!tpu.dma_semaphore, #tpu.memory_space<semaphore_mem>> -> memref<1x!tpu.dma_semaphore, #tpu.memory_space<semaphore_mem>>
      %dma_wait3A_280 = tpu.memref_squeeze %dma_wait3A_279 : memref<1x!tpu.dma_semaphore, #tpu.memory_space<semaphore_mem>> -> memref<!tpu.dma_semaphore, #tpu.memory_space<semaphore_mem>>
      tpu.wait_indirect_dma semaphore(%dma_wait3A_280 : memref<!tpu.dma_semaphore, #tpu.memory_space<semaphore_mem>>) src(%dma_wait3A_278 : memref<51200x16xf32, #tpu.memory_space<hbm>>) dst(%dma_wait3A_268 : memref<128x16xf32, #tpu.memory_space<vmem>>)
      %dma_start3A_281 = arith.constant 1 : i32
      %dma_start3A_282 = arith.constant 1 : i32
      %dma_start3A_283 = arith.constant 1 : i32
      %dma_start3A_284 = arith.constant 0 : i32
      %dma_start3A_285 = arith.constant 0 : i32
      %dma_start3A_286 = tpu.memref_slice %arg10[%dma_start3A_281, %dma_start3A_284, %dma_start3A_285] : memref<4x128x16xf32, #tpu.memory_space<vmem>> -> memref<1x128x16xf32, #tpu.memory_space<vmem>>
      %dma_start3A_287 = tpu.memref_squeeze %dma_start3A_286 : memref<1x128x16xf32, #tpu.memory_space<vmem>> -> memref<128x16xf32, #tpu.memory_space<vmem>>
      %dma_start3A_288 = arith.constant 0 : i32
      %dma_start3A_289 = arith.constant 0 : i32
      %dma_start3A_290 = tpu.memref_slice %arg9[%and3A_106, %dma_start3A_288, %dma_start3A_289] : memref<4x4x128xi32, #tpu.memory_space<vmem>> -> memref<1x4x128xi32, #tpu.memory_space<vmem>>
      %dma_start3A_291 = tpu.memref_squeeze %dma_start3A_290 : memref<1x4x128xi32, #tpu.memory_space<vmem>> -> memref<4x128xi32, #tpu.memory_space<vmem>>
      %dma_start3A_292 = arith.constant 0 : i32
      %dma_start3A_293 = tpu.memref_slice %dma_start3A_291[%dma_start3A_282, %dma_start3A_292] : memref<4x128xi32, #tpu.memory_space<vmem>> -> memref<1x128xi32, #tpu.memory_space<vmem>>
      %dma_start3A_294 = tpu.memref_squeeze %dma_start3A_293 : memref<1x128xi32, #tpu.memory_space<vmem>> -> memref<128xi32, #tpu.memory_space<vmem>>
      %dma_start3A_295 = arith.constant 0 : i32
      %dma_start3A_296 = arith.constant 0 : i32
      %dma_start3A_297 = tpu.memref_slice %arg11[%dma_start3A_295, %dma_start3A_296] : memref<51200x16xf32, #tpu.memory_space<vmem_shared>> -> memref<51200x16xf32, #tpu.memory_space<vmem_shared>>
      %dma_start3A_298 = tpu.memref_slice %arg14[%dma_start3A_283] : memref<4x!tpu.dma_semaphore, #tpu.memory_space<semaphore_mem>> -> memref<1x!tpu.dma_semaphore, #tpu.memory_space<semaphore_mem>>
      %dma_start3A_299 = tpu.memref_squeeze %dma_start3A_298 : memref<1x!tpu.dma_semaphore, #tpu.memory_space<semaphore_mem>> -> memref<!tpu.dma_semaphore, #tpu.memory_space<semaphore_mem>>
      tpu.enqueue_indirect_dma source(%dma_start3A_287 : memref<128x16xf32, #tpu.memory_space<vmem>>) target(%dma_start3A_297 : memref<51200x16xf32, #tpu.memory_space<vmem_shared>>) offsets(%dma_start3A_294 : memref<128xi32, #tpu.memory_space<vmem>>) semaphore(%dma_start3A_299 : memref<!tpu.dma_semaphore, #tpu.memory_space<semaphore_mem>>) {add = true}
      %dma_wait3A_300 = arith.constant 2 : i32
      %dma_wait3A_301 = arith.constant 2 : i32
      %dma_wait3A_302 = arith.constant 2 : i32
      %dma_wait3A_303 = arith.constant 0 : i32
      %dma_wait3A_304 = arith.constant 0 : i32
      %dma_wait3A_305 = tpu.memref_slice %arg10[%dma_wait3A_301, %dma_wait3A_303, %dma_wait3A_304] : memref<4x128x16xf32, #tpu.memory_space<vmem>> -> memref<1x128x16xf32, #tpu.memory_space<vmem>>
      %dma_wait3A_306 = tpu.memref_squeeze %dma_wait3A_305 : memref<1x128x16xf32, #tpu.memory_space<vmem>> -> memref<128x16xf32, #tpu.memory_space<vmem>>
      %dma_wait3A_307 = arith.constant 0 : i32
      %dma_wait3A_308 = arith.constant 0 : i32
      %dma_wait3A_309 = tpu.memref_slice %arg8[%and3A_106, %dma_wait3A_307, %dma_wait3A_308] : memref<4x4x128xi32, #tpu.memory_space<vmem>> -> memref<1x4x128xi32, #tpu.memory_space<vmem>>
      %dma_wait3A_310 = tpu.memref_squeeze %dma_wait3A_309 : memref<1x4x128xi32, #tpu.memory_space<vmem>> -> memref<4x128xi32, #tpu.memory_space<vmem>>
      %dma_wait3A_311 = arith.constant 0 : i32
      %dma_wait3A_312 = tpu.memref_slice %dma_wait3A_310[%dma_wait3A_300, %dma_wait3A_311] : memref<4x128xi32, #tpu.memory_space<vmem>> -> memref<1x128xi32, #tpu.memory_space<vmem>>
      %dma_wait3A_313 = tpu.memref_squeeze %dma_wait3A_312 : memref<1x128xi32, #tpu.memory_space<vmem>> -> memref<128xi32, #tpu.memory_space<vmem>>
      %dma_wait3A_314 = arith.constant 0 : i32
      %dma_wait3A_315 = arith.constant 0 : i32
      %dma_wait3A_316 = tpu.memref_slice %arg4[%dma_wait3A_314, %dma_wait3A_315] : memref<51200x16xf32, #tpu.memory_space<hbm>> -> memref<51200x16xf32, #tpu.memory_space<hbm>>
      %dma_wait3A_317 = tpu.memref_slice %arg12[%dma_wait3A_302] : memref<4x!tpu.dma_semaphore, #tpu.memory_space<semaphore_mem>> -> memref<1x!tpu.dma_semaphore, #tpu.memory_space<semaphore_mem>>
      %dma_wait3A_318 = tpu.memref_squeeze %dma_wait3A_317 : memref<1x!tpu.dma_semaphore, #tpu.memory_space<semaphore_mem>> -> memref<!tpu.dma_semaphore, #tpu.memory_space<semaphore_mem>>
      tpu.wait_indirect_dma semaphore(%dma_wait3A_318 : memref<!tpu.dma_semaphore, #tpu.memory_space<semaphore_mem>>) src(%dma_wait3A_316 : memref<51200x16xf32, #tpu.memory_space<hbm>>) dst(%dma_wait3A_306 : memref<128x16xf32, #tpu.memory_space<vmem>>)
      %dma_start3A_319 = arith.constant 2 : i32
      %dma_start3A_320 = arith.constant 2 : i32
      %dma_start3A_321 = arith.constant 2 : i32
      %dma_start3A_322 = arith.constant 0 : i32
      %dma_start3A_323 = arith.constant 0 : i32
      %dma_start3A_324 = tpu.memref_slice %arg10[%dma_start3A_319, %dma_start3A_322, %dma_start3A_323] : memref<4x128x16xf32, #tpu.memory_space<vmem>> -> memref<1x128x16xf32, #tpu.memory_space<vmem>>
      %dma_start3A_325 = tpu.memref_squeeze %dma_start3A_324 : memref<1x128x16xf32, #tpu.memory_space<vmem>> -> memref<128x16xf32, #tpu.memory_space<vmem>>
      %dma_start3A_326 = arith.constant 0 : i32
      %dma_start3A_327 = arith.constant 0 : i32
      %dma_start3A_328 = tpu.memref_slice %arg9[%and3A_106, %dma_start3A_326, %dma_start3A_327] : memref<4x4x128xi32, #tpu.memory_space<vmem>> -> memref<1x4x128xi32, #tpu.memory_space<vmem>>
      %dma_start3A_329 = tpu.memref_squeeze %dma_start3A_328 : memref<1x4x128xi32, #tpu.memory_space<vmem>> -> memref<4x128xi32, #tpu.memory_space<vmem>>
      %dma_start3A_330 = arith.constant 0 : i32
      %dma_start3A_331 = tpu.memref_slice %dma_start3A_329[%dma_start3A_320, %dma_start3A_330] : memref<4x128xi32, #tpu.memory_space<vmem>> -> memref<1x128xi32, #tpu.memory_space<vmem>>
      %dma_start3A_332 = tpu.memref_squeeze %dma_start3A_331 : memref<1x128xi32, #tpu.memory_space<vmem>> -> memref<128xi32, #tpu.memory_space<vmem>>
      %dma_start3A_333 = arith.constant 0 : i32
      %dma_start3A_334 = arith.constant 0 : i32
      %dma_start3A_335 = tpu.memref_slice %arg11[%dma_start3A_333, %dma_start3A_334] : memref<51200x16xf32, #tpu.memory_space<vmem_shared>> -> memref<51200x16xf32, #tpu.memory_space<vmem_shared>>
      %dma_start3A_336 = tpu.memref_slice %arg14[%dma_start3A_321] : memref<4x!tpu.dma_semaphore, #tpu.memory_space<semaphore_mem>> -> memref<1x!tpu.dma_semaphore, #tpu.memory_space<semaphore_mem>>
      %dma_start3A_337 = tpu.memref_squeeze %dma_start3A_336 : memref<1x!tpu.dma_semaphore, #tpu.memory_space<semaphore_mem>> -> memref<!tpu.dma_semaphore, #tpu.memory_space<semaphore_mem>>
      tpu.enqueue_indirect_dma source(%dma_start3A_325 : memref<128x16xf32, #tpu.memory_space<vmem>>) target(%dma_start3A_335 : memref<51200x16xf32, #tpu.memory_space<vmem_shared>>) offsets(%dma_start3A_332 : memref<128xi32, #tpu.memory_space<vmem>>) semaphore(%dma_start3A_337 : memref<!tpu.dma_semaphore, #tpu.memory_space<semaphore_mem>>) {add = true}
      %dma_wait3A_338 = arith.constant 3 : i32
      %dma_wait3A_339 = arith.constant 3 : i32
      %dma_wait3A_340 = arith.constant 3 : i32
      %dma_wait3A_341 = arith.constant 0 : i32
      %dma_wait3A_342 = arith.constant 0 : i32
      %dma_wait3A_343 = tpu.memref_slice %arg10[%dma_wait3A_339, %dma_wait3A_341, %dma_wait3A_342] : memref<4x128x16xf32, #tpu.memory_space<vmem>> -> memref<1x128x16xf32, #tpu.memory_space<vmem>>
      %dma_wait3A_344 = tpu.memref_squeeze %dma_wait3A_343 : memref<1x128x16xf32, #tpu.memory_space<vmem>> -> memref<128x16xf32, #tpu.memory_space<vmem>>
      %dma_wait3A_345 = arith.constant 0 : i32
      %dma_wait3A_346 = arith.constant 0 : i32
      %dma_wait3A_347 = tpu.memref_slice %arg8[%and3A_106, %dma_wait3A_345, %dma_wait3A_346] : memref<4x4x128xi32, #tpu.memory_space<vmem>> -> memref<1x4x128xi32, #tpu.memory_space<vmem>>
      %dma_wait3A_348 = tpu.memref_squeeze %dma_wait3A_347 : memref<1x4x128xi32, #tpu.memory_space<vmem>> -> memref<4x128xi32, #tpu.memory_space<vmem>>
      %dma_wait3A_349 = arith.constant 0 : i32
      %dma_wait3A_350 = tpu.memref_slice %dma_wait3A_348[%dma_wait3A_338, %dma_wait3A_349] : memref<4x128xi32, #tpu.memory_space<vmem>> -> memref<1x128xi32, #tpu.memory_space<vmem>>
      %dma_wait3A_351 = tpu.memref_squeeze %dma_wait3A_350 : memref<1x128xi32, #tpu.memory_space<vmem>> -> memref<128xi32, #tpu.memory_space<vmem>>
      %dma_wait3A_352 = arith.constant 0 : i32
      %dma_wait3A_353 = arith.constant 0 : i32
      %dma_wait3A_354 = tpu.memref_slice %arg4[%dma_wait3A_352, %dma_wait3A_353] : memref<51200x16xf32, #tpu.memory_space<hbm>> -> memref<51200x16xf32, #tpu.memory_space<hbm>>
      %dma_wait3A_355 = tpu.memref_slice %arg12[%dma_wait3A_340] : memref<4x!tpu.dma_semaphore, #tpu.memory_space<semaphore_mem>> -> memref<1x!tpu.dma_semaphore, #tpu.memory_space<semaphore_mem>>
      %dma_wait3A_356 = tpu.memref_squeeze %dma_wait3A_355 : memref<1x!tpu.dma_semaphore, #tpu.memory_space<semaphore_mem>> -> memref<!tpu.dma_semaphore, #tpu.memory_space<semaphore_mem>>
      tpu.wait_indirect_dma semaphore(%dma_wait3A_356 : memref<!tpu.dma_semaphore, #tpu.memory_space<semaphore_mem>>) src(%dma_wait3A_354 : memref<51200x16xf32, #tpu.memory_space<hbm>>) dst(%dma_wait3A_344 : memref<128x16xf32, #tpu.memory_space<vmem>>)
      %dma_start3A_357 = arith.constant 3 : i32
      %dma_start3A_358 = arith.constant 3 : i32
      %dma_start3A_359 = arith.constant 3 : i32
      %dma_start3A_360 = arith.constant 0 : i32
      %dma_start3A_361 = arith.constant 0 : i32
      %dma_start3A_362 = tpu.memref_slice %arg10[%dma_start3A_357, %dma_start3A_360, %dma_start3A_361] : memref<4x128x16xf32, #tpu.memory_space<vmem>> -> memref<1x128x16xf32, #tpu.memory_space<vmem>>
      %dma_start3A_363 = tpu.memref_squeeze %dma_start3A_362 : memref<1x128x16xf32, #tpu.memory_space<vmem>> -> memref<128x16xf32, #tpu.memory_space<vmem>>
      %dma_start3A_364 = arith.constant 0 : i32
      %dma_start3A_365 = arith.constant 0 : i32
      %dma_start3A_366 = tpu.memref_slice %arg9[%and3A_106, %dma_start3A_364, %dma_start3A_365] : memref<4x4x128xi32, #tpu.memory_space<vmem>> -> memref<1x4x128xi32, #tpu.memory_space<vmem>>
      %dma_start3A_367 = tpu.memref_squeeze %dma_start3A_366 : memref<1x4x128xi32, #tpu.memory_space<vmem>> -> memref<4x128xi32, #tpu.memory_space<vmem>>
      %dma_start3A_368 = arith.constant 0 : i32
      %dma_start3A_369 = tpu.memref_slice %dma_start3A_367[%dma_start3A_358, %dma_start3A_368] : memref<4x128xi32, #tpu.memory_space<vmem>> -> memref<1x128xi32, #tpu.memory_space<vmem>>
      %dma_start3A_370 = tpu.memref_squeeze %dma_start3A_369 : memref<1x128xi32, #tpu.memory_space<vmem>> -> memref<128xi32, #tpu.memory_space<vmem>>
      %dma_start3A_371 = arith.constant 0 : i32
      %dma_start3A_372 = arith.constant 0 : i32
      %dma_start3A_373 = tpu.memref_slice %arg11[%dma_start3A_371, %dma_start3A_372] : memref<51200x16xf32, #tpu.memory_space<vmem_shared>> -> memref<51200x16xf32, #tpu.memory_space<vmem_shared>>
      %dma_start3A_374 = tpu.memref_slice %arg14[%dma_start3A_359] : memref<4x!tpu.dma_semaphore, #tpu.memory_space<semaphore_mem>> -> memref<1x!tpu.dma_semaphore, #tpu.memory_space<semaphore_mem>>
      %dma_start3A_375 = tpu.memref_squeeze %dma_start3A_374 : memref<1x!tpu.dma_semaphore, #tpu.memory_space<semaphore_mem>> -> memref<!tpu.dma_semaphore, #tpu.memory_space<semaphore_mem>>
      tpu.enqueue_indirect_dma source(%dma_start3A_363 : memref<128x16xf32, #tpu.memory_space<vmem>>) target(%dma_start3A_373 : memref<51200x16xf32, #tpu.memory_space<vmem_shared>>) offsets(%dma_start3A_370 : memref<128xi32, #tpu.memory_space<vmem>>) semaphore(%dma_start3A_375 : memref<!tpu.dma_semaphore, #tpu.memory_space<semaphore_mem>>) {add = true}
      %add3A_376 = arith.constant 2 : i32
      %add3A_377 = arith.addi %scan3A_105, %add3A_376 : i32
      %lt3A = arith.constant 49 : i32
      %lt3A_378 = arith.cmpi slt, %add3A_377, %lt3A : i32
      %convert_element_type3A_379 = arith.extui %lt3A_378 : i1 to i32
      %cond3A_380 = arith.constant 0 : i32
      %cond3A_381 = arith.cmpi ne, %convert_element_type3A_379, %cond3A_380 : i32
      scf.if %cond3A_381 {
        %add3A_458 = arith.constant 2 : i32
        %add3A_459 = arith.addi %scan3A_105, %add3A_458 : i32
        %add3A_460 = arith.addi %mul3A_4, %add3A_459 : i32
        %dma_start3A_461 = arith.constant 0 : i32
        %dma_start3A_462 = arith.constant 0 : i32
        %dma_start3A_463 = tpu.memref_slice %arg8[%and3A_110, %dma_start3A_461, %dma_start3A_462] : memref<4x4x128xi32, #tpu.memory_space<vmem>> -> memref<1x4x128xi32, #tpu.memory_space<vmem>>
        %dma_start3A_464 = tpu.memref_squeeze %dma_start3A_463 : memref<1x4x128xi32, #tpu.memory_space<vmem>> -> memref<4x128xi32, #tpu.memory_space<vmem>>
        %dma_start3A_465 = arith.constant 0 : i32
        %dma_start3A_466 = arith.constant 0 : i32
        %dma_start3A_467 = tpu.memref_slice %arg2[%add3A_460, %dma_start3A_465, %dma_start3A_466] : memref<1568x4x128xi32, #tpu.memory_space<hbm>> -> memref<1x4x128xi32, #tpu.memory_space<hbm>>
        %dma_start3A_468 = tpu.memref_squeeze %dma_start3A_467 : memref<1x4x128xi32, #tpu.memory_space<hbm>> -> memref<4x128xi32, #tpu.memory_space<hbm>>
        %dma_start3A_469 = tpu.memref_slice %arg13[%and3A_110] : memref<4x!tpu.dma_semaphore, #tpu.memory_space<semaphore_mem>> -> memref<1x!tpu.dma_semaphore, #tpu.memory_space<semaphore_mem>>
        %dma_start3A_470 = tpu.memref_squeeze %dma_start3A_469 : memref<1x!tpu.dma_semaphore, #tpu.memory_space<semaphore_mem>> -> memref<!tpu.dma_semaphore, #tpu.memory_space<semaphore_mem>>
        %dma_start3A_471 = arith.constant 0 : i32
        %dma_start3A_472 = arith.constant 0 : i32
        %dma_start3A_473 = tpu.memref_slice %arg8[%and3A_110, %dma_start3A_471, %dma_start3A_472] : memref<4x4x128xi32, #tpu.memory_space<vmem>> -> memref<1x4x128xi32, #tpu.memory_space<vmem>>
        %dma_start3A_474 = tpu.memref_squeeze %dma_start3A_473 : memref<1x4x128xi32, #tpu.memory_space<vmem>> -> memref<4x128xi32, #tpu.memory_space<vmem>>
        %dma_start3A_475 = arith.constant 0 : i32
        %dma_start3A_476 = arith.constant 0 : i32
        %dma_start3A_477 = tpu.memref_slice %arg2[%add3A_460, %dma_start3A_475, %dma_start3A_476] : memref<1568x4x128xi32, #tpu.memory_space<hbm>> -> memref<1x4x128xi32, #tpu.memory_space<hbm>>
        %dma_start3A_478 = tpu.memref_squeeze %dma_start3A_477 : memref<1x4x128xi32, #tpu.memory_space<hbm>> -> memref<4x128xi32, #tpu.memory_space<hbm>>
        tpu.enqueue_dma source(%dma_start3A_478 : memref<4x128xi32, #tpu.memory_space<hbm>>) target(%dma_start3A_474 : memref<4x128xi32, #tpu.memory_space<vmem>>) target_semaphore(%dma_start3A_470 : memref<!tpu.dma_semaphore, #tpu.memory_space<semaphore_mem>>)
        %add3A_479 = arith.addi %mul3A_4, %add3A_459 : i32
        %dma_start3A_480 = arith.constant 0 : i32
        %dma_start3A_481 = arith.constant 0 : i32
        %dma_start3A_482 = tpu.memref_slice %arg9[%and3A_110, %dma_start3A_480, %dma_start3A_481] : memref<4x4x128xi32, #tpu.memory_space<vmem>> -> memref<1x4x128xi32, #tpu.memory_space<vmem>>
        %dma_start3A_483 = tpu.memref_squeeze %dma_start3A_482 : memref<1x4x128xi32, #tpu.memory_space<vmem>> -> memref<4x128xi32, #tpu.memory_space<vmem>>
        %dma_start3A_484 = arith.constant 0 : i32
        %dma_start3A_485 = arith.constant 0 : i32
        %dma_start3A_486 = tpu.memref_slice %arg3[%add3A_479, %dma_start3A_484, %dma_start3A_485] : memref<1568x4x128xi32, #tpu.memory_space<hbm>> -> memref<1x4x128xi32, #tpu.memory_space<hbm>>
        %dma_start3A_487 = tpu.memref_squeeze %dma_start3A_486 : memref<1x4x128xi32, #tpu.memory_space<hbm>> -> memref<4x128xi32, #tpu.memory_space<hbm>>
        %dma_start3A_488 = tpu.memref_slice %arg13[%and3A_110] : memref<4x!tpu.dma_semaphore, #tpu.memory_space<semaphore_mem>> -> memref<1x!tpu.dma_semaphore, #tpu.memory_space<semaphore_mem>>
        %dma_start3A_489 = tpu.memref_squeeze %dma_start3A_488 : memref<1x!tpu.dma_semaphore, #tpu.memory_space<semaphore_mem>> -> memref<!tpu.dma_semaphore, #tpu.memory_space<semaphore_mem>>
        %dma_start3A_490 = arith.constant 0 : i32
        %dma_start3A_491 = arith.constant 0 : i32
        %dma_start3A_492 = tpu.memref_slice %arg9[%and3A_110, %dma_start3A_490, %dma_start3A_491] : memref<4x4x128xi32, #tpu.memory_space<vmem>> -> memref<1x4x128xi32, #tpu.memory_space<vmem>>
        %dma_start3A_493 = tpu.memref_squeeze %dma_start3A_492 : memref<1x4x128xi32, #tpu.memory_space<vmem>> -> memref<4x128xi32, #tpu.memory_space<vmem>>
        %dma_start3A_494 = arith.constant 0 : i32
        %dma_start3A_495 = arith.constant 0 : i32
        %dma_start3A_496 = tpu.memref_slice %arg3[%add3A_479, %dma_start3A_494, %dma_start3A_495] : memref<1568x4x128xi32, #tpu.memory_space<hbm>> -> memref<1x4x128xi32, #tpu.memory_space<hbm>>
        %dma_start3A_497 = tpu.memref_squeeze %dma_start3A_496 : memref<1x4x128xi32, #tpu.memory_space<hbm>> -> memref<4x128xi32, #tpu.memory_space<hbm>>
        tpu.enqueue_dma source(%dma_start3A_497 : memref<4x128xi32, #tpu.memory_space<hbm>>) target(%dma_start3A_493 : memref<4x128xi32, #tpu.memory_space<vmem>>) target_semaphore(%dma_start3A_489 : memref<!tpu.dma_semaphore, #tpu.memory_space<semaphore_mem>>)
      } else {
      }
      %dma_wait3A_382 = arith.constant 0 : i32
      %dma_wait3A_383 = arith.constant 0 : i32
      %dma_wait3A_384 = arith.constant 0 : i32
      %dma_wait3A_385 = arith.constant 0 : i32
      %dma_wait3A_386 = arith.constant 0 : i32
      %dma_wait3A_387 = tpu.memref_slice %arg10[%dma_wait3A_382, %dma_wait3A_385, %dma_wait3A_386] : memref<4x128x16xf32, #tpu.memory_space<vmem>> -> memref<1x128x16xf32, #tpu.memory_space<vmem>>
      %dma_wait3A_388 = tpu.memref_squeeze %dma_wait3A_387 : memref<1x128x16xf32, #tpu.memory_space<vmem>> -> memref<128x16xf32, #tpu.memory_space<vmem>>
      %dma_wait3A_389 = arith.constant 0 : i32
      %dma_wait3A_390 = arith.constant 0 : i32
      %dma_wait3A_391 = tpu.memref_slice %arg9[%and3A_106, %dma_wait3A_389, %dma_wait3A_390] : memref<4x4x128xi32, #tpu.memory_space<vmem>> -> memref<1x4x128xi32, #tpu.memory_space<vmem>>
      %dma_wait3A_392 = tpu.memref_squeeze %dma_wait3A_391 : memref<1x4x128xi32, #tpu.memory_space<vmem>> -> memref<4x128xi32, #tpu.memory_space<vmem>>
      %dma_wait3A_393 = arith.constant 0 : i32
      %dma_wait3A_394 = tpu.memref_slice %dma_wait3A_392[%dma_wait3A_383, %dma_wait3A_393] : memref<4x128xi32, #tpu.memory_space<vmem>> -> memref<1x128xi32, #tpu.memory_space<vmem>>
      %dma_wait3A_395 = tpu.memref_squeeze %dma_wait3A_394 : memref<1x128xi32, #tpu.memory_space<vmem>> -> memref<128xi32, #tpu.memory_space<vmem>>
      %dma_wait3A_396 = arith.constant 0 : i32
      %dma_wait3A_397 = arith.constant 0 : i32
      %dma_wait3A_398 = tpu.memref_slice %arg11[%dma_wait3A_396, %dma_wait3A_397] : memref<51200x16xf32, #tpu.memory_space<vmem_shared>> -> memref<51200x16xf32, #tpu.memory_space<vmem_shared>>
      %dma_wait3A_399 = tpu.memref_slice %arg14[%dma_wait3A_384] : memref<4x!tpu.dma_semaphore, #tpu.memory_space<semaphore_mem>> -> memref<1x!tpu.dma_semaphore, #tpu.memory_space<semaphore_mem>>
      %dma_wait3A_400 = tpu.memref_squeeze %dma_wait3A_399 : memref<1x!tpu.dma_semaphore, #tpu.memory_space<semaphore_mem>> -> memref<!tpu.dma_semaphore, #tpu.memory_space<semaphore_mem>>
      tpu.wait_indirect_dma semaphore(%dma_wait3A_400 : memref<!tpu.dma_semaphore, #tpu.memory_space<semaphore_mem>>) src(%dma_wait3A_388 : memref<128x16xf32, #tpu.memory_space<vmem>>) dst(%dma_wait3A_398 : memref<51200x16xf32, #tpu.memory_space<vmem_shared>>)
      %dma_wait3A_401 = arith.constant 1 : i32
      %dma_wait3A_402 = arith.constant 1 : i32
      %dma_wait3A_403 = arith.constant 1 : i32
      %dma_wait3A_404 = arith.constant 0 : i32
      %dma_wait3A_405 = arith.constant 0 : i32
      %dma_wait3A_406 = tpu.memref_slice %arg10[%dma_wait3A_401, %dma_wait3A_404, %dma_wait3A_405] : memref<4x128x16xf32, #tpu.memory_space<vmem>> -> memref<1x128x16xf32, #tpu.memory_space<vmem>>
      %dma_wait3A_407 = tpu.memref_squeeze %dma_wait3A_406 : memref<1x128x16xf32, #tpu.memory_space<vmem>> -> memref<128x16xf32, #tpu.memory_space<vmem>>
      %dma_wait3A_408 = arith.constant 0 : i32
      %dma_wait3A_409 = arith.constant 0 : i32
      %dma_wait3A_410 = tpu.memref_slice %arg9[%and3A_106, %dma_wait3A_408, %dma_wait3A_409] : memref<4x4x128xi32, #tpu.memory_space<vmem>> -> memref<1x4x128xi32, #tpu.memory_space<vmem>>
      %dma_wait3A_411 = tpu.memref_squeeze %dma_wait3A_410 : memref<1x4x128xi32, #tpu.memory_space<vmem>> -> memref<4x128xi32, #tpu.memory_space<vmem>>
      %dma_wait3A_412 = arith.constant 0 : i32
      %dma_wait3A_413 = tpu.memref_slice %dma_wait3A_411[%dma_wait3A_402, %dma_wait3A_412] : memref<4x128xi32, #tpu.memory_space<vmem>> -> memref<1x128xi32, #tpu.memory_space<vmem>>
      %dma_wait3A_414 = tpu.memref_squeeze %dma_wait3A_413 : memref<1x128xi32, #tpu.memory_space<vmem>> -> memref<128xi32, #tpu.memory_space<vmem>>
      %dma_wait3A_415 = arith.constant 0 : i32
      %dma_wait3A_416 = arith.constant 0 : i32
      %dma_wait3A_417 = tpu.memref_slice %arg11[%dma_wait3A_415, %dma_wait3A_416] : memref<51200x16xf32, #tpu.memory_space<vmem_shared>> -> memref<51200x16xf32, #tpu.memory_space<vmem_shared>>
      %dma_wait3A_418 = tpu.memref_slice %arg14[%dma_wait3A_403] : memref<4x!tpu.dma_semaphore, #tpu.memory_space<semaphore_mem>> -> memref<1x!tpu.dma_semaphore, #tpu.memory_space<semaphore_mem>>
      %dma_wait3A_419 = tpu.memref_squeeze %dma_wait3A_418 : memref<1x!tpu.dma_semaphore, #tpu.memory_space<semaphore_mem>> -> memref<!tpu.dma_semaphore, #tpu.memory_space<semaphore_mem>>
      tpu.wait_indirect_dma semaphore(%dma_wait3A_419 : memref<!tpu.dma_semaphore, #tpu.memory_space<semaphore_mem>>) src(%dma_wait3A_407 : memref<128x16xf32, #tpu.memory_space<vmem>>) dst(%dma_wait3A_417 : memref<51200x16xf32, #tpu.memory_space<vmem_shared>>)
      %dma_wait3A_420 = arith.constant 2 : i32
      %dma_wait3A_421 = arith.constant 2 : i32
      %dma_wait3A_422 = arith.constant 2 : i32
      %dma_wait3A_423 = arith.constant 0 : i32
      %dma_wait3A_424 = arith.constant 0 : i32
      %dma_wait3A_425 = tpu.memref_slice %arg10[%dma_wait3A_420, %dma_wait3A_423, %dma_wait3A_424] : memref<4x128x16xf32, #tpu.memory_space<vmem>> -> memref<1x128x16xf32, #tpu.memory_space<vmem>>
      %dma_wait3A_426 = tpu.memref_squeeze %dma_wait3A_425 : memref<1x128x16xf32, #tpu.memory_space<vmem>> -> memref<128x16xf32, #tpu.memory_space<vmem>>
      %dma_wait3A_427 = arith.constant 0 : i32
      %dma_wait3A_428 = arith.constant 0 : i32
      %dma_wait3A_429 = tpu.memref_slice %arg9[%and3A_106, %dma_wait3A_427, %dma_wait3A_428] : memref<4x4x128xi32, #tpu.memory_space<vmem>> -> memref<1x4x128xi32, #tpu.memory_space<vmem>>
      %dma_wait3A_430 = tpu.memref_squeeze %dma_wait3A_429 : memref<1x4x128xi32, #tpu.memory_space<vmem>> -> memref<4x128xi32, #tpu.memory_space<vmem>>
      %dma_wait3A_431 = arith.constant 0 : i32
      %dma_wait3A_432 = tpu.memref_slice %dma_wait3A_430[%dma_wait3A_421, %dma_wait3A_431] : memref<4x128xi32, #tpu.memory_space<vmem>> -> memref<1x128xi32, #tpu.memory_space<vmem>>
      %dma_wait3A_433 = tpu.memref_squeeze %dma_wait3A_432 : memref<1x128xi32, #tpu.memory_space<vmem>> -> memref<128xi32, #tpu.memory_space<vmem>>
      %dma_wait3A_434 = arith.constant 0 : i32
      %dma_wait3A_435 = arith.constant 0 : i32
      %dma_wait3A_436 = tpu.memref_slice %arg11[%dma_wait3A_434, %dma_wait3A_435] : memref<51200x16xf32, #tpu.memory_space<vmem_shared>> -> memref<51200x16xf32, #tpu.memory_space<vmem_shared>>
      %dma_wait3A_437 = tpu.memref_slice %arg14[%dma_wait3A_422] : memref<4x!tpu.dma_semaphore, #tpu.memory_space<semaphore_mem>> -> memref<1x!tpu.dma_semaphore, #tpu.memory_space<semaphore_mem>>
      %dma_wait3A_438 = tpu.memref_squeeze %dma_wait3A_437 : memref<1x!tpu.dma_semaphore, #tpu.memory_space<semaphore_mem>> -> memref<!tpu.dma_semaphore, #tpu.memory_space<semaphore_mem>>
      tpu.wait_indirect_dma semaphore(%dma_wait3A_438 : memref<!tpu.dma_semaphore, #tpu.memory_space<semaphore_mem>>) src(%dma_wait3A_426 : memref<128x16xf32, #tpu.memory_space<vmem>>) dst(%dma_wait3A_436 : memref<51200x16xf32, #tpu.memory_space<vmem_shared>>)
      %dma_wait3A_439 = arith.constant 3 : i32
      %dma_wait3A_440 = arith.constant 3 : i32
      %dma_wait3A_441 = arith.constant 3 : i32
      %dma_wait3A_442 = arith.constant 0 : i32
      %dma_wait3A_443 = arith.constant 0 : i32
      %dma_wait3A_444 = tpu.memref_slice %arg10[%dma_wait3A_439, %dma_wait3A_442, %dma_wait3A_443] : memref<4x128x16xf32, #tpu.memory_space<vmem>> -> memref<1x128x16xf32, #tpu.memory_space<vmem>>
      %dma_wait3A_445 = tpu.memref_squeeze %dma_wait3A_444 : memref<1x128x16xf32, #tpu.memory_space<vmem>> -> memref<128x16xf32, #tpu.memory_space<vmem>>
      %dma_wait3A_446 = arith.constant 0 : i32
      %dma_wait3A_447 = arith.constant 0 : i32
      %dma_wait3A_448 = tpu.memref_slice %arg9[%and3A_106, %dma_wait3A_446, %dma_wait3A_447] : memref<4x4x128xi32, #tpu.memory_space<vmem>> -> memref<1x4x128xi32, #tpu.memory_space<vmem>>
      %dma_wait3A_449 = tpu.memref_squeeze %dma_wait3A_448 : memref<1x4x128xi32, #tpu.memory_space<vmem>> -> memref<4x128xi32, #tpu.memory_space<vmem>>
      %dma_wait3A_450 = arith.constant 0 : i32
      %dma_wait3A_451 = tpu.memref_slice %dma_wait3A_449[%dma_wait3A_440, %dma_wait3A_450] : memref<4x128xi32, #tpu.memory_space<vmem>> -> memref<1x128xi32, #tpu.memory_space<vmem>>
      %dma_wait3A_452 = tpu.memref_squeeze %dma_wait3A_451 : memref<1x128xi32, #tpu.memory_space<vmem>> -> memref<128xi32, #tpu.memory_space<vmem>>
      %dma_wait3A_453 = arith.constant 0 : i32
      %dma_wait3A_454 = arith.constant 0 : i32
      %dma_wait3A_455 = tpu.memref_slice %arg11[%dma_wait3A_453, %dma_wait3A_454] : memref<51200x16xf32, #tpu.memory_space<vmem_shared>> -> memref<51200x16xf32, #tpu.memory_space<vmem_shared>>
      %dma_wait3A_456 = tpu.memref_slice %arg14[%dma_wait3A_441] : memref<4x!tpu.dma_semaphore, #tpu.memory_space<semaphore_mem>> -> memref<1x!tpu.dma_semaphore, #tpu.memory_space<semaphore_mem>>
      %dma_wait3A_457 = tpu.memref_squeeze %dma_wait3A_456 : memref<1x!tpu.dma_semaphore, #tpu.memory_space<semaphore_mem>> -> memref<!tpu.dma_semaphore, #tpu.memory_space<semaphore_mem>>
      tpu.wait_indirect_dma semaphore(%dma_wait3A_457 : memref<!tpu.dma_semaphore, #tpu.memory_space<semaphore_mem>>) src(%dma_wait3A_445 : memref<128x16xf32, #tpu.memory_space<vmem>>) dst(%dma_wait3A_455 : memref<51200x16xf32, #tpu.memory_space<vmem_shared>>)
    }
    %scan3A_96 = arith.constant 49 : i32
    %barrier3A_97 = arith.constant 0 : index
    tpu.barrier barrier_id(%barrier3A_97)
    %eq3A = arith.constant 0 : i32
    %eq3A_98 = arith.cmpi eq, %arg0, %eq3A : i32
    %convert_element_type3A = arith.extui %eq3A_98 : i1 to i32
    %cond3A = arith.constant 0 : i32
    %cond3A_99 = arith.cmpi ne, %convert_element_type3A, %cond3A : i32
    scf.if %cond3A_99 {
      "tpu.region"() ({
        %run_scoped3A = tpu.sem_alloc : memref<!tpu.dma_semaphore, #tpu.memory_space<semaphore_mem>>
        %dma_start3A_105 = arith.constant 0 : i32
        %dma_start3A_106 = tpu.memref_slice %arg6[%mul3A_2, %dma_start3A_105] : memref<51200x16xf32, #tpu.memory_space<hbm>> -> memref<3200x16xf32, #tpu.memory_space<hbm>>
        %dma_start3A_107 = arith.constant 0 : i32
        %dma_start3A_108 = tpu.memref_slice %arg11[%mul3A_2, %dma_start3A_107] : memref<51200x16xf32, #tpu.memory_space<vmem_shared>> -> memref<3200x16xf32, #tpu.memory_space<vmem_shared>>
        tpu.enqueue_dma source(%dma_start3A_108 : memref<3200x16xf32, #tpu.memory_space<vmem_shared>>) target(%dma_start3A_106 : memref<3200x16xf32, #tpu.memory_space<hbm>>) target_semaphore(%run_scoped3A : memref<!tpu.dma_semaphore, #tpu.memory_space<semaphore_mem>>)
        %dma_wait3A = arith.constant 0 : i32
        %dma_wait3A_109 = tpu.memref_slice %arg6[%mul3A_2, %dma_wait3A] : memref<51200x16xf32, #tpu.memory_space<hbm>> -> memref<3200x16xf32, #tpu.memory_space<hbm>>
        %dma_wait3A_110 = arith.constant 0 : i32
        %dma_wait3A_111 = tpu.memref_slice %arg11[%mul3A_2, %dma_wait3A_110] : memref<51200x16xf32, #tpu.memory_space<vmem_shared>> -> memref<3200x16xf32, #tpu.memory_space<vmem_shared>>
        tpu.wait_dma2 semaphore(%run_scoped3A : memref<!tpu.dma_semaphore, #tpu.memory_space<semaphore_mem>>) src(%dma_wait3A_111 : memref<3200x16xf32, #tpu.memory_space<vmem_shared>>) dst(%dma_wait3A_109 : memref<3200x16xf32, #tpu.memory_space<hbm>>)
        tpu.yield
      }) : () -> ()
    } else {
    }
    %eq3A_100 = arith.constant 1 : i32
    %eq3A_101 = arith.cmpi eq, %arg0, %eq3A_100 : i32
    %convert_element_type3A_102 = arith.extui %eq3A_101 : i1 to i32
    %cond3A_103 = arith.constant 0 : i32
    %cond3A_104 = arith.cmpi ne, %convert_element_type3A_102, %cond3A_103 : i32
    scf.if %cond3A_104 {
      "tpu.region"() ({
        %run_scoped3A = tpu.sem_alloc : memref<!tpu.dma_semaphore, #tpu.memory_space<semaphore_mem>>
        %dma_start3A_105 = arith.constant 0 : i32
        %dma_start3A_106 = tpu.memref_slice %arg7[%mul3A_2, %dma_start3A_105] : memref<51200x16xf32, #tpu.memory_space<hbm>> -> memref<3200x16xf32, #tpu.memory_space<hbm>>
        %dma_start3A_107 = arith.constant 0 : i32
        %dma_start3A_108 = tpu.memref_slice %arg11[%mul3A_2, %dma_start3A_107] : memref<51200x16xf32, #tpu.memory_space<vmem_shared>> -> memref<3200x16xf32, #tpu.memory_space<vmem_shared>>
        tpu.enqueue_dma source(%dma_start3A_108 : memref<3200x16xf32, #tpu.memory_space<vmem_shared>>) target(%dma_start3A_106 : memref<3200x16xf32, #tpu.memory_space<hbm>>) target_semaphore(%run_scoped3A : memref<!tpu.dma_semaphore, #tpu.memory_space<semaphore_mem>>)
        %dma_wait3A = arith.constant 0 : i32
        %dma_wait3A_109 = tpu.memref_slice %arg7[%mul3A_2, %dma_wait3A] : memref<51200x16xf32, #tpu.memory_space<hbm>> -> memref<3200x16xf32, #tpu.memory_space<hbm>>
        %dma_wait3A_110 = arith.constant 0 : i32
        %dma_wait3A_111 = tpu.memref_slice %arg11[%mul3A_2, %dma_wait3A_110] : memref<51200x16xf32, #tpu.memory_space<vmem_shared>> -> memref<3200x16xf32, #tpu.memory_space<vmem_shared>>
        tpu.wait_dma2 semaphore(%run_scoped3A : memref<!tpu.dma_semaphore, #tpu.memory_space<semaphore_mem>>) src(%dma_wait3A_111 : memref<3200x16xf32, #tpu.memory_space<vmem_shared>>) dst(%dma_wait3A_109 : memref<3200x16xf32, #tpu.memory_space<hbm>>)
        tpu.yield
      }) : () -> ()
    } else {
    }
    return
  }
}

#map = affine_map<(d0, d1) -> (0, 0, 0)>
#map1 = affine_map<(d0, d1) -> (0)>
module attributes {stable_mosaic.version = 14 : i64} {
  func.func @body(%arg0: i32, %arg1: i32, %arg2: memref<1568x4x128xi32, #tpu.memory_space<hbm>>, %arg3: memref<51200xf32, #tpu.memory_space<hbm>>, %arg4: memref<51200xf32, #tpu.memory_space<hbm>>, %arg5: memref<51200xf32, #tpu.memory_space<hbm>>, %arg6: memref<4x4x128xi32, #tpu.memory_space<vmem>>, %arg7: memref<128xf32, #tpu.memory_space<vmem>>, %arg8: memref<51200xf32, #tpu.memory_space<vmem_shared>>, %arg9: memref<4x!tpu.dma_semaphore, #tpu.memory_space<semaphore_mem>>, %arg10: memref<4x!tpu.dma_semaphore, #tpu.memory_space<semaphore_mem>>) attributes {dimension_semantics = [#tpu.dimension_semantics<core_parallel>, #tpu.dimension_semantics<subcore_parallel>], iteration_bounds = array<i64: 2, 16>, scalar_prefetch = 0 : i64, scratch_operands = 5 : i64, tpu.core_type = #tpu.core_type<sc_vector_subcore>, window_params = [{transform_indices = #map}, {transform_indices = #map1}, {transform_indices = #map1}, {transform_indices = #map1}]} {
    %mul3A = arith.constant 16 : i32
    %mul3A_0 = arith.muli %arg0, %mul3A : i32
    %add3A = arith.addi %mul3A_0, %arg1 : i32
    %broadcast_in_dim3A = arith.constant 1.000000e+00 : f32
    %broadcast_in_dim3A_1 = vector.broadcast %broadcast_in_dim3A : f32 to vector<16xf32>
    %swap3A = arith.constant 0 : index
    %swap3A_2 = tpu.vector_load %arg7[%swap3A] {strides = array<i32>} : memref<128xf32, #tpu.memory_space<vmem>>, vector<16xf32>,
    %swap3A_3 = vector.shape_cast %swap3A_2 : vector<16xf32> to vector<16xf32>
    %swap3A_4 = vector.shape_cast %broadcast_in_dim3A_1 : vector<16xf32> to vector<16xf32>
    tpu.vector_store %arg7[%swap3A], %swap3A_4 {strides = array<i32>} : memref<128xf32, #tpu.memory_space<vmem>>, vector<16xf32>,
    %broadcast_in_dim3A_5 = arith.constant 1.000000e+00 : f32
    %broadcast_in_dim3A_6 = vector.broadcast %broadcast_in_dim3A_5 : f32 to vector<16xf32>
    %swap3A_7 = arith.constant 16 : index
    %swap3A_8 = tpu.vector_load %arg7[%swap3A_7] {strides = array<i32>} : memref<128xf32, #tpu.memory_space<vmem>>, vector<16xf32>,
    %swap3A_9 = vector.shape_cast %swap3A_8 : vector<16xf32> to vector<16xf32>
    %swap3A_10 = vector.shape_cast %broadcast_in_dim3A_6 : vector<16xf32> to vector<16xf32>
    tpu.vector_store %arg7[%swap3A_7], %swap3A_10 {strides = array<i32>} : memref<128xf32, #tpu.memory_space<vmem>>, vector<16xf32>,
    %broadcast_in_dim3A_11 = arith.constant 1.000000e+00 : f32
    %broadcast_in_dim3A_12 = vector.broadcast %broadcast_in_dim3A_11 : f32 to vector<16xf32>
    %swap3A_13 = arith.constant 32 : index
    %swap3A_14 = tpu.vector_load %arg7[%swap3A_13] {strides = array<i32>} : memref<128xf32, #tpu.memory_space<vmem>>, vector<16xf32>,
    %swap3A_15 = vector.shape_cast %swap3A_14 : vector<16xf32> to vector<16xf32>
    %swap3A_16 = vector.shape_cast %broadcast_in_dim3A_12 : vector<16xf32> to vector<16xf32>
    tpu.vector_store %arg7[%swap3A_13], %swap3A_16 {strides = array<i32>} : memref<128xf32, #tpu.memory_space<vmem>>, vector<16xf32>,
    %broadcast_in_dim3A_17 = arith.constant 1.000000e+00 : f32
    %broadcast_in_dim3A_18 = vector.broadcast %broadcast_in_dim3A_17 : f32 to vector<16xf32>
    %swap3A_19 = arith.constant 48 : index
    %swap3A_20 = tpu.vector_load %arg7[%swap3A_19] {strides = array<i32>} : memref<128xf32, #tpu.memory_space<vmem>>, vector<16xf32>,
    %swap3A_21 = vector.shape_cast %swap3A_20 : vector<16xf32> to vector<16xf32>
    %swap3A_22 = vector.shape_cast %broadcast_in_dim3A_18 : vector<16xf32> to vector<16xf32>
    tpu.vector_store %arg7[%swap3A_19], %swap3A_22 {strides = array<i32>} : memref<128xf32, #tpu.memory_space<vmem>>, vector<16xf32>,
    %broadcast_in_dim3A_23 = arith.constant 1.000000e+00 : f32
    %broadcast_in_dim3A_24 = vector.broadcast %broadcast_in_dim3A_23 : f32 to vector<16xf32>
    %swap3A_25 = arith.constant 64 : index
    %swap3A_26 = tpu.vector_load %arg7[%swap3A_25] {strides = array<i32>} : memref<128xf32, #tpu.memory_space<vmem>>, vector<16xf32>,
    %swap3A_27 = vector.shape_cast %swap3A_26 : vector<16xf32> to vector<16xf32>
    %swap3A_28 = vector.shape_cast %broadcast_in_dim3A_24 : vector<16xf32> to vector<16xf32>
    tpu.vector_store %arg7[%swap3A_25], %swap3A_28 {strides = array<i32>} : memref<128xf32, #tpu.memory_space<vmem>>, vector<16xf32>,
    %broadcast_in_dim3A_29 = arith.constant 1.000000e+00 : f32
    %broadcast_in_dim3A_30 = vector.broadcast %broadcast_in_dim3A_29 : f32 to vector<16xf32>
    %swap3A_31 = arith.constant 80 : index
    %swap3A_32 = tpu.vector_load %arg7[%swap3A_31] {strides = array<i32>} : memref<128xf32, #tpu.memory_space<vmem>>, vector<16xf32>,
    %swap3A_33 = vector.shape_cast %swap3A_32 : vector<16xf32> to vector<16xf32>
    %swap3A_34 = vector.shape_cast %broadcast_in_dim3A_30 : vector<16xf32> to vector<16xf32>
    tpu.vector_store %arg7[%swap3A_31], %swap3A_34 {strides = array<i32>} : memref<128xf32, #tpu.memory_space<vmem>>, vector<16xf32>,
    %broadcast_in_dim3A_35 = arith.constant 1.000000e+00 : f32
    %broadcast_in_dim3A_36 = vector.broadcast %broadcast_in_dim3A_35 : f32 to vector<16xf32>
    %swap3A_37 = arith.constant 96 : index
    %swap3A_38 = tpu.vector_load %arg7[%swap3A_37] {strides = array<i32>} : memref<128xf32, #tpu.memory_space<vmem>>, vector<16xf32>,
    %swap3A_39 = vector.shape_cast %swap3A_38 : vector<16xf32> to vector<16xf32>
    %swap3A_40 = vector.shape_cast %broadcast_in_dim3A_36 : vector<16xf32> to vector<16xf32>
    tpu.vector_store %arg7[%swap3A_37], %swap3A_40 {strides = array<i32>} : memref<128xf32, #tpu.memory_space<vmem>>, vector<16xf32>,
    %broadcast_in_dim3A_41 = arith.constant 1.000000e+00 : f32
    %broadcast_in_dim3A_42 = vector.broadcast %broadcast_in_dim3A_41 : f32 to vector<16xf32>
    %swap3A_43 = arith.constant 112 : index
    %swap3A_44 = tpu.vector_load %arg7[%swap3A_43] {strides = array<i32>} : memref<128xf32, #tpu.memory_space<vmem>>, vector<16xf32>,
    %swap3A_45 = vector.shape_cast %swap3A_44 : vector<16xf32> to vector<16xf32>
    %swap3A_46 = vector.shape_cast %broadcast_in_dim3A_42 : vector<16xf32> to vector<16xf32>
    tpu.vector_store %arg7[%swap3A_43], %swap3A_46 {strides = array<i32>} : memref<128xf32, #tpu.memory_space<vmem>>, vector<16xf32>,
    %mul3A_47 = arith.constant 3200 : i32
    %mul3A_48 = arith.muli %arg1, %mul3A_47 : i32
    "tpu.region"() ({
      %run_scoped3A = tpu.sem_alloc : memref<!tpu.dma_semaphore, #tpu.memory_space<semaphore_mem>>
      %dma_start3A_162 = tpu.memref_slice %arg8[%mul3A_48] : memref<51200xf32, #tpu.memory_space<vmem_shared>> -> memref<3200xf32, #tpu.memory_space<vmem_shared>>
      %dma_start3A_163 = tpu.memref_slice %arg3[%mul3A_48] : memref<51200xf32, #tpu.memory_space<hbm>> -> memref<3200xf32, #tpu.memory_space<hbm>>
      tpu.enqueue_dma source(%dma_start3A_163 : memref<3200xf32, #tpu.memory_space<hbm>>) target(%dma_start3A_162 : memref<3200xf32, #tpu.memory_space<vmem_shared>>) target_semaphore(%run_scoped3A : memref<!tpu.dma_semaphore, #tpu.memory_space<semaphore_mem>>)
      %dma_wait3A_164 = tpu.memref_slice %arg8[%mul3A_48] : memref<51200xf32, #tpu.memory_space<vmem_shared>> -> memref<3200xf32, #tpu.memory_space<vmem_shared>>
      %dma_wait3A_165 = tpu.memref_slice %arg3[%mul3A_48] : memref<51200xf32, #tpu.memory_space<hbm>> -> memref<3200xf32, #tpu.memory_space<hbm>>
      tpu.wait_dma2 semaphore(%run_scoped3A : memref<!tpu.dma_semaphore, #tpu.memory_space<semaphore_mem>>) src(%dma_wait3A_165 : memref<3200xf32, #tpu.memory_space<hbm>>) dst(%dma_wait3A_164 : memref<3200xf32, #tpu.memory_space<vmem_shared>>)
      tpu.yield
    }) : () -> ()
    %barrier3A = arith.constant 0 : index
    tpu.barrier barrier_id(%barrier3A)
    %mul3A_49 = arith.constant 49 : i32
    %mul3A_50 = arith.muli %add3A, %mul3A_49 : i32
    %add3A_51 = arith.constant 0 : i32
    %add3A_52 = arith.addi %mul3A_50, %add3A_51 : i32
    %dma_start3A = arith.constant 0 : i32
    %dma_start3A_53 = arith.constant 0 : i32
    %dma_start3A_54 = arith.constant 0 : i32
    %dma_start3A_55 = arith.constant 0 : i32
    %dma_start3A_56 = tpu.memref_slice %arg6[%dma_start3A, %dma_start3A_54, %dma_start3A_55] : memref<4x4x128xi32, #tpu.memory_space<vmem>> -> memref<1x4x128xi32, #tpu.memory_space<vmem>>
    %dma_start3A_57 = tpu.memref_squeeze %dma_start3A_56 : memref<1x4x128xi32, #tpu.memory_space<vmem>> -> memref<4x128xi32, #tpu.memory_space<vmem>>
    %dma_start3A_58 = arith.constant 0 : i32
    %dma_start3A_59 = arith.constant 0 : i32
    %dma_start3A_60 = tpu.memref_slice %arg2[%add3A_52, %dma_start3A_58, %dma_start3A_59] : memref<1568x4x128xi32, #tpu.memory_space<hbm>> -> memref<1x4x128xi32, #tpu.memory_space<hbm>>
    %dma_start3A_61 = tpu.memref_squeeze %dma_start3A_60 : memref<1x4x128xi32, #tpu.memory_space<hbm>> -> memref<4x128xi32, #tpu.memory_space<hbm>>
    %dma_start3A_62 = tpu.memref_slice %arg9[%dma_start3A_53] : memref<4x!tpu.dma_semaphore, #tpu.memory_space<semaphore_mem>> -> memref<1x!tpu.dma_semaphore, #tpu.memory_space<semaphore_mem>>
    %dma_start3A_63 = tpu.memref_squeeze %dma_start3A_62 : memref<1x!tpu.dma_semaphore, #tpu.memory_space<semaphore_mem>> -> memref<!tpu.dma_semaphore, #tpu.memory_space<semaphore_mem>>
    %dma_start3A_64 = arith.constant 0 : i32
    %dma_start3A_65 = arith.constant 0 : i32
    %dma_start3A_66 = tpu.memref_slice %arg6[%dma_start3A, %dma_start3A_64, %dma_start3A_65] : memref<4x4x128xi32, #tpu.memory_space<vmem>> -> memref<1x4x128xi32, #tpu.memory_space<vmem>>
    %dma_start3A_67 = tpu.memref_squeeze %dma_start3A_66 : memref<1x4x128xi32, #tpu.memory_space<vmem>> -> memref<4x128xi32, #tpu.memory_space<vmem>>
    %dma_start3A_68 = arith.constant 0 : i32
    %dma_start3A_69 = arith.constant 0 : i32
    %dma_start3A_70 = tpu.memref_slice %arg2[%add3A_52, %dma_start3A_68, %dma_start3A_69] : memref<1568x4x128xi32, #tpu.memory_space<hbm>> -> memref<1x4x128xi32, #tpu.memory_space<hbm>>
    %dma_start3A_71 = tpu.memref_squeeze %dma_start3A_70 : memref<1x4x128xi32, #tpu.memory_space<hbm>> -> memref<4x128xi32, #tpu.memory_space<hbm>>
    tpu.enqueue_dma source(%dma_start3A_71 : memref<4x128xi32, #tpu.memory_space<hbm>>) target(%dma_start3A_67 : memref<4x128xi32, #tpu.memory_space<vmem>>) target_semaphore(%dma_start3A_63 : memref<!tpu.dma_semaphore, #tpu.memory_space<semaphore_mem>>)
    %add3A_72 = arith.constant 1 : i32
    %add3A_73 = arith.addi %mul3A_50, %add3A_72 : i32
    %dma_start3A_74 = arith.constant 1 : i32
    %dma_start3A_75 = arith.constant 1 : i32
    %dma_start3A_76 = arith.constant 0 : i32
    %dma_start3A_77 = arith.constant 0 : i32
    %dma_start3A_78 = tpu.memref_slice %arg6[%dma_start3A_74, %dma_start3A_76, %dma_start3A_77] : memref<4x4x128xi32, #tpu.memory_space<vmem>> -> memref<1x4x128xi32, #tpu.memory_space<vmem>>
    %dma_start3A_79 = tpu.memref_squeeze %dma_start3A_78 : memref<1x4x128xi32, #tpu.memory_space<vmem>> -> memref<4x128xi32, #tpu.memory_space<vmem>>
    %dma_start3A_80 = arith.constant 0 : i32
    %dma_start3A_81 = arith.constant 0 : i32
    %dma_start3A_82 = tpu.memref_slice %arg2[%add3A_73, %dma_start3A_80, %dma_start3A_81] : memref<1568x4x128xi32, #tpu.memory_space<hbm>> -> memref<1x4x128xi32, #tpu.memory_space<hbm>>
    %dma_start3A_83 = tpu.memref_squeeze %dma_start3A_82 : memref<1x4x128xi32, #tpu.memory_space<hbm>> -> memref<4x128xi32, #tpu.memory_space<hbm>>
    %dma_start3A_84 = tpu.memref_slice %arg9[%dma_start3A_75] : memref<4x!tpu.dma_semaphore, #tpu.memory_space<semaphore_mem>> -> memref<1x!tpu.dma_semaphore, #tpu.memory_space<semaphore_mem>>
    %dma_start3A_85 = tpu.memref_squeeze %dma_start3A_84 : memref<1x!tpu.dma_semaphore, #tpu.memory_space<semaphore_mem>> -> memref<!tpu.dma_semaphore, #tpu.memory_space<semaphore_mem>>
    %dma_start3A_86 = arith.constant 0 : i32
    %dma_start3A_87 = arith.constant 0 : i32
    %dma_start3A_88 = tpu.memref_slice %arg6[%dma_start3A_74, %dma_start3A_86, %dma_start3A_87] : memref<4x4x128xi32, #tpu.memory_space<vmem>> -> memref<1x4x128xi32, #tpu.memory_space<vmem>>
    %dma_start3A_89 = tpu.memref_squeeze %dma_start3A_88 : memref<1x4x128xi32, #tpu.memory_space<vmem>> -> memref<4x128xi32, #tpu.memory_space<vmem>>
    %dma_start3A_90 = arith.constant 0 : i32
    %dma_start3A_91 = arith.constant 0 : i32
    %dma_start3A_92 = tpu.memref_slice %arg2[%add3A_73, %dma_start3A_90, %dma_start3A_91] : memref<1568x4x128xi32, #tpu.memory_space<hbm>> -> memref<1x4x128xi32, #tpu.memory_space<hbm>>
    %dma_start3A_93 = tpu.memref_squeeze %dma_start3A_92 : memref<1x4x128xi32, #tpu.memory_space<hbm>> -> memref<4x128xi32, #tpu.memory_space<hbm>>
    tpu.enqueue_dma source(%dma_start3A_93 : memref<4x128xi32, #tpu.memory_space<hbm>>) target(%dma_start3A_89 : memref<4x128xi32, #tpu.memory_space<vmem>>) target_semaphore(%dma_start3A_85 : memref<!tpu.dma_semaphore, #tpu.memory_space<semaphore_mem>>)
    %scan3A = arith.constant 0 : i32
    %scan3A_94 = arith.constant 0 : i32
    %scan3A_95 = arith.constant 49 : i32
    %scan3A_96 = arith.addi %scan3A_94, %scan3A_95 : i32
    %scan3A_97 = arith.constant 1 : i32
    scf.for %scan3A_162 = %scan3A_94 to %scan3A_96 step %scan3A_97  : i32 {
      %and3A = arith.constant 3 : i32
      %and3A_163 = arith.andi %scan3A_162, %and3A : i32
      %add3A_164 = arith.constant 2 : i32
      %add3A_165 = arith.addi %scan3A_162, %add3A_164 : i32
      %and3A_166 = arith.constant 3 : i32
      %and3A_167 = arith.andi %add3A_165, %and3A_166 : i32
      %add3A_168 = arith.addi %mul3A_50, %scan3A_162 : i32
      %dma_wait3A_169 = arith.constant 0 : i32
      %dma_wait3A_170 = arith.constant 0 : i32
      %dma_wait3A_171 = tpu.memref_slice %arg6[%and3A_163, %dma_wait3A_169, %dma_wait3A_170] : memref<4x4x128xi32, #tpu.memory_space<vmem>> -> memref<1x4x128xi32, #tpu.memory_space<vmem>>
      %dma_wait3A_172 = tpu.memref_squeeze %dma_wait3A_171 : memref<1x4x128xi32, #tpu.memory_space<vmem>> -> memref<4x128xi32, #tpu.memory_space<vmem>>
      %dma_wait3A_173 = arith.constant 0 : i32
      %dma_wait3A_174 = arith.constant 0 : i32
      %dma_wait3A_175 = tpu.memref_slice %arg2[%add3A_168, %dma_wait3A_173, %dma_wait3A_174] : memref<1568x4x128xi32, #tpu.memory_space<hbm>> -> memref<1x4x128xi32, #tpu.memory_space<hbm>>
      %dma_wait3A_176 = tpu.memref_squeeze %dma_wait3A_175 : memref<1x4x128xi32, #tpu.memory_space<hbm>> -> memref<4x128xi32, #tpu.memory_space<hbm>>
      %dma_wait3A_177 = tpu.memref_slice %arg9[%and3A_163] : memref<4x!tpu.dma_semaphore, #tpu.memory_space<semaphore_mem>> -> memref<1x!tpu.dma_semaphore, #tpu.memory_space<semaphore_mem>>
      %dma_wait3A_178 = tpu.memref_squeeze %dma_wait3A_177 : memref<1x!tpu.dma_semaphore, #tpu.memory_space<semaphore_mem>> -> memref<!tpu.dma_semaphore, #tpu.memory_space<semaphore_mem>>
      %dma_wait3A_179 = arith.constant 0 : i32
      %dma_wait3A_180 = arith.constant 0 : i32
      %dma_wait3A_181 = tpu.memref_slice %arg6[%and3A_163, %dma_wait3A_179, %dma_wait3A_180] : memref<4x4x128xi32, #tpu.memory_space<vmem>> -> memref<1x4x128xi32, #tpu.memory_space<vmem>>
      %dma_wait3A_182 = tpu.memref_squeeze %dma_wait3A_181 : memref<1x4x128xi32, #tpu.memory_space<vmem>> -> memref<4x128xi32, #tpu.memory_space<vmem>>
      %dma_wait3A_183 = arith.constant 0 : i32
      %dma_wait3A_184 = arith.constant 0 : i32
      %dma_wait3A_185 = tpu.memref_slice %arg2[%add3A_168, %dma_wait3A_183, %dma_wait3A_184] : memref<1568x4x128xi32, #tpu.memory_space<hbm>> -> memref<1x4x128xi32, #tpu.memory_space<hbm>>
      %dma_wait3A_186 = tpu.memref_squeeze %dma_wait3A_185 : memref<1x4x128xi32, #tpu.memory_space<hbm>> -> memref<4x128xi32, #tpu.memory_space<hbm>>
      tpu.wait_dma2 semaphore(%dma_wait3A_178 : memref<!tpu.dma_semaphore, #tpu.memory_space<semaphore_mem>>) src(%dma_wait3A_186 : memref<4x128xi32, #tpu.memory_space<hbm>>) dst(%dma_wait3A_182 : memref<4x128xi32, #tpu.memory_space<vmem>>)
      %ge3A = arith.constant 1 : i32
      %ge3A_187 = arith.cmpi sge, %scan3A_162, %ge3A : i32
      %convert_element_type3A_188 = arith.extui %ge3A_187 : i1 to i32
      %cond3A_189 = arith.constant 0 : i32
      %cond3A_190 = arith.cmpi ne, %convert_element_type3A_188, %cond3A_189 : i32
      scf.if %cond3A_190 {
        %sub3A = arith.constant 1 : i32
        %sub3A_264 = arith.subi %scan3A_162, %sub3A : i32
        %and3A_265 = arith.constant 3 : i32
        %and3A_266 = arith.andi %sub3A_264, %and3A_265 : i32
        %dma_wait3A_267 = arith.constant 0 : i32
        %dma_wait3A_268 = arith.constant 0 : i32
        %dma_wait3A_269 = arith.constant 0 : i32
        %dma_wait3A_270 = arith.constant 0 : i32
        %dma_wait3A_271 = tpu.memref_slice %arg6[%and3A_266, %dma_wait3A_269, %dma_wait3A_270] : memref<4x4x128xi32, #tpu.memory_space<vmem>> -> memref<1x4x128xi32, #tpu.memory_space<vmem>>
        %dma_wait3A_272 = tpu.memref_squeeze %dma_wait3A_271 : memref<1x4x128xi32, #tpu.memory_space<vmem>> -> memref<4x128xi32, #tpu.memory_space<vmem>>
        %dma_wait3A_273 = arith.constant 0 : i32
        %dma_wait3A_274 = tpu.memref_slice %dma_wait3A_272[%dma_wait3A_267, %dma_wait3A_273] : memref<4x128xi32, #tpu.memory_space<vmem>> -> memref<1x128xi32, #tpu.memory_space<vmem>>
        %dma_wait3A_275 = tpu.memref_squeeze %dma_wait3A_274 : memref<1x128xi32, #tpu.memory_space<vmem>> -> memref<128xi32, #tpu.memory_space<vmem>>
        %dma_wait3A_276 = arith.constant 0 : i32
        %dma_wait3A_277 = tpu.memref_slice %arg8[%dma_wait3A_276] : memref<51200xf32, #tpu.memory_space<vmem_shared>> -> memref<51200xf32, #tpu.memory_space<vmem_shared>>
        %dma_wait3A_278 = tpu.memref_slice %arg10[%dma_wait3A_268] : memref<4x!tpu.dma_semaphore, #tpu.memory_space<semaphore_mem>> -> memref<1x!tpu.dma_semaphore, #tpu.memory_space<semaphore_mem>>
        %dma_wait3A_279 = tpu.memref_squeeze %dma_wait3A_278 : memref<1x!tpu.dma_semaphore, #tpu.memory_space<semaphore_mem>> -> memref<!tpu.dma_semaphore, #tpu.memory_space<semaphore_mem>>
        tpu.wait_indirect_dma semaphore(%dma_wait3A_279 : memref<!tpu.dma_semaphore, #tpu.memory_space<semaphore_mem>>) src(%arg7 : memref<128xf32, #tpu.memory_space<vmem>>) dst(%dma_wait3A_277 : memref<51200xf32, #tpu.memory_space<vmem_shared>>)
      } else {
      }
      %dma_start3A_191 = arith.constant 0 : i32
      %dma_start3A_192 = arith.constant 0 : i32
      %dma_start3A_193 = arith.constant 0 : i32
      %dma_start3A_194 = arith.constant 0 : i32
      %dma_start3A_195 = tpu.memref_slice %arg6[%and3A_163, %dma_start3A_193, %dma_start3A_194] : memref<4x4x128xi32, #tpu.memory_space<vmem>> -> memref<1x4x128xi32, #tpu.memory_space<vmem>>
      %dma_start3A_196 = tpu.memref_squeeze %dma_start3A_195 : memref<1x4x128xi32, #tpu.memory_space<vmem>> -> memref<4x128xi32, #tpu.memory_space<vmem>>
      %dma_start3A_197 = arith.constant 0 : i32
      %dma_start3A_198 = tpu.memref_slice %dma_start3A_196[%dma_start3A_191, %dma_start3A_197] : memref<4x128xi32, #tpu.memory_space<vmem>> -> memref<1x128xi32, #tpu.memory_space<vmem>>
      %dma_start3A_199 = tpu.memref_squeeze %dma_start3A_198 : memref<1x128xi32, #tpu.memory_space<vmem>> -> memref<128xi32, #tpu.memory_space<vmem>>
      %dma_start3A_200 = arith.constant 0 : i32
      %dma_start3A_201 = tpu.memref_slice %arg8[%dma_start3A_200] : memref<51200xf32, #tpu.memory_space<vmem_shared>> -> memref<51200xf32, #tpu.memory_space<vmem_shared>>
      %dma_start3A_202 = tpu.memref_slice %arg10[%dma_start3A_192] : memref<4x!tpu.dma_semaphore, #tpu.memory_space<semaphore_mem>> -> memref<1x!tpu.dma_semaphore, #tpu.memory_space<semaphore_mem>>
      %dma_start3A_203 = tpu.memref_squeeze %dma_start3A_202 : memref<1x!tpu.dma_semaphore, #tpu.memory_space<semaphore_mem>> -> memref<!tpu.dma_semaphore, #tpu.memory_space<semaphore_mem>>
      tpu.enqueue_indirect_dma source(%arg7 : memref<128xf32, #tpu.memory_space<vmem>>) target(%dma_start3A_201 : memref<51200xf32, #tpu.memory_space<vmem_shared>>) offsets(%dma_start3A_199 : memref<128xi32, #tpu.memory_space<vmem>>) semaphore(%dma_start3A_203 : memref<!tpu.dma_semaphore, #tpu.memory_space<semaphore_mem>>) {add = true}
      %ge3A_204 = arith.constant 1 : i32
      %ge3A_205 = arith.cmpi sge, %scan3A_162, %ge3A_204 : i32
      %convert_element_type3A_206 = arith.extui %ge3A_205 : i1 to i32
      %cond3A_207 = arith.constant 0 : i32
      %cond3A_208 = arith.cmpi ne, %convert_element_type3A_206, %cond3A_207 : i32
      scf.if %cond3A_208 {
        %sub3A = arith.constant 1 : i32
        %sub3A_264 = arith.subi %scan3A_162, %sub3A : i32
        %and3A_265 = arith.constant 3 : i32
        %and3A_266 = arith.andi %sub3A_264, %and3A_265 : i32
        %dma_wait3A_267 = arith.constant 1 : i32
        %dma_wait3A_268 = arith.constant 1 : i32
        %dma_wait3A_269 = arith.constant 0 : i32
        %dma_wait3A_270 = arith.constant 0 : i32
        %dma_wait3A_271 = tpu.memref_slice %arg6[%and3A_266, %dma_wait3A_269, %dma_wait3A_270] : memref<4x4x128xi32, #tpu.memory_space<vmem>> -> memref<1x4x128xi32, #tpu.memory_space<vmem>>
        %dma_wait3A_272 = tpu.memref_squeeze %dma_wait3A_271 : memref<1x4x128xi32, #tpu.memory_space<vmem>> -> memref<4x128xi32, #tpu.memory_space<vmem>>
        %dma_wait3A_273 = arith.constant 0 : i32
        %dma_wait3A_274 = tpu.memref_slice %dma_wait3A_272[%dma_wait3A_267, %dma_wait3A_273] : memref<4x128xi32, #tpu.memory_space<vmem>> -> memref<1x128xi32, #tpu.memory_space<vmem>>
        %dma_wait3A_275 = tpu.memref_squeeze %dma_wait3A_274 : memref<1x128xi32, #tpu.memory_space<vmem>> -> memref<128xi32, #tpu.memory_space<vmem>>
        %dma_wait3A_276 = arith.constant 0 : i32
        %dma_wait3A_277 = tpu.memref_slice %arg8[%dma_wait3A_276] : memref<51200xf32, #tpu.memory_space<vmem_shared>> -> memref<51200xf32, #tpu.memory_space<vmem_shared>>
        %dma_wait3A_278 = tpu.memref_slice %arg10[%dma_wait3A_268] : memref<4x!tpu.dma_semaphore, #tpu.memory_space<semaphore_mem>> -> memref<1x!tpu.dma_semaphore, #tpu.memory_space<semaphore_mem>>
        %dma_wait3A_279 = tpu.memref_squeeze %dma_wait3A_278 : memref<1x!tpu.dma_semaphore, #tpu.memory_space<semaphore_mem>> -> memref<!tpu.dma_semaphore, #tpu.memory_space<semaphore_mem>>
        tpu.wait_indirect_dma semaphore(%dma_wait3A_279 : memref<!tpu.dma_semaphore, #tpu.memory_space<semaphore_mem>>) src(%arg7 : memref<128xf32, #tpu.memory_space<vmem>>) dst(%dma_wait3A_277 : memref<51200xf32, #tpu.memory_space<vmem_shared>>)
      } else {
      }
      %dma_start3A_209 = arith.constant 1 : i32
      %dma_start3A_210 = arith.constant 1 : i32
      %dma_start3A_211 = arith.constant 0 : i32
      %dma_start3A_212 = arith.constant 0 : i32
      %dma_start3A_213 = tpu.memref_slice %arg6[%and3A_163, %dma_start3A_211, %dma_start3A_212] : memref<4x4x128xi32, #tpu.memory_space<vmem>> -> memref<1x4x128xi32, #tpu.memory_space<vmem>>
      %dma_start3A_214 = tpu.memref_squeeze %dma_start3A_213 : memref<1x4x128xi32, #tpu.memory_space<vmem>> -> memref<4x128xi32, #tpu.memory_space<vmem>>
      %dma_start3A_215 = arith.constant 0 : i32
      %dma_start3A_216 = tpu.memref_slice %dma_start3A_214[%dma_start3A_209, %dma_start3A_215] : memref<4x128xi32, #tpu.memory_space<vmem>> -> memref<1x128xi32, #tpu.memory_space<vmem>>
      %dma_start3A_217 = tpu.memref_squeeze %dma_start3A_216 : memref<1x128xi32, #tpu.memory_space<vmem>> -> memref<128xi32, #tpu.memory_space<vmem>>
      %dma_start3A_218 = arith.constant 0 : i32
      %dma_start3A_219 = tpu.memref_slice %arg8[%dma_start3A_218] : memref<51200xf32, #tpu.memory_space<vmem_shared>> -> memref<51200xf32, #tpu.memory_space<vmem_shared>>
      %dma_start3A_220 = tpu.memref_slice %arg10[%dma_start3A_210] : memref<4x!tpu.dma_semaphore, #tpu.memory_space<semaphore_mem>> -> memref<1x!tpu.dma_semaphore, #tpu.memory_space<semaphore_mem>>
      %dma_start3A_221 = tpu.memref_squeeze %dma_start3A_220 : memref<1x!tpu.dma_semaphore, #tpu.memory_space<semaphore_mem>> -> memref<!tpu.dma_semaphore, #tpu.memory_space<semaphore_mem>>
      tpu.enqueue_indirect_dma source(%arg7 : memref<128xf32, #tpu.memory_space<vmem>>) target(%dma_start3A_219 : memref<51200xf32, #tpu.memory_space<vmem_shared>>) offsets(%dma_start3A_217 : memref<128xi32, #tpu.memory_space<vmem>>) semaphore(%dma_start3A_221 : memref<!tpu.dma_semaphore, #tpu.memory_space<semaphore_mem>>) {add = true}
      %ge3A_222 = arith.constant 1 : i32
      %ge3A_223 = arith.cmpi sge, %scan3A_162, %ge3A_222 : i32
      %convert_element_type3A_224 = arith.extui %ge3A_223 : i1 to i32
      %cond3A_225 = arith.constant 0 : i32
      %cond3A_226 = arith.cmpi ne, %convert_element_type3A_224, %cond3A_225 : i32
      scf.if %cond3A_226 {
        %sub3A = arith.constant 1 : i32
        %sub3A_264 = arith.subi %scan3A_162, %sub3A : i32
        %and3A_265 = arith.constant 3 : i32
        %and3A_266 = arith.andi %sub3A_264, %and3A_265 : i32
        %dma_wait3A_267 = arith.constant 2 : i32
        %dma_wait3A_268 = arith.constant 2 : i32
        %dma_wait3A_269 = arith.constant 0 : i32
        %dma_wait3A_270 = arith.constant 0 : i32
        %dma_wait3A_271 = tpu.memref_slice %arg6[%and3A_266, %dma_wait3A_269, %dma_wait3A_270] : memref<4x4x128xi32, #tpu.memory_space<vmem>> -> memref<1x4x128xi32, #tpu.memory_space<vmem>>
        %dma_wait3A_272 = tpu.memref_squeeze %dma_wait3A_271 : memref<1x4x128xi32, #tpu.memory_space<vmem>> -> memref<4x128xi32, #tpu.memory_space<vmem>>
        %dma_wait3A_273 = arith.constant 0 : i32
        %dma_wait3A_274 = tpu.memref_slice %dma_wait3A_272[%dma_wait3A_267, %dma_wait3A_273] : memref<4x128xi32, #tpu.memory_space<vmem>> -> memref<1x128xi32, #tpu.memory_space<vmem>>
        %dma_wait3A_275 = tpu.memref_squeeze %dma_wait3A_274 : memref<1x128xi32, #tpu.memory_space<vmem>> -> memref<128xi32, #tpu.memory_space<vmem>>
        %dma_wait3A_276 = arith.constant 0 : i32
        %dma_wait3A_277 = tpu.memref_slice %arg8[%dma_wait3A_276] : memref<51200xf32, #tpu.memory_space<vmem_shared>> -> memref<51200xf32, #tpu.memory_space<vmem_shared>>
        %dma_wait3A_278 = tpu.memref_slice %arg10[%dma_wait3A_268] : memref<4x!tpu.dma_semaphore, #tpu.memory_space<semaphore_mem>> -> memref<1x!tpu.dma_semaphore, #tpu.memory_space<semaphore_mem>>
        %dma_wait3A_279 = tpu.memref_squeeze %dma_wait3A_278 : memref<1x!tpu.dma_semaphore, #tpu.memory_space<semaphore_mem>> -> memref<!tpu.dma_semaphore, #tpu.memory_space<semaphore_mem>>
        tpu.wait_indirect_dma semaphore(%dma_wait3A_279 : memref<!tpu.dma_semaphore, #tpu.memory_space<semaphore_mem>>) src(%arg7 : memref<128xf32, #tpu.memory_space<vmem>>) dst(%dma_wait3A_277 : memref<51200xf32, #tpu.memory_space<vmem_shared>>)
      } else {
      }
      %dma_start3A_227 = arith.constant 2 : i32
      %dma_start3A_228 = arith.constant 2 : i32
      %dma_start3A_229 = arith.constant 0 : i32
      %dma_start3A_230 = arith.constant 0 : i32
      %dma_start3A_231 = tpu.memref_slice %arg6[%and3A_163, %dma_start3A_229, %dma_start3A_230] : memref<4x4x128xi32, #tpu.memory_space<vmem>> -> memref<1x4x128xi32, #tpu.memory_space<vmem>>
      %dma_start3A_232 = tpu.memref_squeeze %dma_start3A_231 : memref<1x4x128xi32, #tpu.memory_space<vmem>> -> memref<4x128xi32, #tpu.memory_space<vmem>>
      %dma_start3A_233 = arith.constant 0 : i32
      %dma_start3A_234 = tpu.memref_slice %dma_start3A_232[%dma_start3A_227, %dma_start3A_233] : memref<4x128xi32, #tpu.memory_space<vmem>> -> memref<1x128xi32, #tpu.memory_space<vmem>>
      %dma_start3A_235 = tpu.memref_squeeze %dma_start3A_234 : memref<1x128xi32, #tpu.memory_space<vmem>> -> memref<128xi32, #tpu.memory_space<vmem>>
      %dma_start3A_236 = arith.constant 0 : i32
      %dma_start3A_237 = tpu.memref_slice %arg8[%dma_start3A_236] : memref<51200xf32, #tpu.memory_space<vmem_shared>> -> memref<51200xf32, #tpu.memory_space<vmem_shared>>
      %dma_start3A_238 = tpu.memref_slice %arg10[%dma_start3A_228] : memref<4x!tpu.dma_semaphore, #tpu.memory_space<semaphore_mem>> -> memref<1x!tpu.dma_semaphore, #tpu.memory_space<semaphore_mem>>
      %dma_start3A_239 = tpu.memref_squeeze %dma_start3A_238 : memref<1x!tpu.dma_semaphore, #tpu.memory_space<semaphore_mem>> -> memref<!tpu.dma_semaphore, #tpu.memory_space<semaphore_mem>>
      tpu.enqueue_indirect_dma source(%arg7 : memref<128xf32, #tpu.memory_space<vmem>>) target(%dma_start3A_237 : memref<51200xf32, #tpu.memory_space<vmem_shared>>) offsets(%dma_start3A_235 : memref<128xi32, #tpu.memory_space<vmem>>) semaphore(%dma_start3A_239 : memref<!tpu.dma_semaphore, #tpu.memory_space<semaphore_mem>>) {add = true}
      %ge3A_240 = arith.constant 1 : i32
      %ge3A_241 = arith.cmpi sge, %scan3A_162, %ge3A_240 : i32
      %convert_element_type3A_242 = arith.extui %ge3A_241 : i1 to i32
      %cond3A_243 = arith.constant 0 : i32
      %cond3A_244 = arith.cmpi ne, %convert_element_type3A_242, %cond3A_243 : i32
      scf.if %cond3A_244 {
        %sub3A = arith.constant 1 : i32
        %sub3A_264 = arith.subi %scan3A_162, %sub3A : i32
        %and3A_265 = arith.constant 3 : i32
        %and3A_266 = arith.andi %sub3A_264, %and3A_265 : i32
        %dma_wait3A_267 = arith.constant 3 : i32
        %dma_wait3A_268 = arith.constant 3 : i32
        %dma_wait3A_269 = arith.constant 0 : i32
        %dma_wait3A_270 = arith.constant 0 : i32
        %dma_wait3A_271 = tpu.memref_slice %arg6[%and3A_266, %dma_wait3A_269, %dma_wait3A_270] : memref<4x4x128xi32, #tpu.memory_space<vmem>> -> memref<1x4x128xi32, #tpu.memory_space<vmem>>
        %dma_wait3A_272 = tpu.memref_squeeze %dma_wait3A_271 : memref<1x4x128xi32, #tpu.memory_space<vmem>> -> memref<4x128xi32, #tpu.memory_space<vmem>>
        %dma_wait3A_273 = arith.constant 0 : i32
        %dma_wait3A_274 = tpu.memref_slice %dma_wait3A_272[%dma_wait3A_267, %dma_wait3A_273] : memref<4x128xi32, #tpu.memory_space<vmem>> -> memref<1x128xi32, #tpu.memory_space<vmem>>
        %dma_wait3A_275 = tpu.memref_squeeze %dma_wait3A_274 : memref<1x128xi32, #tpu.memory_space<vmem>> -> memref<128xi32, #tpu.memory_space<vmem>>
        %dma_wait3A_276 = arith.constant 0 : i32
        %dma_wait3A_277 = tpu.memref_slice %arg8[%dma_wait3A_276] : memref<51200xf32, #tpu.memory_space<vmem_shared>> -> memref<51200xf32, #tpu.memory_space<vmem_shared>>
        %dma_wait3A_278 = tpu.memref_slice %arg10[%dma_wait3A_268] : memref<4x!tpu.dma_semaphore, #tpu.memory_space<semaphore_mem>> -> memref<1x!tpu.dma_semaphore, #tpu.memory_space<semaphore_mem>>
        %dma_wait3A_279 = tpu.memref_squeeze %dma_wait3A_278 : memref<1x!tpu.dma_semaphore, #tpu.memory_space<semaphore_mem>> -> memref<!tpu.dma_semaphore, #tpu.memory_space<semaphore_mem>>
        tpu.wait_indirect_dma semaphore(%dma_wait3A_279 : memref<!tpu.dma_semaphore, #tpu.memory_space<semaphore_mem>>) src(%arg7 : memref<128xf32, #tpu.memory_space<vmem>>) dst(%dma_wait3A_277 : memref<51200xf32, #tpu.memory_space<vmem_shared>>)
      } else {
      }
      %dma_start3A_245 = arith.constant 3 : i32
      %dma_start3A_246 = arith.constant 3 : i32
      %dma_start3A_247 = arith.constant 0 : i32
      %dma_start3A_248 = arith.constant 0 : i32
      %dma_start3A_249 = tpu.memref_slice %arg6[%and3A_163, %dma_start3A_247, %dma_start3A_248] : memref<4x4x128xi32, #tpu.memory_space<vmem>> -> memref<1x4x128xi32, #tpu.memory_space<vmem>>
      %dma_start3A_250 = tpu.memref_squeeze %dma_start3A_249 : memref<1x4x128xi32, #tpu.memory_space<vmem>> -> memref<4x128xi32, #tpu.memory_space<vmem>>
      %dma_start3A_251 = arith.constant 0 : i32
      %dma_start3A_252 = tpu.memref_slice %dma_start3A_250[%dma_start3A_245, %dma_start3A_251] : memref<4x128xi32, #tpu.memory_space<vmem>> -> memref<1x128xi32, #tpu.memory_space<vmem>>
      %dma_start3A_253 = tpu.memref_squeeze %dma_start3A_252 : memref<1x128xi32, #tpu.memory_space<vmem>> -> memref<128xi32, #tpu.memory_space<vmem>>
      %dma_start3A_254 = arith.constant 0 : i32
      %dma_start3A_255 = tpu.memref_slice %arg8[%dma_start3A_254] : memref<51200xf32, #tpu.memory_space<vmem_shared>> -> memref<51200xf32, #tpu.memory_space<vmem_shared>>
      %dma_start3A_256 = tpu.memref_slice %arg10[%dma_start3A_246] : memref<4x!tpu.dma_semaphore, #tpu.memory_space<semaphore_mem>> -> memref<1x!tpu.dma_semaphore, #tpu.memory_space<semaphore_mem>>
      %dma_start3A_257 = tpu.memref_squeeze %dma_start3A_256 : memref<1x!tpu.dma_semaphore, #tpu.memory_space<semaphore_mem>> -> memref<!tpu.dma_semaphore, #tpu.memory_space<semaphore_mem>>
      tpu.enqueue_indirect_dma source(%arg7 : memref<128xf32, #tpu.memory_space<vmem>>) target(%dma_start3A_255 : memref<51200xf32, #tpu.memory_space<vmem_shared>>) offsets(%dma_start3A_253 : memref<128xi32, #tpu.memory_space<vmem>>) semaphore(%dma_start3A_257 : memref<!tpu.dma_semaphore, #tpu.memory_space<semaphore_mem>>) {add = true}
      %add3A_258 = arith.constant 2 : i32
      %add3A_259 = arith.addi %scan3A_162, %add3A_258 : i32
      %lt3A = arith.constant 49 : i32
      %lt3A_260 = arith.cmpi slt, %add3A_259, %lt3A : i32
      %convert_element_type3A_261 = arith.extui %lt3A_260 : i1 to i32
      %cond3A_262 = arith.constant 0 : i32
      %cond3A_263 = arith.cmpi ne, %convert_element_type3A_261, %cond3A_262 : i32
      scf.if %cond3A_263 {
        %add3A_264 = arith.constant 2 : i32
        %add3A_265 = arith.addi %scan3A_162, %add3A_264 : i32
        %add3A_266 = arith.addi %mul3A_50, %add3A_265 : i32
        %dma_start3A_267 = arith.constant 0 : i32
        %dma_start3A_268 = arith.constant 0 : i32
        %dma_start3A_269 = tpu.memref_slice %arg6[%and3A_167, %dma_start3A_267, %dma_start3A_268] : memref<4x4x128xi32, #tpu.memory_space<vmem>> -> memref<1x4x128xi32, #tpu.memory_space<vmem>>
        %dma_start3A_270 = tpu.memref_squeeze %dma_start3A_269 : memref<1x4x128xi32, #tpu.memory_space<vmem>> -> memref<4x128xi32, #tpu.memory_space<vmem>>
        %dma_start3A_271 = arith.constant 0 : i32
        %dma_start3A_272 = arith.constant 0 : i32
        %dma_start3A_273 = tpu.memref_slice %arg2[%add3A_266, %dma_start3A_271, %dma_start3A_272] : memref<1568x4x128xi32, #tpu.memory_space<hbm>> -> memref<1x4x128xi32, #tpu.memory_space<hbm>>
        %dma_start3A_274 = tpu.memref_squeeze %dma_start3A_273 : memref<1x4x128xi32, #tpu.memory_space<hbm>> -> memref<4x128xi32, #tpu.memory_space<hbm>>
        %dma_start3A_275 = tpu.memref_slice %arg9[%and3A_167] : memref<4x!tpu.dma_semaphore, #tpu.memory_space<semaphore_mem>> -> memref<1x!tpu.dma_semaphore, #tpu.memory_space<semaphore_mem>>
        %dma_start3A_276 = tpu.memref_squeeze %dma_start3A_275 : memref<1x!tpu.dma_semaphore, #tpu.memory_space<semaphore_mem>> -> memref<!tpu.dma_semaphore, #tpu.memory_space<semaphore_mem>>
        %dma_start3A_277 = arith.constant 0 : i32
        %dma_start3A_278 = arith.constant 0 : i32
        %dma_start3A_279 = tpu.memref_slice %arg6[%and3A_167, %dma_start3A_277, %dma_start3A_278] : memref<4x4x128xi32, #tpu.memory_space<vmem>> -> memref<1x4x128xi32, #tpu.memory_space<vmem>>
        %dma_start3A_280 = tpu.memref_squeeze %dma_start3A_279 : memref<1x4x128xi32, #tpu.memory_space<vmem>> -> memref<4x128xi32, #tpu.memory_space<vmem>>
        %dma_start3A_281 = arith.constant 0 : i32
        %dma_start3A_282 = arith.constant 0 : i32
        %dma_start3A_283 = tpu.memref_slice %arg2[%add3A_266, %dma_start3A_281, %dma_start3A_282] : memref<1568x4x128xi32, #tpu.memory_space<hbm>> -> memref<1x4x128xi32, #tpu.memory_space<hbm>>
        %dma_start3A_284 = tpu.memref_squeeze %dma_start3A_283 : memref<1x4x128xi32, #tpu.memory_space<hbm>> -> memref<4x128xi32, #tpu.memory_space<hbm>>
        tpu.enqueue_dma source(%dma_start3A_284 : memref<4x128xi32, #tpu.memory_space<hbm>>) target(%dma_start3A_280 : memref<4x128xi32, #tpu.memory_space<vmem>>) target_semaphore(%dma_start3A_276 : memref<!tpu.dma_semaphore, #tpu.memory_space<semaphore_mem>>)
      } else {
      }
    }
    %scan3A_98 = arith.constant 49 : i32
    %dma_wait3A = arith.constant 0 : i32
    %dma_wait3A_99 = arith.constant 0 : i32
    %dma_wait3A_100 = arith.constant 0 : i32
    %dma_wait3A_101 = arith.constant 0 : i32
    %dma_wait3A_102 = arith.constant 0 : i32
    %dma_wait3A_103 = tpu.memref_slice %arg6[%dma_wait3A, %dma_wait3A_101, %dma_wait3A_102] : memref<4x4x128xi32, #tpu.memory_space<vmem>> -> memref<1x4x128xi32, #tpu.memory_space<vmem>>
    %dma_wait3A_104 = tpu.memref_squeeze %dma_wait3A_103 : memref<1x4x128xi32, #tpu.memory_space<vmem>> -> memref<4x128xi32, #tpu.memory_space<vmem>>
    %dma_wait3A_105 = arith.constant 0 : i32
    %dma_wait3A_106 = tpu.memref_slice %dma_wait3A_104[%dma_wait3A_99, %dma_wait3A_105] : memref<4x128xi32, #tpu.memory_space<vmem>> -> memref<1x128xi32, #tpu.memory_space<vmem>>
    %dma_wait3A_107 = tpu.memref_squeeze %dma_wait3A_106 : memref<1x128xi32, #tpu.memory_space<vmem>> -> memref<128xi32, #tpu.memory_space<vmem>>
    %dma_wait3A_108 = arith.constant 0 : i32
    %dma_wait3A_109 = tpu.memref_slice %arg8[%dma_wait3A_108] : memref<51200xf32, #tpu.memory_space<vmem_shared>> -> memref<51200xf32, #tpu.memory_space<vmem_shared>>
    %dma_wait3A_110 = tpu.memref_slice %arg10[%dma_wait3A_100] : memref<4x!tpu.dma_semaphore, #tpu.memory_space<semaphore_mem>> -> memref<1x!tpu.dma_semaphore, #tpu.memory_space<semaphore_mem>>
    %dma_wait3A_111 = tpu.memref_squeeze %dma_wait3A_110 : memref<1x!tpu.dma_semaphore, #tpu.memory_space<semaphore_mem>> -> memref<!tpu.dma_semaphore, #tpu.memory_space<semaphore_mem>>
    tpu.wait_indirect_dma semaphore(%dma_wait3A_111 : memref<!tpu.dma_semaphore, #tpu.memory_space<semaphore_mem>>) src(%arg7 : memref<128xf32, #tpu.memory_space<vmem>>) dst(%dma_wait3A_109 : memref<51200xf32, #tpu.memory_space<vmem_shared>>)
    %dma_wait3A_112 = arith.constant 0 : i32
    %dma_wait3A_113 = arith.constant 1 : i32
    %dma_wait3A_114 = arith.constant 1 : i32
    %dma_wait3A_115 = arith.constant 0 : i32
    %dma_wait3A_116 = arith.constant 0 : i32
    %dma_wait3A_117 = tpu.memref_slice %arg6[%dma_wait3A_112, %dma_wait3A_115, %dma_wait3A_116] : memref<4x4x128xi32, #tpu.memory_space<vmem>> -> memref<1x4x128xi32, #tpu.memory_space<vmem>>
    %dma_wait3A_118 = tpu.memref_squeeze %dma_wait3A_117 : memref<1x4x128xi32, #tpu.memory_space<vmem>> -> memref<4x128xi32, #tpu.memory_space<vmem>>
    %dma_wait3A_119 = arith.constant 0 : i32
    %dma_wait3A_120 = tpu.memref_slice %dma_wait3A_118[%dma_wait3A_113, %dma_wait3A_119] : memref<4x128xi32, #tpu.memory_space<vmem>> -> memref<1x128xi32, #tpu.memory_space<vmem>>
    %dma_wait3A_121 = tpu.memref_squeeze %dma_wait3A_120 : memref<1x128xi32, #tpu.memory_space<vmem>> -> memref<128xi32, #tpu.memory_space<vmem>>
    %dma_wait3A_122 = arith.constant 0 : i32
    %dma_wait3A_123 = tpu.memref_slice %arg8[%dma_wait3A_122] : memref<51200xf32, #tpu.memory_space<vmem_shared>> -> memref<51200xf32, #tpu.memory_space<vmem_shared>>
    %dma_wait3A_124 = tpu.memref_slice %arg10[%dma_wait3A_114] : memref<4x!tpu.dma_semaphore, #tpu.memory_space<semaphore_mem>> -> memref<1x!tpu.dma_semaphore, #tpu.memory_space<semaphore_mem>>
    %dma_wait3A_125 = tpu.memref_squeeze %dma_wait3A_124 : memref<1x!tpu.dma_semaphore, #tpu.memory_space<semaphore_mem>> -> memref<!tpu.dma_semaphore, #tpu.memory_space<semaphore_mem>>
    tpu.wait_indirect_dma semaphore(%dma_wait3A_125 : memref<!tpu.dma_semaphore, #tpu.memory_space<semaphore_mem>>) src(%arg7 : memref<128xf32, #tpu.memory_space<vmem>>) dst(%dma_wait3A_123 : memref<51200xf32, #tpu.memory_space<vmem_shared>>)
    %dma_wait3A_126 = arith.constant 0 : i32
    %dma_wait3A_127 = arith.constant 2 : i32
    %dma_wait3A_128 = arith.constant 2 : i32
    %dma_wait3A_129 = arith.constant 0 : i32
    %dma_wait3A_130 = arith.constant 0 : i32
    %dma_wait3A_131 = tpu.memref_slice %arg6[%dma_wait3A_126, %dma_wait3A_129, %dma_wait3A_130] : memref<4x4x128xi32, #tpu.memory_space<vmem>> -> memref<1x4x128xi32, #tpu.memory_space<vmem>>
    %dma_wait3A_132 = tpu.memref_squeeze %dma_wait3A_131 : memref<1x4x128xi32, #tpu.memory_space<vmem>> -> memref<4x128xi32, #tpu.memory_space<vmem>>
    %dma_wait3A_133 = arith.constant 0 : i32
    %dma_wait3A_134 = tpu.memref_slice %dma_wait3A_132[%dma_wait3A_127, %dma_wait3A_133] : memref<4x128xi32, #tpu.memory_space<vmem>> -> memref<1x128xi32, #tpu.memory_space<vmem>>
    %dma_wait3A_135 = tpu.memref_squeeze %dma_wait3A_134 : memref<1x128xi32, #tpu.memory_space<vmem>> -> memref<128xi32, #tpu.memory_space<vmem>>
    %dma_wait3A_136 = arith.constant 0 : i32
    %dma_wait3A_137 = tpu.memref_slice %arg8[%dma_wait3A_136] : memref<51200xf32, #tpu.memory_space<vmem_shared>> -> memref<51200xf32, #tpu.memory_space<vmem_shared>>
    %dma_wait3A_138 = tpu.memref_slice %arg10[%dma_wait3A_128] : memref<4x!tpu.dma_semaphore, #tpu.memory_space<semaphore_mem>> -> memref<1x!tpu.dma_semaphore, #tpu.memory_space<semaphore_mem>>
    %dma_wait3A_139 = tpu.memref_squeeze %dma_wait3A_138 : memref<1x!tpu.dma_semaphore, #tpu.memory_space<semaphore_mem>> -> memref<!tpu.dma_semaphore, #tpu.memory_space<semaphore_mem>>
    tpu.wait_indirect_dma semaphore(%dma_wait3A_139 : memref<!tpu.dma_semaphore, #tpu.memory_space<semaphore_mem>>) src(%arg7 : memref<128xf32, #tpu.memory_space<vmem>>) dst(%dma_wait3A_137 : memref<51200xf32, #tpu.memory_space<vmem_shared>>)
    %dma_wait3A_140 = arith.constant 0 : i32
    %dma_wait3A_141 = arith.constant 3 : i32
    %dma_wait3A_142 = arith.constant 3 : i32
    %dma_wait3A_143 = arith.constant 0 : i32
    %dma_wait3A_144 = arith.constant 0 : i32
    %dma_wait3A_145 = tpu.memref_slice %arg6[%dma_wait3A_140, %dma_wait3A_143, %dma_wait3A_144] : memref<4x4x128xi32, #tpu.memory_space<vmem>> -> memref<1x4x128xi32, #tpu.memory_space<vmem>>
    %dma_wait3A_146 = tpu.memref_squeeze %dma_wait3A_145 : memref<1x4x128xi32, #tpu.memory_space<vmem>> -> memref<4x128xi32, #tpu.memory_space<vmem>>
    %dma_wait3A_147 = arith.constant 0 : i32
    %dma_wait3A_148 = tpu.memref_slice %dma_wait3A_146[%dma_wait3A_141, %dma_wait3A_147] : memref<4x128xi32, #tpu.memory_space<vmem>> -> memref<1x128xi32, #tpu.memory_space<vmem>>
    %dma_wait3A_149 = tpu.memref_squeeze %dma_wait3A_148 : memref<1x128xi32, #tpu.memory_space<vmem>> -> memref<128xi32, #tpu.memory_space<vmem>>
    %dma_wait3A_150 = arith.constant 0 : i32
    %dma_wait3A_151 = tpu.memref_slice %arg8[%dma_wait3A_150] : memref<51200xf32, #tpu.memory_space<vmem_shared>> -> memref<51200xf32, #tpu.memory_space<vmem_shared>>
    %dma_wait3A_152 = tpu.memref_slice %arg10[%dma_wait3A_142] : memref<4x!tpu.dma_semaphore, #tpu.memory_space<semaphore_mem>> -> memref<1x!tpu.dma_semaphore, #tpu.memory_space<semaphore_mem>>
    %dma_wait3A_153 = tpu.memref_squeeze %dma_wait3A_152 : memref<1x!tpu.dma_semaphore, #tpu.memory_space<semaphore_mem>> -> memref<!tpu.dma_semaphore, #tpu.memory_space<semaphore_mem>>
    tpu.wait_indirect_dma semaphore(%dma_wait3A_153 : memref<!tpu.dma_semaphore, #tpu.memory_space<semaphore_mem>>) src(%arg7 : memref<128xf32, #tpu.memory_space<vmem>>) dst(%dma_wait3A_151 : memref<51200xf32, #tpu.memory_space<vmem_shared>>)
    %barrier3A_154 = arith.constant 0 : index
    tpu.barrier barrier_id(%barrier3A_154)
    %eq3A = arith.constant 0 : i32
    %eq3A_155 = arith.cmpi eq, %arg0, %eq3A : i32
    %convert_element_type3A = arith.extui %eq3A_155 : i1 to i32
    %cond3A = arith.constant 0 : i32
    %cond3A_156 = arith.cmpi ne, %convert_element_type3A, %cond3A : i32
    scf.if %cond3A_156 {
      "tpu.region"() ({
        %run_scoped3A = tpu.sem_alloc : memref<!tpu.dma_semaphore, #tpu.memory_space<semaphore_mem>>
        %dma_start3A_162 = tpu.memref_slice %arg4[%mul3A_48] : memref<51200xf32, #tpu.memory_space<hbm>> -> memref<3200xf32, #tpu.memory_space<hbm>>
        %dma_start3A_163 = tpu.memref_slice %arg8[%mul3A_48] : memref<51200xf32, #tpu.memory_space<vmem_shared>> -> memref<3200xf32, #tpu.memory_space<vmem_shared>>
        tpu.enqueue_dma source(%dma_start3A_163 : memref<3200xf32, #tpu.memory_space<vmem_shared>>) target(%dma_start3A_162 : memref<3200xf32, #tpu.memory_space<hbm>>) target_semaphore(%run_scoped3A : memref<!tpu.dma_semaphore, #tpu.memory_space<semaphore_mem>>)
        %dma_wait3A_164 = tpu.memref_slice %arg4[%mul3A_48] : memref<51200xf32, #tpu.memory_space<hbm>> -> memref<3200xf32, #tpu.memory_space<hbm>>
        %dma_wait3A_165 = tpu.memref_slice %arg8[%mul3A_48] : memref<51200xf32, #tpu.memory_space<vmem_shared>> -> memref<3200xf32, #tpu.memory_space<vmem_shared>>
        tpu.wait_dma2 semaphore(%run_scoped3A : memref<!tpu.dma_semaphore, #tpu.memory_space<semaphore_mem>>) src(%dma_wait3A_165 : memref<3200xf32, #tpu.memory_space<vmem_shared>>) dst(%dma_wait3A_164 : memref<3200xf32, #tpu.memory_space<hbm>>)
        tpu.yield
      }) : () -> ()
    } else {
    }
    %eq3A_157 = arith.constant 1 : i32
    %eq3A_158 = arith.cmpi eq, %arg0, %eq3A_157 : i32
    %convert_element_type3A_159 = arith.extui %eq3A_158 : i1 to i32
    %cond3A_160 = arith.constant 0 : i32
    %cond3A_161 = arith.cmpi ne, %convert_element_type3A_159, %cond3A_160 : i32
    scf.if %cond3A_161 {
      "tpu.region"() ({
        %run_scoped3A = tpu.sem_alloc : memref<!tpu.dma_semaphore, #tpu.memory_space<semaphore_mem>>
        %dma_start3A_162 = tpu.memref_slice %arg5[%mul3A_48] : memref<51200xf32, #tpu.memory_space<hbm>> -> memref<3200xf32, #tpu.memory_space<hbm>>
        %dma_start3A_163 = tpu.memref_slice %arg8[%mul3A_48] : memref<51200xf32, #tpu.memory_space<vmem_shared>> -> memref<3200xf32, #tpu.memory_space<vmem_shared>>
        tpu.enqueue_dma source(%dma_start3A_163 : memref<3200xf32, #tpu.memory_space<vmem_shared>>) target(%dma_start3A_162 : memref<3200xf32, #tpu.memory_space<hbm>>) target_semaphore(%run_scoped3A : memref<!tpu.dma_semaphore, #tpu.memory_space<semaphore_mem>>)
        %dma_wait3A_164 = tpu.memref_slice %arg5[%mul3A_48] : memref<51200xf32, #tpu.memory_space<hbm>> -> memref<3200xf32, #tpu.memory_space<hbm>>
        %dma_wait3A_165 = tpu.memref_slice %arg8[%mul3A_48] : memref<51200xf32, #tpu.memory_space<vmem_shared>> -> memref<3200xf32, #tpu.memory_space<vmem_shared>>
        tpu.wait_dma2 semaphore(%run_scoped3A : memref<!tpu.dma_semaphore, #tpu.memory_space<semaphore_mem>>) src(%dma_wait3A_165 : memref<3200xf32, #tpu.memory_space<vmem_shared>>) dst(%dma_wait3A_164 : memref<3200xf32, #tpu.memory_space<hbm>>)
        tpu.yield
      }) : () -> ()
    } else {
    }
    return
  }
}

#map = affine_map<(d0, d1) -> (0, 0, 0)>
#map1 = affine_map<(d0, d1) -> (0, 0)>
module attributes {stable_mosaic.version = 14 : i64} {
  func.func @body(%arg0: i32, %arg1: i32, %arg2: memref<1568x4x128xi32, #tpu.memory_space<hbm>>, %arg3: memref<1568x4x128xi32, #tpu.memory_space<hbm>>, %arg4: memref<2x51200x32xf32, #tpu.memory_space<hbm>>, %arg5: memref<51200x32xf32, #tpu.memory_space<hbm>>, %arg6: memref<51200x32xf32, #tpu.memory_space<hbm>>, %arg7: memref<51200x32xf32, #tpu.memory_space<hbm>>, %arg8: memref<4x4x128xi32, #tpu.memory_space<vmem>>, %arg9: memref<4x4x128xi32, #tpu.memory_space<vmem>>, %arg10: memref<4x128x32xf32, #tpu.memory_space<vmem>>, %arg11: memref<51200x32xf32, #tpu.memory_space<vmem_shared>>, %arg12: memref<4x!tpu.dma_semaphore, #tpu.memory_space<semaphore_mem>>, %arg13: memref<4x!tpu.dma_semaphore, #tpu.memory_space<semaphore_mem>>, %arg14: memref<4x!tpu.dma_semaphore, #tpu.memory_space<semaphore_mem>>) attributes {dimension_semantics = [#tpu.dimension_semantics<core_parallel>, #tpu.dimension_semantics<subcore_parallel>], iteration_bounds = array<i64: 2, 16>, scalar_prefetch = 0 : i64, scratch_operands = 7 : i64, tpu.core_type = #tpu.core_type<sc_vector_subcore>, window_params = [{transform_indices = #map}, {transform_indices = #map}, {transform_indices = #map}, {transform_indices = #map1}, {transform_indices = #map1}, {transform_indices = #map1}]} {
    %mul3A = arith.constant 3200 : i32
    %mul3A_0 = arith.muli %arg1, %mul3A : i32
    "tpu.region"() ({
      %run_scoped3A = tpu.sem_alloc : memref<!tpu.dma_semaphore, #tpu.memory_space<semaphore_mem>>
      %dma_start3A_102 = arith.constant 0 : i32
      %dma_start3A_103 = tpu.memref_slice %arg11[%mul3A_0, %dma_start3A_102] : memref<51200x32xf32, #tpu.memory_space<vmem_shared>> -> memref<3200x32xf32, #tpu.memory_space<vmem_shared>>
      %dma_start3A_104 = arith.constant 0 : i32
      %dma_start3A_105 = tpu.memref_slice %arg5[%mul3A_0, %dma_start3A_104] : memref<51200x32xf32, #tpu.memory_space<hbm>> -> memref<3200x32xf32, #tpu.memory_space<hbm>>
      tpu.enqueue_dma source(%dma_start3A_105 : memref<3200x32xf32, #tpu.memory_space<hbm>>) target(%dma_start3A_103 : memref<3200x32xf32, #tpu.memory_space<vmem_shared>>) target_semaphore(%run_scoped3A : memref<!tpu.dma_semaphore, #tpu.memory_space<semaphore_mem>>)
      %dma_wait3A = arith.constant 0 : i32
      %dma_wait3A_106 = tpu.memref_slice %arg11[%mul3A_0, %dma_wait3A] : memref<51200x32xf32, #tpu.memory_space<vmem_shared>> -> memref<3200x32xf32, #tpu.memory_space<vmem_shared>>
      %dma_wait3A_107 = arith.constant 0 : i32
      %dma_wait3A_108 = tpu.memref_slice %arg5[%mul3A_0, %dma_wait3A_107] : memref<51200x32xf32, #tpu.memory_space<hbm>> -> memref<3200x32xf32, #tpu.memory_space<hbm>>
      tpu.wait_dma2 semaphore(%run_scoped3A : memref<!tpu.dma_semaphore, #tpu.memory_space<semaphore_mem>>) src(%dma_wait3A_108 : memref<3200x32xf32, #tpu.memory_space<hbm>>) dst(%dma_wait3A_106 : memref<3200x32xf32, #tpu.memory_space<vmem_shared>>)
      tpu.yield
    }) : () -> ()
    %barrier3A = arith.constant 0 : index
    tpu.barrier barrier_id(%barrier3A)
    %mul3A_1 = arith.constant 98 : i32
    %mul3A_2 = arith.muli %arg1, %mul3A_1 : i32
    %add3A = arith.constant 0 : i32
    %add3A_3 = arith.addi %mul3A_2, %add3A : i32
    %dma_start3A = arith.constant 0 : i32
    %dma_start3A_4 = arith.constant 0 : i32
    %dma_start3A_5 = arith.constant 0 : i32
    %dma_start3A_6 = arith.constant 0 : i32
    %dma_start3A_7 = tpu.memref_slice %arg8[%dma_start3A, %dma_start3A_5, %dma_start3A_6] : memref<4x4x128xi32, #tpu.memory_space<vmem>> -> memref<1x4x128xi32, #tpu.memory_space<vmem>>
    %dma_start3A_8 = tpu.memref_squeeze %dma_start3A_7 : memref<1x4x128xi32, #tpu.memory_space<vmem>> -> memref<4x128xi32, #tpu.memory_space<vmem>>
    %dma_start3A_9 = arith.constant 0 : i32
    %dma_start3A_10 = arith.constant 0 : i32
    %dma_start3A_11 = tpu.memref_slice %arg2[%add3A_3, %dma_start3A_9, %dma_start3A_10] : memref<1568x4x128xi32, #tpu.memory_space<hbm>> -> memref<1x4x128xi32, #tpu.memory_space<hbm>>
    %dma_start3A_12 = tpu.memref_squeeze %dma_start3A_11 : memref<1x4x128xi32, #tpu.memory_space<hbm>> -> memref<4x128xi32, #tpu.memory_space<hbm>>
    %dma_start3A_13 = tpu.memref_slice %arg13[%dma_start3A_4] : memref<4x!tpu.dma_semaphore, #tpu.memory_space<semaphore_mem>> -> memref<1x!tpu.dma_semaphore, #tpu.memory_space<semaphore_mem>>
    %dma_start3A_14 = tpu.memref_squeeze %dma_start3A_13 : memref<1x!tpu.dma_semaphore, #tpu.memory_space<semaphore_mem>> -> memref<!tpu.dma_semaphore, #tpu.memory_space<semaphore_mem>>
    %dma_start3A_15 = arith.constant 0 : i32
    %dma_start3A_16 = arith.constant 0 : i32
    %dma_start3A_17 = tpu.memref_slice %arg8[%dma_start3A, %dma_start3A_15, %dma_start3A_16] : memref<4x4x128xi32, #tpu.memory_space<vmem>> -> memref<1x4x128xi32, #tpu.memory_space<vmem>>
    %dma_start3A_18 = tpu.memref_squeeze %dma_start3A_17 : memref<1x4x128xi32, #tpu.memory_space<vmem>> -> memref<4x128xi32, #tpu.memory_space<vmem>>
    %dma_start3A_19 = arith.constant 0 : i32
    %dma_start3A_20 = arith.constant 0 : i32
    %dma_start3A_21 = tpu.memref_slice %arg2[%add3A_3, %dma_start3A_19, %dma_start3A_20] : memref<1568x4x128xi32, #tpu.memory_space<hbm>> -> memref<1x4x128xi32, #tpu.memory_space<hbm>>
    %dma_start3A_22 = tpu.memref_squeeze %dma_start3A_21 : memref<1x4x128xi32, #tpu.memory_space<hbm>> -> memref<4x128xi32, #tpu.memory_space<hbm>>
    tpu.enqueue_dma source(%dma_start3A_22 : memref<4x128xi32, #tpu.memory_space<hbm>>) target(%dma_start3A_18 : memref<4x128xi32, #tpu.memory_space<vmem>>) target_semaphore(%dma_start3A_14 : memref<!tpu.dma_semaphore, #tpu.memory_space<semaphore_mem>>)
    %add3A_23 = arith.constant 0 : i32
    %add3A_24 = arith.addi %mul3A_2, %add3A_23 : i32
    %dma_start3A_25 = arith.constant 0 : i32
    %dma_start3A_26 = arith.constant 0 : i32
    %dma_start3A_27 = arith.constant 0 : i32
    %dma_start3A_28 = arith.constant 0 : i32
    %dma_start3A_29 = tpu.memref_slice %arg9[%dma_start3A_25, %dma_start3A_27, %dma_start3A_28] : memref<4x4x128xi32, #tpu.memory_space<vmem>> -> memref<1x4x128xi32, #tpu.memory_space<vmem>>
    %dma_start3A_30 = tpu.memref_squeeze %dma_start3A_29 : memref<1x4x128xi32, #tpu.memory_space<vmem>> -> memref<4x128xi32, #tpu.memory_space<vmem>>
    %dma_start3A_31 = arith.constant 0 : i32
    %dma_start3A_32 = arith.constant 0 : i32
    %dma_start3A_33 = tpu.memref_slice %arg3[%add3A_24, %dma_start3A_31, %dma_start3A_32] : memref<1568x4x128xi32, #tpu.memory_space<hbm>> -> memref<1x4x128xi32, #tpu.memory_space<hbm>>
    %dma_start3A_34 = tpu.memref_squeeze %dma_start3A_33 : memref<1x4x128xi32, #tpu.memory_space<hbm>> -> memref<4x128xi32, #tpu.memory_space<hbm>>
    %dma_start3A_35 = tpu.memref_slice %arg13[%dma_start3A_26] : memref<4x!tpu.dma_semaphore, #tpu.memory_space<semaphore_mem>> -> memref<1x!tpu.dma_semaphore, #tpu.memory_space<semaphore_mem>>
    %dma_start3A_36 = tpu.memref_squeeze %dma_start3A_35 : memref<1x!tpu.dma_semaphore, #tpu.memory_space<semaphore_mem>> -> memref<!tpu.dma_semaphore, #tpu.memory_space<semaphore_mem>>
    %dma_start3A_37 = arith.constant 0 : i32
    %dma_start3A_38 = arith.constant 0 : i32
    %dma_start3A_39 = tpu.memref_slice %arg9[%dma_start3A_25, %dma_start3A_37, %dma_start3A_38] : memref<4x4x128xi32, #tpu.memory_space<vmem>> -> memref<1x4x128xi32, #tpu.memory_space<vmem>>
    %dma_start3A_40 = tpu.memref_squeeze %dma_start3A_39 : memref<1x4x128xi32, #tpu.memory_space<vmem>> -> memref<4x128xi32, #tpu.memory_space<vmem>>
    %dma_start3A_41 = arith.constant 0 : i32
    %dma_start3A_42 = arith.constant 0 : i32
    %dma_start3A_43 = tpu.memref_slice %arg3[%add3A_24, %dma_start3A_41, %dma_start3A_42] : memref<1568x4x128xi32, #tpu.memory_space<hbm>> -> memref<1x4x128xi32, #tpu.memory_space<hbm>>
    %dma_start3A_44 = tpu.memref_squeeze %dma_start3A_43 : memref<1x4x128xi32, #tpu.memory_space<hbm>> -> memref<4x128xi32, #tpu.memory_space<hbm>>
    tpu.enqueue_dma source(%dma_start3A_44 : memref<4x128xi32, #tpu.memory_space<hbm>>) target(%dma_start3A_40 : memref<4x128xi32, #tpu.memory_space<vmem>>) target_semaphore(%dma_start3A_36 : memref<!tpu.dma_semaphore, #tpu.memory_space<semaphore_mem>>)
    %add3A_45 = arith.constant 1 : i32
    %add3A_46 = arith.addi %mul3A_2, %add3A_45 : i32
    %dma_start3A_47 = arith.constant 1 : i32
    %dma_start3A_48 = arith.constant 1 : i32
    %dma_start3A_49 = arith.constant 0 : i32
    %dma_start3A_50 = arith.constant 0 : i32
    %dma_start3A_51 = tpu.memref_slice %arg8[%dma_start3A_47, %dma_start3A_49, %dma_start3A_50] : memref<4x4x128xi32, #tpu.memory_space<vmem>> -> memref<1x4x128xi32, #tpu.memory_space<vmem>>
    %dma_start3A_52 = tpu.memref_squeeze %dma_start3A_51 : memref<1x4x128xi32, #tpu.memory_space<vmem>> -> memref<4x128xi32, #tpu.memory_space<vmem>>
    %dma_start3A_53 = arith.constant 0 : i32
    %dma_start3A_54 = arith.constant 0 : i32
    %dma_start3A_55 = tpu.memref_slice %arg2[%add3A_46, %dma_start3A_53, %dma_start3A_54] : memref<1568x4x128xi32, #tpu.memory_space<hbm>> -> memref<1x4x128xi32, #tpu.memory_space<hbm>>
    %dma_start3A_56 = tpu.memref_squeeze %dma_start3A_55 : memref<1x4x128xi32, #tpu.memory_space<hbm>> -> memref<4x128xi32, #tpu.memory_space<hbm>>
    %dma_start3A_57 = tpu.memref_slice %arg13[%dma_start3A_48] : memref<4x!tpu.dma_semaphore, #tpu.memory_space<semaphore_mem>> -> memref<1x!tpu.dma_semaphore, #tpu.memory_space<semaphore_mem>>
    %dma_start3A_58 = tpu.memref_squeeze %dma_start3A_57 : memref<1x!tpu.dma_semaphore, #tpu.memory_space<semaphore_mem>> -> memref<!tpu.dma_semaphore, #tpu.memory_space<semaphore_mem>>
    %dma_start3A_59 = arith.constant 0 : i32
    %dma_start3A_60 = arith.constant 0 : i32
    %dma_start3A_61 = tpu.memref_slice %arg8[%dma_start3A_47, %dma_start3A_59, %dma_start3A_60] : memref<4x4x128xi32, #tpu.memory_space<vmem>> -> memref<1x4x128xi32, #tpu.memory_space<vmem>>
    %dma_start3A_62 = tpu.memref_squeeze %dma_start3A_61 : memref<1x4x128xi32, #tpu.memory_space<vmem>> -> memref<4x128xi32, #tpu.memory_space<vmem>>
    %dma_start3A_63 = arith.constant 0 : i32
    %dma_start3A_64 = arith.constant 0 : i32
    %dma_start3A_65 = tpu.memref_slice %arg2[%add3A_46, %dma_start3A_63, %dma_start3A_64] : memref<1568x4x128xi32, #tpu.memory_space<hbm>> -> memref<1x4x128xi32, #tpu.memory_space<hbm>>
    %dma_start3A_66 = tpu.memref_squeeze %dma_start3A_65 : memref<1x4x128xi32, #tpu.memory_space<hbm>> -> memref<4x128xi32, #tpu.memory_space<hbm>>
    tpu.enqueue_dma source(%dma_start3A_66 : memref<4x128xi32, #tpu.memory_space<hbm>>) target(%dma_start3A_62 : memref<4x128xi32, #tpu.memory_space<vmem>>) target_semaphore(%dma_start3A_58 : memref<!tpu.dma_semaphore, #tpu.memory_space<semaphore_mem>>)
    %add3A_67 = arith.constant 1 : i32
    %add3A_68 = arith.addi %mul3A_2, %add3A_67 : i32
    %dma_start3A_69 = arith.constant 1 : i32
    %dma_start3A_70 = arith.constant 1 : i32
    %dma_start3A_71 = arith.constant 0 : i32
    %dma_start3A_72 = arith.constant 0 : i32
    %dma_start3A_73 = tpu.memref_slice %arg9[%dma_start3A_69, %dma_start3A_71, %dma_start3A_72] : memref<4x4x128xi32, #tpu.memory_space<vmem>> -> memref<1x4x128xi32, #tpu.memory_space<vmem>>
    %dma_start3A_74 = tpu.memref_squeeze %dma_start3A_73 : memref<1x4x128xi32, #tpu.memory_space<vmem>> -> memref<4x128xi32, #tpu.memory_space<vmem>>
    %dma_start3A_75 = arith.constant 0 : i32
    %dma_start3A_76 = arith.constant 0 : i32
    %dma_start3A_77 = tpu.memref_slice %arg3[%add3A_68, %dma_start3A_75, %dma_start3A_76] : memref<1568x4x128xi32, #tpu.memory_space<hbm>> -> memref<1x4x128xi32, #tpu.memory_space<hbm>>
    %dma_start3A_78 = tpu.memref_squeeze %dma_start3A_77 : memref<1x4x128xi32, #tpu.memory_space<hbm>> -> memref<4x128xi32, #tpu.memory_space<hbm>>
    %dma_start3A_79 = tpu.memref_slice %arg13[%dma_start3A_70] : memref<4x!tpu.dma_semaphore, #tpu.memory_space<semaphore_mem>> -> memref<1x!tpu.dma_semaphore, #tpu.memory_space<semaphore_mem>>
    %dma_start3A_80 = tpu.memref_squeeze %dma_start3A_79 : memref<1x!tpu.dma_semaphore, #tpu.memory_space<semaphore_mem>> -> memref<!tpu.dma_semaphore, #tpu.memory_space<semaphore_mem>>
    %dma_start3A_81 = arith.constant 0 : i32
    %dma_start3A_82 = arith.constant 0 : i32
    %dma_start3A_83 = tpu.memref_slice %arg9[%dma_start3A_69, %dma_start3A_81, %dma_start3A_82] : memref<4x4x128xi32, #tpu.memory_space<vmem>> -> memref<1x4x128xi32, #tpu.memory_space<vmem>>
    %dma_start3A_84 = tpu.memref_squeeze %dma_start3A_83 : memref<1x4x128xi32, #tpu.memory_space<vmem>> -> memref<4x128xi32, #tpu.memory_space<vmem>>
    %dma_start3A_85 = arith.constant 0 : i32
    %dma_start3A_86 = arith.constant 0 : i32
    %dma_start3A_87 = tpu.memref_slice %arg3[%add3A_68, %dma_start3A_85, %dma_start3A_86] : memref<1568x4x128xi32, #tpu.memory_space<hbm>> -> memref<1x4x128xi32, #tpu.memory_space<hbm>>
    %dma_start3A_88 = tpu.memref_squeeze %dma_start3A_87 : memref<1x4x128xi32, #tpu.memory_space<hbm>> -> memref<4x128xi32, #tpu.memory_space<hbm>>
    tpu.enqueue_dma source(%dma_start3A_88 : memref<4x128xi32, #tpu.memory_space<hbm>>) target(%dma_start3A_84 : memref<4x128xi32, #tpu.memory_space<vmem>>) target_semaphore(%dma_start3A_80 : memref<!tpu.dma_semaphore, #tpu.memory_space<semaphore_mem>>)
    %scan3A = arith.constant 0 : i32
    %scan3A_89 = arith.constant 0 : i32
    %scan3A_90 = arith.constant 98 : i32
    %scan3A_91 = arith.addi %scan3A_89, %scan3A_90 : i32
    %scan3A_92 = arith.constant 1 : i32
    scf.for %scan3A_102 = %scan3A_89 to %scan3A_91 step %scan3A_92  : i32 {
      %and3A = arith.constant 3 : i32
      %and3A_103 = arith.andi %scan3A_102, %and3A : i32
      %add3A_104 = arith.constant 2 : i32
      %add3A_105 = arith.addi %scan3A_102, %add3A_104 : i32
      %and3A_106 = arith.constant 3 : i32
      %and3A_107 = arith.andi %add3A_105, %and3A_106 : i32
      %add3A_108 = arith.addi %mul3A_2, %scan3A_102 : i32
      %dma_wait3A = arith.constant 0 : i32
      %dma_wait3A_109 = arith.constant 0 : i32
      %dma_wait3A_110 = tpu.memref_slice %arg8[%and3A_103, %dma_wait3A, %dma_wait3A_109] : memref<4x4x128xi32, #tpu.memory_space<vmem>> -> memref<1x4x128xi32, #tpu.memory_space<vmem>>
      %dma_wait3A_111 = tpu.memref_squeeze %dma_wait3A_110 : memref<1x4x128xi32, #tpu.memory_space<vmem>> -> memref<4x128xi32, #tpu.memory_space<vmem>>
      %dma_wait3A_112 = arith.constant 0 : i32
      %dma_wait3A_113 = arith.constant 0 : i32
      %dma_wait3A_114 = tpu.memref_slice %arg2[%add3A_108, %dma_wait3A_112, %dma_wait3A_113] : memref<1568x4x128xi32, #tpu.memory_space<hbm>> -> memref<1x4x128xi32, #tpu.memory_space<hbm>>
      %dma_wait3A_115 = tpu.memref_squeeze %dma_wait3A_114 : memref<1x4x128xi32, #tpu.memory_space<hbm>> -> memref<4x128xi32, #tpu.memory_space<hbm>>
      %dma_wait3A_116 = tpu.memref_slice %arg13[%and3A_103] : memref<4x!tpu.dma_semaphore, #tpu.memory_space<semaphore_mem>> -> memref<1x!tpu.dma_semaphore, #tpu.memory_space<semaphore_mem>>
      %dma_wait3A_117 = tpu.memref_squeeze %dma_wait3A_116 : memref<1x!tpu.dma_semaphore, #tpu.memory_space<semaphore_mem>> -> memref<!tpu.dma_semaphore, #tpu.memory_space<semaphore_mem>>
      %dma_wait3A_118 = arith.constant 0 : i32
      %dma_wait3A_119 = arith.constant 0 : i32
      %dma_wait3A_120 = tpu.memref_slice %arg8[%and3A_103, %dma_wait3A_118, %dma_wait3A_119] : memref<4x4x128xi32, #tpu.memory_space<vmem>> -> memref<1x4x128xi32, #tpu.memory_space<vmem>>
      %dma_wait3A_121 = tpu.memref_squeeze %dma_wait3A_120 : memref<1x4x128xi32, #tpu.memory_space<vmem>> -> memref<4x128xi32, #tpu.memory_space<vmem>>
      %dma_wait3A_122 = arith.constant 0 : i32
      %dma_wait3A_123 = arith.constant 0 : i32
      %dma_wait3A_124 = tpu.memref_slice %arg2[%add3A_108, %dma_wait3A_122, %dma_wait3A_123] : memref<1568x4x128xi32, #tpu.memory_space<hbm>> -> memref<1x4x128xi32, #tpu.memory_space<hbm>>
      %dma_wait3A_125 = tpu.memref_squeeze %dma_wait3A_124 : memref<1x4x128xi32, #tpu.memory_space<hbm>> -> memref<4x128xi32, #tpu.memory_space<hbm>>
      tpu.wait_dma2 semaphore(%dma_wait3A_117 : memref<!tpu.dma_semaphore, #tpu.memory_space<semaphore_mem>>) src(%dma_wait3A_125 : memref<4x128xi32, #tpu.memory_space<hbm>>) dst(%dma_wait3A_121 : memref<4x128xi32, #tpu.memory_space<vmem>>)
      %add3A_126 = arith.addi %mul3A_2, %scan3A_102 : i32
      %dma_wait3A_127 = arith.constant 0 : i32
      %dma_wait3A_128 = arith.constant 0 : i32
      %dma_wait3A_129 = tpu.memref_slice %arg9[%and3A_103, %dma_wait3A_127, %dma_wait3A_128] : memref<4x4x128xi32, #tpu.memory_space<vmem>> -> memref<1x4x128xi32, #tpu.memory_space<vmem>>
      %dma_wait3A_130 = tpu.memref_squeeze %dma_wait3A_129 : memref<1x4x128xi32, #tpu.memory_space<vmem>> -> memref<4x128xi32, #tpu.memory_space<vmem>>
      %dma_wait3A_131 = arith.constant 0 : i32
      %dma_wait3A_132 = arith.constant 0 : i32
      %dma_wait3A_133 = tpu.memref_slice %arg3[%add3A_126, %dma_wait3A_131, %dma_wait3A_132] : memref<1568x4x128xi32, #tpu.memory_space<hbm>> -> memref<1x4x128xi32, #tpu.memory_space<hbm>>
      %dma_wait3A_134 = tpu.memref_squeeze %dma_wait3A_133 : memref<1x4x128xi32, #tpu.memory_space<hbm>> -> memref<4x128xi32, #tpu.memory_space<hbm>>
      %dma_wait3A_135 = tpu.memref_slice %arg13[%and3A_103] : memref<4x!tpu.dma_semaphore, #tpu.memory_space<semaphore_mem>> -> memref<1x!tpu.dma_semaphore, #tpu.memory_space<semaphore_mem>>
      %dma_wait3A_136 = tpu.memref_squeeze %dma_wait3A_135 : memref<1x!tpu.dma_semaphore, #tpu.memory_space<semaphore_mem>> -> memref<!tpu.dma_semaphore, #tpu.memory_space<semaphore_mem>>
      %dma_wait3A_137 = arith.constant 0 : i32
      %dma_wait3A_138 = arith.constant 0 : i32
      %dma_wait3A_139 = tpu.memref_slice %arg9[%and3A_103, %dma_wait3A_137, %dma_wait3A_138] : memref<4x4x128xi32, #tpu.memory_space<vmem>> -> memref<1x4x128xi32, #tpu.memory_space<vmem>>
      %dma_wait3A_140 = tpu.memref_squeeze %dma_wait3A_139 : memref<1x4x128xi32, #tpu.memory_space<vmem>> -> memref<4x128xi32, #tpu.memory_space<vmem>>
      %dma_wait3A_141 = arith.constant 0 : i32
      %dma_wait3A_142 = arith.constant 0 : i32
      %dma_wait3A_143 = tpu.memref_slice %arg3[%add3A_126, %dma_wait3A_141, %dma_wait3A_142] : memref<1568x4x128xi32, #tpu.memory_space<hbm>> -> memref<1x4x128xi32, #tpu.memory_space<hbm>>
      %dma_wait3A_144 = tpu.memref_squeeze %dma_wait3A_143 : memref<1x4x128xi32, #tpu.memory_space<hbm>> -> memref<4x128xi32, #tpu.memory_space<hbm>>
      tpu.wait_dma2 semaphore(%dma_wait3A_136 : memref<!tpu.dma_semaphore, #tpu.memory_space<semaphore_mem>>) src(%dma_wait3A_144 : memref<4x128xi32, #tpu.memory_space<hbm>>) dst(%dma_wait3A_140 : memref<4x128xi32, #tpu.memory_space<vmem>>)
      %dma_start3A_145 = arith.constant 0 : i32
      %dma_start3A_146 = arith.constant 0 : i32
      %dma_start3A_147 = arith.constant 0 : i32
      %dma_start3A_148 = arith.constant 0 : i32
      %dma_start3A_149 = arith.constant 0 : i32
      %dma_start3A_150 = tpu.memref_slice %arg10[%dma_start3A_146, %dma_start3A_148, %dma_start3A_149] : memref<4x128x32xf32, #tpu.memory_space<vmem>> -> memref<1x128x32xf32, #tpu.memory_space<vmem>>
      %dma_start3A_151 = tpu.memref_squeeze %dma_start3A_150 : memref<1x128x32xf32, #tpu.memory_space<vmem>> -> memref<128x32xf32, #tpu.memory_space<vmem>>
      %dma_start3A_152 = arith.constant 0 : i32
      %dma_start3A_153 = arith.constant 0 : i32
      %dma_start3A_154 = tpu.memref_slice %arg8[%and3A_103, %dma_start3A_152, %dma_start3A_153] : memref<4x4x128xi32, #tpu.memory_space<vmem>> -> memref<1x4x128xi32, #tpu.memory_space<vmem>>
      %dma_start3A_155 = tpu.memref_squeeze %dma_start3A_154 : memref<1x4x128xi32, #tpu.memory_space<vmem>> -> memref<4x128xi32, #tpu.memory_space<vmem>>
      %dma_start3A_156 = arith.constant 0 : i32
      %dma_start3A_157 = tpu.memref_slice %dma_start3A_155[%dma_start3A_145, %dma_start3A_156] : memref<4x128xi32, #tpu.memory_space<vmem>> -> memref<1x128xi32, #tpu.memory_space<vmem>>
      %dma_start3A_158 = tpu.memref_squeeze %dma_start3A_157 : memref<1x128xi32, #tpu.memory_space<vmem>> -> memref<128xi32, #tpu.memory_space<vmem>>
      %dma_start3A_159 = arith.constant 0 : i32
      %dma_start3A_160 = arith.constant 0 : i32
      %dma_start3A_161 = tpu.memref_slice %arg4[%arg0, %dma_start3A_159, %dma_start3A_160] : memref<2x51200x32xf32, #tpu.memory_space<hbm>> -> memref<1x51200x32xf32, #tpu.memory_space<hbm>>
      %dma_start3A_162 = tpu.memref_squeeze %dma_start3A_161 : memref<1x51200x32xf32, #tpu.memory_space<hbm>> -> memref<51200x32xf32, #tpu.memory_space<hbm>>
      %dma_start3A_163 = arith.constant 0 : i32
      %dma_start3A_164 = arith.constant 0 : i32
      %dma_start3A_165 = tpu.memref_slice %dma_start3A_162[%dma_start3A_163, %dma_start3A_164] : memref<51200x32xf32, #tpu.memory_space<hbm>> -> memref<51200x32xf32, #tpu.memory_space<hbm>>
      %dma_start3A_166 = tpu.memref_slice %arg12[%dma_start3A_147] : memref<4x!tpu.dma_semaphore, #tpu.memory_space<semaphore_mem>> -> memref<1x!tpu.dma_semaphore, #tpu.memory_space<semaphore_mem>>
      %dma_start3A_167 = tpu.memref_squeeze %dma_start3A_166 : memref<1x!tpu.dma_semaphore, #tpu.memory_space<semaphore_mem>> -> memref<!tpu.dma_semaphore, #tpu.memory_space<semaphore_mem>>
      tpu.enqueue_indirect_dma source(%dma_start3A_165 : memref<51200x32xf32, #tpu.memory_space<hbm>>) target(%dma_start3A_151 : memref<128x32xf32, #tpu.memory_space<vmem>>) offsets(%dma_start3A_158 : memref<128xi32, #tpu.memory_space<vmem>>) semaphore(%dma_start3A_167 : memref<!tpu.dma_semaphore, #tpu.memory_space<semaphore_mem>>)
      %dma_start3A_168 = arith.constant 1 : i32
      %dma_start3A_169 = arith.constant 1 : i32
      %dma_start3A_170 = arith.constant 1 : i32
      %dma_start3A_171 = arith.constant 0 : i32
      %dma_start3A_172 = arith.constant 0 : i32
      %dma_start3A_173 = tpu.memref_slice %arg10[%dma_start3A_169, %dma_start3A_171, %dma_start3A_172] : memref<4x128x32xf32, #tpu.memory_space<vmem>> -> memref<1x128x32xf32, #tpu.memory_space<vmem>>
      %dma_start3A_174 = tpu.memref_squeeze %dma_start3A_173 : memref<1x128x32xf32, #tpu.memory_space<vmem>> -> memref<128x32xf32, #tpu.memory_space<vmem>>
      %dma_start3A_175 = arith.constant 0 : i32
      %dma_start3A_176 = arith.constant 0 : i32
      %dma_start3A_177 = tpu.memref_slice %arg8[%and3A_103, %dma_start3A_175, %dma_start3A_176] : memref<4x4x128xi32, #tpu.memory_space<vmem>> -> memref<1x4x128xi32, #tpu.memory_space<vmem>>
      %dma_start3A_178 = tpu.memref_squeeze %dma_start3A_177 : memref<1x4x128xi32, #tpu.memory_space<vmem>> -> memref<4x128xi32, #tpu.memory_space<vmem>>
      %dma_start3A_179 = arith.constant 0 : i32
      %dma_start3A_180 = tpu.memref_slice %dma_start3A_178[%dma_start3A_168, %dma_start3A_179] : memref<4x128xi32, #tpu.memory_space<vmem>> -> memref<1x128xi32, #tpu.memory_space<vmem>>
      %dma_start3A_181 = tpu.memref_squeeze %dma_start3A_180 : memref<1x128xi32, #tpu.memory_space<vmem>> -> memref<128xi32, #tpu.memory_space<vmem>>
      %dma_start3A_182 = arith.constant 0 : i32
      %dma_start3A_183 = arith.constant 0 : i32
      %dma_start3A_184 = tpu.memref_slice %arg4[%arg0, %dma_start3A_182, %dma_start3A_183] : memref<2x51200x32xf32, #tpu.memory_space<hbm>> -> memref<1x51200x32xf32, #tpu.memory_space<hbm>>
      %dma_start3A_185 = tpu.memref_squeeze %dma_start3A_184 : memref<1x51200x32xf32, #tpu.memory_space<hbm>> -> memref<51200x32xf32, #tpu.memory_space<hbm>>
      %dma_start3A_186 = arith.constant 0 : i32
      %dma_start3A_187 = arith.constant 0 : i32
      %dma_start3A_188 = tpu.memref_slice %dma_start3A_185[%dma_start3A_186, %dma_start3A_187] : memref<51200x32xf32, #tpu.memory_space<hbm>> -> memref<51200x32xf32, #tpu.memory_space<hbm>>
      %dma_start3A_189 = tpu.memref_slice %arg12[%dma_start3A_170] : memref<4x!tpu.dma_semaphore, #tpu.memory_space<semaphore_mem>> -> memref<1x!tpu.dma_semaphore, #tpu.memory_space<semaphore_mem>>
      %dma_start3A_190 = tpu.memref_squeeze %dma_start3A_189 : memref<1x!tpu.dma_semaphore, #tpu.memory_space<semaphore_mem>> -> memref<!tpu.dma_semaphore, #tpu.memory_space<semaphore_mem>>
      tpu.enqueue_indirect_dma source(%dma_start3A_188 : memref<51200x32xf32, #tpu.memory_space<hbm>>) target(%dma_start3A_174 : memref<128x32xf32, #tpu.memory_space<vmem>>) offsets(%dma_start3A_181 : memref<128xi32, #tpu.memory_space<vmem>>) semaphore(%dma_start3A_190 : memref<!tpu.dma_semaphore, #tpu.memory_space<semaphore_mem>>)
      %dma_start3A_191 = arith.constant 2 : i32
      %dma_start3A_192 = arith.constant 2 : i32
      %dma_start3A_193 = arith.constant 2 : i32
      %dma_start3A_194 = arith.constant 0 : i32
      %dma_start3A_195 = arith.constant 0 : i32
      %dma_start3A_196 = tpu.memref_slice %arg10[%dma_start3A_192, %dma_start3A_194, %dma_start3A_195] : memref<4x128x32xf32, #tpu.memory_space<vmem>> -> memref<1x128x32xf32, #tpu.memory_space<vmem>>
      %dma_start3A_197 = tpu.memref_squeeze %dma_start3A_196 : memref<1x128x32xf32, #tpu.memory_space<vmem>> -> memref<128x32xf32, #tpu.memory_space<vmem>>
      %dma_start3A_198 = arith.constant 0 : i32
      %dma_start3A_199 = arith.constant 0 : i32
      %dma_start3A_200 = tpu.memref_slice %arg8[%and3A_103, %dma_start3A_198, %dma_start3A_199] : memref<4x4x128xi32, #tpu.memory_space<vmem>> -> memref<1x4x128xi32, #tpu.memory_space<vmem>>
      %dma_start3A_201 = tpu.memref_squeeze %dma_start3A_200 : memref<1x4x128xi32, #tpu.memory_space<vmem>> -> memref<4x128xi32, #tpu.memory_space<vmem>>
      %dma_start3A_202 = arith.constant 0 : i32
      %dma_start3A_203 = tpu.memref_slice %dma_start3A_201[%dma_start3A_191, %dma_start3A_202] : memref<4x128xi32, #tpu.memory_space<vmem>> -> memref<1x128xi32, #tpu.memory_space<vmem>>
      %dma_start3A_204 = tpu.memref_squeeze %dma_start3A_203 : memref<1x128xi32, #tpu.memory_space<vmem>> -> memref<128xi32, #tpu.memory_space<vmem>>
      %dma_start3A_205 = arith.constant 0 : i32
      %dma_start3A_206 = arith.constant 0 : i32
      %dma_start3A_207 = tpu.memref_slice %arg4[%arg0, %dma_start3A_205, %dma_start3A_206] : memref<2x51200x32xf32, #tpu.memory_space<hbm>> -> memref<1x51200x32xf32, #tpu.memory_space<hbm>>
      %dma_start3A_208 = tpu.memref_squeeze %dma_start3A_207 : memref<1x51200x32xf32, #tpu.memory_space<hbm>> -> memref<51200x32xf32, #tpu.memory_space<hbm>>
      %dma_start3A_209 = arith.constant 0 : i32
      %dma_start3A_210 = arith.constant 0 : i32
      %dma_start3A_211 = tpu.memref_slice %dma_start3A_208[%dma_start3A_209, %dma_start3A_210] : memref<51200x32xf32, #tpu.memory_space<hbm>> -> memref<51200x32xf32, #tpu.memory_space<hbm>>
      %dma_start3A_212 = tpu.memref_slice %arg12[%dma_start3A_193] : memref<4x!tpu.dma_semaphore, #tpu.memory_space<semaphore_mem>> -> memref<1x!tpu.dma_semaphore, #tpu.memory_space<semaphore_mem>>
      %dma_start3A_213 = tpu.memref_squeeze %dma_start3A_212 : memref<1x!tpu.dma_semaphore, #tpu.memory_space<semaphore_mem>> -> memref<!tpu.dma_semaphore, #tpu.memory_space<semaphore_mem>>
      tpu.enqueue_indirect_dma source(%dma_start3A_211 : memref<51200x32xf32, #tpu.memory_space<hbm>>) target(%dma_start3A_197 : memref<128x32xf32, #tpu.memory_space<vmem>>) offsets(%dma_start3A_204 : memref<128xi32, #tpu.memory_space<vmem>>) semaphore(%dma_start3A_213 : memref<!tpu.dma_semaphore, #tpu.memory_space<semaphore_mem>>)
      %dma_start3A_214 = arith.constant 3 : i32
      %dma_start3A_215 = arith.constant 3 : i32
      %dma_start3A_216 = arith.constant 3 : i32
      %dma_start3A_217 = arith.constant 0 : i32
      %dma_start3A_218 = arith.constant 0 : i32
      %dma_start3A_219 = tpu.memref_slice %arg10[%dma_start3A_215, %dma_start3A_217, %dma_start3A_218] : memref<4x128x32xf32, #tpu.memory_space<vmem>> -> memref<1x128x32xf32, #tpu.memory_space<vmem>>
      %dma_start3A_220 = tpu.memref_squeeze %dma_start3A_219 : memref<1x128x32xf32, #tpu.memory_space<vmem>> -> memref<128x32xf32, #tpu.memory_space<vmem>>
      %dma_start3A_221 = arith.constant 0 : i32
      %dma_start3A_222 = arith.constant 0 : i32
      %dma_start3A_223 = tpu.memref_slice %arg8[%and3A_103, %dma_start3A_221, %dma_start3A_222] : memref<4x4x128xi32, #tpu.memory_space<vmem>> -> memref<1x4x128xi32, #tpu.memory_space<vmem>>
      %dma_start3A_224 = tpu.memref_squeeze %dma_start3A_223 : memref<1x4x128xi32, #tpu.memory_space<vmem>> -> memref<4x128xi32, #tpu.memory_space<vmem>>
      %dma_start3A_225 = arith.constant 0 : i32
      %dma_start3A_226 = tpu.memref_slice %dma_start3A_224[%dma_start3A_214, %dma_start3A_225] : memref<4x128xi32, #tpu.memory_space<vmem>> -> memref<1x128xi32, #tpu.memory_space<vmem>>
      %dma_start3A_227 = tpu.memref_squeeze %dma_start3A_226 : memref<1x128xi32, #tpu.memory_space<vmem>> -> memref<128xi32, #tpu.memory_space<vmem>>
      %dma_start3A_228 = arith.constant 0 : i32
      %dma_start3A_229 = arith.constant 0 : i32
      %dma_start3A_230 = tpu.memref_slice %arg4[%arg0, %dma_start3A_228, %dma_start3A_229] : memref<2x51200x32xf32, #tpu.memory_space<hbm>> -> memref<1x51200x32xf32, #tpu.memory_space<hbm>>
      %dma_start3A_231 = tpu.memref_squeeze %dma_start3A_230 : memref<1x51200x32xf32, #tpu.memory_space<hbm>> -> memref<51200x32xf32, #tpu.memory_space<hbm>>
      %dma_start3A_232 = arith.constant 0 : i32
      %dma_start3A_233 = arith.constant 0 : i32
      %dma_start3A_234 = tpu.memref_slice %dma_start3A_231[%dma_start3A_232, %dma_start3A_233] : memref<51200x32xf32, #tpu.memory_space<hbm>> -> memref<51200x32xf32, #tpu.memory_space<hbm>>
      %dma_start3A_235 = tpu.memref_slice %arg12[%dma_start3A_216] : memref<4x!tpu.dma_semaphore, #tpu.memory_space<semaphore_mem>> -> memref<1x!tpu.dma_semaphore, #tpu.memory_space<semaphore_mem>>
      %dma_start3A_236 = tpu.memref_squeeze %dma_start3A_235 : memref<1x!tpu.dma_semaphore, #tpu.memory_space<semaphore_mem>> -> memref<!tpu.dma_semaphore, #tpu.memory_space<semaphore_mem>>
      tpu.enqueue_indirect_dma source(%dma_start3A_234 : memref<51200x32xf32, #tpu.memory_space<hbm>>) target(%dma_start3A_220 : memref<128x32xf32, #tpu.memory_space<vmem>>) offsets(%dma_start3A_227 : memref<128xi32, #tpu.memory_space<vmem>>) semaphore(%dma_start3A_236 : memref<!tpu.dma_semaphore, #tpu.memory_space<semaphore_mem>>)
      %dma_wait3A_237 = arith.constant 0 : i32
      %dma_wait3A_238 = arith.constant 0 : i32
      %dma_wait3A_239 = arith.constant 0 : i32
      %dma_wait3A_240 = arith.constant 0 : i32
      %dma_wait3A_241 = arith.constant 0 : i32
      %dma_wait3A_242 = tpu.memref_slice %arg10[%dma_wait3A_238, %dma_wait3A_240, %dma_wait3A_241] : memref<4x128x32xf32, #tpu.memory_space<vmem>> -> memref<1x128x32xf32, #tpu.memory_space<vmem>>
      %dma_wait3A_243 = tpu.memref_squeeze %dma_wait3A_242 : memref<1x128x32xf32, #tpu.memory_space<vmem>> -> memref<128x32xf32, #tpu.memory_space<vmem>>
      %dma_wait3A_244 = arith.constant 0 : i32
      %dma_wait3A_245 = arith.constant 0 : i32
      %dma_wait3A_246 = tpu.memref_slice %arg8[%and3A_103, %dma_wait3A_244, %dma_wait3A_245] : memref<4x4x128xi32, #tpu.memory_space<vmem>> -> memref<1x4x128xi32, #tpu.memory_space<vmem>>
      %dma_wait3A_247 = tpu.memref_squeeze %dma_wait3A_246 : memref<1x4x128xi32, #tpu.memory_space<vmem>> -> memref<4x128xi32, #tpu.memory_space<vmem>>
      %dma_wait3A_248 = arith.constant 0 : i32
      %dma_wait3A_249 = tpu.memref_slice %dma_wait3A_247[%dma_wait3A_237, %dma_wait3A_248] : memref<4x128xi32, #tpu.memory_space<vmem>> -> memref<1x128xi32, #tpu.memory_space<vmem>>
      %dma_wait3A_250 = tpu.memref_squeeze %dma_wait3A_249 : memref<1x128xi32, #tpu.memory_space<vmem>> -> memref<128xi32, #tpu.memory_space<vmem>>
      %dma_wait3A_251 = arith.constant 0 : i32
      %dma_wait3A_252 = arith.constant 0 : i32
      %dma_wait3A_253 = tpu.memref_slice %arg4[%arg0, %dma_wait3A_251, %dma_wait3A_252] : memref<2x51200x32xf32, #tpu.memory_space<hbm>> -> memref<1x51200x32xf32, #tpu.memory_space<hbm>>
      %dma_wait3A_254 = tpu.memref_squeeze %dma_wait3A_253 : memref<1x51200x32xf32, #tpu.memory_space<hbm>> -> memref<51200x32xf32, #tpu.memory_space<hbm>>
      %dma_wait3A_255 = arith.constant 0 : i32
      %dma_wait3A_256 = arith.constant 0 : i32
      %dma_wait3A_257 = tpu.memref_slice %dma_wait3A_254[%dma_wait3A_255, %dma_wait3A_256] : memref<51200x32xf32, #tpu.memory_space<hbm>> -> memref<51200x32xf32, #tpu.memory_space<hbm>>
      %dma_wait3A_258 = tpu.memref_slice %arg12[%dma_wait3A_239] : memref<4x!tpu.dma_semaphore, #tpu.memory_space<semaphore_mem>> -> memref<1x!tpu.dma_semaphore, #tpu.memory_space<semaphore_mem>>
      %dma_wait3A_259 = tpu.memref_squeeze %dma_wait3A_258 : memref<1x!tpu.dma_semaphore, #tpu.memory_space<semaphore_mem>> -> memref<!tpu.dma_semaphore, #tpu.memory_space<semaphore_mem>>
      tpu.wait_indirect_dma semaphore(%dma_wait3A_259 : memref<!tpu.dma_semaphore, #tpu.memory_space<semaphore_mem>>) src(%dma_wait3A_257 : memref<51200x32xf32, #tpu.memory_space<hbm>>) dst(%dma_wait3A_243 : memref<128x32xf32, #tpu.memory_space<vmem>>)
      %dma_start3A_260 = arith.constant 0 : i32
      %dma_start3A_261 = arith.constant 0 : i32
      %dma_start3A_262 = arith.constant 0 : i32
      %dma_start3A_263 = arith.constant 0 : i32
      %dma_start3A_264 = arith.constant 0 : i32
      %dma_start3A_265 = tpu.memref_slice %arg10[%dma_start3A_260, %dma_start3A_263, %dma_start3A_264] : memref<4x128x32xf32, #tpu.memory_space<vmem>> -> memref<1x128x32xf32, #tpu.memory_space<vmem>>
      %dma_start3A_266 = tpu.memref_squeeze %dma_start3A_265 : memref<1x128x32xf32, #tpu.memory_space<vmem>> -> memref<128x32xf32, #tpu.memory_space<vmem>>
      %dma_start3A_267 = arith.constant 0 : i32
      %dma_start3A_268 = arith.constant 0 : i32
      %dma_start3A_269 = tpu.memref_slice %arg9[%and3A_103, %dma_start3A_267, %dma_start3A_268] : memref<4x4x128xi32, #tpu.memory_space<vmem>> -> memref<1x4x128xi32, #tpu.memory_space<vmem>>
      %dma_start3A_270 = tpu.memref_squeeze %dma_start3A_269 : memref<1x4x128xi32, #tpu.memory_space<vmem>> -> memref<4x128xi32, #tpu.memory_space<vmem>>
      %dma_start3A_271 = arith.constant 0 : i32
      %dma_start3A_272 = tpu.memref_slice %dma_start3A_270[%dma_start3A_261, %dma_start3A_271] : memref<4x128xi32, #tpu.memory_space<vmem>> -> memref<1x128xi32, #tpu.memory_space<vmem>>
      %dma_start3A_273 = tpu.memref_squeeze %dma_start3A_272 : memref<1x128xi32, #tpu.memory_space<vmem>> -> memref<128xi32, #tpu.memory_space<vmem>>
      %dma_start3A_274 = arith.constant 0 : i32
      %dma_start3A_275 = arith.constant 0 : i32
      %dma_start3A_276 = tpu.memref_slice %arg11[%dma_start3A_274, %dma_start3A_275] : memref<51200x32xf32, #tpu.memory_space<vmem_shared>> -> memref<51200x32xf32, #tpu.memory_space<vmem_shared>>
      %dma_start3A_277 = tpu.memref_slice %arg14[%dma_start3A_262] : memref<4x!tpu.dma_semaphore, #tpu.memory_space<semaphore_mem>> -> memref<1x!tpu.dma_semaphore, #tpu.memory_space<semaphore_mem>>
      %dma_start3A_278 = tpu.memref_squeeze %dma_start3A_277 : memref<1x!tpu.dma_semaphore, #tpu.memory_space<semaphore_mem>> -> memref<!tpu.dma_semaphore, #tpu.memory_space<semaphore_mem>>
      tpu.enqueue_indirect_dma source(%dma_start3A_266 : memref<128x32xf32, #tpu.memory_space<vmem>>) target(%dma_start3A_276 : memref<51200x32xf32, #tpu.memory_space<vmem_shared>>) offsets(%dma_start3A_273 : memref<128xi32, #tpu.memory_space<vmem>>) semaphore(%dma_start3A_278 : memref<!tpu.dma_semaphore, #tpu.memory_space<semaphore_mem>>) {add = true}
      %dma_wait3A_279 = arith.constant 1 : i32
      %dma_wait3A_280 = arith.constant 1 : i32
      %dma_wait3A_281 = arith.constant 1 : i32
      %dma_wait3A_282 = arith.constant 0 : i32
      %dma_wait3A_283 = arith.constant 0 : i32
      %dma_wait3A_284 = tpu.memref_slice %arg10[%dma_wait3A_280, %dma_wait3A_282, %dma_wait3A_283] : memref<4x128x32xf32, #tpu.memory_space<vmem>> -> memref<1x128x32xf32, #tpu.memory_space<vmem>>
      %dma_wait3A_285 = tpu.memref_squeeze %dma_wait3A_284 : memref<1x128x32xf32, #tpu.memory_space<vmem>> -> memref<128x32xf32, #tpu.memory_space<vmem>>
      %dma_wait3A_286 = arith.constant 0 : i32
      %dma_wait3A_287 = arith.constant 0 : i32
      %dma_wait3A_288 = tpu.memref_slice %arg8[%and3A_103, %dma_wait3A_286, %dma_wait3A_287] : memref<4x4x128xi32, #tpu.memory_space<vmem>> -> memref<1x4x128xi32, #tpu.memory_space<vmem>>
      %dma_wait3A_289 = tpu.memref_squeeze %dma_wait3A_288 : memref<1x4x128xi32, #tpu.memory_space<vmem>> -> memref<4x128xi32, #tpu.memory_space<vmem>>
      %dma_wait3A_290 = arith.constant 0 : i32
      %dma_wait3A_291 = tpu.memref_slice %dma_wait3A_289[%dma_wait3A_279, %dma_wait3A_290] : memref<4x128xi32, #tpu.memory_space<vmem>> -> memref<1x128xi32, #tpu.memory_space<vmem>>
      %dma_wait3A_292 = tpu.memref_squeeze %dma_wait3A_291 : memref<1x128xi32, #tpu.memory_space<vmem>> -> memref<128xi32, #tpu.memory_space<vmem>>
      %dma_wait3A_293 = arith.constant 0 : i32
      %dma_wait3A_294 = arith.constant 0 : i32
      %dma_wait3A_295 = tpu.memref_slice %arg4[%arg0, %dma_wait3A_293, %dma_wait3A_294] : memref<2x51200x32xf32, #tpu.memory_space<hbm>> -> memref<1x51200x32xf32, #tpu.memory_space<hbm>>
      %dma_wait3A_296 = tpu.memref_squeeze %dma_wait3A_295 : memref<1x51200x32xf32, #tpu.memory_space<hbm>> -> memref<51200x32xf32, #tpu.memory_space<hbm>>
      %dma_wait3A_297 = arith.constant 0 : i32
      %dma_wait3A_298 = arith.constant 0 : i32
      %dma_wait3A_299 = tpu.memref_slice %dma_wait3A_296[%dma_wait3A_297, %dma_wait3A_298] : memref<51200x32xf32, #tpu.memory_space<hbm>> -> memref<51200x32xf32, #tpu.memory_space<hbm>>
      %dma_wait3A_300 = tpu.memref_slice %arg12[%dma_wait3A_281] : memref<4x!tpu.dma_semaphore, #tpu.memory_space<semaphore_mem>> -> memref<1x!tpu.dma_semaphore, #tpu.memory_space<semaphore_mem>>
      %dma_wait3A_301 = tpu.memref_squeeze %dma_wait3A_300 : memref<1x!tpu.dma_semaphore, #tpu.memory_space<semaphore_mem>> -> memref<!tpu.dma_semaphore, #tpu.memory_space<semaphore_mem>>
      tpu.wait_indirect_dma semaphore(%dma_wait3A_301 : memref<!tpu.dma_semaphore, #tpu.memory_space<semaphore_mem>>) src(%dma_wait3A_299 : memref<51200x32xf32, #tpu.memory_space<hbm>>) dst(%dma_wait3A_285 : memref<128x32xf32, #tpu.memory_space<vmem>>)
      %dma_start3A_302 = arith.constant 1 : i32
      %dma_start3A_303 = arith.constant 1 : i32
      %dma_start3A_304 = arith.constant 1 : i32
      %dma_start3A_305 = arith.constant 0 : i32
      %dma_start3A_306 = arith.constant 0 : i32
      %dma_start3A_307 = tpu.memref_slice %arg10[%dma_start3A_302, %dma_start3A_305, %dma_start3A_306] : memref<4x128x32xf32, #tpu.memory_space<vmem>> -> memref<1x128x32xf32, #tpu.memory_space<vmem>>
      %dma_start3A_308 = tpu.memref_squeeze %dma_start3A_307 : memref<1x128x32xf32, #tpu.memory_space<vmem>> -> memref<128x32xf32, #tpu.memory_space<vmem>>
      %dma_start3A_309 = arith.constant 0 : i32
      %dma_start3A_310 = arith.constant 0 : i32
      %dma_start3A_311 = tpu.memref_slice %arg9[%and3A_103, %dma_start3A_309, %dma_start3A_310] : memref<4x4x128xi32, #tpu.memory_space<vmem>> -> memref<1x4x128xi32, #tpu.memory_space<vmem>>
      %dma_start3A_312 = tpu.memref_squeeze %dma_start3A_311 : memref<1x4x128xi32, #tpu.memory_space<vmem>> -> memref<4x128xi32, #tpu.memory_space<vmem>>
      %dma_start3A_313 = arith.constant 0 : i32
      %dma_start3A_314 = tpu.memref_slice %dma_start3A_312[%dma_start3A_303, %dma_start3A_313] : memref<4x128xi32, #tpu.memory_space<vmem>> -> memref<1x128xi32, #tpu.memory_space<vmem>>
      %dma_start3A_315 = tpu.memref_squeeze %dma_start3A_314 : memref<1x128xi32, #tpu.memory_space<vmem>> -> memref<128xi32, #tpu.memory_space<vmem>>
      %dma_start3A_316 = arith.constant 0 : i32
      %dma_start3A_317 = arith.constant 0 : i32
      %dma_start3A_318 = tpu.memref_slice %arg11[%dma_start3A_316, %dma_start3A_317] : memref<51200x32xf32, #tpu.memory_space<vmem_shared>> -> memref<51200x32xf32, #tpu.memory_space<vmem_shared>>
      %dma_start3A_319 = tpu.memref_slice %arg14[%dma_start3A_304] : memref<4x!tpu.dma_semaphore, #tpu.memory_space<semaphore_mem>> -> memref<1x!tpu.dma_semaphore, #tpu.memory_space<semaphore_mem>>
      %dma_start3A_320 = tpu.memref_squeeze %dma_start3A_319 : memref<1x!tpu.dma_semaphore, #tpu.memory_space<semaphore_mem>> -> memref<!tpu.dma_semaphore, #tpu.memory_space<semaphore_mem>>
      tpu.enqueue_indirect_dma source(%dma_start3A_308 : memref<128x32xf32, #tpu.memory_space<vmem>>) target(%dma_start3A_318 : memref<51200x32xf32, #tpu.memory_space<vmem_shared>>) offsets(%dma_start3A_315 : memref<128xi32, #tpu.memory_space<vmem>>) semaphore(%dma_start3A_320 : memref<!tpu.dma_semaphore, #tpu.memory_space<semaphore_mem>>) {add = true}
      %dma_wait3A_321 = arith.constant 2 : i32
      %dma_wait3A_322 = arith.constant 2 : i32
      %dma_wait3A_323 = arith.constant 2 : i32
      %dma_wait3A_324 = arith.constant 0 : i32
      %dma_wait3A_325 = arith.constant 0 : i32
      %dma_wait3A_326 = tpu.memref_slice %arg10[%dma_wait3A_322, %dma_wait3A_324, %dma_wait3A_325] : memref<4x128x32xf32, #tpu.memory_space<vmem>> -> memref<1x128x32xf32, #tpu.memory_space<vmem>>
      %dma_wait3A_327 = tpu.memref_squeeze %dma_wait3A_326 : memref<1x128x32xf32, #tpu.memory_space<vmem>> -> memref<128x32xf32, #tpu.memory_space<vmem>>
      %dma_wait3A_328 = arith.constant 0 : i32
      %dma_wait3A_329 = arith.constant 0 : i32
      %dma_wait3A_330 = tpu.memref_slice %arg8[%and3A_103, %dma_wait3A_328, %dma_wait3A_329] : memref<4x4x128xi32, #tpu.memory_space<vmem>> -> memref<1x4x128xi32, #tpu.memory_space<vmem>>
      %dma_wait3A_331 = tpu.memref_squeeze %dma_wait3A_330 : memref<1x4x128xi32, #tpu.memory_space<vmem>> -> memref<4x128xi32, #tpu.memory_space<vmem>>
      %dma_wait3A_332 = arith.constant 0 : i32
      %dma_wait3A_333 = tpu.memref_slice %dma_wait3A_331[%dma_wait3A_321, %dma_wait3A_332] : memref<4x128xi32, #tpu.memory_space<vmem>> -> memref<1x128xi32, #tpu.memory_space<vmem>>
      %dma_wait3A_334 = tpu.memref_squeeze %dma_wait3A_333 : memref<1x128xi32, #tpu.memory_space<vmem>> -> memref<128xi32, #tpu.memory_space<vmem>>
      %dma_wait3A_335 = arith.constant 0 : i32
      %dma_wait3A_336 = arith.constant 0 : i32
      %dma_wait3A_337 = tpu.memref_slice %arg4[%arg0, %dma_wait3A_335, %dma_wait3A_336] : memref<2x51200x32xf32, #tpu.memory_space<hbm>> -> memref<1x51200x32xf32, #tpu.memory_space<hbm>>
      %dma_wait3A_338 = tpu.memref_squeeze %dma_wait3A_337 : memref<1x51200x32xf32, #tpu.memory_space<hbm>> -> memref<51200x32xf32, #tpu.memory_space<hbm>>
      %dma_wait3A_339 = arith.constant 0 : i32
      %dma_wait3A_340 = arith.constant 0 : i32
      %dma_wait3A_341 = tpu.memref_slice %dma_wait3A_338[%dma_wait3A_339, %dma_wait3A_340] : memref<51200x32xf32, #tpu.memory_space<hbm>> -> memref<51200x32xf32, #tpu.memory_space<hbm>>
      %dma_wait3A_342 = tpu.memref_slice %arg12[%dma_wait3A_323] : memref<4x!tpu.dma_semaphore, #tpu.memory_space<semaphore_mem>> -> memref<1x!tpu.dma_semaphore, #tpu.memory_space<semaphore_mem>>
      %dma_wait3A_343 = tpu.memref_squeeze %dma_wait3A_342 : memref<1x!tpu.dma_semaphore, #tpu.memory_space<semaphore_mem>> -> memref<!tpu.dma_semaphore, #tpu.memory_space<semaphore_mem>>
      tpu.wait_indirect_dma semaphore(%dma_wait3A_343 : memref<!tpu.dma_semaphore, #tpu.memory_space<semaphore_mem>>) src(%dma_wait3A_341 : memref<51200x32xf32, #tpu.memory_space<hbm>>) dst(%dma_wait3A_327 : memref<128x32xf32, #tpu.memory_space<vmem>>)
      %dma_start3A_344 = arith.constant 2 : i32
      %dma_start3A_345 = arith.constant 2 : i32
      %dma_start3A_346 = arith.constant 2 : i32
      %dma_start3A_347 = arith.constant 0 : i32
      %dma_start3A_348 = arith.constant 0 : i32
      %dma_start3A_349 = tpu.memref_slice %arg10[%dma_start3A_344, %dma_start3A_347, %dma_start3A_348] : memref<4x128x32xf32, #tpu.memory_space<vmem>> -> memref<1x128x32xf32, #tpu.memory_space<vmem>>
      %dma_start3A_350 = tpu.memref_squeeze %dma_start3A_349 : memref<1x128x32xf32, #tpu.memory_space<vmem>> -> memref<128x32xf32, #tpu.memory_space<vmem>>
      %dma_start3A_351 = arith.constant 0 : i32
      %dma_start3A_352 = arith.constant 0 : i32
      %dma_start3A_353 = tpu.memref_slice %arg9[%and3A_103, %dma_start3A_351, %dma_start3A_352] : memref<4x4x128xi32, #tpu.memory_space<vmem>> -> memref<1x4x128xi32, #tpu.memory_space<vmem>>
      %dma_start3A_354 = tpu.memref_squeeze %dma_start3A_353 : memref<1x4x128xi32, #tpu.memory_space<vmem>> -> memref<4x128xi32, #tpu.memory_space<vmem>>
      %dma_start3A_355 = arith.constant 0 : i32
      %dma_start3A_356 = tpu.memref_slice %dma_start3A_354[%dma_start3A_345, %dma_start3A_355] : memref<4x128xi32, #tpu.memory_space<vmem>> -> memref<1x128xi32, #tpu.memory_space<vmem>>
      %dma_start3A_357 = tpu.memref_squeeze %dma_start3A_356 : memref<1x128xi32, #tpu.memory_space<vmem>> -> memref<128xi32, #tpu.memory_space<vmem>>
      %dma_start3A_358 = arith.constant 0 : i32
      %dma_start3A_359 = arith.constant 0 : i32
      %dma_start3A_360 = tpu.memref_slice %arg11[%dma_start3A_358, %dma_start3A_359] : memref<51200x32xf32, #tpu.memory_space<vmem_shared>> -> memref<51200x32xf32, #tpu.memory_space<vmem_shared>>
      %dma_start3A_361 = tpu.memref_slice %arg14[%dma_start3A_346] : memref<4x!tpu.dma_semaphore, #tpu.memory_space<semaphore_mem>> -> memref<1x!tpu.dma_semaphore, #tpu.memory_space<semaphore_mem>>
      %dma_start3A_362 = tpu.memref_squeeze %dma_start3A_361 : memref<1x!tpu.dma_semaphore, #tpu.memory_space<semaphore_mem>> -> memref<!tpu.dma_semaphore, #tpu.memory_space<semaphore_mem>>
      tpu.enqueue_indirect_dma source(%dma_start3A_350 : memref<128x32xf32, #tpu.memory_space<vmem>>) target(%dma_start3A_360 : memref<51200x32xf32, #tpu.memory_space<vmem_shared>>) offsets(%dma_start3A_357 : memref<128xi32, #tpu.memory_space<vmem>>) semaphore(%dma_start3A_362 : memref<!tpu.dma_semaphore, #tpu.memory_space<semaphore_mem>>) {add = true}
      %dma_wait3A_363 = arith.constant 3 : i32
      %dma_wait3A_364 = arith.constant 3 : i32
      %dma_wait3A_365 = arith.constant 3 : i32
      %dma_wait3A_366 = arith.constant 0 : i32
      %dma_wait3A_367 = arith.constant 0 : i32
      %dma_wait3A_368 = tpu.memref_slice %arg10[%dma_wait3A_364, %dma_wait3A_366, %dma_wait3A_367] : memref<4x128x32xf32, #tpu.memory_space<vmem>> -> memref<1x128x32xf32, #tpu.memory_space<vmem>>
      %dma_wait3A_369 = tpu.memref_squeeze %dma_wait3A_368 : memref<1x128x32xf32, #tpu.memory_space<vmem>> -> memref<128x32xf32, #tpu.memory_space<vmem>>
      %dma_wait3A_370 = arith.constant 0 : i32
      %dma_wait3A_371 = arith.constant 0 : i32
      %dma_wait3A_372 = tpu.memref_slice %arg8[%and3A_103, %dma_wait3A_370, %dma_wait3A_371] : memref<4x4x128xi32, #tpu.memory_space<vmem>> -> memref<1x4x128xi32, #tpu.memory_space<vmem>>
      %dma_wait3A_373 = tpu.memref_squeeze %dma_wait3A_372 : memref<1x4x128xi32, #tpu.memory_space<vmem>> -> memref<4x128xi32, #tpu.memory_space<vmem>>
      %dma_wait3A_374 = arith.constant 0 : i32
      %dma_wait3A_375 = tpu.memref_slice %dma_wait3A_373[%dma_wait3A_363, %dma_wait3A_374] : memref<4x128xi32, #tpu.memory_space<vmem>> -> memref<1x128xi32, #tpu.memory_space<vmem>>
      %dma_wait3A_376 = tpu.memref_squeeze %dma_wait3A_375 : memref<1x128xi32, #tpu.memory_space<vmem>> -> memref<128xi32, #tpu.memory_space<vmem>>
      %dma_wait3A_377 = arith.constant 0 : i32
      %dma_wait3A_378 = arith.constant 0 : i32
      %dma_wait3A_379 = tpu.memref_slice %arg4[%arg0, %dma_wait3A_377, %dma_wait3A_378] : memref<2x51200x32xf32, #tpu.memory_space<hbm>> -> memref<1x51200x32xf32, #tpu.memory_space<hbm>>
      %dma_wait3A_380 = tpu.memref_squeeze %dma_wait3A_379 : memref<1x51200x32xf32, #tpu.memory_space<hbm>> -> memref<51200x32xf32, #tpu.memory_space<hbm>>
      %dma_wait3A_381 = arith.constant 0 : i32
      %dma_wait3A_382 = arith.constant 0 : i32
      %dma_wait3A_383 = tpu.memref_slice %dma_wait3A_380[%dma_wait3A_381, %dma_wait3A_382] : memref<51200x32xf32, #tpu.memory_space<hbm>> -> memref<51200x32xf32, #tpu.memory_space<hbm>>
      %dma_wait3A_384 = tpu.memref_slice %arg12[%dma_wait3A_365] : memref<4x!tpu.dma_semaphore, #tpu.memory_space<semaphore_mem>> -> memref<1x!tpu.dma_semaphore, #tpu.memory_space<semaphore_mem>>
      %dma_wait3A_385 = tpu.memref_squeeze %dma_wait3A_384 : memref<1x!tpu.dma_semaphore, #tpu.memory_space<semaphore_mem>> -> memref<!tpu.dma_semaphore, #tpu.memory_space<semaphore_mem>>
      tpu.wait_indirect_dma semaphore(%dma_wait3A_385 : memref<!tpu.dma_semaphore, #tpu.memory_space<semaphore_mem>>) src(%dma_wait3A_383 : memref<51200x32xf32, #tpu.memory_space<hbm>>) dst(%dma_wait3A_369 : memref<128x32xf32, #tpu.memory_space<vmem>>)
      %dma_start3A_386 = arith.constant 3 : i32
      %dma_start3A_387 = arith.constant 3 : i32
      %dma_start3A_388 = arith.constant 3 : i32
      %dma_start3A_389 = arith.constant 0 : i32
      %dma_start3A_390 = arith.constant 0 : i32
      %dma_start3A_391 = tpu.memref_slice %arg10[%dma_start3A_386, %dma_start3A_389, %dma_start3A_390] : memref<4x128x32xf32, #tpu.memory_space<vmem>> -> memref<1x128x32xf32, #tpu.memory_space<vmem>>
      %dma_start3A_392 = tpu.memref_squeeze %dma_start3A_391 : memref<1x128x32xf32, #tpu.memory_space<vmem>> -> memref<128x32xf32, #tpu.memory_space<vmem>>
      %dma_start3A_393 = arith.constant 0 : i32
      %dma_start3A_394 = arith.constant 0 : i32
      %dma_start3A_395 = tpu.memref_slice %arg9[%and3A_103, %dma_start3A_393, %dma_start3A_394] : memref<4x4x128xi32, #tpu.memory_space<vmem>> -> memref<1x4x128xi32, #tpu.memory_space<vmem>>
      %dma_start3A_396 = tpu.memref_squeeze %dma_start3A_395 : memref<1x4x128xi32, #tpu.memory_space<vmem>> -> memref<4x128xi32, #tpu.memory_space<vmem>>
      %dma_start3A_397 = arith.constant 0 : i32
      %dma_start3A_398 = tpu.memref_slice %dma_start3A_396[%dma_start3A_387, %dma_start3A_397] : memref<4x128xi32, #tpu.memory_space<vmem>> -> memref<1x128xi32, #tpu.memory_space<vmem>>
      %dma_start3A_399 = tpu.memref_squeeze %dma_start3A_398 : memref<1x128xi32, #tpu.memory_space<vmem>> -> memref<128xi32, #tpu.memory_space<vmem>>
      %dma_start3A_400 = arith.constant 0 : i32
      %dma_start3A_401 = arith.constant 0 : i32
      %dma_start3A_402 = tpu.memref_slice %arg11[%dma_start3A_400, %dma_start3A_401] : memref<51200x32xf32, #tpu.memory_space<vmem_shared>> -> memref<51200x32xf32, #tpu.memory_space<vmem_shared>>
      %dma_start3A_403 = tpu.memref_slice %arg14[%dma_start3A_388] : memref<4x!tpu.dma_semaphore, #tpu.memory_space<semaphore_mem>> -> memref<1x!tpu.dma_semaphore, #tpu.memory_space<semaphore_mem>>
      %dma_start3A_404 = tpu.memref_squeeze %dma_start3A_403 : memref<1x!tpu.dma_semaphore, #tpu.memory_space<semaphore_mem>> -> memref<!tpu.dma_semaphore, #tpu.memory_space<semaphore_mem>>
      tpu.enqueue_indirect_dma source(%dma_start3A_392 : memref<128x32xf32, #tpu.memory_space<vmem>>) target(%dma_start3A_402 : memref<51200x32xf32, #tpu.memory_space<vmem_shared>>) offsets(%dma_start3A_399 : memref<128xi32, #tpu.memory_space<vmem>>) semaphore(%dma_start3A_404 : memref<!tpu.dma_semaphore, #tpu.memory_space<semaphore_mem>>) {add = true}
      %add3A_405 = arith.constant 2 : i32
      %add3A_406 = arith.addi %scan3A_102, %add3A_405 : i32
      %lt3A = arith.constant 98 : i32
      %lt3A_407 = arith.cmpi slt, %add3A_406, %lt3A : i32
      %convert_element_type3A_408 = arith.extui %lt3A_407 : i1 to i32
      %cond3A_409 = arith.constant 0 : i32
      %cond3A_410 = arith.cmpi ne, %convert_element_type3A_408, %cond3A_409 : i32
      scf.if %cond3A_410 {
        %add3A_487 = arith.constant 2 : i32
        %add3A_488 = arith.addi %scan3A_102, %add3A_487 : i32
        %add3A_489 = arith.addi %mul3A_2, %add3A_488 : i32
        %dma_start3A_490 = arith.constant 0 : i32
        %dma_start3A_491 = arith.constant 0 : i32
        %dma_start3A_492 = tpu.memref_slice %arg8[%and3A_107, %dma_start3A_490, %dma_start3A_491] : memref<4x4x128xi32, #tpu.memory_space<vmem>> -> memref<1x4x128xi32, #tpu.memory_space<vmem>>
        %dma_start3A_493 = tpu.memref_squeeze %dma_start3A_492 : memref<1x4x128xi32, #tpu.memory_space<vmem>> -> memref<4x128xi32, #tpu.memory_space<vmem>>
        %dma_start3A_494 = arith.constant 0 : i32
        %dma_start3A_495 = arith.constant 0 : i32
        %dma_start3A_496 = tpu.memref_slice %arg2[%add3A_489, %dma_start3A_494, %dma_start3A_495] : memref<1568x4x128xi32, #tpu.memory_space<hbm>> -> memref<1x4x128xi32, #tpu.memory_space<hbm>>
        %dma_start3A_497 = tpu.memref_squeeze %dma_start3A_496 : memref<1x4x128xi32, #tpu.memory_space<hbm>> -> memref<4x128xi32, #tpu.memory_space<hbm>>
        %dma_start3A_498 = tpu.memref_slice %arg13[%and3A_107] : memref<4x!tpu.dma_semaphore, #tpu.memory_space<semaphore_mem>> -> memref<1x!tpu.dma_semaphore, #tpu.memory_space<semaphore_mem>>
        %dma_start3A_499 = tpu.memref_squeeze %dma_start3A_498 : memref<1x!tpu.dma_semaphore, #tpu.memory_space<semaphore_mem>> -> memref<!tpu.dma_semaphore, #tpu.memory_space<semaphore_mem>>
        %dma_start3A_500 = arith.constant 0 : i32
        %dma_start3A_501 = arith.constant 0 : i32
        %dma_start3A_502 = tpu.memref_slice %arg8[%and3A_107, %dma_start3A_500, %dma_start3A_501] : memref<4x4x128xi32, #tpu.memory_space<vmem>> -> memref<1x4x128xi32, #tpu.memory_space<vmem>>
        %dma_start3A_503 = tpu.memref_squeeze %dma_start3A_502 : memref<1x4x128xi32, #tpu.memory_space<vmem>> -> memref<4x128xi32, #tpu.memory_space<vmem>>
        %dma_start3A_504 = arith.constant 0 : i32
        %dma_start3A_505 = arith.constant 0 : i32
        %dma_start3A_506 = tpu.memref_slice %arg2[%add3A_489, %dma_start3A_504, %dma_start3A_505] : memref<1568x4x128xi32, #tpu.memory_space<hbm>> -> memref<1x4x128xi32, #tpu.memory_space<hbm>>
        %dma_start3A_507 = tpu.memref_squeeze %dma_start3A_506 : memref<1x4x128xi32, #tpu.memory_space<hbm>> -> memref<4x128xi32, #tpu.memory_space<hbm>>
        tpu.enqueue_dma source(%dma_start3A_507 : memref<4x128xi32, #tpu.memory_space<hbm>>) target(%dma_start3A_503 : memref<4x128xi32, #tpu.memory_space<vmem>>) target_semaphore(%dma_start3A_499 : memref<!tpu.dma_semaphore, #tpu.memory_space<semaphore_mem>>)
        %add3A_508 = arith.addi %mul3A_2, %add3A_488 : i32
        %dma_start3A_509 = arith.constant 0 : i32
        %dma_start3A_510 = arith.constant 0 : i32
        %dma_start3A_511 = tpu.memref_slice %arg9[%and3A_107, %dma_start3A_509, %dma_start3A_510] : memref<4x4x128xi32, #tpu.memory_space<vmem>> -> memref<1x4x128xi32, #tpu.memory_space<vmem>>
        %dma_start3A_512 = tpu.memref_squeeze %dma_start3A_511 : memref<1x4x128xi32, #tpu.memory_space<vmem>> -> memref<4x128xi32, #tpu.memory_space<vmem>>
        %dma_start3A_513 = arith.constant 0 : i32
        %dma_start3A_514 = arith.constant 0 : i32
        %dma_start3A_515 = tpu.memref_slice %arg3[%add3A_508, %dma_start3A_513, %dma_start3A_514] : memref<1568x4x128xi32, #tpu.memory_space<hbm>> -> memref<1x4x128xi32, #tpu.memory_space<hbm>>
        %dma_start3A_516 = tpu.memref_squeeze %dma_start3A_515 : memref<1x4x128xi32, #tpu.memory_space<hbm>> -> memref<4x128xi32, #tpu.memory_space<hbm>>
        %dma_start3A_517 = tpu.memref_slice %arg13[%and3A_107] : memref<4x!tpu.dma_semaphore, #tpu.memory_space<semaphore_mem>> -> memref<1x!tpu.dma_semaphore, #tpu.memory_space<semaphore_mem>>
        %dma_start3A_518 = tpu.memref_squeeze %dma_start3A_517 : memref<1x!tpu.dma_semaphore, #tpu.memory_space<semaphore_mem>> -> memref<!tpu.dma_semaphore, #tpu.memory_space<semaphore_mem>>
        %dma_start3A_519 = arith.constant 0 : i32
        %dma_start3A_520 = arith.constant 0 : i32
        %dma_start3A_521 = tpu.memref_slice %arg9[%and3A_107, %dma_start3A_519, %dma_start3A_520] : memref<4x4x128xi32, #tpu.memory_space<vmem>> -> memref<1x4x128xi32, #tpu.memory_space<vmem>>
        %dma_start3A_522 = tpu.memref_squeeze %dma_start3A_521 : memref<1x4x128xi32, #tpu.memory_space<vmem>> -> memref<4x128xi32, #tpu.memory_space<vmem>>
        %dma_start3A_523 = arith.constant 0 : i32
        %dma_start3A_524 = arith.constant 0 : i32
        %dma_start3A_525 = tpu.memref_slice %arg3[%add3A_508, %dma_start3A_523, %dma_start3A_524] : memref<1568x4x128xi32, #tpu.memory_space<hbm>> -> memref<1x4x128xi32, #tpu.memory_space<hbm>>
        %dma_start3A_526 = tpu.memref_squeeze %dma_start3A_525 : memref<1x4x128xi32, #tpu.memory_space<hbm>> -> memref<4x128xi32, #tpu.memory_space<hbm>>
        tpu.enqueue_dma source(%dma_start3A_526 : memref<4x128xi32, #tpu.memory_space<hbm>>) target(%dma_start3A_522 : memref<4x128xi32, #tpu.memory_space<vmem>>) target_semaphore(%dma_start3A_518 : memref<!tpu.dma_semaphore, #tpu.memory_space<semaphore_mem>>)
      } else {
      }
      %dma_wait3A_411 = arith.constant 0 : i32
      %dma_wait3A_412 = arith.constant 0 : i32
      %dma_wait3A_413 = arith.constant 0 : i32
      %dma_wait3A_414 = arith.constant 0 : i32
      %dma_wait3A_415 = arith.constant 0 : i32
      %dma_wait3A_416 = tpu.memref_slice %arg10[%dma_wait3A_411, %dma_wait3A_414, %dma_wait3A_415] : memref<4x128x32xf32, #tpu.memory_space<vmem>> -> memref<1x128x32xf32, #tpu.memory_space<vmem>>
      %dma_wait3A_417 = tpu.memref_squeeze %dma_wait3A_416 : memref<1x128x32xf32, #tpu.memory_space<vmem>> -> memref<128x32xf32, #tpu.memory_space<vmem>>
      %dma_wait3A_418 = arith.constant 0 : i32
      %dma_wait3A_419 = arith.constant 0 : i32
      %dma_wait3A_420 = tpu.memref_slice %arg9[%and3A_103, %dma_wait3A_418, %dma_wait3A_419] : memref<4x4x128xi32, #tpu.memory_space<vmem>> -> memref<1x4x128xi32, #tpu.memory_space<vmem>>
      %dma_wait3A_421 = tpu.memref_squeeze %dma_wait3A_420 : memref<1x4x128xi32, #tpu.memory_space<vmem>> -> memref<4x128xi32, #tpu.memory_space<vmem>>
      %dma_wait3A_422 = arith.constant 0 : i32
      %dma_wait3A_423 = tpu.memref_slice %dma_wait3A_421[%dma_wait3A_412, %dma_wait3A_422] : memref<4x128xi32, #tpu.memory_space<vmem>> -> memref<1x128xi32, #tpu.memory_space<vmem>>
      %dma_wait3A_424 = tpu.memref_squeeze %dma_wait3A_423 : memref<1x128xi32, #tpu.memory_space<vmem>> -> memref<128xi32, #tpu.memory_space<vmem>>
      %dma_wait3A_425 = arith.constant 0 : i32
      %dma_wait3A_426 = arith.constant 0 : i32
      %dma_wait3A_427 = tpu.memref_slice %arg11[%dma_wait3A_425, %dma_wait3A_426] : memref<51200x32xf32, #tpu.memory_space<vmem_shared>> -> memref<51200x32xf32, #tpu.memory_space<vmem_shared>>
      %dma_wait3A_428 = tpu.memref_slice %arg14[%dma_wait3A_413] : memref<4x!tpu.dma_semaphore, #tpu.memory_space<semaphore_mem>> -> memref<1x!tpu.dma_semaphore, #tpu.memory_space<semaphore_mem>>
      %dma_wait3A_429 = tpu.memref_squeeze %dma_wait3A_428 : memref<1x!tpu.dma_semaphore, #tpu.memory_space<semaphore_mem>> -> memref<!tpu.dma_semaphore, #tpu.memory_space<semaphore_mem>>
      tpu.wait_indirect_dma semaphore(%dma_wait3A_429 : memref<!tpu.dma_semaphore, #tpu.memory_space<semaphore_mem>>) src(%dma_wait3A_417 : memref<128x32xf32, #tpu.memory_space<vmem>>) dst(%dma_wait3A_427 : memref<51200x32xf32, #tpu.memory_space<vmem_shared>>)
      %dma_wait3A_430 = arith.constant 1 : i32
      %dma_wait3A_431 = arith.constant 1 : i32
      %dma_wait3A_432 = arith.constant 1 : i32
      %dma_wait3A_433 = arith.constant 0 : i32
      %dma_wait3A_434 = arith.constant 0 : i32
      %dma_wait3A_435 = tpu.memref_slice %arg10[%dma_wait3A_430, %dma_wait3A_433, %dma_wait3A_434] : memref<4x128x32xf32, #tpu.memory_space<vmem>> -> memref<1x128x32xf32, #tpu.memory_space<vmem>>
      %dma_wait3A_436 = tpu.memref_squeeze %dma_wait3A_435 : memref<1x128x32xf32, #tpu.memory_space<vmem>> -> memref<128x32xf32, #tpu.memory_space<vmem>>
      %dma_wait3A_437 = arith.constant 0 : i32
      %dma_wait3A_438 = arith.constant 0 : i32
      %dma_wait3A_439 = tpu.memref_slice %arg9[%and3A_103, %dma_wait3A_437, %dma_wait3A_438] : memref<4x4x128xi32, #tpu.memory_space<vmem>> -> memref<1x4x128xi32, #tpu.memory_space<vmem>>
      %dma_wait3A_440 = tpu.memref_squeeze %dma_wait3A_439 : memref<1x4x128xi32, #tpu.memory_space<vmem>> -> memref<4x128xi32, #tpu.memory_space<vmem>>
      %dma_wait3A_441 = arith.constant 0 : i32
      %dma_wait3A_442 = tpu.memref_slice %dma_wait3A_440[%dma_wait3A_431, %dma_wait3A_441] : memref<4x128xi32, #tpu.memory_space<vmem>> -> memref<1x128xi32, #tpu.memory_space<vmem>>
      %dma_wait3A_443 = tpu.memref_squeeze %dma_wait3A_442 : memref<1x128xi32, #tpu.memory_space<vmem>> -> memref<128xi32, #tpu.memory_space<vmem>>
      %dma_wait3A_444 = arith.constant 0 : i32
      %dma_wait3A_445 = arith.constant 0 : i32
      %dma_wait3A_446 = tpu.memref_slice %arg11[%dma_wait3A_444, %dma_wait3A_445] : memref<51200x32xf32, #tpu.memory_space<vmem_shared>> -> memref<51200x32xf32, #tpu.memory_space<vmem_shared>>
      %dma_wait3A_447 = tpu.memref_slice %arg14[%dma_wait3A_432] : memref<4x!tpu.dma_semaphore, #tpu.memory_space<semaphore_mem>> -> memref<1x!tpu.dma_semaphore, #tpu.memory_space<semaphore_mem>>
      %dma_wait3A_448 = tpu.memref_squeeze %dma_wait3A_447 : memref<1x!tpu.dma_semaphore, #tpu.memory_space<semaphore_mem>> -> memref<!tpu.dma_semaphore, #tpu.memory_space<semaphore_mem>>
      tpu.wait_indirect_dma semaphore(%dma_wait3A_448 : memref<!tpu.dma_semaphore, #tpu.memory_space<semaphore_mem>>) src(%dma_wait3A_436 : memref<128x32xf32, #tpu.memory_space<vmem>>) dst(%dma_wait3A_446 : memref<51200x32xf32, #tpu.memory_space<vmem_shared>>)
      %dma_wait3A_449 = arith.constant 2 : i32
      %dma_wait3A_450 = arith.constant 2 : i32
      %dma_wait3A_451 = arith.constant 2 : i32
      %dma_wait3A_452 = arith.constant 0 : i32
      %dma_wait3A_453 = arith.constant 0 : i32
      %dma_wait3A_454 = tpu.memref_slice %arg10[%dma_wait3A_449, %dma_wait3A_452, %dma_wait3A_453] : memref<4x128x32xf32, #tpu.memory_space<vmem>> -> memref<1x128x32xf32, #tpu.memory_space<vmem>>
      %dma_wait3A_455 = tpu.memref_squeeze %dma_wait3A_454 : memref<1x128x32xf32, #tpu.memory_space<vmem>> -> memref<128x32xf32, #tpu.memory_space<vmem>>
      %dma_wait3A_456 = arith.constant 0 : i32
      %dma_wait3A_457 = arith.constant 0 : i32
      %dma_wait3A_458 = tpu.memref_slice %arg9[%and3A_103, %dma_wait3A_456, %dma_wait3A_457] : memref<4x4x128xi32, #tpu.memory_space<vmem>> -> memref<1x4x128xi32, #tpu.memory_space<vmem>>
      %dma_wait3A_459 = tpu.memref_squeeze %dma_wait3A_458 : memref<1x4x128xi32, #tpu.memory_space<vmem>> -> memref<4x128xi32, #tpu.memory_space<vmem>>
      %dma_wait3A_460 = arith.constant 0 : i32
      %dma_wait3A_461 = tpu.memref_slice %dma_wait3A_459[%dma_wait3A_450, %dma_wait3A_460] : memref<4x128xi32, #tpu.memory_space<vmem>> -> memref<1x128xi32, #tpu.memory_space<vmem>>
      %dma_wait3A_462 = tpu.memref_squeeze %dma_wait3A_461 : memref<1x128xi32, #tpu.memory_space<vmem>> -> memref<128xi32, #tpu.memory_space<vmem>>
      %dma_wait3A_463 = arith.constant 0 : i32
      %dma_wait3A_464 = arith.constant 0 : i32
      %dma_wait3A_465 = tpu.memref_slice %arg11[%dma_wait3A_463, %dma_wait3A_464] : memref<51200x32xf32, #tpu.memory_space<vmem_shared>> -> memref<51200x32xf32, #tpu.memory_space<vmem_shared>>
      %dma_wait3A_466 = tpu.memref_slice %arg14[%dma_wait3A_451] : memref<4x!tpu.dma_semaphore, #tpu.memory_space<semaphore_mem>> -> memref<1x!tpu.dma_semaphore, #tpu.memory_space<semaphore_mem>>
      %dma_wait3A_467 = tpu.memref_squeeze %dma_wait3A_466 : memref<1x!tpu.dma_semaphore, #tpu.memory_space<semaphore_mem>> -> memref<!tpu.dma_semaphore, #tpu.memory_space<semaphore_mem>>
      tpu.wait_indirect_dma semaphore(%dma_wait3A_467 : memref<!tpu.dma_semaphore, #tpu.memory_space<semaphore_mem>>) src(%dma_wait3A_455 : memref<128x32xf32, #tpu.memory_space<vmem>>) dst(%dma_wait3A_465 : memref<51200x32xf32, #tpu.memory_space<vmem_shared>>)
      %dma_wait3A_468 = arith.constant 3 : i32
      %dma_wait3A_469 = arith.constant 3 : i32
      %dma_wait3A_470 = arith.constant 3 : i32
      %dma_wait3A_471 = arith.constant 0 : i32
      %dma_wait3A_472 = arith.constant 0 : i32
      %dma_wait3A_473 = tpu.memref_slice %arg10[%dma_wait3A_468, %dma_wait3A_471, %dma_wait3A_472] : memref<4x128x32xf32, #tpu.memory_space<vmem>> -> memref<1x128x32xf32, #tpu.memory_space<vmem>>
      %dma_wait3A_474 = tpu.memref_squeeze %dma_wait3A_473 : memref<1x128x32xf32, #tpu.memory_space<vmem>> -> memref<128x32xf32, #tpu.memory_space<vmem>>
      %dma_wait3A_475 = arith.constant 0 : i32
      %dma_wait3A_476 = arith.constant 0 : i32
      %dma_wait3A_477 = tpu.memref_slice %arg9[%and3A_103, %dma_wait3A_475, %dma_wait3A_476] : memref<4x4x128xi32, #tpu.memory_space<vmem>> -> memref<1x4x128xi32, #tpu.memory_space<vmem>>
      %dma_wait3A_478 = tpu.memref_squeeze %dma_wait3A_477 : memref<1x4x128xi32, #tpu.memory_space<vmem>> -> memref<4x128xi32, #tpu.memory_space<vmem>>
      %dma_wait3A_479 = arith.constant 0 : i32
      %dma_wait3A_480 = tpu.memref_slice %dma_wait3A_478[%dma_wait3A_469, %dma_wait3A_479] : memref<4x128xi32, #tpu.memory_space<vmem>> -> memref<1x128xi32, #tpu.memory_space<vmem>>
      %dma_wait3A_481 = tpu.memref_squeeze %dma_wait3A_480 : memref<1x128xi32, #tpu.memory_space<vmem>> -> memref<128xi32, #tpu.memory_space<vmem>>
      %dma_wait3A_482 = arith.constant 0 : i32
      %dma_wait3A_483 = arith.constant 0 : i32
      %dma_wait3A_484 = tpu.memref_slice %arg11[%dma_wait3A_482, %dma_wait3A_483] : memref<51200x32xf32, #tpu.memory_space<vmem_shared>> -> memref<51200x32xf32, #tpu.memory_space<vmem_shared>>
      %dma_wait3A_485 = tpu.memref_slice %arg14[%dma_wait3A_470] : memref<4x!tpu.dma_semaphore, #tpu.memory_space<semaphore_mem>> -> memref<1x!tpu.dma_semaphore, #tpu.memory_space<semaphore_mem>>
      %dma_wait3A_486 = tpu.memref_squeeze %dma_wait3A_485 : memref<1x!tpu.dma_semaphore, #tpu.memory_space<semaphore_mem>> -> memref<!tpu.dma_semaphore, #tpu.memory_space<semaphore_mem>>
      tpu.wait_indirect_dma semaphore(%dma_wait3A_486 : memref<!tpu.dma_semaphore, #tpu.memory_space<semaphore_mem>>) src(%dma_wait3A_474 : memref<128x32xf32, #tpu.memory_space<vmem>>) dst(%dma_wait3A_484 : memref<51200x32xf32, #tpu.memory_space<vmem_shared>>)
    }
    %scan3A_93 = arith.constant 98 : i32
    %barrier3A_94 = arith.constant 0 : index
    tpu.barrier barrier_id(%barrier3A_94)
    %eq3A = arith.constant 0 : i32
    %eq3A_95 = arith.cmpi eq, %arg0, %eq3A : i32
    %convert_element_type3A = arith.extui %eq3A_95 : i1 to i32
    %cond3A = arith.constant 0 : i32
    %cond3A_96 = arith.cmpi ne, %convert_element_type3A, %cond3A : i32
    scf.if %cond3A_96 {
      "tpu.region"() ({
        %run_scoped3A = tpu.sem_alloc : memref<!tpu.dma_semaphore, #tpu.memory_space<semaphore_mem>>
        %dma_start3A_102 = arith.constant 0 : i32
        %dma_start3A_103 = tpu.memref_slice %arg6[%mul3A_0, %dma_start3A_102] : memref<51200x32xf32, #tpu.memory_space<hbm>> -> memref<3200x32xf32, #tpu.memory_space<hbm>>
        %dma_start3A_104 = arith.constant 0 : i32
        %dma_start3A_105 = tpu.memref_slice %arg11[%mul3A_0, %dma_start3A_104] : memref<51200x32xf32, #tpu.memory_space<vmem_shared>> -> memref<3200x32xf32, #tpu.memory_space<vmem_shared>>
        tpu.enqueue_dma source(%dma_start3A_105 : memref<3200x32xf32, #tpu.memory_space<vmem_shared>>) target(%dma_start3A_103 : memref<3200x32xf32, #tpu.memory_space<hbm>>) target_semaphore(%run_scoped3A : memref<!tpu.dma_semaphore, #tpu.memory_space<semaphore_mem>>)
        %dma_wait3A = arith.constant 0 : i32
        %dma_wait3A_106 = tpu.memref_slice %arg6[%mul3A_0, %dma_wait3A] : memref<51200x32xf32, #tpu.memory_space<hbm>> -> memref<3200x32xf32, #tpu.memory_space<hbm>>
        %dma_wait3A_107 = arith.constant 0 : i32
        %dma_wait3A_108 = tpu.memref_slice %arg11[%mul3A_0, %dma_wait3A_107] : memref<51200x32xf32, #tpu.memory_space<vmem_shared>> -> memref<3200x32xf32, #tpu.memory_space<vmem_shared>>
        tpu.wait_dma2 semaphore(%run_scoped3A : memref<!tpu.dma_semaphore, #tpu.memory_space<semaphore_mem>>) src(%dma_wait3A_108 : memref<3200x32xf32, #tpu.memory_space<vmem_shared>>) dst(%dma_wait3A_106 : memref<3200x32xf32, #tpu.memory_space<hbm>>)
        tpu.yield
      }) : () -> ()
    } else {
    }
    %eq3A_97 = arith.constant 1 : i32
    %eq3A_98 = arith.cmpi eq, %arg0, %eq3A_97 : i32
    %convert_element_type3A_99 = arith.extui %eq3A_98 : i1 to i32
    %cond3A_100 = arith.constant 0 : i32
    %cond3A_101 = arith.cmpi ne, %convert_element_type3A_99, %cond3A_100 : i32
    scf.if %cond3A_101 {
      "tpu.region"() ({
        %run_scoped3A = tpu.sem_alloc : memref<!tpu.dma_semaphore, #tpu.memory_space<semaphore_mem>>
        %dma_start3A_102 = arith.constant 0 : i32
        %dma_start3A_103 = tpu.memref_slice %arg7[%mul3A_0, %dma_start3A_102] : memref<51200x32xf32, #tpu.memory_space<hbm>> -> memref<3200x32xf32, #tpu.memory_space<hbm>>
        %dma_start3A_104 = arith.constant 0 : i32
        %dma_start3A_105 = tpu.memref_slice %arg11[%mul3A_0, %dma_start3A_104] : memref<51200x32xf32, #tpu.memory_space<vmem_shared>> -> memref<3200x32xf32, #tpu.memory_space<vmem_shared>>
        tpu.enqueue_dma source(%dma_start3A_105 : memref<3200x32xf32, #tpu.memory_space<vmem_shared>>) target(%dma_start3A_103 : memref<3200x32xf32, #tpu.memory_space<hbm>>) target_semaphore(%run_scoped3A : memref<!tpu.dma_semaphore, #tpu.memory_space<semaphore_mem>>)
        %dma_wait3A = arith.constant 0 : i32
        %dma_wait3A_106 = tpu.memref_slice %arg7[%mul3A_0, %dma_wait3A] : memref<51200x32xf32, #tpu.memory_space<hbm>> -> memref<3200x32xf32, #tpu.memory_space<hbm>>
        %dma_wait3A_107 = arith.constant 0 : i32
        %dma_wait3A_108 = tpu.memref_slice %arg11[%mul3A_0, %dma_wait3A_107] : memref<51200x32xf32, #tpu.memory_space<vmem_shared>> -> memref<3200x32xf32, #tpu.memory_space<vmem_shared>>
        tpu.wait_dma2 semaphore(%run_scoped3A : memref<!tpu.dma_semaphore, #tpu.memory_space<semaphore_mem>>) src(%dma_wait3A_108 : memref<3200x32xf32, #tpu.memory_space<vmem_shared>>) dst(%dma_wait3A_106 : memref<3200x32xf32, #tpu.memory_space<hbm>>)
        tpu.yield
      }) : () -> ()
    } else {
    }
    return
  }
}

#map = affine_map<(d0, d1) -> (0, 0, 0)>
#map1 = affine_map<(d0, d1) -> (0, 0)>
module attributes {stable_mosaic.version = 14 : i64} {
  func.func @body(%arg0: i32, %arg1: i32, %arg2: memref<1568x4x128xi32, #tpu.memory_space<hbm>>, %arg3: memref<1568x4x128xi32, #tpu.memory_space<hbm>>, %arg4: memref<2x51200x32xf32, #tpu.memory_space<hbm>>, %arg5: memref<51200x32xf32, #tpu.memory_space<hbm>>, %arg6: memref<51200x32xf32, #tpu.memory_space<hbm>>, %arg7: memref<51200x32xf32, #tpu.memory_space<hbm>>, %arg8: memref<4x4x128xi32, #tpu.memory_space<vmem>>, %arg9: memref<4x4x128xi32, #tpu.memory_space<vmem>>, %arg10: memref<4x128x32xf32, #tpu.memory_space<vmem>>, %arg11: memref<51200x32xf32, #tpu.memory_space<vmem_shared>>, %arg12: memref<4x!tpu.dma_semaphore, #tpu.memory_space<semaphore_mem>>, %arg13: memref<4x!tpu.dma_semaphore, #tpu.memory_space<semaphore_mem>>, %arg14: memref<4x!tpu.dma_semaphore, #tpu.memory_space<semaphore_mem>>) attributes {dimension_semantics = [#tpu.dimension_semantics<core_parallel>, #tpu.dimension_semantics<subcore_parallel>], iteration_bounds = array<i64: 2, 16>, scalar_prefetch = 0 : i64, scratch_operands = 7 : i64, tpu.core_type = #tpu.core_type<sc_vector_subcore>, window_params = [{transform_indices = #map}, {transform_indices = #map}, {transform_indices = #map}, {transform_indices = #map1}, {transform_indices = #map1}, {transform_indices = #map1}]} {
    %mul3A = arith.constant 3200 : i32
    %mul3A_0 = arith.muli %arg1, %mul3A : i32
    "tpu.region"() ({
      %run_scoped3A = tpu.sem_alloc : memref<!tpu.dma_semaphore, #tpu.memory_space<semaphore_mem>>
      %dma_start3A_102 = arith.constant 0 : i32
      %dma_start3A_103 = tpu.memref_slice %arg11[%mul3A_0, %dma_start3A_102] : memref<51200x32xf32, #tpu.memory_space<vmem_shared>> -> memref<3200x32xf32, #tpu.memory_space<vmem_shared>>
      %dma_start3A_104 = arith.constant 0 : i32
      %dma_start3A_105 = tpu.memref_slice %arg5[%mul3A_0, %dma_start3A_104] : memref<51200x32xf32, #tpu.memory_space<hbm>> -> memref<3200x32xf32, #tpu.memory_space<hbm>>
      tpu.enqueue_dma source(%dma_start3A_105 : memref<3200x32xf32, #tpu.memory_space<hbm>>) target(%dma_start3A_103 : memref<3200x32xf32, #tpu.memory_space<vmem_shared>>) target_semaphore(%run_scoped3A : memref<!tpu.dma_semaphore, #tpu.memory_space<semaphore_mem>>)
      %dma_wait3A = arith.constant 0 : i32
      %dma_wait3A_106 = tpu.memref_slice %arg11[%mul3A_0, %dma_wait3A] : memref<51200x32xf32, #tpu.memory_space<vmem_shared>> -> memref<3200x32xf32, #tpu.memory_space<vmem_shared>>
      %dma_wait3A_107 = arith.constant 0 : i32
      %dma_wait3A_108 = tpu.memref_slice %arg5[%mul3A_0, %dma_wait3A_107] : memref<51200x32xf32, #tpu.memory_space<hbm>> -> memref<3200x32xf32, #tpu.memory_space<hbm>>
      tpu.wait_dma2 semaphore(%run_scoped3A : memref<!tpu.dma_semaphore, #tpu.memory_space<semaphore_mem>>) src(%dma_wait3A_108 : memref<3200x32xf32, #tpu.memory_space<hbm>>) dst(%dma_wait3A_106 : memref<3200x32xf32, #tpu.memory_space<vmem_shared>>)
      tpu.yield
    }) : () -> ()
    %barrier3A = arith.constant 0 : index
    tpu.barrier barrier_id(%barrier3A)
    %mul3A_1 = arith.constant 98 : i32
    %mul3A_2 = arith.muli %arg1, %mul3A_1 : i32
    %add3A = arith.constant 0 : i32
    %add3A_3 = arith.addi %mul3A_2, %add3A : i32
    %dma_start3A = arith.constant 0 : i32
    %dma_start3A_4 = arith.constant 0 : i32
    %dma_start3A_5 = arith.constant 0 : i32
    %dma_start3A_6 = arith.constant 0 : i32
    %dma_start3A_7 = tpu.memref_slice %arg8[%dma_start3A, %dma_start3A_5, %dma_start3A_6] : memref<4x4x128xi32, #tpu.memory_space<vmem>> -> memref<1x4x128xi32, #tpu.memory_space<vmem>>
    %dma_start3A_8 = tpu.memref_squeeze %dma_start3A_7 : memref<1x4x128xi32, #tpu.memory_space<vmem>> -> memref<4x128xi32, #tpu.memory_space<vmem>>
    %dma_start3A_9 = arith.constant 0 : i32
    %dma_start3A_10 = arith.constant 0 : i32
    %dma_start3A_11 = tpu.memref_slice %arg2[%add3A_3, %dma_start3A_9, %dma_start3A_10] : memref<1568x4x128xi32, #tpu.memory_space<hbm>> -> memref<1x4x128xi32, #tpu.memory_space<hbm>>
    %dma_start3A_12 = tpu.memref_squeeze %dma_start3A_11 : memref<1x4x128xi32, #tpu.memory_space<hbm>> -> memref<4x128xi32, #tpu.memory_space<hbm>>
    %dma_start3A_13 = tpu.memref_slice %arg13[%dma_start3A_4] : memref<4x!tpu.dma_semaphore, #tpu.memory_space<semaphore_mem>> -> memref<1x!tpu.dma_semaphore, #tpu.memory_space<semaphore_mem>>
    %dma_start3A_14 = tpu.memref_squeeze %dma_start3A_13 : memref<1x!tpu.dma_semaphore, #tpu.memory_space<semaphore_mem>> -> memref<!tpu.dma_semaphore, #tpu.memory_space<semaphore_mem>>
    %dma_start3A_15 = arith.constant 0 : i32
    %dma_start3A_16 = arith.constant 0 : i32
    %dma_start3A_17 = tpu.memref_slice %arg8[%dma_start3A, %dma_start3A_15, %dma_start3A_16] : memref<4x4x128xi32, #tpu.memory_space<vmem>> -> memref<1x4x128xi32, #tpu.memory_space<vmem>>
    %dma_start3A_18 = tpu.memref_squeeze %dma_start3A_17 : memref<1x4x128xi32, #tpu.memory_space<vmem>> -> memref<4x128xi32, #tpu.memory_space<vmem>>
    %dma_start3A_19 = arith.constant 0 : i32
    %dma_start3A_20 = arith.constant 0 : i32
    %dma_start3A_21 = tpu.memref_slice %arg2[%add3A_3, %dma_start3A_19, %dma_start3A_20] : memref<1568x4x128xi32, #tpu.memory_space<hbm>> -> memref<1x4x128xi32, #tpu.memory_space<hbm>>
    %dma_start3A_22 = tpu.memref_squeeze %dma_start3A_21 : memref<1x4x128xi32, #tpu.memory_space<hbm>> -> memref<4x128xi32, #tpu.memory_space<hbm>>
    tpu.enqueue_dma source(%dma_start3A_22 : memref<4x128xi32, #tpu.memory_space<hbm>>) target(%dma_start3A_18 : memref<4x128xi32, #tpu.memory_space<vmem>>) target_semaphore(%dma_start3A_14 : memref<!tpu.dma_semaphore, #tpu.memory_space<semaphore_mem>>)
    %add3A_23 = arith.constant 0 : i32
    %add3A_24 = arith.addi %mul3A_2, %add3A_23 : i32
    %dma_start3A_25 = arith.constant 0 : i32
    %dma_start3A_26 = arith.constant 0 : i32
    %dma_start3A_27 = arith.constant 0 : i32
    %dma_start3A_28 = arith.constant 0 : i32
    %dma_start3A_29 = tpu.memref_slice %arg9[%dma_start3A_25, %dma_start3A_27, %dma_start3A_28] : memref<4x4x128xi32, #tpu.memory_space<vmem>> -> memref<1x4x128xi32, #tpu.memory_space<vmem>>
    %dma_start3A_30 = tpu.memref_squeeze %dma_start3A_29 : memref<1x4x128xi32, #tpu.memory_space<vmem>> -> memref<4x128xi32, #tpu.memory_space<vmem>>
    %dma_start3A_31 = arith.constant 0 : i32
    %dma_start3A_32 = arith.constant 0 : i32
    %dma_start3A_33 = tpu.memref_slice %arg3[%add3A_24, %dma_start3A_31, %dma_start3A_32] : memref<1568x4x128xi32, #tpu.memory_space<hbm>> -> memref<1x4x128xi32, #tpu.memory_space<hbm>>
    %dma_start3A_34 = tpu.memref_squeeze %dma_start3A_33 : memref<1x4x128xi32, #tpu.memory_space<hbm>> -> memref<4x128xi32, #tpu.memory_space<hbm>>
    %dma_start3A_35 = tpu.memref_slice %arg13[%dma_start3A_26] : memref<4x!tpu.dma_semaphore, #tpu.memory_space<semaphore_mem>> -> memref<1x!tpu.dma_semaphore, #tpu.memory_space<semaphore_mem>>
    %dma_start3A_36 = tpu.memref_squeeze %dma_start3A_35 : memref<1x!tpu.dma_semaphore, #tpu.memory_space<semaphore_mem>> -> memref<!tpu.dma_semaphore, #tpu.memory_space<semaphore_mem>>
    %dma_start3A_37 = arith.constant 0 : i32
    %dma_start3A_38 = arith.constant 0 : i32
    %dma_start3A_39 = tpu.memref_slice %arg9[%dma_start3A_25, %dma_start3A_37, %dma_start3A_38] : memref<4x4x128xi32, #tpu.memory_space<vmem>> -> memref<1x4x128xi32, #tpu.memory_space<vmem>>
    %dma_start3A_40 = tpu.memref_squeeze %dma_start3A_39 : memref<1x4x128xi32, #tpu.memory_space<vmem>> -> memref<4x128xi32, #tpu.memory_space<vmem>>
    %dma_start3A_41 = arith.constant 0 : i32
    %dma_start3A_42 = arith.constant 0 : i32
    %dma_start3A_43 = tpu.memref_slice %arg3[%add3A_24, %dma_start3A_41, %dma_start3A_42] : memref<1568x4x128xi32, #tpu.memory_space<hbm>> -> memref<1x4x128xi32, #tpu.memory_space<hbm>>
    %dma_start3A_44 = tpu.memref_squeeze %dma_start3A_43 : memref<1x4x128xi32, #tpu.memory_space<hbm>> -> memref<4x128xi32, #tpu.memory_space<hbm>>
    tpu.enqueue_dma source(%dma_start3A_44 : memref<4x128xi32, #tpu.memory_space<hbm>>) target(%dma_start3A_40 : memref<4x128xi32, #tpu.memory_space<vmem>>) target_semaphore(%dma_start3A_36 : memref<!tpu.dma_semaphore, #tpu.memory_space<semaphore_mem>>)
    %add3A_45 = arith.constant 1 : i32
    %add3A_46 = arith.addi %mul3A_2, %add3A_45 : i32
    %dma_start3A_47 = arith.constant 1 : i32
    %dma_start3A_48 = arith.constant 1 : i32
    %dma_start3A_49 = arith.constant 0 : i32
    %dma_start3A_50 = arith.constant 0 : i32
    %dma_start3A_51 = tpu.memref_slice %arg8[%dma_start3A_47, %dma_start3A_49, %dma_start3A_50] : memref<4x4x128xi32, #tpu.memory_space<vmem>> -> memref<1x4x128xi32, #tpu.memory_space<vmem>>
    %dma_start3A_52 = tpu.memref_squeeze %dma_start3A_51 : memref<1x4x128xi32, #tpu.memory_space<vmem>> -> memref<4x128xi32, #tpu.memory_space<vmem>>
    %dma_start3A_53 = arith.constant 0 : i32
    %dma_start3A_54 = arith.constant 0 : i32
    %dma_start3A_55 = tpu.memref_slice %arg2[%add3A_46, %dma_start3A_53, %dma_start3A_54] : memref<1568x4x128xi32, #tpu.memory_space<hbm>> -> memref<1x4x128xi32, #tpu.memory_space<hbm>>
    %dma_start3A_56 = tpu.memref_squeeze %dma_start3A_55 : memref<1x4x128xi32, #tpu.memory_space<hbm>> -> memref<4x128xi32, #tpu.memory_space<hbm>>
    %dma_start3A_57 = tpu.memref_slice %arg13[%dma_start3A_48] : memref<4x!tpu.dma_semaphore, #tpu.memory_space<semaphore_mem>> -> memref<1x!tpu.dma_semaphore, #tpu.memory_space<semaphore_mem>>
    %dma_start3A_58 = tpu.memref_squeeze %dma_start3A_57 : memref<1x!tpu.dma_semaphore, #tpu.memory_space<semaphore_mem>> -> memref<!tpu.dma_semaphore, #tpu.memory_space<semaphore_mem>>
    %dma_start3A_59 = arith.constant 0 : i32
    %dma_start3A_60 = arith.constant 0 : i32
    %dma_start3A_61 = tpu.memref_slice %arg8[%dma_start3A_47, %dma_start3A_59, %dma_start3A_60] : memref<4x4x128xi32, #tpu.memory_space<vmem>> -> memref<1x4x128xi32, #tpu.memory_space<vmem>>
    %dma_start3A_62 = tpu.memref_squeeze %dma_start3A_61 : memref<1x4x128xi32, #tpu.memory_space<vmem>> -> memref<4x128xi32, #tpu.memory_space<vmem>>
    %dma_start3A_63 = arith.constant 0 : i32
    %dma_start3A_64 = arith.constant 0 : i32
    %dma_start3A_65 = tpu.memref_slice %arg2[%add3A_46, %dma_start3A_63, %dma_start3A_64] : memref<1568x4x128xi32, #tpu.memory_space<hbm>> -> memref<1x4x128xi32, #tpu.memory_space<hbm>>
    %dma_start3A_66 = tpu.memref_squeeze %dma_start3A_65 : memref<1x4x128xi32, #tpu.memory_space<hbm>> -> memref<4x128xi32, #tpu.memory_space<hbm>>
    tpu.enqueue_dma source(%dma_start3A_66 : memref<4x128xi32, #tpu.memory_space<hbm>>) target(%dma_start3A_62 : memref<4x128xi32, #tpu.memory_space<vmem>>) target_semaphore(%dma_start3A_58 : memref<!tpu.dma_semaphore, #tpu.memory_space<semaphore_mem>>)
    %add3A_67 = arith.constant 1 : i32
    %add3A_68 = arith.addi %mul3A_2, %add3A_67 : i32
    %dma_start3A_69 = arith.constant 1 : i32
    %dma_start3A_70 = arith.constant 1 : i32
    %dma_start3A_71 = arith.constant 0 : i32
    %dma_start3A_72 = arith.constant 0 : i32
    %dma_start3A_73 = tpu.memref_slice %arg9[%dma_start3A_69, %dma_start3A_71, %dma_start3A_72] : memref<4x4x128xi32, #tpu.memory_space<vmem>> -> memref<1x4x128xi32, #tpu.memory_space<vmem>>
    %dma_start3A_74 = tpu.memref_squeeze %dma_start3A_73 : memref<1x4x128xi32, #tpu.memory_space<vmem>> -> memref<4x128xi32, #tpu.memory_space<vmem>>
    %dma_start3A_75 = arith.constant 0 : i32
    %dma_start3A_76 = arith.constant 0 : i32
    %dma_start3A_77 = tpu.memref_slice %arg3[%add3A_68, %dma_start3A_75, %dma_start3A_76] : memref<1568x4x128xi32, #tpu.memory_space<hbm>> -> memref<1x4x128xi32, #tpu.memory_space<hbm>>
    %dma_start3A_78 = tpu.memref_squeeze %dma_start3A_77 : memref<1x4x128xi32, #tpu.memory_space<hbm>> -> memref<4x128xi32, #tpu.memory_space<hbm>>
    %dma_start3A_79 = tpu.memref_slice %arg13[%dma_start3A_70] : memref<4x!tpu.dma_semaphore, #tpu.memory_space<semaphore_mem>> -> memref<1x!tpu.dma_semaphore, #tpu.memory_space<semaphore_mem>>
    %dma_start3A_80 = tpu.memref_squeeze %dma_start3A_79 : memref<1x!tpu.dma_semaphore, #tpu.memory_space<semaphore_mem>> -> memref<!tpu.dma_semaphore, #tpu.memory_space<semaphore_mem>>
    %dma_start3A_81 = arith.constant 0 : i32
    %dma_start3A_82 = arith.constant 0 : i32
    %dma_start3A_83 = tpu.memref_slice %arg9[%dma_start3A_69, %dma_start3A_81, %dma_start3A_82] : memref<4x4x128xi32, #tpu.memory_space<vmem>> -> memref<1x4x128xi32, #tpu.memory_space<vmem>>
    %dma_start3A_84 = tpu.memref_squeeze %dma_start3A_83 : memref<1x4x128xi32, #tpu.memory_space<vmem>> -> memref<4x128xi32, #tpu.memory_space<vmem>>
    %dma_start3A_85 = arith.constant 0 : i32
    %dma_start3A_86 = arith.constant 0 : i32
    %dma_start3A_87 = tpu.memref_slice %arg3[%add3A_68, %dma_start3A_85, %dma_start3A_86] : memref<1568x4x128xi32, #tpu.memory_space<hbm>> -> memref<1x4x128xi32, #tpu.memory_space<hbm>>
    %dma_start3A_88 = tpu.memref_squeeze %dma_start3A_87 : memref<1x4x128xi32, #tpu.memory_space<hbm>> -> memref<4x128xi32, #tpu.memory_space<hbm>>
    tpu.enqueue_dma source(%dma_start3A_88 : memref<4x128xi32, #tpu.memory_space<hbm>>) target(%dma_start3A_84 : memref<4x128xi32, #tpu.memory_space<vmem>>) target_semaphore(%dma_start3A_80 : memref<!tpu.dma_semaphore, #tpu.memory_space<semaphore_mem>>)
    %scan3A = arith.constant 0 : i32
    %scan3A_89 = arith.constant 0 : i32
    %scan3A_90 = arith.constant 98 : i32
    %scan3A_91 = arith.addi %scan3A_89, %scan3A_90 : i32
    %scan3A_92 = arith.constant 1 : i32
    scf.for %scan3A_102 = %scan3A_89 to %scan3A_91 step %scan3A_92  : i32 {
      %and3A = arith.constant 3 : i32
      %and3A_103 = arith.andi %scan3A_102, %and3A : i32
      %add3A_104 = arith.constant 2 : i32
      %add3A_105 = arith.addi %scan3A_102, %add3A_104 : i32
      %and3A_106 = arith.constant 3 : i32
      %and3A_107 = arith.andi %add3A_105, %and3A_106 : i32
      %add3A_108 = arith.addi %mul3A_2, %scan3A_102 : i32
      %dma_wait3A = arith.constant 0 : i32
      %dma_wait3A_109 = arith.constant 0 : i32
      %dma_wait3A_110 = tpu.memref_slice %arg8[%and3A_103, %dma_wait3A, %dma_wait3A_109] : memref<4x4x128xi32, #tpu.memory_space<vmem>> -> memref<1x4x128xi32, #tpu.memory_space<vmem>>
      %dma_wait3A_111 = tpu.memref_squeeze %dma_wait3A_110 : memref<1x4x128xi32, #tpu.memory_space<vmem>> -> memref<4x128xi32, #tpu.memory_space<vmem>>
      %dma_wait3A_112 = arith.constant 0 : i32
      %dma_wait3A_113 = arith.constant 0 : i32
      %dma_wait3A_114 = tpu.memref_slice %arg2[%add3A_108, %dma_wait3A_112, %dma_wait3A_113] : memref<1568x4x128xi32, #tpu.memory_space<hbm>> -> memref<1x4x128xi32, #tpu.memory_space<hbm>>
      %dma_wait3A_115 = tpu.memref_squeeze %dma_wait3A_114 : memref<1x4x128xi32, #tpu.memory_space<hbm>> -> memref<4x128xi32, #tpu.memory_space<hbm>>
      %dma_wait3A_116 = tpu.memref_slice %arg13[%and3A_103] : memref<4x!tpu.dma_semaphore, #tpu.memory_space<semaphore_mem>> -> memref<1x!tpu.dma_semaphore, #tpu.memory_space<semaphore_mem>>
      %dma_wait3A_117 = tpu.memref_squeeze %dma_wait3A_116 : memref<1x!tpu.dma_semaphore, #tpu.memory_space<semaphore_mem>> -> memref<!tpu.dma_semaphore, #tpu.memory_space<semaphore_mem>>
      %dma_wait3A_118 = arith.constant 0 : i32
      %dma_wait3A_119 = arith.constant 0 : i32
      %dma_wait3A_120 = tpu.memref_slice %arg8[%and3A_103, %dma_wait3A_118, %dma_wait3A_119] : memref<4x4x128xi32, #tpu.memory_space<vmem>> -> memref<1x4x128xi32, #tpu.memory_space<vmem>>
      %dma_wait3A_121 = tpu.memref_squeeze %dma_wait3A_120 : memref<1x4x128xi32, #tpu.memory_space<vmem>> -> memref<4x128xi32, #tpu.memory_space<vmem>>
      %dma_wait3A_122 = arith.constant 0 : i32
      %dma_wait3A_123 = arith.constant 0 : i32
      %dma_wait3A_124 = tpu.memref_slice %arg2[%add3A_108, %dma_wait3A_122, %dma_wait3A_123] : memref<1568x4x128xi32, #tpu.memory_space<hbm>> -> memref<1x4x128xi32, #tpu.memory_space<hbm>>
      %dma_wait3A_125 = tpu.memref_squeeze %dma_wait3A_124 : memref<1x4x128xi32, #tpu.memory_space<hbm>> -> memref<4x128xi32, #tpu.memory_space<hbm>>
      tpu.wait_dma2 semaphore(%dma_wait3A_117 : memref<!tpu.dma_semaphore, #tpu.memory_space<semaphore_mem>>) src(%dma_wait3A_125 : memref<4x128xi32, #tpu.memory_space<hbm>>) dst(%dma_wait3A_121 : memref<4x128xi32, #tpu.memory_space<vmem>>)
      %add3A_126 = arith.addi %mul3A_2, %scan3A_102 : i32
      %dma_wait3A_127 = arith.constant 0 : i32
      %dma_wait3A_128 = arith.constant 0 : i32
      %dma_wait3A_129 = tpu.memref_slice %arg9[%and3A_103, %dma_wait3A_127, %dma_wait3A_128] : memref<4x4x128xi32, #tpu.memory_space<vmem>> -> memref<1x4x128xi32, #tpu.memory_space<vmem>>
      %dma_wait3A_130 = tpu.memref_squeeze %dma_wait3A_129 : memref<1x4x128xi32, #tpu.memory_space<vmem>> -> memref<4x128xi32, #tpu.memory_space<vmem>>
      %dma_wait3A_131 = arith.constant 0 : i32
      %dma_wait3A_132 = arith.constant 0 : i32
      %dma_wait3A_133 = tpu.memref_slice %arg3[%add3A_126, %dma_wait3A_131, %dma_wait3A_132] : memref<1568x4x128xi32, #tpu.memory_space<hbm>> -> memref<1x4x128xi32, #tpu.memory_space<hbm>>
      %dma_wait3A_134 = tpu.memref_squeeze %dma_wait3A_133 : memref<1x4x128xi32, #tpu.memory_space<hbm>> -> memref<4x128xi32, #tpu.memory_space<hbm>>
      %dma_wait3A_135 = tpu.memref_slice %arg13[%and3A_103] : memref<4x!tpu.dma_semaphore, #tpu.memory_space<semaphore_mem>> -> memref<1x!tpu.dma_semaphore, #tpu.memory_space<semaphore_mem>>
      %dma_wait3A_136 = tpu.memref_squeeze %dma_wait3A_135 : memref<1x!tpu.dma_semaphore, #tpu.memory_space<semaphore_mem>> -> memref<!tpu.dma_semaphore, #tpu.memory_space<semaphore_mem>>
      %dma_wait3A_137 = arith.constant 0 : i32
      %dma_wait3A_138 = arith.constant 0 : i32
      %dma_wait3A_139 = tpu.memref_slice %arg9[%and3A_103, %dma_wait3A_137, %dma_wait3A_138] : memref<4x4x128xi32, #tpu.memory_space<vmem>> -> memref<1x4x128xi32, #tpu.memory_space<vmem>>
      %dma_wait3A_140 = tpu.memref_squeeze %dma_wait3A_139 : memref<1x4x128xi32, #tpu.memory_space<vmem>> -> memref<4x128xi32, #tpu.memory_space<vmem>>
      %dma_wait3A_141 = arith.constant 0 : i32
      %dma_wait3A_142 = arith.constant 0 : i32
      %dma_wait3A_143 = tpu.memref_slice %arg3[%add3A_126, %dma_wait3A_141, %dma_wait3A_142] : memref<1568x4x128xi32, #tpu.memory_space<hbm>> -> memref<1x4x128xi32, #tpu.memory_space<hbm>>
      %dma_wait3A_144 = tpu.memref_squeeze %dma_wait3A_143 : memref<1x4x128xi32, #tpu.memory_space<hbm>> -> memref<4x128xi32, #tpu.memory_space<hbm>>
      tpu.wait_dma2 semaphore(%dma_wait3A_136 : memref<!tpu.dma_semaphore, #tpu.memory_space<semaphore_mem>>) src(%dma_wait3A_144 : memref<4x128xi32, #tpu.memory_space<hbm>>) dst(%dma_wait3A_140 : memref<4x128xi32, #tpu.memory_space<vmem>>)
      %dma_start3A_145 = arith.constant 0 : i32
      %dma_start3A_146 = arith.constant 0 : i32
      %dma_start3A_147 = arith.constant 0 : i32
      %dma_start3A_148 = arith.constant 0 : i32
      %dma_start3A_149 = arith.constant 0 : i32
      %dma_start3A_150 = tpu.memref_slice %arg10[%dma_start3A_146, %dma_start3A_148, %dma_start3A_149] : memref<4x128x32xf32, #tpu.memory_space<vmem>> -> memref<1x128x32xf32, #tpu.memory_space<vmem>>
      %dma_start3A_151 = tpu.memref_squeeze %dma_start3A_150 : memref<1x128x32xf32, #tpu.memory_space<vmem>> -> memref<128x32xf32, #tpu.memory_space<vmem>>
      %dma_start3A_152 = arith.constant 0 : i32
      %dma_start3A_153 = arith.constant 0 : i32
      %dma_start3A_154 = tpu.memref_slice %arg8[%and3A_103, %dma_start3A_152, %dma_start3A_153] : memref<4x4x128xi32, #tpu.memory_space<vmem>> -> memref<1x4x128xi32, #tpu.memory_space<vmem>>
      %dma_start3A_155 = tpu.memref_squeeze %dma_start3A_154 : memref<1x4x128xi32, #tpu.memory_space<vmem>> -> memref<4x128xi32, #tpu.memory_space<vmem>>
      %dma_start3A_156 = arith.constant 0 : i32
      %dma_start3A_157 = tpu.memref_slice %dma_start3A_155[%dma_start3A_145, %dma_start3A_156] : memref<4x128xi32, #tpu.memory_space<vmem>> -> memref<1x128xi32, #tpu.memory_space<vmem>>
      %dma_start3A_158 = tpu.memref_squeeze %dma_start3A_157 : memref<1x128xi32, #tpu.memory_space<vmem>> -> memref<128xi32, #tpu.memory_space<vmem>>
      %dma_start3A_159 = arith.constant 0 : i32
      %dma_start3A_160 = arith.constant 0 : i32
      %dma_start3A_161 = tpu.memref_slice %arg4[%arg0, %dma_start3A_159, %dma_start3A_160] : memref<2x51200x32xf32, #tpu.memory_space<hbm>> -> memref<1x51200x32xf32, #tpu.memory_space<hbm>>
      %dma_start3A_162 = tpu.memref_squeeze %dma_start3A_161 : memref<1x51200x32xf32, #tpu.memory_space<hbm>> -> memref<51200x32xf32, #tpu.memory_space<hbm>>
      %dma_start3A_163 = arith.constant 0 : i32
      %dma_start3A_164 = arith.constant 0 : i32
      %dma_start3A_165 = tpu.memref_slice %dma_start3A_162[%dma_start3A_163, %dma_start3A_164] : memref<51200x32xf32, #tpu.memory_space<hbm>> -> memref<51200x32xf32, #tpu.memory_space<hbm>>
      %dma_start3A_166 = tpu.memref_slice %arg12[%dma_start3A_147] : memref<4x!tpu.dma_semaphore, #tpu.memory_space<semaphore_mem>> -> memref<1x!tpu.dma_semaphore, #tpu.memory_space<semaphore_mem>>
      %dma_start3A_167 = tpu.memref_squeeze %dma_start3A_166 : memref<1x!tpu.dma_semaphore, #tpu.memory_space<semaphore_mem>> -> memref<!tpu.dma_semaphore, #tpu.memory_space<semaphore_mem>>
      tpu.enqueue_indirect_dma source(%dma_start3A_165 : memref<51200x32xf32, #tpu.memory_space<hbm>>) target(%dma_start3A_151 : memref<128x32xf32, #tpu.memory_space<vmem>>) offsets(%dma_start3A_158 : memref<128xi32, #tpu.memory_space<vmem>>) semaphore(%dma_start3A_167 : memref<!tpu.dma_semaphore, #tpu.memory_space<semaphore_mem>>)
      %dma_start3A_168 = arith.constant 1 : i32
      %dma_start3A_169 = arith.constant 1 : i32
      %dma_start3A_170 = arith.constant 1 : i32
      %dma_start3A_171 = arith.constant 0 : i32
      %dma_start3A_172 = arith.constant 0 : i32
      %dma_start3A_173 = tpu.memref_slice %arg10[%dma_start3A_169, %dma_start3A_171, %dma_start3A_172] : memref<4x128x32xf32, #tpu.memory_space<vmem>> -> memref<1x128x32xf32, #tpu.memory_space<vmem>>
      %dma_start3A_174 = tpu.memref_squeeze %dma_start3A_173 : memref<1x128x32xf32, #tpu.memory_space<vmem>> -> memref<128x32xf32, #tpu.memory_space<vmem>>
      %dma_start3A_175 = arith.constant 0 : i32
      %dma_start3A_176 = arith.constant 0 : i32
      %dma_start3A_177 = tpu.memref_slice %arg8[%and3A_103, %dma_start3A_175, %dma_start3A_176] : memref<4x4x128xi32, #tpu.memory_space<vmem>> -> memref<1x4x128xi32, #tpu.memory_space<vmem>>
      %dma_start3A_178 = tpu.memref_squeeze %dma_start3A_177 : memref<1x4x128xi32, #tpu.memory_space<vmem>> -> memref<4x128xi32, #tpu.memory_space<vmem>>
      %dma_start3A_179 = arith.constant 0 : i32
      %dma_start3A_180 = tpu.memref_slice %dma_start3A_178[%dma_start3A_168, %dma_start3A_179] : memref<4x128xi32, #tpu.memory_space<vmem>> -> memref<1x128xi32, #tpu.memory_space<vmem>>
      %dma_start3A_181 = tpu.memref_squeeze %dma_start3A_180 : memref<1x128xi32, #tpu.memory_space<vmem>> -> memref<128xi32, #tpu.memory_space<vmem>>
      %dma_start3A_182 = arith.constant 0 : i32
      %dma_start3A_183 = arith.constant 0 : i32
      %dma_start3A_184 = tpu.memref_slice %arg4[%arg0, %dma_start3A_182, %dma_start3A_183] : memref<2x51200x32xf32, #tpu.memory_space<hbm>> -> memref<1x51200x32xf32, #tpu.memory_space<hbm>>
      %dma_start3A_185 = tpu.memref_squeeze %dma_start3A_184 : memref<1x51200x32xf32, #tpu.memory_space<hbm>> -> memref<51200x32xf32, #tpu.memory_space<hbm>>
      %dma_start3A_186 = arith.constant 0 : i32
      %dma_start3A_187 = arith.constant 0 : i32
      %dma_start3A_188 = tpu.memref_slice %dma_start3A_185[%dma_start3A_186, %dma_start3A_187] : memref<51200x32xf32, #tpu.memory_space<hbm>> -> memref<51200x32xf32, #tpu.memory_space<hbm>>
      %dma_start3A_189 = tpu.memref_slice %arg12[%dma_start3A_170] : memref<4x!tpu.dma_semaphore, #tpu.memory_space<semaphore_mem>> -> memref<1x!tpu.dma_semaphore, #tpu.memory_space<semaphore_mem>>
      %dma_start3A_190 = tpu.memref_squeeze %dma_start3A_189 : memref<1x!tpu.dma_semaphore, #tpu.memory_space<semaphore_mem>> -> memref<!tpu.dma_semaphore, #tpu.memory_space<semaphore_mem>>
      tpu.enqueue_indirect_dma source(%dma_start3A_188 : memref<51200x32xf32, #tpu.memory_space<hbm>>) target(%dma_start3A_174 : memref<128x32xf32, #tpu.memory_space<vmem>>) offsets(%dma_start3A_181 : memref<128xi32, #tpu.memory_space<vmem>>) semaphore(%dma_start3A_190 : memref<!tpu.dma_semaphore, #tpu.memory_space<semaphore_mem>>)
      %dma_start3A_191 = arith.constant 2 : i32
      %dma_start3A_192 = arith.constant 2 : i32
      %dma_start3A_193 = arith.constant 2 : i32
      %dma_start3A_194 = arith.constant 0 : i32
      %dma_start3A_195 = arith.constant 0 : i32
      %dma_start3A_196 = tpu.memref_slice %arg10[%dma_start3A_192, %dma_start3A_194, %dma_start3A_195] : memref<4x128x32xf32, #tpu.memory_space<vmem>> -> memref<1x128x32xf32, #tpu.memory_space<vmem>>
      %dma_start3A_197 = tpu.memref_squeeze %dma_start3A_196 : memref<1x128x32xf32, #tpu.memory_space<vmem>> -> memref<128x32xf32, #tpu.memory_space<vmem>>
      %dma_start3A_198 = arith.constant 0 : i32
      %dma_start3A_199 = arith.constant 0 : i32
      %dma_start3A_200 = tpu.memref_slice %arg8[%and3A_103, %dma_start3A_198, %dma_start3A_199] : memref<4x4x128xi32, #tpu.memory_space<vmem>> -> memref<1x4x128xi32, #tpu.memory_space<vmem>>
      %dma_start3A_201 = tpu.memref_squeeze %dma_start3A_200 : memref<1x4x128xi32, #tpu.memory_space<vmem>> -> memref<4x128xi32, #tpu.memory_space<vmem>>
      %dma_start3A_202 = arith.constant 0 : i32
      %dma_start3A_203 = tpu.memref_slice %dma_start3A_201[%dma_start3A_191, %dma_start3A_202] : memref<4x128xi32, #tpu.memory_space<vmem>> -> memref<1x128xi32, #tpu.memory_space<vmem>>
      %dma_start3A_204 = tpu.memref_squeeze %dma_start3A_203 : memref<1x128xi32, #tpu.memory_space<vmem>> -> memref<128xi32, #tpu.memory_space<vmem>>
      %dma_start3A_205 = arith.constant 0 : i32
      %dma_start3A_206 = arith.constant 0 : i32
      %dma_start3A_207 = tpu.memref_slice %arg4[%arg0, %dma_start3A_205, %dma_start3A_206] : memref<2x51200x32xf32, #tpu.memory_space<hbm>> -> memref<1x51200x32xf32, #tpu.memory_space<hbm>>
      %dma_start3A_208 = tpu.memref_squeeze %dma_start3A_207 : memref<1x51200x32xf32, #tpu.memory_space<hbm>> -> memref<51200x32xf32, #tpu.memory_space<hbm>>
      %dma_start3A_209 = arith.constant 0 : i32
      %dma_start3A_210 = arith.constant 0 : i32
      %dma_start3A_211 = tpu.memref_slice %dma_start3A_208[%dma_start3A_209, %dma_start3A_210] : memref<51200x32xf32, #tpu.memory_space<hbm>> -> memref<51200x32xf32, #tpu.memory_space<hbm>>
      %dma_start3A_212 = tpu.memref_slice %arg12[%dma_start3A_193] : memref<4x!tpu.dma_semaphore, #tpu.memory_space<semaphore_mem>> -> memref<1x!tpu.dma_semaphore, #tpu.memory_space<semaphore_mem>>
      %dma_start3A_213 = tpu.memref_squeeze %dma_start3A_212 : memref<1x!tpu.dma_semaphore, #tpu.memory_space<semaphore_mem>> -> memref<!tpu.dma_semaphore, #tpu.memory_space<semaphore_mem>>
      tpu.enqueue_indirect_dma source(%dma_start3A_211 : memref<51200x32xf32, #tpu.memory_space<hbm>>) target(%dma_start3A_197 : memref<128x32xf32, #tpu.memory_space<vmem>>) offsets(%dma_start3A_204 : memref<128xi32, #tpu.memory_space<vmem>>) semaphore(%dma_start3A_213 : memref<!tpu.dma_semaphore, #tpu.memory_space<semaphore_mem>>)
      %dma_start3A_214 = arith.constant 3 : i32
      %dma_start3A_215 = arith.constant 3 : i32
      %dma_start3A_216 = arith.constant 3 : i32
      %dma_start3A_217 = arith.constant 0 : i32
      %dma_start3A_218 = arith.constant 0 : i32
      %dma_start3A_219 = tpu.memref_slice %arg10[%dma_start3A_215, %dma_start3A_217, %dma_start3A_218] : memref<4x128x32xf32, #tpu.memory_space<vmem>> -> memref<1x128x32xf32, #tpu.memory_space<vmem>>
      %dma_start3A_220 = tpu.memref_squeeze %dma_start3A_219 : memref<1x128x32xf32, #tpu.memory_space<vmem>> -> memref<128x32xf32, #tpu.memory_space<vmem>>
      %dma_start3A_221 = arith.constant 0 : i32
      %dma_start3A_222 = arith.constant 0 : i32
      %dma_start3A_223 = tpu.memref_slice %arg8[%and3A_103, %dma_start3A_221, %dma_start3A_222] : memref<4x4x128xi32, #tpu.memory_space<vmem>> -> memref<1x4x128xi32, #tpu.memory_space<vmem>>
      %dma_start3A_224 = tpu.memref_squeeze %dma_start3A_223 : memref<1x4x128xi32, #tpu.memory_space<vmem>> -> memref<4x128xi32, #tpu.memory_space<vmem>>
      %dma_start3A_225 = arith.constant 0 : i32
      %dma_start3A_226 = tpu.memref_slice %dma_start3A_224[%dma_start3A_214, %dma_start3A_225] : memref<4x128xi32, #tpu.memory_space<vmem>> -> memref<1x128xi32, #tpu.memory_space<vmem>>
      %dma_start3A_227 = tpu.memref_squeeze %dma_start3A_226 : memref<1x128xi32, #tpu.memory_space<vmem>> -> memref<128xi32, #tpu.memory_space<vmem>>
      %dma_start3A_228 = arith.constant 0 : i32
      %dma_start3A_229 = arith.constant 0 : i32
      %dma_start3A_230 = tpu.memref_slice %arg4[%arg0, %dma_start3A_228, %dma_start3A_229] : memref<2x51200x32xf32, #tpu.memory_space<hbm>> -> memref<1x51200x32xf32, #tpu.memory_space<hbm>>
      %dma_start3A_231 = tpu.memref_squeeze %dma_start3A_230 : memref<1x51200x32xf32, #tpu.memory_space<hbm>> -> memref<51200x32xf32, #tpu.memory_space<hbm>>
      %dma_start3A_232 = arith.constant 0 : i32
      %dma_start3A_233 = arith.constant 0 : i32
      %dma_start3A_234 = tpu.memref_slice %dma_start3A_231[%dma_start3A_232, %dma_start3A_233] : memref<51200x32xf32, #tpu.memory_space<hbm>> -> memref<51200x32xf32, #tpu.memory_space<hbm>>
      %dma_start3A_235 = tpu.memref_slice %arg12[%dma_start3A_216] : memref<4x!tpu.dma_semaphore, #tpu.memory_space<semaphore_mem>> -> memref<1x!tpu.dma_semaphore, #tpu.memory_space<semaphore_mem>>
      %dma_start3A_236 = tpu.memref_squeeze %dma_start3A_235 : memref<1x!tpu.dma_semaphore, #tpu.memory_space<semaphore_mem>> -> memref<!tpu.dma_semaphore, #tpu.memory_space<semaphore_mem>>
      tpu.enqueue_indirect_dma source(%dma_start3A_234 : memref<51200x32xf32, #tpu.memory_space<hbm>>) target(%dma_start3A_220 : memref<128x32xf32, #tpu.memory_space<vmem>>) offsets(%dma_start3A_227 : memref<128xi32, #tpu.memory_space<vmem>>) semaphore(%dma_start3A_236 : memref<!tpu.dma_semaphore, #tpu.memory_space<semaphore_mem>>)
      %dma_wait3A_237 = arith.constant 0 : i32
      %dma_wait3A_238 = arith.constant 0 : i32
      %dma_wait3A_239 = arith.constant 0 : i32
      %dma_wait3A_240 = arith.constant 0 : i32
      %dma_wait3A_241 = arith.constant 0 : i32
      %dma_wait3A_242 = tpu.memref_slice %arg10[%dma_wait3A_238, %dma_wait3A_240, %dma_wait3A_241] : memref<4x128x32xf32, #tpu.memory_space<vmem>> -> memref<1x128x32xf32, #tpu.memory_space<vmem>>
      %dma_wait3A_243 = tpu.memref_squeeze %dma_wait3A_242 : memref<1x128x32xf32, #tpu.memory_space<vmem>> -> memref<128x32xf32, #tpu.memory_space<vmem>>
      %dma_wait3A_244 = arith.constant 0 : i32
      %dma_wait3A_245 = arith.constant 0 : i32
      %dma_wait3A_246 = tpu.memref_slice %arg8[%and3A_103, %dma_wait3A_244, %dma_wait3A_245] : memref<4x4x128xi32, #tpu.memory_space<vmem>> -> memref<1x4x128xi32, #tpu.memory_space<vmem>>
      %dma_wait3A_247 = tpu.memref_squeeze %dma_wait3A_246 : memref<1x4x128xi32, #tpu.memory_space<vmem>> -> memref<4x128xi32, #tpu.memory_space<vmem>>
      %dma_wait3A_248 = arith.constant 0 : i32
      %dma_wait3A_249 = tpu.memref_slice %dma_wait3A_247[%dma_wait3A_237, %dma_wait3A_248] : memref<4x128xi32, #tpu.memory_space<vmem>> -> memref<1x128xi32, #tpu.memory_space<vmem>>
      %dma_wait3A_250 = tpu.memref_squeeze %dma_wait3A_249 : memref<1x128xi32, #tpu.memory_space<vmem>> -> memref<128xi32, #tpu.memory_space<vmem>>
      %dma_wait3A_251 = arith.constant 0 : i32
      %dma_wait3A_252 = arith.constant 0 : i32
      %dma_wait3A_253 = tpu.memref_slice %arg4[%arg0, %dma_wait3A_251, %dma_wait3A_252] : memref<2x51200x32xf32, #tpu.memory_space<hbm>> -> memref<1x51200x32xf32, #tpu.memory_space<hbm>>
      %dma_wait3A_254 = tpu.memref_squeeze %dma_wait3A_253 : memref<1x51200x32xf32, #tpu.memory_space<hbm>> -> memref<51200x32xf32, #tpu.memory_space<hbm>>
      %dma_wait3A_255 = arith.constant 0 : i32
      %dma_wait3A_256 = arith.constant 0 : i32
      %dma_wait3A_257 = tpu.memref_slice %dma_wait3A_254[%dma_wait3A_255, %dma_wait3A_256] : memref<51200x32xf32, #tpu.memory_space<hbm>> -> memref<51200x32xf32, #tpu.memory_space<hbm>>
      %dma_wait3A_258 = tpu.memref_slice %arg12[%dma_wait3A_239] : memref<4x!tpu.dma_semaphore, #tpu.memory_space<semaphore_mem>> -> memref<1x!tpu.dma_semaphore, #tpu.memory_space<semaphore_mem>>
      %dma_wait3A_259 = tpu.memref_squeeze %dma_wait3A_258 : memref<1x!tpu.dma_semaphore, #tpu.memory_space<semaphore_mem>> -> memref<!tpu.dma_semaphore, #tpu.memory_space<semaphore_mem>>
      tpu.wait_indirect_dma semaphore(%dma_wait3A_259 : memref<!tpu.dma_semaphore, #tpu.memory_space<semaphore_mem>>) src(%dma_wait3A_257 : memref<51200x32xf32, #tpu.memory_space<hbm>>) dst(%dma_wait3A_243 : memref<128x32xf32, #tpu.memory_space<vmem>>)
      %dma_start3A_260 = arith.constant 0 : i32
      %dma_start3A_261 = arith.constant 0 : i32
      %dma_start3A_262 = arith.constant 0 : i32
      %dma_start3A_263 = arith.constant 0 : i32
      %dma_start3A_264 = arith.constant 0 : i32
      %dma_start3A_265 = tpu.memref_slice %arg10[%dma_start3A_260, %dma_start3A_263, %dma_start3A_264] : memref<4x128x32xf32, #tpu.memory_space<vmem>> -> memref<1x128x32xf32, #tpu.memory_space<vmem>>
      %dma_start3A_266 = tpu.memref_squeeze %dma_start3A_265 : memref<1x128x32xf32, #tpu.memory_space<vmem>> -> memref<128x32xf32, #tpu.memory_space<vmem>>
      %dma_start3A_267 = arith.constant 0 : i32
      %dma_start3A_268 = arith.constant 0 : i32
      %dma_start3A_269 = tpu.memref_slice %arg9[%and3A_103, %dma_start3A_267, %dma_start3A_268] : memref<4x4x128xi32, #tpu.memory_space<vmem>> -> memref<1x4x128xi32, #tpu.memory_space<vmem>>
      %dma_start3A_270 = tpu.memref_squeeze %dma_start3A_269 : memref<1x4x128xi32, #tpu.memory_space<vmem>> -> memref<4x128xi32, #tpu.memory_space<vmem>>
      %dma_start3A_271 = arith.constant 0 : i32
      %dma_start3A_272 = tpu.memref_slice %dma_start3A_270[%dma_start3A_261, %dma_start3A_271] : memref<4x128xi32, #tpu.memory_space<vmem>> -> memref<1x128xi32, #tpu.memory_space<vmem>>
      %dma_start3A_273 = tpu.memref_squeeze %dma_start3A_272 : memref<1x128xi32, #tpu.memory_space<vmem>> -> memref<128xi32, #tpu.memory_space<vmem>>
      %dma_start3A_274 = arith.constant 0 : i32
      %dma_start3A_275 = arith.constant 0 : i32
      %dma_start3A_276 = tpu.memref_slice %arg11[%dma_start3A_274, %dma_start3A_275] : memref<51200x32xf32, #tpu.memory_space<vmem_shared>> -> memref<51200x32xf32, #tpu.memory_space<vmem_shared>>
      %dma_start3A_277 = tpu.memref_slice %arg14[%dma_start3A_262] : memref<4x!tpu.dma_semaphore, #tpu.memory_space<semaphore_mem>> -> memref<1x!tpu.dma_semaphore, #tpu.memory_space<semaphore_mem>>
      %dma_start3A_278 = tpu.memref_squeeze %dma_start3A_277 : memref<1x!tpu.dma_semaphore, #tpu.memory_space<semaphore_mem>> -> memref<!tpu.dma_semaphore, #tpu.memory_space<semaphore_mem>>
      tpu.enqueue_indirect_dma source(%dma_start3A_266 : memref<128x32xf32, #tpu.memory_space<vmem>>) target(%dma_start3A_276 : memref<51200x32xf32, #tpu.memory_space<vmem_shared>>) offsets(%dma_start3A_273 : memref<128xi32, #tpu.memory_space<vmem>>) semaphore(%dma_start3A_278 : memref<!tpu.dma_semaphore, #tpu.memory_space<semaphore_mem>>) {add = true}
      %dma_wait3A_279 = arith.constant 1 : i32
      %dma_wait3A_280 = arith.constant 1 : i32
      %dma_wait3A_281 = arith.constant 1 : i32
      %dma_wait3A_282 = arith.constant 0 : i32
      %dma_wait3A_283 = arith.constant 0 : i32
      %dma_wait3A_284 = tpu.memref_slice %arg10[%dma_wait3A_280, %dma_wait3A_282, %dma_wait3A_283] : memref<4x128x32xf32, #tpu.memory_space<vmem>> -> memref<1x128x32xf32, #tpu.memory_space<vmem>>
      %dma_wait3A_285 = tpu.memref_squeeze %dma_wait3A_284 : memref<1x128x32xf32, #tpu.memory_space<vmem>> -> memref<128x32xf32, #tpu.memory_space<vmem>>
      %dma_wait3A_286 = arith.constant 0 : i32
      %dma_wait3A_287 = arith.constant 0 : i32
      %dma_wait3A_288 = tpu.memref_slice %arg8[%and3A_103, %dma_wait3A_286, %dma_wait3A_287] : memref<4x4x128xi32, #tpu.memory_space<vmem>> -> memref<1x4x128xi32, #tpu.memory_space<vmem>>
      %dma_wait3A_289 = tpu.memref_squeeze %dma_wait3A_288 : memref<1x4x128xi32, #tpu.memory_space<vmem>> -> memref<4x128xi32, #tpu.memory_space<vmem>>
      %dma_wait3A_290 = arith.constant 0 : i32
      %dma_wait3A_291 = tpu.memref_slice %dma_wait3A_289[%dma_wait3A_279, %dma_wait3A_290] : memref<4x128xi32, #tpu.memory_space<vmem>> -> memref<1x128xi32, #tpu.memory_space<vmem>>
      %dma_wait3A_292 = tpu.memref_squeeze %dma_wait3A_291 : memref<1x128xi32, #tpu.memory_space<vmem>> -> memref<128xi32, #tpu.memory_space<vmem>>
      %dma_wait3A_293 = arith.constant 0 : i32
      %dma_wait3A_294 = arith.constant 0 : i32
      %dma_wait3A_295 = tpu.memref_slice %arg4[%arg0, %dma_wait3A_293, %dma_wait3A_294] : memref<2x51200x32xf32, #tpu.memory_space<hbm>> -> memref<1x51200x32xf32, #tpu.memory_space<hbm>>
      %dma_wait3A_296 = tpu.memref_squeeze %dma_wait3A_295 : memref<1x51200x32xf32, #tpu.memory_space<hbm>> -> memref<51200x32xf32, #tpu.memory_space<hbm>>
      %dma_wait3A_297 = arith.constant 0 : i32
      %dma_wait3A_298 = arith.constant 0 : i32
      %dma_wait3A_299 = tpu.memref_slice %dma_wait3A_296[%dma_wait3A_297, %dma_wait3A_298] : memref<51200x32xf32, #tpu.memory_space<hbm>> -> memref<51200x32xf32, #tpu.memory_space<hbm>>
      %dma_wait3A_300 = tpu.memref_slice %arg12[%dma_wait3A_281] : memref<4x!tpu.dma_semaphore, #tpu.memory_space<semaphore_mem>> -> memref<1x!tpu.dma_semaphore, #tpu.memory_space<semaphore_mem>>
      %dma_wait3A_301 = tpu.memref_squeeze %dma_wait3A_300 : memref<1x!tpu.dma_semaphore, #tpu.memory_space<semaphore_mem>> -> memref<!tpu.dma_semaphore, #tpu.memory_space<semaphore_mem>>
      tpu.wait_indirect_dma semaphore(%dma_wait3A_301 : memref<!tpu.dma_semaphore, #tpu.memory_space<semaphore_mem>>) src(%dma_wait3A_299 : memref<51200x32xf32, #tpu.memory_space<hbm>>) dst(%dma_wait3A_285 : memref<128x32xf32, #tpu.memory_space<vmem>>)
      %dma_start3A_302 = arith.constant 1 : i32
      %dma_start3A_303 = arith.constant 1 : i32
      %dma_start3A_304 = arith.constant 1 : i32
      %dma_start3A_305 = arith.constant 0 : i32
      %dma_start3A_306 = arith.constant 0 : i32
      %dma_start3A_307 = tpu.memref_slice %arg10[%dma_start3A_302, %dma_start3A_305, %dma_start3A_306] : memref<4x128x32xf32, #tpu.memory_space<vmem>> -> memref<1x128x32xf32, #tpu.memory_space<vmem>>
      %dma_start3A_308 = tpu.memref_squeeze %dma_start3A_307 : memref<1x128x32xf32, #tpu.memory_space<vmem>> -> memref<128x32xf32, #tpu.memory_space<vmem>>
      %dma_start3A_309 = arith.constant 0 : i32
      %dma_start3A_310 = arith.constant 0 : i32
      %dma_start3A_311 = tpu.memref_slice %arg9[%and3A_103, %dma_start3A_309, %dma_start3A_310] : memref<4x4x128xi32, #tpu.memory_space<vmem>> -> memref<1x4x128xi32, #tpu.memory_space<vmem>>
      %dma_start3A_312 = tpu.memref_squeeze %dma_start3A_311 : memref<1x4x128xi32, #tpu.memory_space<vmem>> -> memref<4x128xi32, #tpu.memory_space<vmem>>
      %dma_start3A_313 = arith.constant 0 : i32
      %dma_start3A_314 = tpu.memref_slice %dma_start3A_312[%dma_start3A_303, %dma_start3A_313] : memref<4x128xi32, #tpu.memory_space<vmem>> -> memref<1x128xi32, #tpu.memory_space<vmem>>
      %dma_start3A_315 = tpu.memref_squeeze %dma_start3A_314 : memref<1x128xi32, #tpu.memory_space<vmem>> -> memref<128xi32, #tpu.memory_space<vmem>>
      %dma_start3A_316 = arith.constant 0 : i32
      %dma_start3A_317 = arith.constant 0 : i32
      %dma_start3A_318 = tpu.memref_slice %arg11[%dma_start3A_316, %dma_start3A_317] : memref<51200x32xf32, #tpu.memory_space<vmem_shared>> -> memref<51200x32xf32, #tpu.memory_space<vmem_shared>>
      %dma_start3A_319 = tpu.memref_slice %arg14[%dma_start3A_304] : memref<4x!tpu.dma_semaphore, #tpu.memory_space<semaphore_mem>> -> memref<1x!tpu.dma_semaphore, #tpu.memory_space<semaphore_mem>>
      %dma_start3A_320 = tpu.memref_squeeze %dma_start3A_319 : memref<1x!tpu.dma_semaphore, #tpu.memory_space<semaphore_mem>> -> memref<!tpu.dma_semaphore, #tpu.memory_space<semaphore_mem>>
      tpu.enqueue_indirect_dma source(%dma_start3A_308 : memref<128x32xf32, #tpu.memory_space<vmem>>) target(%dma_start3A_318 : memref<51200x32xf32, #tpu.memory_space<vmem_shared>>) offsets(%dma_start3A_315 : memref<128xi32, #tpu.memory_space<vmem>>) semaphore(%dma_start3A_320 : memref<!tpu.dma_semaphore, #tpu.memory_space<semaphore_mem>>) {add = true}
      %dma_wait3A_321 = arith.constant 2 : i32
      %dma_wait3A_322 = arith.constant 2 : i32
      %dma_wait3A_323 = arith.constant 2 : i32
      %dma_wait3A_324 = arith.constant 0 : i32
      %dma_wait3A_325 = arith.constant 0 : i32
      %dma_wait3A_326 = tpu.memref_slice %arg10[%dma_wait3A_322, %dma_wait3A_324, %dma_wait3A_325] : memref<4x128x32xf32, #tpu.memory_space<vmem>> -> memref<1x128x32xf32, #tpu.memory_space<vmem>>
      %dma_wait3A_327 = tpu.memref_squeeze %dma_wait3A_326 : memref<1x128x32xf32, #tpu.memory_space<vmem>> -> memref<128x32xf32, #tpu.memory_space<vmem>>
      %dma_wait3A_328 = arith.constant 0 : i32
      %dma_wait3A_329 = arith.constant 0 : i32
      %dma_wait3A_330 = tpu.memref_slice %arg8[%and3A_103, %dma_wait3A_328, %dma_wait3A_329] : memref<4x4x128xi32, #tpu.memory_space<vmem>> -> memref<1x4x128xi32, #tpu.memory_space<vmem>>
      %dma_wait3A_331 = tpu.memref_squeeze %dma_wait3A_330 : memref<1x4x128xi32, #tpu.memory_space<vmem>> -> memref<4x128xi32, #tpu.memory_space<vmem>>
      %dma_wait3A_332 = arith.constant 0 : i32
      %dma_wait3A_333 = tpu.memref_slice %dma_wait3A_331[%dma_wait3A_321, %dma_wait3A_332] : memref<4x128xi32, #tpu.memory_space<vmem>> -> memref<1x128xi32, #tpu.memory_space<vmem>>
      %dma_wait3A_334 = tpu.memref_squeeze %dma_wait3A_333 : memref<1x128xi32, #tpu.memory_space<vmem>> -> memref<128xi32, #tpu.memory_space<vmem>>
      %dma_wait3A_335 = arith.constant 0 : i32
      %dma_wait3A_336 = arith.constant 0 : i32
      %dma_wait3A_337 = tpu.memref_slice %arg4[%arg0, %dma_wait3A_335, %dma_wait3A_336] : memref<2x51200x32xf32, #tpu.memory_space<hbm>> -> memref<1x51200x32xf32, #tpu.memory_space<hbm>>
      %dma_wait3A_338 = tpu.memref_squeeze %dma_wait3A_337 : memref<1x51200x32xf32, #tpu.memory_space<hbm>> -> memref<51200x32xf32, #tpu.memory_space<hbm>>
      %dma_wait3A_339 = arith.constant 0 : i32
      %dma_wait3A_340 = arith.constant 0 : i32
      %dma_wait3A_341 = tpu.memref_slice %dma_wait3A_338[%dma_wait3A_339, %dma_wait3A_340] : memref<51200x32xf32, #tpu.memory_space<hbm>> -> memref<51200x32xf32, #tpu.memory_space<hbm>>
      %dma_wait3A_342 = tpu.memref_slice %arg12[%dma_wait3A_323] : memref<4x!tpu.dma_semaphore, #tpu.memory_space<semaphore_mem>> -> memref<1x!tpu.dma_semaphore, #tpu.memory_space<semaphore_mem>>
      %dma_wait3A_343 = tpu.memref_squeeze %dma_wait3A_342 : memref<1x!tpu.dma_semaphore, #tpu.memory_space<semaphore_mem>> -> memref<!tpu.dma_semaphore, #tpu.memory_space<semaphore_mem>>
      tpu.wait_indirect_dma semaphore(%dma_wait3A_343 : memref<!tpu.dma_semaphore, #tpu.memory_space<semaphore_mem>>) src(%dma_wait3A_341 : memref<51200x32xf32, #tpu.memory_space<hbm>>) dst(%dma_wait3A_327 : memref<128x32xf32, #tpu.memory_space<vmem>>)
      %dma_start3A_344 = arith.constant 2 : i32
      %dma_start3A_345 = arith.constant 2 : i32
      %dma_start3A_346 = arith.constant 2 : i32
      %dma_start3A_347 = arith.constant 0 : i32
      %dma_start3A_348 = arith.constant 0 : i32
      %dma_start3A_349 = tpu.memref_slice %arg10[%dma_start3A_344, %dma_start3A_347, %dma_start3A_348] : memref<4x128x32xf32, #tpu.memory_space<vmem>> -> memref<1x128x32xf32, #tpu.memory_space<vmem>>
      %dma_start3A_350 = tpu.memref_squeeze %dma_start3A_349 : memref<1x128x32xf32, #tpu.memory_space<vmem>> -> memref<128x32xf32, #tpu.memory_space<vmem>>
      %dma_start3A_351 = arith.constant 0 : i32
      %dma_start3A_352 = arith.constant 0 : i32
      %dma_start3A_353 = tpu.memref_slice %arg9[%and3A_103, %dma_start3A_351, %dma_start3A_352] : memref<4x4x128xi32, #tpu.memory_space<vmem>> -> memref<1x4x128xi32, #tpu.memory_space<vmem>>
      %dma_start3A_354 = tpu.memref_squeeze %dma_start3A_353 : memref<1x4x128xi32, #tpu.memory_space<vmem>> -> memref<4x128xi32, #tpu.memory_space<vmem>>
      %dma_start3A_355 = arith.constant 0 : i32
      %dma_start3A_356 = tpu.memref_slice %dma_start3A_354[%dma_start3A_345, %dma_start3A_355] : memref<4x128xi32, #tpu.memory_space<vmem>> -> memref<1x128xi32, #tpu.memory_space<vmem>>
      %dma_start3A_357 = tpu.memref_squeeze %dma_start3A_356 : memref<1x128xi32, #tpu.memory_space<vmem>> -> memref<128xi32, #tpu.memory_space<vmem>>
      %dma_start3A_358 = arith.constant 0 : i32
      %dma_start3A_359 = arith.constant 0 : i32
      %dma_start3A_360 = tpu.memref_slice %arg11[%dma_start3A_358, %dma_start3A_359] : memref<51200x32xf32, #tpu.memory_space<vmem_shared>> -> memref<51200x32xf32, #tpu.memory_space<vmem_shared>>
      %dma_start3A_361 = tpu.memref_slice %arg14[%dma_start3A_346] : memref<4x!tpu.dma_semaphore, #tpu.memory_space<semaphore_mem>> -> memref<1x!tpu.dma_semaphore, #tpu.memory_space<semaphore_mem>>
      %dma_start3A_362 = tpu.memref_squeeze %dma_start3A_361 : memref<1x!tpu.dma_semaphore, #tpu.memory_space<semaphore_mem>> -> memref<!tpu.dma_semaphore, #tpu.memory_space<semaphore_mem>>
      tpu.enqueue_indirect_dma source(%dma_start3A_350 : memref<128x32xf32, #tpu.memory_space<vmem>>) target(%dma_start3A_360 : memref<51200x32xf32, #tpu.memory_space<vmem_shared>>) offsets(%dma_start3A_357 : memref<128xi32, #tpu.memory_space<vmem>>) semaphore(%dma_start3A_362 : memref<!tpu.dma_semaphore, #tpu.memory_space<semaphore_mem>>) {add = true}
      %dma_wait3A_363 = arith.constant 3 : i32
      %dma_wait3A_364 = arith.constant 3 : i32
      %dma_wait3A_365 = arith.constant 3 : i32
      %dma_wait3A_366 = arith.constant 0 : i32
      %dma_wait3A_367 = arith.constant 0 : i32
      %dma_wait3A_368 = tpu.memref_slice %arg10[%dma_wait3A_364, %dma_wait3A_366, %dma_wait3A_367] : memref<4x128x32xf32, #tpu.memory_space<vmem>> -> memref<1x128x32xf32, #tpu.memory_space<vmem>>
      %dma_wait3A_369 = tpu.memref_squeeze %dma_wait3A_368 : memref<1x128x32xf32, #tpu.memory_space<vmem>> -> memref<128x32xf32, #tpu.memory_space<vmem>>
      %dma_wait3A_370 = arith.constant 0 : i32
      %dma_wait3A_371 = arith.constant 0 : i32
      %dma_wait3A_372 = tpu.memref_slice %arg8[%and3A_103, %dma_wait3A_370, %dma_wait3A_371] : memref<4x4x128xi32, #tpu.memory_space<vmem>> -> memref<1x4x128xi32, #tpu.memory_space<vmem>>
      %dma_wait3A_373 = tpu.memref_squeeze %dma_wait3A_372 : memref<1x4x128xi32, #tpu.memory_space<vmem>> -> memref<4x128xi32, #tpu.memory_space<vmem>>
      %dma_wait3A_374 = arith.constant 0 : i32
      %dma_wait3A_375 = tpu.memref_slice %dma_wait3A_373[%dma_wait3A_363, %dma_wait3A_374] : memref<4x128xi32, #tpu.memory_space<vmem>> -> memref<1x128xi32, #tpu.memory_space<vmem>>
      %dma_wait3A_376 = tpu.memref_squeeze %dma_wait3A_375 : memref<1x128xi32, #tpu.memory_space<vmem>> -> memref<128xi32, #tpu.memory_space<vmem>>
      %dma_wait3A_377 = arith.constant 0 : i32
      %dma_wait3A_378 = arith.constant 0 : i32
      %dma_wait3A_379 = tpu.memref_slice %arg4[%arg0, %dma_wait3A_377, %dma_wait3A_378] : memref<2x51200x32xf32, #tpu.memory_space<hbm>> -> memref<1x51200x32xf32, #tpu.memory_space<hbm>>
      %dma_wait3A_380 = tpu.memref_squeeze %dma_wait3A_379 : memref<1x51200x32xf32, #tpu.memory_space<hbm>> -> memref<51200x32xf32, #tpu.memory_space<hbm>>
      %dma_wait3A_381 = arith.constant 0 : i32
      %dma_wait3A_382 = arith.constant 0 : i32
      %dma_wait3A_383 = tpu.memref_slice %dma_wait3A_380[%dma_wait3A_381, %dma_wait3A_382] : memref<51200x32xf32, #tpu.memory_space<hbm>> -> memref<51200x32xf32, #tpu.memory_space<hbm>>
      %dma_wait3A_384 = tpu.memref_slice %arg12[%dma_wait3A_365] : memref<4x!tpu.dma_semaphore, #tpu.memory_space<semaphore_mem>> -> memref<1x!tpu.dma_semaphore, #tpu.memory_space<semaphore_mem>>
      %dma_wait3A_385 = tpu.memref_squeeze %dma_wait3A_384 : memref<1x!tpu.dma_semaphore, #tpu.memory_space<semaphore_mem>> -> memref<!tpu.dma_semaphore, #tpu.memory_space<semaphore_mem>>
      tpu.wait_indirect_dma semaphore(%dma_wait3A_385 : memref<!tpu.dma_semaphore, #tpu.memory_space<semaphore_mem>>) src(%dma_wait3A_383 : memref<51200x32xf32, #tpu.memory_space<hbm>>) dst(%dma_wait3A_369 : memref<128x32xf32, #tpu.memory_space<vmem>>)
      %dma_start3A_386 = arith.constant 3 : i32
      %dma_start3A_387 = arith.constant 3 : i32
      %dma_start3A_388 = arith.constant 3 : i32
      %dma_start3A_389 = arith.constant 0 : i32
      %dma_start3A_390 = arith.constant 0 : i32
      %dma_start3A_391 = tpu.memref_slice %arg10[%dma_start3A_386, %dma_start3A_389, %dma_start3A_390] : memref<4x128x32xf32, #tpu.memory_space<vmem>> -> memref<1x128x32xf32, #tpu.memory_space<vmem>>
      %dma_start3A_392 = tpu.memref_squeeze %dma_start3A_391 : memref<1x128x32xf32, #tpu.memory_space<vmem>> -> memref<128x32xf32, #tpu.memory_space<vmem>>
      %dma_start3A_393 = arith.constant 0 : i32
      %dma_start3A_394 = arith.constant 0 : i32
      %dma_start3A_395 = tpu.memref_slice %arg9[%and3A_103, %dma_start3A_393, %dma_start3A_394] : memref<4x4x128xi32, #tpu.memory_space<vmem>> -> memref<1x4x128xi32, #tpu.memory_space<vmem>>
      %dma_start3A_396 = tpu.memref_squeeze %dma_start3A_395 : memref<1x4x128xi32, #tpu.memory_space<vmem>> -> memref<4x128xi32, #tpu.memory_space<vmem>>
      %dma_start3A_397 = arith.constant 0 : i32
      %dma_start3A_398 = tpu.memref_slice %dma_start3A_396[%dma_start3A_387, %dma_start3A_397] : memref<4x128xi32, #tpu.memory_space<vmem>> -> memref<1x128xi32, #tpu.memory_space<vmem>>
      %dma_start3A_399 = tpu.memref_squeeze %dma_start3A_398 : memref<1x128xi32, #tpu.memory_space<vmem>> -> memref<128xi32, #tpu.memory_space<vmem>>
      %dma_start3A_400 = arith.constant 0 : i32
      %dma_start3A_401 = arith.constant 0 : i32
      %dma_start3A_402 = tpu.memref_slice %arg11[%dma_start3A_400, %dma_start3A_401] : memref<51200x32xf32, #tpu.memory_space<vmem_shared>> -> memref<51200x32xf32, #tpu.memory_space<vmem_shared>>
      %dma_start3A_403 = tpu.memref_slice %arg14[%dma_start3A_388] : memref<4x!tpu.dma_semaphore, #tpu.memory_space<semaphore_mem>> -> memref<1x!tpu.dma_semaphore, #tpu.memory_space<semaphore_mem>>
      %dma_start3A_404 = tpu.memref_squeeze %dma_start3A_403 : memref<1x!tpu.dma_semaphore, #tpu.memory_space<semaphore_mem>> -> memref<!tpu.dma_semaphore, #tpu.memory_space<semaphore_mem>>
      tpu.enqueue_indirect_dma source(%dma_start3A_392 : memref<128x32xf32, #tpu.memory_space<vmem>>) target(%dma_start3A_402 : memref<51200x32xf32, #tpu.memory_space<vmem_shared>>) offsets(%dma_start3A_399 : memref<128xi32, #tpu.memory_space<vmem>>) semaphore(%dma_start3A_404 : memref<!tpu.dma_semaphore, #tpu.memory_space<semaphore_mem>>) {add = true}
      %add3A_405 = arith.constant 2 : i32
      %add3A_406 = arith.addi %scan3A_102, %add3A_405 : i32
      %lt3A = arith.constant 98 : i32
      %lt3A_407 = arith.cmpi slt, %add3A_406, %lt3A : i32
      %convert_element_type3A_408 = arith.extui %lt3A_407 : i1 to i32
      %cond3A_409 = arith.constant 0 : i32
      %cond3A_410 = arith.cmpi ne, %convert_element_type3A_408, %cond3A_409 : i32
      scf.if %cond3A_410 {
        %add3A_487 = arith.constant 2 : i32
        %add3A_488 = arith.addi %scan3A_102, %add3A_487 : i32
        %add3A_489 = arith.addi %mul3A_2, %add3A_488 : i32
        %dma_start3A_490 = arith.constant 0 : i32
        %dma_start3A_491 = arith.constant 0 : i32
        %dma_start3A_492 = tpu.memref_slice %arg8[%and3A_107, %dma_start3A_490, %dma_start3A_491] : memref<4x4x128xi32, #tpu.memory_space<vmem>> -> memref<1x4x128xi32, #tpu.memory_space<vmem>>
        %dma_start3A_493 = tpu.memref_squeeze %dma_start3A_492 : memref<1x4x128xi32, #tpu.memory_space<vmem>> -> memref<4x128xi32, #tpu.memory_space<vmem>>
        %dma_start3A_494 = arith.constant 0 : i32
        %dma_start3A_495 = arith.constant 0 : i32
        %dma_start3A_496 = tpu.memref_slice %arg2[%add3A_489, %dma_start3A_494, %dma_start3A_495] : memref<1568x4x128xi32, #tpu.memory_space<hbm>> -> memref<1x4x128xi32, #tpu.memory_space<hbm>>
        %dma_start3A_497 = tpu.memref_squeeze %dma_start3A_496 : memref<1x4x128xi32, #tpu.memory_space<hbm>> -> memref<4x128xi32, #tpu.memory_space<hbm>>
        %dma_start3A_498 = tpu.memref_slice %arg13[%and3A_107] : memref<4x!tpu.dma_semaphore, #tpu.memory_space<semaphore_mem>> -> memref<1x!tpu.dma_semaphore, #tpu.memory_space<semaphore_mem>>
        %dma_start3A_499 = tpu.memref_squeeze %dma_start3A_498 : memref<1x!tpu.dma_semaphore, #tpu.memory_space<semaphore_mem>> -> memref<!tpu.dma_semaphore, #tpu.memory_space<semaphore_mem>>
        %dma_start3A_500 = arith.constant 0 : i32
        %dma_start3A_501 = arith.constant 0 : i32
        %dma_start3A_502 = tpu.memref_slice %arg8[%and3A_107, %dma_start3A_500, %dma_start3A_501] : memref<4x4x128xi32, #tpu.memory_space<vmem>> -> memref<1x4x128xi32, #tpu.memory_space<vmem>>
        %dma_start3A_503 = tpu.memref_squeeze %dma_start3A_502 : memref<1x4x128xi32, #tpu.memory_space<vmem>> -> memref<4x128xi32, #tpu.memory_space<vmem>>
        %dma_start3A_504 = arith.constant 0 : i32
        %dma_start3A_505 = arith.constant 0 : i32
        %dma_start3A_506 = tpu.memref_slice %arg2[%add3A_489, %dma_start3A_504, %dma_start3A_505] : memref<1568x4x128xi32, #tpu.memory_space<hbm>> -> memref<1x4x128xi32, #tpu.memory_space<hbm>>
        %dma_start3A_507 = tpu.memref_squeeze %dma_start3A_506 : memref<1x4x128xi32, #tpu.memory_space<hbm>> -> memref<4x128xi32, #tpu.memory_space<hbm>>
        tpu.enqueue_dma source(%dma_start3A_507 : memref<4x128xi32, #tpu.memory_space<hbm>>) target(%dma_start3A_503 : memref<4x128xi32, #tpu.memory_space<vmem>>) target_semaphore(%dma_start3A_499 : memref<!tpu.dma_semaphore, #tpu.memory_space<semaphore_mem>>)
        %add3A_508 = arith.addi %mul3A_2, %add3A_488 : i32
        %dma_start3A_509 = arith.constant 0 : i32
        %dma_start3A_510 = arith.constant 0 : i32
        %dma_start3A_511 = tpu.memref_slice %arg9[%and3A_107, %dma_start3A_509, %dma_start3A_510] : memref<4x4x128xi32, #tpu.memory_space<vmem>> -> memref<1x4x128xi32, #tpu.memory_space<vmem>>
        %dma_start3A_512 = tpu.memref_squeeze %dma_start3A_511 : memref<1x4x128xi32, #tpu.memory_space<vmem>> -> memref<4x128xi32, #tpu.memory_space<vmem>>
        %dma_start3A_513 = arith.constant 0 : i32
        %dma_start3A_514 = arith.constant 0 : i32
        %dma_start3A_515 = tpu.memref_slice %arg3[%add3A_508, %dma_start3A_513, %dma_start3A_514] : memref<1568x4x128xi32, #tpu.memory_space<hbm>> -> memref<1x4x128xi32, #tpu.memory_space<hbm>>
        %dma_start3A_516 = tpu.memref_squeeze %dma_start3A_515 : memref<1x4x128xi32, #tpu.memory_space<hbm>> -> memref<4x128xi32, #tpu.memory_space<hbm>>
        %dma_start3A_517 = tpu.memref_slice %arg13[%and3A_107] : memref<4x!tpu.dma_semaphore, #tpu.memory_space<semaphore_mem>> -> memref<1x!tpu.dma_semaphore, #tpu.memory_space<semaphore_mem>>
        %dma_start3A_518 = tpu.memref_squeeze %dma_start3A_517 : memref<1x!tpu.dma_semaphore, #tpu.memory_space<semaphore_mem>> -> memref<!tpu.dma_semaphore, #tpu.memory_space<semaphore_mem>>
        %dma_start3A_519 = arith.constant 0 : i32
        %dma_start3A_520 = arith.constant 0 : i32
        %dma_start3A_521 = tpu.memref_slice %arg9[%and3A_107, %dma_start3A_519, %dma_start3A_520] : memref<4x4x128xi32, #tpu.memory_space<vmem>> -> memref<1x4x128xi32, #tpu.memory_space<vmem>>
        %dma_start3A_522 = tpu.memref_squeeze %dma_start3A_521 : memref<1x4x128xi32, #tpu.memory_space<vmem>> -> memref<4x128xi32, #tpu.memory_space<vmem>>
        %dma_start3A_523 = arith.constant 0 : i32
        %dma_start3A_524 = arith.constant 0 : i32
        %dma_start3A_525 = tpu.memref_slice %arg3[%add3A_508, %dma_start3A_523, %dma_start3A_524] : memref<1568x4x128xi32, #tpu.memory_space<hbm>> -> memref<1x4x128xi32, #tpu.memory_space<hbm>>
        %dma_start3A_526 = tpu.memref_squeeze %dma_start3A_525 : memref<1x4x128xi32, #tpu.memory_space<hbm>> -> memref<4x128xi32, #tpu.memory_space<hbm>>
        tpu.enqueue_dma source(%dma_start3A_526 : memref<4x128xi32, #tpu.memory_space<hbm>>) target(%dma_start3A_522 : memref<4x128xi32, #tpu.memory_space<vmem>>) target_semaphore(%dma_start3A_518 : memref<!tpu.dma_semaphore, #tpu.memory_space<semaphore_mem>>)
      } else {
      }
      %dma_wait3A_411 = arith.constant 0 : i32
      %dma_wait3A_412 = arith.constant 0 : i32
      %dma_wait3A_413 = arith.constant 0 : i32
      %dma_wait3A_414 = arith.constant 0 : i32
      %dma_wait3A_415 = arith.constant 0 : i32
      %dma_wait3A_416 = tpu.memref_slice %arg10[%dma_wait3A_411, %dma_wait3A_414, %dma_wait3A_415] : memref<4x128x32xf32, #tpu.memory_space<vmem>> -> memref<1x128x32xf32, #tpu.memory_space<vmem>>
      %dma_wait3A_417 = tpu.memref_squeeze %dma_wait3A_416 : memref<1x128x32xf32, #tpu.memory_space<vmem>> -> memref<128x32xf32, #tpu.memory_space<vmem>>
      %dma_wait3A_418 = arith.constant 0 : i32
      %dma_wait3A_419 = arith.constant 0 : i32
      %dma_wait3A_420 = tpu.memref_slice %arg9[%and3A_103, %dma_wait3A_418, %dma_wait3A_419] : memref<4x4x128xi32, #tpu.memory_space<vmem>> -> memref<1x4x128xi32, #tpu.memory_space<vmem>>
      %dma_wait3A_421 = tpu.memref_squeeze %dma_wait3A_420 : memref<1x4x128xi32, #tpu.memory_space<vmem>> -> memref<4x128xi32, #tpu.memory_space<vmem>>
      %dma_wait3A_422 = arith.constant 0 : i32
      %dma_wait3A_423 = tpu.memref_slice %dma_wait3A_421[%dma_wait3A_412, %dma_wait3A_422] : memref<4x128xi32, #tpu.memory_space<vmem>> -> memref<1x128xi32, #tpu.memory_space<vmem>>
      %dma_wait3A_424 = tpu.memref_squeeze %dma_wait3A_423 : memref<1x128xi32, #tpu.memory_space<vmem>> -> memref<128xi32, #tpu.memory_space<vmem>>
      %dma_wait3A_425 = arith.constant 0 : i32
      %dma_wait3A_426 = arith.constant 0 : i32
      %dma_wait3A_427 = tpu.memref_slice %arg11[%dma_wait3A_425, %dma_wait3A_426] : memref<51200x32xf32, #tpu.memory_space<vmem_shared>> -> memref<51200x32xf32, #tpu.memory_space<vmem_shared>>
      %dma_wait3A_428 = tpu.memref_slice %arg14[%dma_wait3A_413] : memref<4x!tpu.dma_semaphore, #tpu.memory_space<semaphore_mem>> -> memref<1x!tpu.dma_semaphore, #tpu.memory_space<semaphore_mem>>
      %dma_wait3A_429 = tpu.memref_squeeze %dma_wait3A_428 : memref<1x!tpu.dma_semaphore, #tpu.memory_space<semaphore_mem>> -> memref<!tpu.dma_semaphore, #tpu.memory_space<semaphore_mem>>
      tpu.wait_indirect_dma semaphore(%dma_wait3A_429 : memref<!tpu.dma_semaphore, #tpu.memory_space<semaphore_mem>>) src(%dma_wait3A_417 : memref<128x32xf32, #tpu.memory_space<vmem>>) dst(%dma_wait3A_427 : memref<51200x32xf32, #tpu.memory_space<vmem_shared>>)
      %dma_wait3A_430 = arith.constant 1 : i32
      %dma_wait3A_431 = arith.constant 1 : i32
      %dma_wait3A_432 = arith.constant 1 : i32
      %dma_wait3A_433 = arith.constant 0 : i32
      %dma_wait3A_434 = arith.constant 0 : i32
      %dma_wait3A_435 = tpu.memref_slice %arg10[%dma_wait3A_430, %dma_wait3A_433, %dma_wait3A_434] : memref<4x128x32xf32, #tpu.memory_space<vmem>> -> memref<1x128x32xf32, #tpu.memory_space<vmem>>
      %dma_wait3A_436 = tpu.memref_squeeze %dma_wait3A_435 : memref<1x128x32xf32, #tpu.memory_space<vmem>> -> memref<128x32xf32, #tpu.memory_space<vmem>>
      %dma_wait3A_437 = arith.constant 0 : i32
      %dma_wait3A_438 = arith.constant 0 : i32
      %dma_wait3A_439 = tpu.memref_slice %arg9[%and3A_103, %dma_wait3A_437, %dma_wait3A_438] : memref<4x4x128xi32, #tpu.memory_space<vmem>> -> memref<1x4x128xi32, #tpu.memory_space<vmem>>
      %dma_wait3A_440 = tpu.memref_squeeze %dma_wait3A_439 : memref<1x4x128xi32, #tpu.memory_space<vmem>> -> memref<4x128xi32, #tpu.memory_space<vmem>>
      %dma_wait3A_441 = arith.constant 0 : i32
      %dma_wait3A_442 = tpu.memref_slice %dma_wait3A_440[%dma_wait3A_431, %dma_wait3A_441] : memref<4x128xi32, #tpu.memory_space<vmem>> -> memref<1x128xi32, #tpu.memory_space<vmem>>
      %dma_wait3A_443 = tpu.memref_squeeze %dma_wait3A_442 : memref<1x128xi32, #tpu.memory_space<vmem>> -> memref<128xi32, #tpu.memory_space<vmem>>
      %dma_wait3A_444 = arith.constant 0 : i32
      %dma_wait3A_445 = arith.constant 0 : i32
      %dma_wait3A_446 = tpu.memref_slice %arg11[%dma_wait3A_444, %dma_wait3A_445] : memref<51200x32xf32, #tpu.memory_space<vmem_shared>> -> memref<51200x32xf32, #tpu.memory_space<vmem_shared>>
      %dma_wait3A_447 = tpu.memref_slice %arg14[%dma_wait3A_432] : memref<4x!tpu.dma_semaphore, #tpu.memory_space<semaphore_mem>> -> memref<1x!tpu.dma_semaphore, #tpu.memory_space<semaphore_mem>>
      %dma_wait3A_448 = tpu.memref_squeeze %dma_wait3A_447 : memref<1x!tpu.dma_semaphore, #tpu.memory_space<semaphore_mem>> -> memref<!tpu.dma_semaphore, #tpu.memory_space<semaphore_mem>>
      tpu.wait_indirect_dma semaphore(%dma_wait3A_448 : memref<!tpu.dma_semaphore, #tpu.memory_space<semaphore_mem>>) src(%dma_wait3A_436 : memref<128x32xf32, #tpu.memory_space<vmem>>) dst(%dma_wait3A_446 : memref<51200x32xf32, #tpu.memory_space<vmem_shared>>)
      %dma_wait3A_449 = arith.constant 2 : i32
      %dma_wait3A_450 = arith.constant 2 : i32
      %dma_wait3A_451 = arith.constant 2 : i32
      %dma_wait3A_452 = arith.constant 0 : i32
      %dma_wait3A_453 = arith.constant 0 : i32
      %dma_wait3A_454 = tpu.memref_slice %arg10[%dma_wait3A_449, %dma_wait3A_452, %dma_wait3A_453] : memref<4x128x32xf32, #tpu.memory_space<vmem>> -> memref<1x128x32xf32, #tpu.memory_space<vmem>>
      %dma_wait3A_455 = tpu.memref_squeeze %dma_wait3A_454 : memref<1x128x32xf32, #tpu.memory_space<vmem>> -> memref<128x32xf32, #tpu.memory_space<vmem>>
      %dma_wait3A_456 = arith.constant 0 : i32
      %dma_wait3A_457 = arith.constant 0 : i32
      %dma_wait3A_458 = tpu.memref_slice %arg9[%and3A_103, %dma_wait3A_456, %dma_wait3A_457] : memref<4x4x128xi32, #tpu.memory_space<vmem>> -> memref<1x4x128xi32, #tpu.memory_space<vmem>>
      %dma_wait3A_459 = tpu.memref_squeeze %dma_wait3A_458 : memref<1x4x128xi32, #tpu.memory_space<vmem>> -> memref<4x128xi32, #tpu.memory_space<vmem>>
      %dma_wait3A_460 = arith.constant 0 : i32
      %dma_wait3A_461 = tpu.memref_slice %dma_wait3A_459[%dma_wait3A_450, %dma_wait3A_460] : memref<4x128xi32, #tpu.memory_space<vmem>> -> memref<1x128xi32, #tpu.memory_space<vmem>>
      %dma_wait3A_462 = tpu.memref_squeeze %dma_wait3A_461 : memref<1x128xi32, #tpu.memory_space<vmem>> -> memref<128xi32, #tpu.memory_space<vmem>>
      %dma_wait3A_463 = arith.constant 0 : i32
      %dma_wait3A_464 = arith.constant 0 : i32
      %dma_wait3A_465 = tpu.memref_slice %arg11[%dma_wait3A_463, %dma_wait3A_464] : memref<51200x32xf32, #tpu.memory_space<vmem_shared>> -> memref<51200x32xf32, #tpu.memory_space<vmem_shared>>
      %dma_wait3A_466 = tpu.memref_slice %arg14[%dma_wait3A_451] : memref<4x!tpu.dma_semaphore, #tpu.memory_space<semaphore_mem>> -> memref<1x!tpu.dma_semaphore, #tpu.memory_space<semaphore_mem>>
      %dma_wait3A_467 = tpu.memref_squeeze %dma_wait3A_466 : memref<1x!tpu.dma_semaphore, #tpu.memory_space<semaphore_mem>> -> memref<!tpu.dma_semaphore, #tpu.memory_space<semaphore_mem>>
      tpu.wait_indirect_dma semaphore(%dma_wait3A_467 : memref<!tpu.dma_semaphore, #tpu.memory_space<semaphore_mem>>) src(%dma_wait3A_455 : memref<128x32xf32, #tpu.memory_space<vmem>>) dst(%dma_wait3A_465 : memref<51200x32xf32, #tpu.memory_space<vmem_shared>>)
      %dma_wait3A_468 = arith.constant 3 : i32
      %dma_wait3A_469 = arith.constant 3 : i32
      %dma_wait3A_470 = arith.constant 3 : i32
      %dma_wait3A_471 = arith.constant 0 : i32
      %dma_wait3A_472 = arith.constant 0 : i32
      %dma_wait3A_473 = tpu.memref_slice %arg10[%dma_wait3A_468, %dma_wait3A_471, %dma_wait3A_472] : memref<4x128x32xf32, #tpu.memory_space<vmem>> -> memref<1x128x32xf32, #tpu.memory_space<vmem>>
      %dma_wait3A_474 = tpu.memref_squeeze %dma_wait3A_473 : memref<1x128x32xf32, #tpu.memory_space<vmem>> -> memref<128x32xf32, #tpu.memory_space<vmem>>
      %dma_wait3A_475 = arith.constant 0 : i32
      %dma_wait3A_476 = arith.constant 0 : i32
      %dma_wait3A_477 = tpu.memref_slice %arg9[%and3A_103, %dma_wait3A_475, %dma_wait3A_476] : memref<4x4x128xi32, #tpu.memory_space<vmem>> -> memref<1x4x128xi32, #tpu.memory_space<vmem>>
      %dma_wait3A_478 = tpu.memref_squeeze %dma_wait3A_477 : memref<1x4x128xi32, #tpu.memory_space<vmem>> -> memref<4x128xi32, #tpu.memory_space<vmem>>
      %dma_wait3A_479 = arith.constant 0 : i32
      %dma_wait3A_480 = tpu.memref_slice %dma_wait3A_478[%dma_wait3A_469, %dma_wait3A_479] : memref<4x128xi32, #tpu.memory_space<vmem>> -> memref<1x128xi32, #tpu.memory_space<vmem>>
      %dma_wait3A_481 = tpu.memref_squeeze %dma_wait3A_480 : memref<1x128xi32, #tpu.memory_space<vmem>> -> memref<128xi32, #tpu.memory_space<vmem>>
      %dma_wait3A_482 = arith.constant 0 : i32
      %dma_wait3A_483 = arith.constant 0 : i32
      %dma_wait3A_484 = tpu.memref_slice %arg11[%dma_wait3A_482, %dma_wait3A_483] : memref<51200x32xf32, #tpu.memory_space<vmem_shared>> -> memref<51200x32xf32, #tpu.memory_space<vmem_shared>>
      %dma_wait3A_485 = tpu.memref_slice %arg14[%dma_wait3A_470] : memref<4x!tpu.dma_semaphore, #tpu.memory_space<semaphore_mem>> -> memref<1x!tpu.dma_semaphore, #tpu.memory_space<semaphore_mem>>
      %dma_wait3A_486 = tpu.memref_squeeze %dma_wait3A_485 : memref<1x!tpu.dma_semaphore, #tpu.memory_space<semaphore_mem>> -> memref<!tpu.dma_semaphore, #tpu.memory_space<semaphore_mem>>
      tpu.wait_indirect_dma semaphore(%dma_wait3A_486 : memref<!tpu.dma_semaphore, #tpu.memory_space<semaphore_mem>>) src(%dma_wait3A_474 : memref<128x32xf32, #tpu.memory_space<vmem>>) dst(%dma_wait3A_484 : memref<51200x32xf32, #tpu.memory_space<vmem_shared>>)
    }
    %scan3A_93 = arith.constant 98 : i32
    %barrier3A_94 = arith.constant 0 : index
    tpu.barrier barrier_id(%barrier3A_94)
    %eq3A = arith.constant 0 : i32
    %eq3A_95 = arith.cmpi eq, %arg0, %eq3A : i32
    %convert_element_type3A = arith.extui %eq3A_95 : i1 to i32
    %cond3A = arith.constant 0 : i32
    %cond3A_96 = arith.cmpi ne, %convert_element_type3A, %cond3A : i32
    scf.if %cond3A_96 {
      "tpu.region"() ({
        %run_scoped3A = tpu.sem_alloc : memref<!tpu.dma_semaphore, #tpu.memory_space<semaphore_mem>>
        %dma_start3A_102 = arith.constant 0 : i32
        %dma_start3A_103 = tpu.memref_slice %arg6[%mul3A_0, %dma_start3A_102] : memref<51200x32xf32, #tpu.memory_space<hbm>> -> memref<3200x32xf32, #tpu.memory_space<hbm>>
        %dma_start3A_104 = arith.constant 0 : i32
        %dma_start3A_105 = tpu.memref_slice %arg11[%mul3A_0, %dma_start3A_104] : memref<51200x32xf32, #tpu.memory_space<vmem_shared>> -> memref<3200x32xf32, #tpu.memory_space<vmem_shared>>
        tpu.enqueue_dma source(%dma_start3A_105 : memref<3200x32xf32, #tpu.memory_space<vmem_shared>>) target(%dma_start3A_103 : memref<3200x32xf32, #tpu.memory_space<hbm>>) target_semaphore(%run_scoped3A : memref<!tpu.dma_semaphore, #tpu.memory_space<semaphore_mem>>)
        %dma_wait3A = arith.constant 0 : i32
        %dma_wait3A_106 = tpu.memref_slice %arg6[%mul3A_0, %dma_wait3A] : memref<51200x32xf32, #tpu.memory_space<hbm>> -> memref<3200x32xf32, #tpu.memory_space<hbm>>
        %dma_wait3A_107 = arith.constant 0 : i32
        %dma_wait3A_108 = tpu.memref_slice %arg11[%mul3A_0, %dma_wait3A_107] : memref<51200x32xf32, #tpu.memory_space<vmem_shared>> -> memref<3200x32xf32, #tpu.memory_space<vmem_shared>>
        tpu.wait_dma2 semaphore(%run_scoped3A : memref<!tpu.dma_semaphore, #tpu.memory_space<semaphore_mem>>) src(%dma_wait3A_108 : memref<3200x32xf32, #tpu.memory_space<vmem_shared>>) dst(%dma_wait3A_106 : memref<3200x32xf32, #tpu.memory_space<hbm>>)
        tpu.yield
      }) : () -> ()
    } else {
    }
    %eq3A_97 = arith.constant 1 : i32
    %eq3A_98 = arith.cmpi eq, %arg0, %eq3A_97 : i32
    %convert_element_type3A_99 = arith.extui %eq3A_98 : i1 to i32
    %cond3A_100 = arith.constant 0 : i32
    %cond3A_101 = arith.cmpi ne, %convert_element_type3A_99, %cond3A_100 : i32
    scf.if %cond3A_101 {
      "tpu.region"() ({
        %run_scoped3A = tpu.sem_alloc : memref<!tpu.dma_semaphore, #tpu.memory_space<semaphore_mem>>
        %dma_start3A_102 = arith.constant 0 : i32
        %dma_start3A_103 = tpu.memref_slice %arg7[%mul3A_0, %dma_start3A_102] : memref<51200x32xf32, #tpu.memory_space<hbm>> -> memref<3200x32xf32, #tpu.memory_space<hbm>>
        %dma_start3A_104 = arith.constant 0 : i32
        %dma_start3A_105 = tpu.memref_slice %arg11[%mul3A_0, %dma_start3A_104] : memref<51200x32xf32, #tpu.memory_space<vmem_shared>> -> memref<3200x32xf32, #tpu.memory_space<vmem_shared>>
        tpu.enqueue_dma source(%dma_start3A_105 : memref<3200x32xf32, #tpu.memory_space<vmem_shared>>) target(%dma_start3A_103 : memref<3200x32xf32, #tpu.memory_space<hbm>>) target_semaphore(%run_scoped3A : memref<!tpu.dma_semaphore, #tpu.memory_space<semaphore_mem>>)
        %dma_wait3A = arith.constant 0 : i32
        %dma_wait3A_106 = tpu.memref_slice %arg7[%mul3A_0, %dma_wait3A] : memref<51200x32xf32, #tpu.memory_space<hbm>> -> memref<3200x32xf32, #tpu.memory_space<hbm>>
        %dma_wait3A_107 = arith.constant 0 : i32
        %dma_wait3A_108 = tpu.memref_slice %arg11[%mul3A_0, %dma_wait3A_107] : memref<51200x32xf32, #tpu.memory_space<vmem_shared>> -> memref<3200x32xf32, #tpu.memory_space<vmem_shared>>
        tpu.wait_dma2 semaphore(%run_scoped3A : memref<!tpu.dma_semaphore, #tpu.memory_space<semaphore_mem>>) src(%dma_wait3A_108 : memref<3200x32xf32, #tpu.memory_space<vmem_shared>>) dst(%dma_wait3A_106 : memref<3200x32xf32, #tpu.memory_space<hbm>>)
        tpu.yield
      }) : () -> ()
    } else {
    }
    return
  }
}

module attributes {stable_mosaic.version = 14 : i64} {
  func.func @body(%arg0: i32, %arg1: memref<3200x1xf32, #tpu.memory_space<vmem>>, %arg2: memref<3200x1xf32, #tpu.memory_space<vmem>>, %arg3: memref<3200x3xf32, #tpu.memory_space<vmem>>, %arg4: memref<3x16xf32, #tpu.memory_space<vmem>>, %arg5: memref<3200x1xf32, #tpu.memory_space<vmem>>, %arg6: memref<3200x16xf32, #tpu.memory_space<vmem>>) attributes {dimension_semantics = [#tpu.dimension_semantics<arbitrary>], iteration_bounds = array<i64: 16>, scalar_prefetch = 0 : i64, scratch_operands = 0 : i64, tpu.core_type = #tpu.core_type<tc>, window_params = [{transform_indices = @transform_0, window_bounds = array<i64: 3200, 1>}, {transform_indices = @transform_1, window_bounds = array<i64: 3200, 1>}, {transform_indices = @transform_2, window_bounds = array<i64: 3200, 3>}, {pipeline_mode = #tpu.pipeline_mode<synchronous>, transform_indices = @transform_3, window_bounds = array<i64: 3, 16>}, {transform_indices = @transform_4, window_bounds = array<i64: 3200, 1>}, {transform_indices = @transform_5, window_bounds = array<i64: 3200, 16>}]} {
    %get3A = arith.constant 0 : index
    %get3A_0 = arith.constant 0 : index
    %get3A_1 = vector.load %arg1[%get3A, %get3A_0] : memref<3200x1xf32, #tpu.memory_space<vmem>>, vector<3200x1xf32>
    %get3A_2 = arith.constant 0 : index
    %get3A_3 = arith.constant 0 : index
    %get3A_4 = vector.load %arg2[%get3A_2, %get3A_3] : memref<3200x1xf32, #tpu.memory_space<vmem>>, vector<3200x1xf32>
    %add3A = arith.addf %get3A_1, %get3A_4 : vector<3200x1xf32>
    %add3A_5 = arith.constant 1.000000e+00 : f32
    %add3A_6 = vector.broadcast %add3A_5 : f32 to vector<3200x1xf32>
    %add3A_7 = arith.addf %add3A, %add3A_6 : vector<3200x1xf32>
    %rsqrt3A = math.rsqrt %add3A_7 : vector<3200x1xf32>
    %swap3A = arith.constant 0 : index
    %swap3A_8 = arith.constant 0 : index
    %swap3A_9 = vector.load %arg5[%swap3A, %swap3A_8] : memref<3200x1xf32, #tpu.memory_space<vmem>>, vector<3200x1xf32>
    tpu.vector_store %arg5[%swap3A, %swap3A_8], %rsqrt3A {strides = array<i32>} : memref<3200x1xf32, #tpu.memory_space<vmem>>, vector<3200x1xf32>,
    %get3A_10 = arith.constant 0 : index
    %get3A_11 = arith.constant 0 : index
    %get3A_12 = vector.load %arg3[%get3A_10, %get3A_11] : memref<3200x3xf32, #tpu.memory_space<vmem>>, vector<3200x3xf32>
    %get3A_13 = arith.constant 0 : index
    %get3A_14 = arith.constant 0 : index
    %get3A_15 = vector.load %arg4[%get3A_13, %get3A_14] : memref<3x16xf32, #tpu.memory_space<vmem>>, vector<3x16xf32>
    %dot_general3A = arith.constant dense<0.000000e+00> : vector<3200x16xf32>
    %dot_general3A_16 = tpu.matmul %get3A_12, %get3A_15, %dot_general3A {dimension_numbers = #tpu.dot_dimension_numbers<[1], [0], [0], [1], [0, 0, 1, 1], [], []>, transpose_lhs_hint = false} : vector<3200x3xf32>, vector<3x16xf32>, vector<3200x16xf32> -> vector<3200x16xf32>
    %mul3A = vector.broadcast %rsqrt3A : vector<3200x1xf32> to vector<3200x16xf32>
    %mul3A_17 = arith.mulf %dot_general3A_16, %mul3A : vector<3200x16xf32>
    %swap3A_18 = arith.constant 0 : index
    %swap3A_19 = arith.constant 0 : index
    %swap3A_20 = vector.load %arg6[%swap3A_18, %swap3A_19] : memref<3200x16xf32, #tpu.memory_space<vmem>>, vector<3200x16xf32>
    tpu.vector_store %arg6[%swap3A_18, %swap3A_19], %mul3A_17 {strides = array<i32>} : memref<3200x16xf32, #tpu.memory_space<vmem>>, vector<3200x16xf32>,
    return
  }
  func.func @transform_0(%arg0: i32) -> (i32, i32) {
    %c0_i32 = arith.constant 0 : i32
    %c0_i32_0 = arith.constant 0 : i32
    return %arg0, %c0_i32 : i32, i32
  }
  func.func @transform_1(%arg0: i32) -> (i32, i32) {
    %c0_i32 = arith.constant 0 : i32
    %c0_i32_0 = arith.constant 0 : i32
    return %arg0, %c0_i32 : i32, i32
  }
  func.func @transform_2(%arg0: i32) -> (i32, i32) {
    %c0_i32 = arith.constant 0 : i32
    %c0_i32_0 = arith.constant 0 : i32
    return %arg0, %c0_i32 : i32, i32
  }
  func.func @transform_3(%arg0: i32) -> (i32, i32) {
    %c0_i32 = arith.constant 0 : i32
    %c0_i32_0 = arith.constant 0 : i32
    %c0_i32_1 = arith.constant 0 : i32
    return %c0_i32, %c0_i32_0 : i32, i32
  }
  func.func @transform_4(%arg0: i32) -> (i32, i32) {
    %c0_i32 = arith.constant 0 : i32
    %c0_i32_0 = arith.constant 0 : i32
    return %arg0, %c0_i32 : i32, i32
  }
  func.func @transform_5(%arg0: i32) -> (i32, i32) {
    %c0_i32 = arith.constant 0 : i32
    %c0_i32_0 = arith.constant 0 : i32
    return %arg0, %c0_i32 : i32, i32
  }
}

module attributes {stable_mosaic.version = 14 : i64} {
  func.func @body(%arg0: i32, %arg1: memref<3200x16xf32, #tpu.memory_space<vmem>>, %arg2: memref<3200x16xf32, #tpu.memory_space<vmem>>, %arg3: memref<3200x16xf32, #tpu.memory_space<vmem>>, %arg4: memref<3200x1xf32, #tpu.memory_space<vmem>>, %arg5: memref<16x64xf32, #tpu.memory_space<vmem>>, %arg6: memref<16xf32, #tpu.memory_space<vmem>>, %arg7: memref<2x3200x32xf32, #tpu.memory_space<vmem>>) attributes {dimension_semantics = [#tpu.dimension_semantics<arbitrary>], iteration_bounds = array<i64: 16>, scalar_prefetch = 0 : i64, scratch_operands = 0 : i64, tpu.core_type = #tpu.core_type<tc>, window_params = [{transform_indices = @transform_0, window_bounds = array<i64: 3200, 16>}, {transform_indices = @transform_1, window_bounds = array<i64: 3200, 16>}, {transform_indices = @transform_2, window_bounds = array<i64: 3200, 16>}, {transform_indices = @transform_3, window_bounds = array<i64: 3200, 1>}, {pipeline_mode = #tpu.pipeline_mode<synchronous>, transform_indices = @transform_4, window_bounds = array<i64: 16, 64>}, {pipeline_mode = #tpu.pipeline_mode<synchronous>, transform_indices = @transform_5, window_bounds = array<i64: 16>}, {transform_indices = @transform_6, window_bounds = array<i64: 2, 3200, 32>}]} {
    %get3A = arith.constant 0 : index
    %get3A_0 = arith.constant 0 : index
    %get3A_1 = vector.load %arg4[%get3A, %get3A_0] : memref<3200x1xf32, #tpu.memory_space<vmem>>, vector<3200x1xf32>
    %get3A_2 = arith.constant 0 : index
    %get3A_3 = arith.constant 0 : index
    %get3A_4 = vector.load %arg1[%get3A_2, %get3A_3] : memref<3200x16xf32, #tpu.memory_space<vmem>>, vector<3200x16xf32>
    %get3A_5 = arith.constant 0 : index
    %get3A_6 = arith.constant 0 : index
    %get3A_7 = vector.load %arg2[%get3A_5, %get3A_6] : memref<3200x16xf32, #tpu.memory_space<vmem>>, vector<3200x16xf32>
    %add3A = arith.addf %get3A_4, %get3A_7 : vector<3200x16xf32>
    %get3A_8 = arith.constant 0 : index
    %get3A_9 = arith.constant 0 : index
    %get3A_10 = vector.load %arg3[%get3A_8, %get3A_9] : memref<3200x16xf32, #tpu.memory_space<vmem>>, vector<3200x16xf32>
    %add3A_11 = arith.addf %add3A, %get3A_10 : vector<3200x16xf32>
    %mul3A = vector.broadcast %get3A_1 : vector<3200x1xf32> to vector<3200x16xf32>
    %mul3A_12 = arith.mulf %mul3A, %add3A_11 : vector<3200x16xf32>
    %get3A_13 = arith.constant 0 : index
    %get3A_14 = vector.load %arg6[%get3A_13] : memref<16xf32, #tpu.memory_space<vmem>>, vector<16xf32>
    %broadcast_in_dim3A = vector.shape_cast %get3A_14 : vector<16xf32> to vector<1x16xf32>
    %add3A_15 = vector.broadcast %broadcast_in_dim3A : vector<1x16xf32> to vector<3200x16xf32>
    %add3A_16 = arith.addf %mul3A_12, %add3A_15 : vector<3200x16xf32>
    %max3A = arith.constant 0.000000e+00 : f32
    %max3A_17 = vector.broadcast %max3A : f32 to vector<3200x16xf32>
    %max3A_18 = arith.maximumf %add3A_16, %max3A_17 : vector<3200x16xf32>
    %get3A_19 = arith.constant 0 : index
    %get3A_20 = arith.constant 0 : index
    %get3A_21 = vector.load %arg5[%get3A_19, %get3A_20] : memref<16x64xf32, #tpu.memory_space<vmem>>, vector<16x64xf32>
    %dot_general3A = arith.constant dense<0.000000e+00> : vector<3200x64xf32>
    %dot_general3A_22 = tpu.matmul %max3A_18, %get3A_21, %dot_general3A {dimension_numbers = #tpu.dot_dimension_numbers<[1], [0], [0], [1], [0, 0, 1, 1], [], []>, transpose_lhs_hint = false} : vector<3200x16xf32>, vector<16x64xf32>, vector<3200x64xf32> -> vector<3200x64xf32>
    %mul3A_23 = vector.broadcast %get3A_1 : vector<3200x1xf32> to vector<3200x64xf32>
    %mul3A_24 = arith.mulf %dot_general3A_22, %mul3A_23 : vector<3200x64xf32>
    %mul3A_25 = arith.constant 3200 : i32
    %mul3A_26 = arith.muli %arg0, %mul3A_25 : i32
    %iota3A = tpu.iota {dimensions = array<i32: 0>} : vector<3200x1xi32>
    %add3A_27 = vector.broadcast %mul3A_26 : i32 to vector<3200x1xi32>
    %add3A_28 = arith.addi %add3A_27, %iota3A : vector<3200x1xi32>
    %lt3A = arith.constant 50000 : i32
    %lt3A_29 = vector.broadcast %lt3A : i32 to vector<3200x1xi32>
    %lt3A_30 = arith.cmpi slt, %add3A_28, %lt3A_29 : vector<3200x1xi32>
    %jit3A = arith.constant 0.000000e+00 : f32
    %broadcast_in_dim3A_31 = vector.shape_cast %lt3A_30 : vector<3200x1xi1> to vector<3200x1xi1>
    %broadcast_in_dim3A_32 = vector.broadcast %broadcast_in_dim3A_31 : vector<3200x1xi1> to vector<3200x64xi1>
    %broadcast_in_dim3A_33 = vector.broadcast %jit3A : f32 to vector<3200x64xf32>
    %select_n3A = arith.select %broadcast_in_dim3A_32, %mul3A_24, %broadcast_in_dim3A_33 : vector<3200x64xi1>, vector<3200x64xf32>
    %slice3A = vector.extract_strided_slice %select_n3A {offsets = [0, 0], sizes = [3200, 32], strides = [1, 1]} : vector<3200x64xf32> to vector<3200x32xf32>
    %swap3A = arith.constant 0 : index
    %swap3A_34 = arith.constant 0 : index
    %swap3A_35 = arith.constant 0 : index
    %swap3A_36 = vector.load %arg7[%swap3A, %swap3A_34, %swap3A_35] : memref<2x3200x32xf32, #tpu.memory_space<vmem>>, vector<1x3200x32xf32>
    %swap3A_37 = vector.shape_cast %swap3A_36 : vector<1x3200x32xf32> to vector<3200x32xf32>
    %swap3A_38 = vector.shape_cast %slice3A : vector<3200x32xf32> to vector<1x3200x32xf32>
    tpu.vector_store %arg7[%swap3A, %swap3A_34, %swap3A_35], %swap3A_38 {strides = array<i32>} : memref<2x3200x32xf32, #tpu.memory_space<vmem>>, vector<1x3200x32xf32>,
    %slice3A_39 = vector.extract_strided_slice %select_n3A {offsets = [0, 32], sizes = [3200, 32], strides = [1, 1]} : vector<3200x64xf32> to vector<3200x32xf32>
    %swap3A_40 = arith.constant 1 : index
    %swap3A_41 = arith.constant 0 : index
    %swap3A_42 = arith.constant 0 : index
    %swap3A_43 = vector.load %arg7[%swap3A_40, %swap3A_41, %swap3A_42] : memref<2x3200x32xf32, #tpu.memory_space<vmem>>, vector<1x3200x32xf32>
    %swap3A_44 = vector.shape_cast %swap3A_43 : vector<1x3200x32xf32> to vector<3200x32xf32>
    %swap3A_45 = vector.shape_cast %slice3A_39 : vector<3200x32xf32> to vector<1x3200x32xf32>
    tpu.vector_store %arg7[%swap3A_40, %swap3A_41, %swap3A_42], %swap3A_45 {strides = array<i32>} : memref<2x3200x32xf32, #tpu.memory_space<vmem>>, vector<1x3200x32xf32>,
    return
  }
  func.func @transform_0(%arg0: i32) -> (i32, i32) {
    %c0_i32 = arith.constant 0 : i32
    %c0_i32_0 = arith.constant 0 : i32
    return %arg0, %c0_i32 : i32, i32
  }
  func.func @transform_1(%arg0: i32) -> (i32, i32) {
    %c0_i32 = arith.constant 0 : i32
    %c0_i32_0 = arith.constant 0 : i32
    return %arg0, %c0_i32 : i32, i32
  }
  func.func @transform_2(%arg0: i32) -> (i32, i32) {
    %c0_i32 = arith.constant 0 : i32
    %c0_i32_0 = arith.constant 0 : i32
    return %arg0, %c0_i32 : i32, i32
  }
  func.func @transform_3(%arg0: i32) -> (i32, i32) {
    %c0_i32 = arith.constant 0 : i32
    %c0_i32_0 = arith.constant 0 : i32
    return %arg0, %c0_i32 : i32, i32
  }
  func.func @transform_4(%arg0: i32) -> (i32, i32) {
    %c0_i32 = arith.constant 0 : i32
    %c0_i32_0 = arith.constant 0 : i32
    %c0_i32_1 = arith.constant 0 : i32
    return %c0_i32, %c0_i32_0 : i32, i32
  }
  func.func @transform_5(%arg0: i32) -> i32 {
    %c0_i32 = arith.constant 0 : i32
    %c0_i32_0 = arith.constant 0 : i32
    return %c0_i32 : i32
  }
  func.func @transform_6(%arg0: i32) -> (i32, i32, i32) {
    %c0_i32 = arith.constant 0 : i32
    %c0_i32_0 = arith.constant 0 : i32
    %c0_i32_1 = arith.constant 0 : i32
    return %c0_i32, %arg0, %c0_i32_0 : i32, i32, i32
  }
}

module attributes {stable_mosaic.version = 14 : i64} {
  func.func @body(%arg0: i32, %arg1: memref<3200x32xf32, #tpu.memory_space<vmem>>, %arg2: memref<3200x32xf32, #tpu.memory_space<vmem>>, %arg3: memref<2x3200x32xf32, #tpu.memory_space<vmem>>, %arg4: memref<3200x1xf32, #tpu.memory_space<vmem>>, %arg5: memref<64x64xf32, #tpu.memory_space<vmem>>, %arg6: memref<64xf32, #tpu.memory_space<vmem>>, %arg7: memref<2x3200x32xf32, #tpu.memory_space<vmem>>) attributes {dimension_semantics = [#tpu.dimension_semantics<arbitrary>], iteration_bounds = array<i64: 16>, scalar_prefetch = 0 : i64, scratch_operands = 0 : i64, tpu.core_type = #tpu.core_type<tc>, window_params = [{transform_indices = @transform_0, window_bounds = array<i64: 3200, 32>}, {transform_indices = @transform_1, window_bounds = array<i64: 3200, 32>}, {transform_indices = @transform_2, window_bounds = array<i64: 2, 3200, 32>}, {transform_indices = @transform_3, window_bounds = array<i64: 3200, 1>}, {pipeline_mode = #tpu.pipeline_mode<synchronous>, transform_indices = @transform_4, window_bounds = array<i64: 64, 64>}, {pipeline_mode = #tpu.pipeline_mode<synchronous>, transform_indices = @transform_5, window_bounds = array<i64: 64>}, {transform_indices = @transform_6, window_bounds = array<i64: 2, 3200, 32>}]} {
    %get3A = arith.constant 0 : index
    %get3A_0 = arith.constant 0 : index
    %get3A_1 = vector.load %arg4[%get3A, %get3A_0] : memref<3200x1xf32, #tpu.memory_space<vmem>>, vector<3200x1xf32>
    %get3A_2 = arith.constant 0 : index
    %get3A_3 = arith.constant 0 : index
    %get3A_4 = vector.load %arg1[%get3A_2, %get3A_3] : memref<3200x32xf32, #tpu.memory_space<vmem>>, vector<3200x32xf32>
    %get3A_5 = arith.constant 0 : index
    %get3A_6 = arith.constant 0 : index
    %get3A_7 = arith.constant 0 : index
    %get3A_8 = vector.load %arg3[%get3A_5, %get3A_6, %get3A_7] : memref<2x3200x32xf32, #tpu.memory_space<vmem>>, vector<1x3200x32xf32>
    %get3A_9 = vector.shape_cast %get3A_8 : vector<1x3200x32xf32> to vector<3200x32xf32>
    %add3A = arith.addf %get3A_4, %get3A_9 : vector<3200x32xf32>
    %mul3A = vector.broadcast %get3A_1 : vector<3200x1xf32> to vector<3200x32xf32>
    %mul3A_10 = arith.mulf %mul3A, %add3A : vector<3200x32xf32>
    %get3A_11 = arith.constant 0 : index
    %get3A_12 = vector.load %arg6[%get3A_11] : memref<64xf32, #tpu.memory_space<vmem>>, vector<32xf32>
    %broadcast_in_dim3A = vector.shape_cast %get3A_12 : vector<32xf32> to vector<1x32xf32>
    %add3A_13 = vector.broadcast %broadcast_in_dim3A : vector<1x32xf32> to vector<3200x32xf32>
    %add3A_14 = arith.addf %mul3A_10, %add3A_13 : vector<3200x32xf32>
    %max3A = arith.constant 0.000000e+00 : f32
    %max3A_15 = vector.broadcast %max3A : f32 to vector<3200x32xf32>
    %max3A_16 = arith.maximumf %add3A_14, %max3A_15 : vector<3200x32xf32>
    %get3A_17 = arith.constant 0 : index
    %get3A_18 = arith.constant 0 : index
    %get3A_19 = vector.load %arg2[%get3A_17, %get3A_18] : memref<3200x32xf32, #tpu.memory_space<vmem>>, vector<3200x32xf32>
    %get3A_20 = arith.constant 1 : index
    %get3A_21 = arith.constant 0 : index
    %get3A_22 = arith.constant 0 : index
    %get3A_23 = vector.load %arg3[%get3A_20, %get3A_21, %get3A_22] : memref<2x3200x32xf32, #tpu.memory_space<vmem>>, vector<1x3200x32xf32>
    %get3A_24 = vector.shape_cast %get3A_23 : vector<1x3200x32xf32> to vector<3200x32xf32>
    %add3A_25 = arith.addf %get3A_19, %get3A_24 : vector<3200x32xf32>
    %mul3A_26 = vector.broadcast %get3A_1 : vector<3200x1xf32> to vector<3200x32xf32>
    %mul3A_27 = arith.mulf %mul3A_26, %add3A_25 : vector<3200x32xf32>
    %get3A_28 = arith.constant 32 : index
    %get3A_29 = vector.load %arg6[%get3A_28] : memref<64xf32, #tpu.memory_space<vmem>>, vector<32xf32>
    %broadcast_in_dim3A_30 = vector.shape_cast %get3A_29 : vector<32xf32> to vector<1x32xf32>
    %add3A_31 = vector.broadcast %broadcast_in_dim3A_30 : vector<1x32xf32> to vector<3200x32xf32>
    %add3A_32 = arith.addf %mul3A_27, %add3A_31 : vector<3200x32xf32>
    %max3A_33 = arith.constant 0.000000e+00 : f32
    %max3A_34 = vector.broadcast %max3A_33 : f32 to vector<3200x32xf32>
    %max3A_35 = arith.maximumf %add3A_32, %max3A_34 : vector<3200x32xf32>
    %get3A_36 = arith.constant 0 : index
    %get3A_37 = arith.constant 0 : index
    %get3A_38 = vector.load %arg5[%get3A_36, %get3A_37] : memref<64x64xf32, #tpu.memory_space<vmem>>, vector<32x64xf32>
    %dot_general3A = arith.constant dense<0.000000e+00> : vector<3200x64xf32>
    %dot_general3A_39 = tpu.matmul %max3A_16, %get3A_38, %dot_general3A {dimension_numbers = #tpu.dot_dimension_numbers<[1], [0], [0], [1], [0, 0, 1, 1], [], []>, transpose_lhs_hint = false} : vector<3200x32xf32>, vector<32x64xf32>, vector<3200x64xf32> -> vector<3200x64xf32>
    %get3A_40 = arith.constant 32 : index
    %get3A_41 = arith.constant 0 : index
    %get3A_42 = vector.load %arg5[%get3A_40, %get3A_41] : memref<64x64xf32, #tpu.memory_space<vmem>>, vector<32x64xf32>
    %dot_general3A_43 = arith.constant dense<0.000000e+00> : vector<3200x64xf32>
    %dot_general3A_44 = tpu.matmul %max3A_35, %get3A_42, %dot_general3A_43 {dimension_numbers = #tpu.dot_dimension_numbers<[1], [0], [0], [1], [0, 0, 1, 1], [], []>, transpose_lhs_hint = false} : vector<3200x32xf32>, vector<32x64xf32>, vector<3200x64xf32> -> vector<3200x64xf32>
    %add3A_45 = arith.addf %dot_general3A_39, %dot_general3A_44 : vector<3200x64xf32>
    %mul3A_46 = vector.broadcast %get3A_1 : vector<3200x1xf32> to vector<3200x64xf32>
    %mul3A_47 = arith.mulf %add3A_45, %mul3A_46 : vector<3200x64xf32>
    %mul3A_48 = arith.constant 3200 : i32
    %mul3A_49 = arith.muli %arg0, %mul3A_48 : i32
    %iota3A = tpu.iota {dimensions = array<i32: 0>} : vector<3200x1xi32>
    %add3A_50 = vector.broadcast %mul3A_49 : i32 to vector<3200x1xi32>
    %add3A_51 = arith.addi %add3A_50, %iota3A : vector<3200x1xi32>
    %lt3A = arith.constant 50000 : i32
    %lt3A_52 = vector.broadcast %lt3A : i32 to vector<3200x1xi32>
    %lt3A_53 = arith.cmpi slt, %add3A_51, %lt3A_52 : vector<3200x1xi32>
    %jit3A = arith.constant 0.000000e+00 : f32
    %broadcast_in_dim3A_54 = vector.shape_cast %lt3A_53 : vector<3200x1xi1> to vector<3200x1xi1>
    %broadcast_in_dim3A_55 = vector.broadcast %broadcast_in_dim3A_54 : vector<3200x1xi1> to vector<3200x64xi1>
    %broadcast_in_dim3A_56 = vector.broadcast %jit3A : f32 to vector<3200x64xf32>
    %select_n3A = arith.select %broadcast_in_dim3A_55, %mul3A_47, %broadcast_in_dim3A_56 : vector<3200x64xi1>, vector<3200x64xf32>
    %slice3A = vector.extract_strided_slice %select_n3A {offsets = [0, 0], sizes = [3200, 32], strides = [1, 1]} : vector<3200x64xf32> to vector<3200x32xf32>
    %swap3A = arith.constant 0 : index
    %swap3A_57 = arith.constant 0 : index
    %swap3A_58 = arith.constant 0 : index
    %swap3A_59 = vector.load %arg7[%swap3A, %swap3A_57, %swap3A_58] : memref<2x3200x32xf32, #tpu.memory_space<vmem>>, vector<1x3200x32xf32>
    %swap3A_60 = vector.shape_cast %swap3A_59 : vector<1x3200x32xf32> to vector<3200x32xf32>
    %swap3A_61 = vector.shape_cast %slice3A : vector<3200x32xf32> to vector<1x3200x32xf32>
    tpu.vector_store %arg7[%swap3A, %swap3A_57, %swap3A_58], %swap3A_61 {strides = array<i32>} : memref<2x3200x32xf32, #tpu.memory_space<vmem>>, vector<1x3200x32xf32>,
    %slice3A_62 = vector.extract_strided_slice %select_n3A {offsets = [0, 32], sizes = [3200, 32], strides = [1, 1]} : vector<3200x64xf32> to vector<3200x32xf32>
    %swap3A_63 = arith.constant 1 : index
    %swap3A_64 = arith.constant 0 : index
    %swap3A_65 = arith.constant 0 : index
    %swap3A_66 = vector.load %arg7[%swap3A_63, %swap3A_64, %swap3A_65] : memref<2x3200x32xf32, #tpu.memory_space<vmem>>, vector<1x3200x32xf32>
    %swap3A_67 = vector.shape_cast %swap3A_66 : vector<1x3200x32xf32> to vector<3200x32xf32>
    %swap3A_68 = vector.shape_cast %slice3A_62 : vector<3200x32xf32> to vector<1x3200x32xf32>
    tpu.vector_store %arg7[%swap3A_63, %swap3A_64, %swap3A_65], %swap3A_68 {strides = array<i32>} : memref<2x3200x32xf32, #tpu.memory_space<vmem>>, vector<1x3200x32xf32>,
    return
  }
  func.func @transform_0(%arg0: i32) -> (i32, i32) {
    %c0_i32 = arith.constant 0 : i32
    %c0_i32_0 = arith.constant 0 : i32
    return %arg0, %c0_i32 : i32, i32
  }
  func.func @transform_1(%arg0: i32) -> (i32, i32) {
    %c0_i32 = arith.constant 0 : i32
    %c0_i32_0 = arith.constant 0 : i32
    return %arg0, %c0_i32 : i32, i32
  }
  func.func @transform_2(%arg0: i32) -> (i32, i32, i32) {
    %c0_i32 = arith.constant 0 : i32
    %c0_i32_0 = arith.constant 0 : i32
    %c0_i32_1 = arith.constant 0 : i32
    return %c0_i32, %arg0, %c0_i32_0 : i32, i32, i32
  }
  func.func @transform_3(%arg0: i32) -> (i32, i32) {
    %c0_i32 = arith.constant 0 : i32
    %c0_i32_0 = arith.constant 0 : i32
    return %arg0, %c0_i32 : i32, i32
  }
  func.func @transform_4(%arg0: i32) -> (i32, i32) {
    %c0_i32 = arith.constant 0 : i32
    %c0_i32_0 = arith.constant 0 : i32
    %c0_i32_1 = arith.constant 0 : i32
    return %c0_i32, %c0_i32_0 : i32, i32
  }
  func.func @transform_5(%arg0: i32) -> i32 {
    %c0_i32 = arith.constant 0 : i32
    %c0_i32_0 = arith.constant 0 : i32
    return %c0_i32 : i32
  }
  func.func @transform_6(%arg0: i32) -> (i32, i32, i32) {
    %c0_i32 = arith.constant 0 : i32
    %c0_i32_0 = arith.constant 0 : i32
    %c0_i32_1 = arith.constant 0 : i32
    return %c0_i32, %arg0, %c0_i32_0 : i32, i32, i32
  }
}

module attributes {stable_mosaic.version = 14 : i64} {
  func.func @body(%arg0: i32, %arg1: memref<3200x32xf32, #tpu.memory_space<vmem>>, %arg2: memref<3200x32xf32, #tpu.memory_space<vmem>>, %arg3: memref<2x3200x32xf32, #tpu.memory_space<vmem>>, %arg4: memref<3200x1xf32, #tpu.memory_space<vmem>>, %arg5: memref<64xf32, #tpu.memory_space<vmem>>, %arg6: memref<64x1xf32, #tpu.memory_space<vmem>>, %arg7: memref<3200x64xf32, #tpu.memory_space<vmem>>, %arg8: memref<3200x1xf32, #tpu.memory_space<vmem>>) attributes {dimension_semantics = [#tpu.dimension_semantics<arbitrary>], iteration_bounds = array<i64: 16>, scalar_prefetch = 0 : i64, scratch_operands = 0 : i64, tpu.core_type = #tpu.core_type<tc>, window_params = [{transform_indices = @transform_0, window_bounds = array<i64: 3200, 32>}, {transform_indices = @transform_1, window_bounds = array<i64: 3200, 32>}, {transform_indices = @transform_2, window_bounds = array<i64: 2, 3200, 32>}, {transform_indices = @transform_3, window_bounds = array<i64: 3200, 1>}, {pipeline_mode = #tpu.pipeline_mode<synchronous>, transform_indices = @transform_4, window_bounds = array<i64: 64>}, {pipeline_mode = #tpu.pipeline_mode<synchronous>, transform_indices = @transform_5, window_bounds = array<i64: 64, 1>}, {transform_indices = @transform_6, window_bounds = array<i64: 3200, 64>}, {transform_indices = @transform_7, window_bounds = array<i64: 3200, 1>}]} {
    %get3A = arith.constant 0 : index
    %get3A_0 = arith.constant 0 : index
    %get3A_1 = vector.load %arg4[%get3A, %get3A_0] : memref<3200x1xf32, #tpu.memory_space<vmem>>, vector<3200x1xf32>
    %get3A_2 = arith.constant 0 : index
    %get3A_3 = arith.constant 0 : index
    %get3A_4 = vector.load %arg1[%get3A_2, %get3A_3] : memref<3200x32xf32, #tpu.memory_space<vmem>>, vector<3200x32xf32>
    %get3A_5 = arith.constant 0 : index
    %get3A_6 = arith.constant 0 : index
    %get3A_7 = arith.constant 0 : index
    %get3A_8 = vector.load %arg3[%get3A_5, %get3A_6, %get3A_7] : memref<2x3200x32xf32, #tpu.memory_space<vmem>>, vector<1x3200x32xf32>
    %get3A_9 = vector.shape_cast %get3A_8 : vector<1x3200x32xf32> to vector<3200x32xf32>
    %add3A = arith.addf %get3A_4, %get3A_9 : vector<3200x32xf32>
    %mul3A = vector.broadcast %get3A_1 : vector<3200x1xf32> to vector<3200x32xf32>
    %mul3A_10 = arith.mulf %mul3A, %add3A : vector<3200x32xf32>
    %get3A_11 = arith.constant 0 : index
    %get3A_12 = vector.load %arg5[%get3A_11] : memref<64xf32, #tpu.memory_space<vmem>>, vector<32xf32>
    %broadcast_in_dim3A = vector.shape_cast %get3A_12 : vector<32xf32> to vector<1x32xf32>
    %add3A_13 = vector.broadcast %broadcast_in_dim3A : vector<1x32xf32> to vector<3200x32xf32>
    %add3A_14 = arith.addf %mul3A_10, %add3A_13 : vector<3200x32xf32>
    %max3A = arith.constant 0.000000e+00 : f32
    %max3A_15 = vector.broadcast %max3A : f32 to vector<3200x32xf32>
    %max3A_16 = arith.maximumf %add3A_14, %max3A_15 : vector<3200x32xf32>
    %get3A_17 = arith.constant 0 : index
    %get3A_18 = arith.constant 0 : index
    %get3A_19 = vector.load %arg2[%get3A_17, %get3A_18] : memref<3200x32xf32, #tpu.memory_space<vmem>>, vector<3200x32xf32>
    %get3A_20 = arith.constant 1 : index
    %get3A_21 = arith.constant 0 : index
    %get3A_22 = arith.constant 0 : index
    %get3A_23 = vector.load %arg3[%get3A_20, %get3A_21, %get3A_22] : memref<2x3200x32xf32, #tpu.memory_space<vmem>>, vector<1x3200x32xf32>
    %get3A_24 = vector.shape_cast %get3A_23 : vector<1x3200x32xf32> to vector<3200x32xf32>
    %add3A_25 = arith.addf %get3A_19, %get3A_24 : vector<3200x32xf32>
    %mul3A_26 = vector.broadcast %get3A_1 : vector<3200x1xf32> to vector<3200x32xf32>
    %mul3A_27 = arith.mulf %mul3A_26, %add3A_25 : vector<3200x32xf32>
    %get3A_28 = arith.constant 32 : index
    %get3A_29 = vector.load %arg5[%get3A_28] : memref<64xf32, #tpu.memory_space<vmem>>, vector<32xf32>
    %broadcast_in_dim3A_30 = vector.shape_cast %get3A_29 : vector<32xf32> to vector<1x32xf32>
    %add3A_31 = vector.broadcast %broadcast_in_dim3A_30 : vector<1x32xf32> to vector<3200x32xf32>
    %add3A_32 = arith.addf %mul3A_27, %add3A_31 : vector<3200x32xf32>
    %max3A_33 = arith.constant 0.000000e+00 : f32
    %max3A_34 = vector.broadcast %max3A_33 : f32 to vector<3200x32xf32>
    %max3A_35 = arith.maximumf %add3A_32, %max3A_34 : vector<3200x32xf32>
    %swap3A = arith.constant 0 : index
    %swap3A_36 = arith.constant 0 : index
    %swap3A_37 = vector.load %arg7[%swap3A, %swap3A_36] : memref<3200x64xf32, #tpu.memory_space<vmem>>, vector<3200x32xf32>
    tpu.vector_store %arg7[%swap3A, %swap3A_36], %max3A_16 {strides = array<i32>} : memref<3200x64xf32, #tpu.memory_space<vmem>>, vector<3200x32xf32>,
    %swap3A_38 = arith.constant 0 : index
    %swap3A_39 = arith.constant 32 : index
    %swap3A_40 = vector.load %arg7[%swap3A_38, %swap3A_39] : memref<3200x64xf32, #tpu.memory_space<vmem>>, vector<3200x32xf32>
    tpu.vector_store %arg7[%swap3A_38, %swap3A_39], %max3A_35 {strides = array<i32>} : memref<3200x64xf32, #tpu.memory_space<vmem>>, vector<3200x32xf32>,
    %get3A_41 = arith.constant 0 : index
    %get3A_42 = arith.constant 0 : index
    %get3A_43 = vector.load %arg6[%get3A_41, %get3A_42] : memref<64x1xf32, #tpu.memory_space<vmem>>, vector<64x1xf32>
    %mul3A_44 = arith.mulf %get3A_43, %get3A_43 : vector<64x1xf32>
    %reduce_sum3A = vector.shape_cast %mul3A_44 : vector<64x1xf32> to vector<1x64x1xf32>
    %reduce_sum3A_45 = arith.constant dense<0.000000e+00> : vector<1xf32>
    %reduce_sum3A_46 = vector.multi_reduction <add>, %reduce_sum3A, %reduce_sum3A_45 [1, 2] : vector<1x64x1xf32> to vector<1xf32>
    %reduce_sum3A_47 = vector.shape_cast %reduce_sum3A_46 : vector<1xf32> to vector<1x1x1xf32>
    %reduce_sum3A_48 = vector.extract %reduce_sum3A_47[0, 0, 0] : f32 from vector<1x1x1xf32>
    %rsqrt3A = math.rsqrt %reduce_sum3A_48 : f32
    %slice3A = vector.extract_strided_slice %get3A_43 {offsets = [0, 0], sizes = [32, 1], strides = [1, 1]} : vector<64x1xf32> to vector<32x1xf32>
    %dot_general3A = arith.constant dense<0.000000e+00> : vector<3200x1xf32>
    %dot_general3A_49 = tpu.matmul %max3A_16, %slice3A, %dot_general3A {dimension_numbers = #tpu.dot_dimension_numbers<[1], [0], [0], [1], [0, 0, 1, 1], [], []>, transpose_lhs_hint = false} : vector<3200x32xf32>, vector<32x1xf32>, vector<3200x1xf32> -> vector<3200x1xf32>
    %slice3A_50 = vector.extract_strided_slice %get3A_43 {offsets = [32, 0], sizes = [32, 1], strides = [1, 1]} : vector<64x1xf32> to vector<32x1xf32>
    %dot_general3A_51 = arith.constant dense<0.000000e+00> : vector<3200x1xf32>
    %dot_general3A_52 = tpu.matmul %max3A_35, %slice3A_50, %dot_general3A_51 {dimension_numbers = #tpu.dot_dimension_numbers<[1], [0], [0], [1], [0, 0, 1, 1], [], []>, transpose_lhs_hint = false} : vector<3200x32xf32>, vector<32x1xf32>, vector<3200x1xf32> -> vector<3200x1xf32>
    %add3A_53 = arith.addf %dot_general3A_49, %dot_general3A_52 : vector<3200x1xf32>
    %mul3A_54 = vector.broadcast %rsqrt3A : f32 to vector<3200x1xf32>
    %mul3A_55 = arith.mulf %add3A_53, %mul3A_54 : vector<3200x1xf32>
    %swap3A_56 = arith.constant 0 : index
    %swap3A_57 = arith.constant 0 : index
    %swap3A_58 = vector.load %arg8[%swap3A_56, %swap3A_57] : memref<3200x1xf32, #tpu.memory_space<vmem>>, vector<3200x1xf32>
    tpu.vector_store %arg8[%swap3A_56, %swap3A_57], %mul3A_55 {strides = array<i32>} : memref<3200x1xf32, #tpu.memory_space<vmem>>, vector<3200x1xf32>,
    return
  }
  func.func @transform_0(%arg0: i32) -> (i32, i32) {
    %c0_i32 = arith.constant 0 : i32
    %c0_i32_0 = arith.constant 0 : i32
    return %arg0, %c0_i32 : i32, i32
  }
  func.func @transform_1(%arg0: i32) -> (i32, i32) {
    %c0_i32 = arith.constant 0 : i32
    %c0_i32_0 = arith.constant 0 : i32
    return %arg0, %c0_i32 : i32, i32
  }
  func.func @transform_2(%arg0: i32) -> (i32, i32, i32) {
    %c0_i32 = arith.constant 0 : i32
    %c0_i32_0 = arith.constant 0 : i32
    %c0_i32_1 = arith.constant 0 : i32
    return %c0_i32, %arg0, %c0_i32_0 : i32, i32, i32
  }
  func.func @transform_3(%arg0: i32) -> (i32, i32) {
    %c0_i32 = arith.constant 0 : i32
    %c0_i32_0 = arith.constant 0 : i32
    return %arg0, %c0_i32 : i32, i32
  }
  func.func @transform_4(%arg0: i32) -> i32 {
    %c0_i32 = arith.constant 0 : i32
    %c0_i32_0 = arith.constant 0 : i32
    return %c0_i32 : i32
  }
  func.func @transform_5(%arg0: i32) -> (i32, i32) {
    %c0_i32 = arith.constant 0 : i32
    %c0_i32_0 = arith.constant 0 : i32
    %c0_i32_1 = arith.constant 0 : i32
    return %c0_i32, %c0_i32_0 : i32, i32
  }
  func.func @transform_6(%arg0: i32) -> (i32, i32) {
    %c0_i32 = arith.constant 0 : i32
    %c0_i32_0 = arith.constant 0 : i32
    return %arg0, %c0_i32 : i32, i32
  }
  func.func @transform_7(%arg0: i32) -> (i32, i32) {
    %c0_i32 = arith.constant 0 : i32
    %c0_i32_0 = arith.constant 0 : i32
    return %arg0, %c0_i32 : i32, i32
  }
}

module attributes {stable_mosaic.version = 14 : i64} {
  func.func @body(%arg0: memref<400x128xf32, #tpu.memory_space<vmem>>, %arg1: memref<51200x64xf32, #tpu.memory_space<any>>, %arg2: memref<64x2xf32, #tpu.memory_space<vmem>>, %arg3: memref<2xf32, #tpu.memory_space<vmem>>, %arg4: memref<64x2xf32, #tpu.memory_space<vmem>>, %arg5: memref<2xf32, #tpu.memory_space<vmem>>, %arg6: memref<64x1xf32, #tpu.memory_space<vmem>>, %arg7: memref<1xf32, #tpu.memory_space<vmem>>, %arg8: memref<10x2xf32, #tpu.memory_space<vmem>>, %arg9: memref<10x2xf32, #tpu.memory_space<vmem>>, %arg10: memref<10x1xf32, #tpu.memory_space<vmem>>, %arg11: memref<16x64xf32, #tpu.memory_space<vmem>>, %arg12: memref<!tpu.dma_semaphore, #tpu.memory_space<semaphore_mem>>) attributes {dimension_semantics = [], scalar_prefetch = 0 : i64, scratch_operands = 2 : i64, tpu.core_type = #tpu.core_type<tc>} {
    %iota3A = tpu.iota {dimensions = array<i32: 0>} : vector<400x128xi32>
    %iota3A_0 = tpu.iota {dimensions = array<i32: 1>} : vector<400x128xi32>
    %mul3A = arith.constant 128 : i32
    %mul3A_1 = vector.broadcast %mul3A : i32 to vector<400x128xi32>
    %mul3A_2 = arith.muli %iota3A, %mul3A_1 : vector<400x128xi32>
    %add3A = arith.addi %mul3A_2, %iota3A_0 : vector<400x128xi32>
    %lt3A = arith.constant 50000 : i32
    %lt3A_3 = vector.broadcast %lt3A : i32 to vector<400x128xi32>
    %lt3A_4 = arith.cmpi slt, %add3A, %lt3A_3 : vector<400x128xi32>
    %get3A = arith.constant 0 : index
    %get3A_5 = arith.constant 0 : index
    %get3A_6 = vector.load %arg0[%get3A, %get3A_5] : memref<400x128xf32, #tpu.memory_space<vmem>>, vector<400x128xf32>
    %jit3A = arith.constant -1.000000e+30 : f32
    %broadcast_in_dim3A = vector.broadcast %jit3A : f32 to vector<400x128xf32>
    %select_n3A = arith.select %lt3A_4, %get3A_6, %broadcast_in_dim3A : vector<400x128xi1>, vector<400x128xf32>
    %broadcast_in_dim3A_7 = arith.constant 0.000000e+00 : f32
    %broadcast_in_dim3A_8 = vector.broadcast %broadcast_in_dim3A_7 : f32 to vector<16x64xf32>
    %swap3A = arith.constant 0 : index
    %swap3A_9 = arith.constant 0 : index
    %swap3A_10 = vector.load %arg11[%swap3A, %swap3A_9] : memref<16x64xf32, #tpu.memory_space<vmem>>, vector<16x64xf32>
    tpu.vector_store %arg11[%swap3A, %swap3A_9], %broadcast_in_dim3A_8 {strides = array<i32>} : memref<16x64xf32, #tpu.memory_space<vmem>>, vector<16x64xf32>,
    %reduce_max3A = vector.shape_cast %select_n3A : vector<400x128xf32> to vector<1x400x128xf32>
    %reduce_max3A_11 = arith.constant dense<0xFF800000> : vector<1xf32>
    %reduce_max3A_12 = vector.multi_reduction <maximumf>, %reduce_max3A, %reduce_max3A_11 [1, 2] : vector<1x400x128xf32> to vector<1xf32>
    %reduce_max3A_13 = vector.shape_cast %reduce_max3A_12 : vector<1xf32> to vector<1x1x1xf32>
    %reduce_max3A_14 = vector.extract %reduce_max3A_13[0, 0, 0] : f32 from vector<1x1x1xf32>
    %eq3A = vector.broadcast %reduce_max3A_14 : f32 to vector<400x128xf32>
    %eq3A_15 = arith.cmpf oeq, %select_n3A, %eq3A : vector<400x128xf32>
    %jit3A_16 = arith.constant 2147483647 : i32
    %broadcast_in_dim3A_17 = vector.broadcast %jit3A_16 : i32 to vector<400x128xi32>
    %select_n3A_18 = arith.select %eq3A_15, %add3A, %broadcast_in_dim3A_17 : vector<400x128xi1>, vector<400x128xi32>
    %reduce_min3A = vector.shape_cast %select_n3A_18 : vector<400x128xi32> to vector<1x400x128xi32>
    %reduce_min3A_19 = arith.constant dense<2147483647> : vector<1xi32>
    %reduce_min3A_20 = vector.multi_reduction <minsi>, %reduce_min3A, %reduce_min3A_19 [1, 2] : vector<1x400x128xi32> to vector<1xi32>
    %reduce_min3A_21 = vector.shape_cast %reduce_min3A_20 : vector<1xi32> to vector<1x1x1xi32>
    %reduce_min3A_22 = vector.extract %reduce_min3A_21[0, 0, 0] : i32 from vector<1x1x1xi32>
    %dma_start3A = arith.constant 0 : i32
    %dma_start3A_23 = arith.constant 0 : i32
    %dma_start3A_24 = tpu.memref_slice %arg11[%dma_start3A, %dma_start3A_23] : memref<16x64xf32, #tpu.memory_space<vmem>> -> memref<1x64xf32, #tpu.memory_space<vmem>>
    %dma_start3A_25 = arith.constant 0 : i32
    %dma_start3A_26 = tpu.memref_slice %arg1[%reduce_min3A_22, %dma_start3A_25] : memref<51200x64xf32, #tpu.memory_space<any>> -> memref<1x64xf32, #tpu.memory_space<any>>
    tpu.enqueue_dma source(%dma_start3A_26 : memref<1x64xf32, #tpu.memory_space<any>>) target(%dma_start3A_24 : memref<1x64xf32, #tpu.memory_space<vmem>>) target_semaphore(%arg12 : memref<!tpu.dma_semaphore, #tpu.memory_space<semaphore_mem>>)
    %dma_wait3A = arith.constant 0 : i32
    %dma_wait3A_27 = arith.constant 0 : i32
    %dma_wait3A_28 = tpu.memref_slice %arg11[%dma_wait3A, %dma_wait3A_27] : memref<16x64xf32, #tpu.memory_space<vmem>> -> memref<1x64xf32, #tpu.memory_space<vmem>>
    %dma_wait3A_29 = arith.constant 0 : i32
    %dma_wait3A_30 = tpu.memref_slice %arg1[%reduce_min3A_22, %dma_wait3A_29] : memref<51200x64xf32, #tpu.memory_space<any>> -> memref<1x64xf32, #tpu.memory_space<any>>
    tpu.wait_dma2 semaphore(%arg12 : memref<!tpu.dma_semaphore, #tpu.memory_space<semaphore_mem>>) src(%dma_wait3A_30 : memref<1x64xf32, #tpu.memory_space<any>>) dst(%dma_wait3A_28 : memref<1x64xf32, #tpu.memory_space<vmem>>)
    %broadcast_in_dim3A_31 = vector.broadcast %reduce_max3A_14 : f32 to vector<1x64xf32>
    %tanh3A = math.tanh %broadcast_in_dim3A_31 : vector<1x64xf32>
    %get3A_32 = arith.constant 0 : index
    %get3A_33 = arith.constant 0 : index
    %get3A_34 = vector.load %arg11[%get3A_32, %get3A_33] : memref<16x64xf32, #tpu.memory_space<vmem>>, vector<1x64xf32>
    %mul3A_35 = arith.mulf %get3A_34, %tanh3A : vector<1x64xf32>
    %swap3A_36 = arith.constant 0 : index
    %swap3A_37 = arith.constant 0 : index
    %swap3A_38 = vector.load %arg11[%swap3A_36, %swap3A_37] : memref<16x64xf32, #tpu.memory_space<vmem>>, vector<1x64xf32>
    tpu.vector_store %arg11[%swap3A_36, %swap3A_37], %mul3A_35 {strides = array<i32>} : memref<16x64xf32, #tpu.memory_space<vmem>>, vector<1x64xf32>,
    %eq3A_39 = vector.broadcast %reduce_min3A_22 : i32 to vector<400x128xi32>
    %eq3A_40 = arith.cmpi eq, %add3A, %eq3A_39 : vector<400x128xi32>
    %jit3A_41 = arith.constant -1.000000e+30 : f32
    %broadcast_in_dim3A_42 = vector.broadcast %jit3A_41 : f32 to vector<400x128xf32>
    %select_n3A_43 = arith.select %eq3A_40, %broadcast_in_dim3A_42, %select_n3A : vector<400x128xi1>, vector<400x128xf32>
    %reduce_max3A_44 = vector.shape_cast %select_n3A_43 : vector<400x128xf32> to vector<1x400x128xf32>
    %reduce_max3A_45 = arith.constant dense<0xFF800000> : vector<1xf32>
    %reduce_max3A_46 = vector.multi_reduction <maximumf>, %reduce_max3A_44, %reduce_max3A_45 [1, 2] : vector<1x400x128xf32> to vector<1xf32>
    %reduce_max3A_47 = vector.shape_cast %reduce_max3A_46 : vector<1xf32> to vector<1x1x1xf32>
    %reduce_max3A_48 = vector.extract %reduce_max3A_47[0, 0, 0] : f32 from vector<1x1x1xf32>
    %eq3A_49 = vector.broadcast %reduce_max3A_48 : f32 to vector<400x128xf32>
    %eq3A_50 = arith.cmpf oeq, %select_n3A_43, %eq3A_49 : vector<400x128xf32>
    %jit3A_51 = arith.constant 2147483647 : i32
    %broadcast_in_dim3A_52 = vector.broadcast %jit3A_51 : i32 to vector<400x128xi32>
    %select_n3A_53 = arith.select %eq3A_50, %add3A, %broadcast_in_dim3A_52 : vector<400x128xi1>, vector<400x128xi32>
    %reduce_min3A_54 = vector.shape_cast %select_n3A_53 : vector<400x128xi32> to vector<1x400x128xi32>
    %reduce_min3A_55 = arith.constant dense<2147483647> : vector<1xi32>
    %reduce_min3A_56 = vector.multi_reduction <minsi>, %reduce_min3A_54, %reduce_min3A_55 [1, 2] : vector<1x400x128xi32> to vector<1xi32>
    %reduce_min3A_57 = vector.shape_cast %reduce_min3A_56 : vector<1xi32> to vector<1x1x1xi32>
    %reduce_min3A_58 = vector.extract %reduce_min3A_57[0, 0, 0] : i32 from vector<1x1x1xi32>
    %dma_start3A_59 = arith.constant 1 : i32
    %dma_start3A_60 = arith.constant 0 : i32
    %dma_start3A_61 = tpu.memref_slice %arg11[%dma_start3A_59, %dma_start3A_60] : memref<16x64xf32, #tpu.memory_space<vmem>> -> memref<1x64xf32, #tpu.memory_space<vmem>>
    %dma_start3A_62 = arith.constant 0 : i32
    %dma_start3A_63 = tpu.memref_slice %arg1[%reduce_min3A_58, %dma_start3A_62] : memref<51200x64xf32, #tpu.memory_space<any>> -> memref<1x64xf32, #tpu.memory_space<any>>
    tpu.enqueue_dma source(%dma_start3A_63 : memref<1x64xf32, #tpu.memory_space<any>>) target(%dma_start3A_61 : memref<1x64xf32, #tpu.memory_space<vmem>>) target_semaphore(%arg12 : memref<!tpu.dma_semaphore, #tpu.memory_space<semaphore_mem>>)
    %dma_wait3A_64 = arith.constant 1 : i32
    %dma_wait3A_65 = arith.constant 0 : i32
    %dma_wait3A_66 = tpu.memref_slice %arg11[%dma_wait3A_64, %dma_wait3A_65] : memref<16x64xf32, #tpu.memory_space<vmem>> -> memref<1x64xf32, #tpu.memory_space<vmem>>
    %dma_wait3A_67 = arith.constant 0 : i32
    %dma_wait3A_68 = tpu.memref_slice %arg1[%reduce_min3A_58, %dma_wait3A_67] : memref<51200x64xf32, #tpu.memory_space<any>> -> memref<1x64xf32, #tpu.memory_space<any>>
    tpu.wait_dma2 semaphore(%arg12 : memref<!tpu.dma_semaphore, #tpu.memory_space<semaphore_mem>>) src(%dma_wait3A_68 : memref<1x64xf32, #tpu.memory_space<any>>) dst(%dma_wait3A_66 : memref<1x64xf32, #tpu.memory_space<vmem>>)
    %broadcast_in_dim3A_69 = vector.broadcast %reduce_max3A_48 : f32 to vector<1x64xf32>
    %tanh3A_70 = math.tanh %broadcast_in_dim3A_69 : vector<1x64xf32>
    %get3A_71 = arith.constant 1 : index
    %get3A_72 = arith.constant 0 : index
    %get3A_73 = vector.load %arg11[%get3A_71, %get3A_72] : memref<16x64xf32, #tpu.memory_space<vmem>>, vector<1x64xf32>
    %mul3A_74 = arith.mulf %get3A_73, %tanh3A_70 : vector<1x64xf32>
    %swap3A_75 = arith.constant 1 : index
    %swap3A_76 = arith.constant 0 : index
    %swap3A_77 = vector.load %arg11[%swap3A_75, %swap3A_76] : memref<16x64xf32, #tpu.memory_space<vmem>>, vector<1x64xf32>
    tpu.vector_store %arg11[%swap3A_75, %swap3A_76], %mul3A_74 {strides = array<i32>} : memref<16x64xf32, #tpu.memory_space<vmem>>, vector<1x64xf32>,
    %eq3A_78 = vector.broadcast %reduce_min3A_58 : i32 to vector<400x128xi32>
    %eq3A_79 = arith.cmpi eq, %add3A, %eq3A_78 : vector<400x128xi32>
    %jit3A_80 = arith.constant -1.000000e+30 : f32
    %broadcast_in_dim3A_81 = vector.broadcast %jit3A_80 : f32 to vector<400x128xf32>
    %select_n3A_82 = arith.select %eq3A_79, %broadcast_in_dim3A_81, %select_n3A_43 : vector<400x128xi1>, vector<400x128xf32>
    %reduce_max3A_83 = vector.shape_cast %select_n3A_82 : vector<400x128xf32> to vector<1x400x128xf32>
    %reduce_max3A_84 = arith.constant dense<0xFF800000> : vector<1xf32>
    %reduce_max3A_85 = vector.multi_reduction <maximumf>, %reduce_max3A_83, %reduce_max3A_84 [1, 2] : vector<1x400x128xf32> to vector<1xf32>
    %reduce_max3A_86 = vector.shape_cast %reduce_max3A_85 : vector<1xf32> to vector<1x1x1xf32>
    %reduce_max3A_87 = vector.extract %reduce_max3A_86[0, 0, 0] : f32 from vector<1x1x1xf32>
    %eq3A_88 = vector.broadcast %reduce_max3A_87 : f32 to vector<400x128xf32>
    %eq3A_89 = arith.cmpf oeq, %select_n3A_82, %eq3A_88 : vector<400x128xf32>
    %jit3A_90 = arith.constant 2147483647 : i32
    %broadcast_in_dim3A_91 = vector.broadcast %jit3A_90 : i32 to vector<400x128xi32>
    %select_n3A_92 = arith.select %eq3A_89, %add3A, %broadcast_in_dim3A_91 : vector<400x128xi1>, vector<400x128xi32>
    %reduce_min3A_93 = vector.shape_cast %select_n3A_92 : vector<400x128xi32> to vector<1x400x128xi32>
    %reduce_min3A_94 = arith.constant dense<2147483647> : vector<1xi32>
    %reduce_min3A_95 = vector.multi_reduction <minsi>, %reduce_min3A_93, %reduce_min3A_94 [1, 2] : vector<1x400x128xi32> to vector<1xi32>
    %reduce_min3A_96 = vector.shape_cast %reduce_min3A_95 : vector<1xi32> to vector<1x1x1xi32>
    %reduce_min3A_97 = vector.extract %reduce_min3A_96[0, 0, 0] : i32 from vector<1x1x1xi32>
    %dma_start3A_98 = arith.constant 2 : i32
    %dma_start3A_99 = arith.constant 0 : i32
    %dma_start3A_100 = tpu.memref_slice %arg11[%dma_start3A_98, %dma_start3A_99] : memref<16x64xf32, #tpu.memory_space<vmem>> -> memref<1x64xf32, #tpu.memory_space<vmem>>
    %dma_start3A_101 = arith.constant 0 : i32
    %dma_start3A_102 = tpu.memref_slice %arg1[%reduce_min3A_97, %dma_start3A_101] : memref<51200x64xf32, #tpu.memory_space<any>> -> memref<1x64xf32, #tpu.memory_space<any>>
    tpu.enqueue_dma source(%dma_start3A_102 : memref<1x64xf32, #tpu.memory_space<any>>) target(%dma_start3A_100 : memref<1x64xf32, #tpu.memory_space<vmem>>) target_semaphore(%arg12 : memref<!tpu.dma_semaphore, #tpu.memory_space<semaphore_mem>>)
    %dma_wait3A_103 = arith.constant 2 : i32
    %dma_wait3A_104 = arith.constant 0 : i32
    %dma_wait3A_105 = tpu.memref_slice %arg11[%dma_wait3A_103, %dma_wait3A_104] : memref<16x64xf32, #tpu.memory_space<vmem>> -> memref<1x64xf32, #tpu.memory_space<vmem>>
    %dma_wait3A_106 = arith.constant 0 : i32
    %dma_wait3A_107 = tpu.memref_slice %arg1[%reduce_min3A_97, %dma_wait3A_106] : memref<51200x64xf32, #tpu.memory_space<any>> -> memref<1x64xf32, #tpu.memory_space<any>>
    tpu.wait_dma2 semaphore(%arg12 : memref<!tpu.dma_semaphore, #tpu.memory_space<semaphore_mem>>) src(%dma_wait3A_107 : memref<1x64xf32, #tpu.memory_space<any>>) dst(%dma_wait3A_105 : memref<1x64xf32, #tpu.memory_space<vmem>>)
    %broadcast_in_dim3A_108 = vector.broadcast %reduce_max3A_87 : f32 to vector<1x64xf32>
    %tanh3A_109 = math.tanh %broadcast_in_dim3A_108 : vector<1x64xf32>
    %get3A_110 = arith.constant 2 : index
    %get3A_111 = arith.constant 0 : index
    %get3A_112 = vector.load %arg11[%get3A_110, %get3A_111] : memref<16x64xf32, #tpu.memory_space<vmem>>, vector<1x64xf32>
    %mul3A_113 = arith.mulf %get3A_112, %tanh3A_109 : vector<1x64xf32>
    %swap3A_114 = arith.constant 2 : index
    %swap3A_115 = arith.constant 0 : index
    %swap3A_116 = vector.load %arg11[%swap3A_114, %swap3A_115] : memref<16x64xf32, #tpu.memory_space<vmem>>, vector<1x64xf32>
    tpu.vector_store %arg11[%swap3A_114, %swap3A_115], %mul3A_113 {strides = array<i32>} : memref<16x64xf32, #tpu.memory_space<vmem>>, vector<1x64xf32>,
    %eq3A_117 = vector.broadcast %reduce_min3A_97 : i32 to vector<400x128xi32>
    %eq3A_118 = arith.cmpi eq, %add3A, %eq3A_117 : vector<400x128xi32>
    %jit3A_119 = arith.constant -1.000000e+30 : f32
    %broadcast_in_dim3A_120 = vector.broadcast %jit3A_119 : f32 to vector<400x128xf32>
    %select_n3A_121 = arith.select %eq3A_118, %broadcast_in_dim3A_120, %select_n3A_82 : vector<400x128xi1>, vector<400x128xf32>
    %reduce_max3A_122 = vector.shape_cast %select_n3A_121 : vector<400x128xf32> to vector<1x400x128xf32>
    %reduce_max3A_123 = arith.constant dense<0xFF800000> : vector<1xf32>
    %reduce_max3A_124 = vector.multi_reduction <maximumf>, %reduce_max3A_122, %reduce_max3A_123 [1, 2] : vector<1x400x128xf32> to vector<1xf32>
    %reduce_max3A_125 = vector.shape_cast %reduce_max3A_124 : vector<1xf32> to vector<1x1x1xf32>
    %reduce_max3A_126 = vector.extract %reduce_max3A_125[0, 0, 0] : f32 from vector<1x1x1xf32>
    %eq3A_127 = vector.broadcast %reduce_max3A_126 : f32 to vector<400x128xf32>
    %eq3A_128 = arith.cmpf oeq, %select_n3A_121, %eq3A_127 : vector<400x128xf32>
    %jit3A_129 = arith.constant 2147483647 : i32
    %broadcast_in_dim3A_130 = vector.broadcast %jit3A_129 : i32 to vector<400x128xi32>
    %select_n3A_131 = arith.select %eq3A_128, %add3A, %broadcast_in_dim3A_130 : vector<400x128xi1>, vector<400x128xi32>
    %reduce_min3A_132 = vector.shape_cast %select_n3A_131 : vector<400x128xi32> to vector<1x400x128xi32>
    %reduce_min3A_133 = arith.constant dense<2147483647> : vector<1xi32>
    %reduce_min3A_134 = vector.multi_reduction <minsi>, %reduce_min3A_132, %reduce_min3A_133 [1, 2] : vector<1x400x128xi32> to vector<1xi32>
    %reduce_min3A_135 = vector.shape_cast %reduce_min3A_134 : vector<1xi32> to vector<1x1x1xi32>
    %reduce_min3A_136 = vector.extract %reduce_min3A_135[0, 0, 0] : i32 from vector<1x1x1xi32>
    %dma_start3A_137 = arith.constant 3 : i32
    %dma_start3A_138 = arith.constant 0 : i32
    %dma_start3A_139 = tpu.memref_slice %arg11[%dma_start3A_137, %dma_start3A_138] : memref<16x64xf32, #tpu.memory_space<vmem>> -> memref<1x64xf32, #tpu.memory_space<vmem>>
    %dma_start3A_140 = arith.constant 0 : i32
    %dma_start3A_141 = tpu.memref_slice %arg1[%reduce_min3A_136, %dma_start3A_140] : memref<51200x64xf32, #tpu.memory_space<any>> -> memref<1x64xf32, #tpu.memory_space<any>>
    tpu.enqueue_dma source(%dma_start3A_141 : memref<1x64xf32, #tpu.memory_space<any>>) target(%dma_start3A_139 : memref<1x64xf32, #tpu.memory_space<vmem>>) target_semaphore(%arg12 : memref<!tpu.dma_semaphore, #tpu.memory_space<semaphore_mem>>)
    %dma_wait3A_142 = arith.constant 3 : i32
    %dma_wait3A_143 = arith.constant 0 : i32
    %dma_wait3A_144 = tpu.memref_slice %arg11[%dma_wait3A_142, %dma_wait3A_143] : memref<16x64xf32, #tpu.memory_space<vmem>> -> memref<1x64xf32, #tpu.memory_space<vmem>>
    %dma_wait3A_145 = arith.constant 0 : i32
    %dma_wait3A_146 = tpu.memref_slice %arg1[%reduce_min3A_136, %dma_wait3A_145] : memref<51200x64xf32, #tpu.memory_space<any>> -> memref<1x64xf32, #tpu.memory_space<any>>
    tpu.wait_dma2 semaphore(%arg12 : memref<!tpu.dma_semaphore, #tpu.memory_space<semaphore_mem>>) src(%dma_wait3A_146 : memref<1x64xf32, #tpu.memory_space<any>>) dst(%dma_wait3A_144 : memref<1x64xf32, #tpu.memory_space<vmem>>)
    %broadcast_in_dim3A_147 = vector.broadcast %reduce_max3A_126 : f32 to vector<1x64xf32>
    %tanh3A_148 = math.tanh %broadcast_in_dim3A_147 : vector<1x64xf32>
    %get3A_149 = arith.constant 3 : index
    %get3A_150 = arith.constant 0 : index
    %get3A_151 = vector.load %arg11[%get3A_149, %get3A_150] : memref<16x64xf32, #tpu.memory_space<vmem>>, vector<1x64xf32>
    %mul3A_152 = arith.mulf %get3A_151, %tanh3A_148 : vector<1x64xf32>
    %swap3A_153 = arith.constant 3 : index
    %swap3A_154 = arith.constant 0 : index
    %swap3A_155 = vector.load %arg11[%swap3A_153, %swap3A_154] : memref<16x64xf32, #tpu.memory_space<vmem>>, vector<1x64xf32>
    tpu.vector_store %arg11[%swap3A_153, %swap3A_154], %mul3A_152 {strides = array<i32>} : memref<16x64xf32, #tpu.memory_space<vmem>>, vector<1x64xf32>,
    %eq3A_156 = vector.broadcast %reduce_min3A_136 : i32 to vector<400x128xi32>
    %eq3A_157 = arith.cmpi eq, %add3A, %eq3A_156 : vector<400x128xi32>
    %jit3A_158 = arith.constant -1.000000e+30 : f32
    %broadcast_in_dim3A_159 = vector.broadcast %jit3A_158 : f32 to vector<400x128xf32>
    %select_n3A_160 = arith.select %eq3A_157, %broadcast_in_dim3A_159, %select_n3A_121 : vector<400x128xi1>, vector<400x128xf32>
    %reduce_max3A_161 = vector.shape_cast %select_n3A_160 : vector<400x128xf32> to vector<1x400x128xf32>
    %reduce_max3A_162 = arith.constant dense<0xFF800000> : vector<1xf32>
    %reduce_max3A_163 = vector.multi_reduction <maximumf>, %reduce_max3A_161, %reduce_max3A_162 [1, 2] : vector<1x400x128xf32> to vector<1xf32>
    %reduce_max3A_164 = vector.shape_cast %reduce_max3A_163 : vector<1xf32> to vector<1x1x1xf32>
    %reduce_max3A_165 = vector.extract %reduce_max3A_164[0, 0, 0] : f32 from vector<1x1x1xf32>
    %eq3A_166 = vector.broadcast %reduce_max3A_165 : f32 to vector<400x128xf32>
    %eq3A_167 = arith.cmpf oeq, %select_n3A_160, %eq3A_166 : vector<400x128xf32>
    %jit3A_168 = arith.constant 2147483647 : i32
    %broadcast_in_dim3A_169 = vector.broadcast %jit3A_168 : i32 to vector<400x128xi32>
    %select_n3A_170 = arith.select %eq3A_167, %add3A, %broadcast_in_dim3A_169 : vector<400x128xi1>, vector<400x128xi32>
    %reduce_min3A_171 = vector.shape_cast %select_n3A_170 : vector<400x128xi32> to vector<1x400x128xi32>
    %reduce_min3A_172 = arith.constant dense<2147483647> : vector<1xi32>
    %reduce_min3A_173 = vector.multi_reduction <minsi>, %reduce_min3A_171, %reduce_min3A_172 [1, 2] : vector<1x400x128xi32> to vector<1xi32>
    %reduce_min3A_174 = vector.shape_cast %reduce_min3A_173 : vector<1xi32> to vector<1x1x1xi32>
    %reduce_min3A_175 = vector.extract %reduce_min3A_174[0, 0, 0] : i32 from vector<1x1x1xi32>
    %dma_start3A_176 = arith.constant 4 : i32
    %dma_start3A_177 = arith.constant 0 : i32
    %dma_start3A_178 = tpu.memref_slice %arg11[%dma_start3A_176, %dma_start3A_177] : memref<16x64xf32, #tpu.memory_space<vmem>> -> memref<1x64xf32, #tpu.memory_space<vmem>>
    %dma_start3A_179 = arith.constant 0 : i32
    %dma_start3A_180 = tpu.memref_slice %arg1[%reduce_min3A_175, %dma_start3A_179] : memref<51200x64xf32, #tpu.memory_space<any>> -> memref<1x64xf32, #tpu.memory_space<any>>
    tpu.enqueue_dma source(%dma_start3A_180 : memref<1x64xf32, #tpu.memory_space<any>>) target(%dma_start3A_178 : memref<1x64xf32, #tpu.memory_space<vmem>>) target_semaphore(%arg12 : memref<!tpu.dma_semaphore, #tpu.memory_space<semaphore_mem>>)
    %dma_wait3A_181 = arith.constant 4 : i32
    %dma_wait3A_182 = arith.constant 0 : i32
    %dma_wait3A_183 = tpu.memref_slice %arg11[%dma_wait3A_181, %dma_wait3A_182] : memref<16x64xf32, #tpu.memory_space<vmem>> -> memref<1x64xf32, #tpu.memory_space<vmem>>
    %dma_wait3A_184 = arith.constant 0 : i32
    %dma_wait3A_185 = tpu.memref_slice %arg1[%reduce_min3A_175, %dma_wait3A_184] : memref<51200x64xf32, #tpu.memory_space<any>> -> memref<1x64xf32, #tpu.memory_space<any>>
    tpu.wait_dma2 semaphore(%arg12 : memref<!tpu.dma_semaphore, #tpu.memory_space<semaphore_mem>>) src(%dma_wait3A_185 : memref<1x64xf32, #tpu.memory_space<any>>) dst(%dma_wait3A_183 : memref<1x64xf32, #tpu.memory_space<vmem>>)
    %broadcast_in_dim3A_186 = vector.broadcast %reduce_max3A_165 : f32 to vector<1x64xf32>
    %tanh3A_187 = math.tanh %broadcast_in_dim3A_186 : vector<1x64xf32>
    %get3A_188 = arith.constant 4 : index
    %get3A_189 = arith.constant 0 : index
    %get3A_190 = vector.load %arg11[%get3A_188, %get3A_189] : memref<16x64xf32, #tpu.memory_space<vmem>>, vector<1x64xf32>
    %mul3A_191 = arith.mulf %get3A_190, %tanh3A_187 : vector<1x64xf32>
    %swap3A_192 = arith.constant 4 : index
    %swap3A_193 = arith.constant 0 : index
    %swap3A_194 = vector.load %arg11[%swap3A_192, %swap3A_193] : memref<16x64xf32, #tpu.memory_space<vmem>>, vector<1x64xf32>
    tpu.vector_store %arg11[%swap3A_192, %swap3A_193], %mul3A_191 {strides = array<i32>} : memref<16x64xf32, #tpu.memory_space<vmem>>, vector<1x64xf32>,
    %eq3A_195 = vector.broadcast %reduce_min3A_175 : i32 to vector<400x128xi32>
    %eq3A_196 = arith.cmpi eq, %add3A, %eq3A_195 : vector<400x128xi32>
    %jit3A_197 = arith.constant -1.000000e+30 : f32
    %broadcast_in_dim3A_198 = vector.broadcast %jit3A_197 : f32 to vector<400x128xf32>
    %select_n3A_199 = arith.select %eq3A_196, %broadcast_in_dim3A_198, %select_n3A_160 : vector<400x128xi1>, vector<400x128xf32>
    %reduce_max3A_200 = vector.shape_cast %select_n3A_199 : vector<400x128xf32> to vector<1x400x128xf32>
    %reduce_max3A_201 = arith.constant dense<0xFF800000> : vector<1xf32>
    %reduce_max3A_202 = vector.multi_reduction <maximumf>, %reduce_max3A_200, %reduce_max3A_201 [1, 2] : vector<1x400x128xf32> to vector<1xf32>
    %reduce_max3A_203 = vector.shape_cast %reduce_max3A_202 : vector<1xf32> to vector<1x1x1xf32>
    %reduce_max3A_204 = vector.extract %reduce_max3A_203[0, 0, 0] : f32 from vector<1x1x1xf32>
    %eq3A_205 = vector.broadcast %reduce_max3A_204 : f32 to vector<400x128xf32>
    %eq3A_206 = arith.cmpf oeq, %select_n3A_199, %eq3A_205 : vector<400x128xf32>
    %jit3A_207 = arith.constant 2147483647 : i32
    %broadcast_in_dim3A_208 = vector.broadcast %jit3A_207 : i32 to vector<400x128xi32>
    %select_n3A_209 = arith.select %eq3A_206, %add3A, %broadcast_in_dim3A_208 : vector<400x128xi1>, vector<400x128xi32>
    %reduce_min3A_210 = vector.shape_cast %select_n3A_209 : vector<400x128xi32> to vector<1x400x128xi32>
    %reduce_min3A_211 = arith.constant dense<2147483647> : vector<1xi32>
    %reduce_min3A_212 = vector.multi_reduction <minsi>, %reduce_min3A_210, %reduce_min3A_211 [1, 2] : vector<1x400x128xi32> to vector<1xi32>
    %reduce_min3A_213 = vector.shape_cast %reduce_min3A_212 : vector<1xi32> to vector<1x1x1xi32>
    %reduce_min3A_214 = vector.extract %reduce_min3A_213[0, 0, 0] : i32 from vector<1x1x1xi32>
    %dma_start3A_215 = arith.constant 5 : i32
    %dma_start3A_216 = arith.constant 0 : i32
    %dma_start3A_217 = tpu.memref_slice %arg11[%dma_start3A_215, %dma_start3A_216] : memref<16x64xf32, #tpu.memory_space<vmem>> -> memref<1x64xf32, #tpu.memory_space<vmem>>
    %dma_start3A_218 = arith.constant 0 : i32
    %dma_start3A_219 = tpu.memref_slice %arg1[%reduce_min3A_214, %dma_start3A_218] : memref<51200x64xf32, #tpu.memory_space<any>> -> memref<1x64xf32, #tpu.memory_space<any>>
    tpu.enqueue_dma source(%dma_start3A_219 : memref<1x64xf32, #tpu.memory_space<any>>) target(%dma_start3A_217 : memref<1x64xf32, #tpu.memory_space<vmem>>) target_semaphore(%arg12 : memref<!tpu.dma_semaphore, #tpu.memory_space<semaphore_mem>>)
    %dma_wait3A_220 = arith.constant 5 : i32
    %dma_wait3A_221 = arith.constant 0 : i32
    %dma_wait3A_222 = tpu.memref_slice %arg11[%dma_wait3A_220, %dma_wait3A_221] : memref<16x64xf32, #tpu.memory_space<vmem>> -> memref<1x64xf32, #tpu.memory_space<vmem>>
    %dma_wait3A_223 = arith.constant 0 : i32
    %dma_wait3A_224 = tpu.memref_slice %arg1[%reduce_min3A_214, %dma_wait3A_223] : memref<51200x64xf32, #tpu.memory_space<any>> -> memref<1x64xf32, #tpu.memory_space<any>>
    tpu.wait_dma2 semaphore(%arg12 : memref<!tpu.dma_semaphore, #tpu.memory_space<semaphore_mem>>) src(%dma_wait3A_224 : memref<1x64xf32, #tpu.memory_space<any>>) dst(%dma_wait3A_222 : memref<1x64xf32, #tpu.memory_space<vmem>>)
    %broadcast_in_dim3A_225 = vector.broadcast %reduce_max3A_204 : f32 to vector<1x64xf32>
    %tanh3A_226 = math.tanh %broadcast_in_dim3A_225 : vector<1x64xf32>
    %get3A_227 = arith.constant 5 : index
    %get3A_228 = arith.constant 0 : index
    %get3A_229 = vector.load %arg11[%get3A_227, %get3A_228] : memref<16x64xf32, #tpu.memory_space<vmem>>, vector<1x64xf32>
    %mul3A_230 = arith.mulf %get3A_229, %tanh3A_226 : vector<1x64xf32>
    %swap3A_231 = arith.constant 5 : index
    %swap3A_232 = arith.constant 0 : index
    %swap3A_233 = vector.load %arg11[%swap3A_231, %swap3A_232] : memref<16x64xf32, #tpu.memory_space<vmem>>, vector<1x64xf32>
    tpu.vector_store %arg11[%swap3A_231, %swap3A_232], %mul3A_230 {strides = array<i32>} : memref<16x64xf32, #tpu.memory_space<vmem>>, vector<1x64xf32>,
    %eq3A_234 = vector.broadcast %reduce_min3A_214 : i32 to vector<400x128xi32>
    %eq3A_235 = arith.cmpi eq, %add3A, %eq3A_234 : vector<400x128xi32>
    %jit3A_236 = arith.constant -1.000000e+30 : f32
    %broadcast_in_dim3A_237 = vector.broadcast %jit3A_236 : f32 to vector<400x128xf32>
    %select_n3A_238 = arith.select %eq3A_235, %broadcast_in_dim3A_237, %select_n3A_199 : vector<400x128xi1>, vector<400x128xf32>
    %reduce_max3A_239 = vector.shape_cast %select_n3A_238 : vector<400x128xf32> to vector<1x400x128xf32>
    %reduce_max3A_240 = arith.constant dense<0xFF800000> : vector<1xf32>
    %reduce_max3A_241 = vector.multi_reduction <maximumf>, %reduce_max3A_239, %reduce_max3A_240 [1, 2] : vector<1x400x128xf32> to vector<1xf32>
    %reduce_max3A_242 = vector.shape_cast %reduce_max3A_241 : vector<1xf32> to vector<1x1x1xf32>
    %reduce_max3A_243 = vector.extract %reduce_max3A_242[0, 0, 0] : f32 from vector<1x1x1xf32>
    %eq3A_244 = vector.broadcast %reduce_max3A_243 : f32 to vector<400x128xf32>
    %eq3A_245 = arith.cmpf oeq, %select_n3A_238, %eq3A_244 : vector<400x128xf32>
    %jit3A_246 = arith.constant 2147483647 : i32
    %broadcast_in_dim3A_247 = vector.broadcast %jit3A_246 : i32 to vector<400x128xi32>
    %select_n3A_248 = arith.select %eq3A_245, %add3A, %broadcast_in_dim3A_247 : vector<400x128xi1>, vector<400x128xi32>
    %reduce_min3A_249 = vector.shape_cast %select_n3A_248 : vector<400x128xi32> to vector<1x400x128xi32>
    %reduce_min3A_250 = arith.constant dense<2147483647> : vector<1xi32>
    %reduce_min3A_251 = vector.multi_reduction <minsi>, %reduce_min3A_249, %reduce_min3A_250 [1, 2] : vector<1x400x128xi32> to vector<1xi32>
    %reduce_min3A_252 = vector.shape_cast %reduce_min3A_251 : vector<1xi32> to vector<1x1x1xi32>
    %reduce_min3A_253 = vector.extract %reduce_min3A_252[0, 0, 0] : i32 from vector<1x1x1xi32>
    %dma_start3A_254 = arith.constant 6 : i32
    %dma_start3A_255 = arith.constant 0 : i32
    %dma_start3A_256 = tpu.memref_slice %arg11[%dma_start3A_254, %dma_start3A_255] : memref<16x64xf32, #tpu.memory_space<vmem>> -> memref<1x64xf32, #tpu.memory_space<vmem>>
    %dma_start3A_257 = arith.constant 0 : i32
    %dma_start3A_258 = tpu.memref_slice %arg1[%reduce_min3A_253, %dma_start3A_257] : memref<51200x64xf32, #tpu.memory_space<any>> -> memref<1x64xf32, #tpu.memory_space<any>>
    tpu.enqueue_dma source(%dma_start3A_258 : memref<1x64xf32, #tpu.memory_space<any>>) target(%dma_start3A_256 : memref<1x64xf32, #tpu.memory_space<vmem>>) target_semaphore(%arg12 : memref<!tpu.dma_semaphore, #tpu.memory_space<semaphore_mem>>)
    %dma_wait3A_259 = arith.constant 6 : i32
    %dma_wait3A_260 = arith.constant 0 : i32
    %dma_wait3A_261 = tpu.memref_slice %arg11[%dma_wait3A_259, %dma_wait3A_260] : memref<16x64xf32, #tpu.memory_space<vmem>> -> memref<1x64xf32, #tpu.memory_space<vmem>>
    %dma_wait3A_262 = arith.constant 0 : i32
    %dma_wait3A_263 = tpu.memref_slice %arg1[%reduce_min3A_253, %dma_wait3A_262] : memref<51200x64xf32, #tpu.memory_space<any>> -> memref<1x64xf32, #tpu.memory_space<any>>
    tpu.wait_dma2 semaphore(%arg12 : memref<!tpu.dma_semaphore, #tpu.memory_space<semaphore_mem>>) src(%dma_wait3A_263 : memref<1x64xf32, #tpu.memory_space<any>>) dst(%dma_wait3A_261 : memref<1x64xf32, #tpu.memory_space<vmem>>)
    %broadcast_in_dim3A_264 = vector.broadcast %reduce_max3A_243 : f32 to vector<1x64xf32>
    %tanh3A_265 = math.tanh %broadcast_in_dim3A_264 : vector<1x64xf32>
    %get3A_266 = arith.constant 6 : index
    %get3A_267 = arith.constant 0 : index
    %get3A_268 = vector.load %arg11[%get3A_266, %get3A_267] : memref<16x64xf32, #tpu.memory_space<vmem>>, vector<1x64xf32>
    %mul3A_269 = arith.mulf %get3A_268, %tanh3A_265 : vector<1x64xf32>
    %swap3A_270 = arith.constant 6 : index
    %swap3A_271 = arith.constant 0 : index
    %swap3A_272 = vector.load %arg11[%swap3A_270, %swap3A_271] : memref<16x64xf32, #tpu.memory_space<vmem>>, vector<1x64xf32>
    tpu.vector_store %arg11[%swap3A_270, %swap3A_271], %mul3A_269 {strides = array<i32>} : memref<16x64xf32, #tpu.memory_space<vmem>>, vector<1x64xf32>,
    %eq3A_273 = vector.broadcast %reduce_min3A_253 : i32 to vector<400x128xi32>
    %eq3A_274 = arith.cmpi eq, %add3A, %eq3A_273 : vector<400x128xi32>
    %jit3A_275 = arith.constant -1.000000e+30 : f32
    %broadcast_in_dim3A_276 = vector.broadcast %jit3A_275 : f32 to vector<400x128xf32>
    %select_n3A_277 = arith.select %eq3A_274, %broadcast_in_dim3A_276, %select_n3A_238 : vector<400x128xi1>, vector<400x128xf32>
    %reduce_max3A_278 = vector.shape_cast %select_n3A_277 : vector<400x128xf32> to vector<1x400x128xf32>
    %reduce_max3A_279 = arith.constant dense<0xFF800000> : vector<1xf32>
    %reduce_max3A_280 = vector.multi_reduction <maximumf>, %reduce_max3A_278, %reduce_max3A_279 [1, 2] : vector<1x400x128xf32> to vector<1xf32>
    %reduce_max3A_281 = vector.shape_cast %reduce_max3A_280 : vector<1xf32> to vector<1x1x1xf32>
    %reduce_max3A_282 = vector.extract %reduce_max3A_281[0, 0, 0] : f32 from vector<1x1x1xf32>
    %eq3A_283 = vector.broadcast %reduce_max3A_282 : f32 to vector<400x128xf32>
    %eq3A_284 = arith.cmpf oeq, %select_n3A_277, %eq3A_283 : vector<400x128xf32>
    %jit3A_285 = arith.constant 2147483647 : i32
    %broadcast_in_dim3A_286 = vector.broadcast %jit3A_285 : i32 to vector<400x128xi32>
    %select_n3A_287 = arith.select %eq3A_284, %add3A, %broadcast_in_dim3A_286 : vector<400x128xi1>, vector<400x128xi32>
    %reduce_min3A_288 = vector.shape_cast %select_n3A_287 : vector<400x128xi32> to vector<1x400x128xi32>
    %reduce_min3A_289 = arith.constant dense<2147483647> : vector<1xi32>
    %reduce_min3A_290 = vector.multi_reduction <minsi>, %reduce_min3A_288, %reduce_min3A_289 [1, 2] : vector<1x400x128xi32> to vector<1xi32>
    %reduce_min3A_291 = vector.shape_cast %reduce_min3A_290 : vector<1xi32> to vector<1x1x1xi32>
    %reduce_min3A_292 = vector.extract %reduce_min3A_291[0, 0, 0] : i32 from vector<1x1x1xi32>
    %dma_start3A_293 = arith.constant 7 : i32
    %dma_start3A_294 = arith.constant 0 : i32
    %dma_start3A_295 = tpu.memref_slice %arg11[%dma_start3A_293, %dma_start3A_294] : memref<16x64xf32, #tpu.memory_space<vmem>> -> memref<1x64xf32, #tpu.memory_space<vmem>>
    %dma_start3A_296 = arith.constant 0 : i32
    %dma_start3A_297 = tpu.memref_slice %arg1[%reduce_min3A_292, %dma_start3A_296] : memref<51200x64xf32, #tpu.memory_space<any>> -> memref<1x64xf32, #tpu.memory_space<any>>
    tpu.enqueue_dma source(%dma_start3A_297 : memref<1x64xf32, #tpu.memory_space<any>>) target(%dma_start3A_295 : memref<1x64xf32, #tpu.memory_space<vmem>>) target_semaphore(%arg12 : memref<!tpu.dma_semaphore, #tpu.memory_space<semaphore_mem>>)
    %dma_wait3A_298 = arith.constant 7 : i32
    %dma_wait3A_299 = arith.constant 0 : i32
    %dma_wait3A_300 = tpu.memref_slice %arg11[%dma_wait3A_298, %dma_wait3A_299] : memref<16x64xf32, #tpu.memory_space<vmem>> -> memref<1x64xf32, #tpu.memory_space<vmem>>
    %dma_wait3A_301 = arith.constant 0 : i32
    %dma_wait3A_302 = tpu.memref_slice %arg1[%reduce_min3A_292, %dma_wait3A_301] : memref<51200x64xf32, #tpu.memory_space<any>> -> memref<1x64xf32, #tpu.memory_space<any>>
    tpu.wait_dma2 semaphore(%arg12 : memref<!tpu.dma_semaphore, #tpu.memory_space<semaphore_mem>>) src(%dma_wait3A_302 : memref<1x64xf32, #tpu.memory_space<any>>) dst(%dma_wait3A_300 : memref<1x64xf32, #tpu.memory_space<vmem>>)
    %broadcast_in_dim3A_303 = vector.broadcast %reduce_max3A_282 : f32 to vector<1x64xf32>
    %tanh3A_304 = math.tanh %broadcast_in_dim3A_303 : vector<1x64xf32>
    %get3A_305 = arith.constant 7 : index
    %get3A_306 = arith.constant 0 : index
    %get3A_307 = vector.load %arg11[%get3A_305, %get3A_306] : memref<16x64xf32, #tpu.memory_space<vmem>>, vector<1x64xf32>
    %mul3A_308 = arith.mulf %get3A_307, %tanh3A_304 : vector<1x64xf32>
    %swap3A_309 = arith.constant 7 : index
    %swap3A_310 = arith.constant 0 : index
    %swap3A_311 = vector.load %arg11[%swap3A_309, %swap3A_310] : memref<16x64xf32, #tpu.memory_space<vmem>>, vector<1x64xf32>
    tpu.vector_store %arg11[%swap3A_309, %swap3A_310], %mul3A_308 {strides = array<i32>} : memref<16x64xf32, #tpu.memory_space<vmem>>, vector<1x64xf32>,
    %eq3A_312 = vector.broadcast %reduce_min3A_292 : i32 to vector<400x128xi32>
    %eq3A_313 = arith.cmpi eq, %add3A, %eq3A_312 : vector<400x128xi32>
    %jit3A_314 = arith.constant -1.000000e+30 : f32
    %broadcast_in_dim3A_315 = vector.broadcast %jit3A_314 : f32 to vector<400x128xf32>
    %select_n3A_316 = arith.select %eq3A_313, %broadcast_in_dim3A_315, %select_n3A_277 : vector<400x128xi1>, vector<400x128xf32>
    %reduce_max3A_317 = vector.shape_cast %select_n3A_316 : vector<400x128xf32> to vector<1x400x128xf32>
    %reduce_max3A_318 = arith.constant dense<0xFF800000> : vector<1xf32>
    %reduce_max3A_319 = vector.multi_reduction <maximumf>, %reduce_max3A_317, %reduce_max3A_318 [1, 2] : vector<1x400x128xf32> to vector<1xf32>
    %reduce_max3A_320 = vector.shape_cast %reduce_max3A_319 : vector<1xf32> to vector<1x1x1xf32>
    %reduce_max3A_321 = vector.extract %reduce_max3A_320[0, 0, 0] : f32 from vector<1x1x1xf32>
    %eq3A_322 = vector.broadcast %reduce_max3A_321 : f32 to vector<400x128xf32>
    %eq3A_323 = arith.cmpf oeq, %select_n3A_316, %eq3A_322 : vector<400x128xf32>
    %jit3A_324 = arith.constant 2147483647 : i32
    %broadcast_in_dim3A_325 = vector.broadcast %jit3A_324 : i32 to vector<400x128xi32>
    %select_n3A_326 = arith.select %eq3A_323, %add3A, %broadcast_in_dim3A_325 : vector<400x128xi1>, vector<400x128xi32>
    %reduce_min3A_327 = vector.shape_cast %select_n3A_326 : vector<400x128xi32> to vector<1x400x128xi32>
    %reduce_min3A_328 = arith.constant dense<2147483647> : vector<1xi32>
    %reduce_min3A_329 = vector.multi_reduction <minsi>, %reduce_min3A_327, %reduce_min3A_328 [1, 2] : vector<1x400x128xi32> to vector<1xi32>
    %reduce_min3A_330 = vector.shape_cast %reduce_min3A_329 : vector<1xi32> to vector<1x1x1xi32>
    %reduce_min3A_331 = vector.extract %reduce_min3A_330[0, 0, 0] : i32 from vector<1x1x1xi32>
    %dma_start3A_332 = arith.constant 8 : i32
    %dma_start3A_333 = arith.constant 0 : i32
    %dma_start3A_334 = tpu.memref_slice %arg11[%dma_start3A_332, %dma_start3A_333] : memref<16x64xf32, #tpu.memory_space<vmem>> -> memref<1x64xf32, #tpu.memory_space<vmem>>
    %dma_start3A_335 = arith.constant 0 : i32
    %dma_start3A_336 = tpu.memref_slice %arg1[%reduce_min3A_331, %dma_start3A_335] : memref<51200x64xf32, #tpu.memory_space<any>> -> memref<1x64xf32, #tpu.memory_space<any>>
    tpu.enqueue_dma source(%dma_start3A_336 : memref<1x64xf32, #tpu.memory_space<any>>) target(%dma_start3A_334 : memref<1x64xf32, #tpu.memory_space<vmem>>) target_semaphore(%arg12 : memref<!tpu.dma_semaphore, #tpu.memory_space<semaphore_mem>>)
    %dma_wait3A_337 = arith.constant 8 : i32
    %dma_wait3A_338 = arith.constant 0 : i32
    %dma_wait3A_339 = tpu.memref_slice %arg11[%dma_wait3A_337, %dma_wait3A_338] : memref<16x64xf32, #tpu.memory_space<vmem>> -> memref<1x64xf32, #tpu.memory_space<vmem>>
    %dma_wait3A_340 = arith.constant 0 : i32
    %dma_wait3A_341 = tpu.memref_slice %arg1[%reduce_min3A_331, %dma_wait3A_340] : memref<51200x64xf32, #tpu.memory_space<any>> -> memref<1x64xf32, #tpu.memory_space<any>>
    tpu.wait_dma2 semaphore(%arg12 : memref<!tpu.dma_semaphore, #tpu.memory_space<semaphore_mem>>) src(%dma_wait3A_341 : memref<1x64xf32, #tpu.memory_space<any>>) dst(%dma_wait3A_339 : memref<1x64xf32, #tpu.memory_space<vmem>>)
    %broadcast_in_dim3A_342 = vector.broadcast %reduce_max3A_321 : f32 to vector<1x64xf32>
    %tanh3A_343 = math.tanh %broadcast_in_dim3A_342 : vector<1x64xf32>
    %get3A_344 = arith.constant 8 : index
    %get3A_345 = arith.constant 0 : index
    %get3A_346 = vector.load %arg11[%get3A_344, %get3A_345] : memref<16x64xf32, #tpu.memory_space<vmem>>, vector<1x64xf32>
    %mul3A_347 = arith.mulf %get3A_346, %tanh3A_343 : vector<1x64xf32>
    %swap3A_348 = arith.constant 8 : index
    %swap3A_349 = arith.constant 0 : index
    %swap3A_350 = vector.load %arg11[%swap3A_348, %swap3A_349] : memref<16x64xf32, #tpu.memory_space<vmem>>, vector<1x64xf32>
    tpu.vector_store %arg11[%swap3A_348, %swap3A_349], %mul3A_347 {strides = array<i32>} : memref<16x64xf32, #tpu.memory_space<vmem>>, vector<1x64xf32>,
    %eq3A_351 = vector.broadcast %reduce_min3A_331 : i32 to vector<400x128xi32>
    %eq3A_352 = arith.cmpi eq, %add3A, %eq3A_351 : vector<400x128xi32>
    %jit3A_353 = arith.constant -1.000000e+30 : f32
    %broadcast_in_dim3A_354 = vector.broadcast %jit3A_353 : f32 to vector<400x128xf32>
    %select_n3A_355 = arith.select %eq3A_352, %broadcast_in_dim3A_354, %select_n3A_316 : vector<400x128xi1>, vector<400x128xf32>
    %reduce_max3A_356 = vector.shape_cast %select_n3A_355 : vector<400x128xf32> to vector<1x400x128xf32>
    %reduce_max3A_357 = arith.constant dense<0xFF800000> : vector<1xf32>
    %reduce_max3A_358 = vector.multi_reduction <maximumf>, %reduce_max3A_356, %reduce_max3A_357 [1, 2] : vector<1x400x128xf32> to vector<1xf32>
    %reduce_max3A_359 = vector.shape_cast %reduce_max3A_358 : vector<1xf32> to vector<1x1x1xf32>
    %reduce_max3A_360 = vector.extract %reduce_max3A_359[0, 0, 0] : f32 from vector<1x1x1xf32>
    %eq3A_361 = vector.broadcast %reduce_max3A_360 : f32 to vector<400x128xf32>
    %eq3A_362 = arith.cmpf oeq, %select_n3A_355, %eq3A_361 : vector<400x128xf32>
    %jit3A_363 = arith.constant 2147483647 : i32
    %broadcast_in_dim3A_364 = vector.broadcast %jit3A_363 : i32 to vector<400x128xi32>
    %select_n3A_365 = arith.select %eq3A_362, %add3A, %broadcast_in_dim3A_364 : vector<400x128xi1>, vector<400x128xi32>
    %reduce_min3A_366 = vector.shape_cast %select_n3A_365 : vector<400x128xi32> to vector<1x400x128xi32>
    %reduce_min3A_367 = arith.constant dense<2147483647> : vector<1xi32>
    %reduce_min3A_368 = vector.multi_reduction <minsi>, %reduce_min3A_366, %reduce_min3A_367 [1, 2] : vector<1x400x128xi32> to vector<1xi32>
    %reduce_min3A_369 = vector.shape_cast %reduce_min3A_368 : vector<1xi32> to vector<1x1x1xi32>
    %reduce_min3A_370 = vector.extract %reduce_min3A_369[0, 0, 0] : i32 from vector<1x1x1xi32>
    %dma_start3A_371 = arith.constant 9 : i32
    %dma_start3A_372 = arith.constant 0 : i32
    %dma_start3A_373 = tpu.memref_slice %arg11[%dma_start3A_371, %dma_start3A_372] : memref<16x64xf32, #tpu.memory_space<vmem>> -> memref<1x64xf32, #tpu.memory_space<vmem>>
    %dma_start3A_374 = arith.constant 0 : i32
    %dma_start3A_375 = tpu.memref_slice %arg1[%reduce_min3A_370, %dma_start3A_374] : memref<51200x64xf32, #tpu.memory_space<any>> -> memref<1x64xf32, #tpu.memory_space<any>>
    tpu.enqueue_dma source(%dma_start3A_375 : memref<1x64xf32, #tpu.memory_space<any>>) target(%dma_start3A_373 : memref<1x64xf32, #tpu.memory_space<vmem>>) target_semaphore(%arg12 : memref<!tpu.dma_semaphore, #tpu.memory_space<semaphore_mem>>)
    %dma_wait3A_376 = arith.constant 9 : i32
    %dma_wait3A_377 = arith.constant 0 : i32
    %dma_wait3A_378 = tpu.memref_slice %arg11[%dma_wait3A_376, %dma_wait3A_377] : memref<16x64xf32, #tpu.memory_space<vmem>> -> memref<1x64xf32, #tpu.memory_space<vmem>>
    %dma_wait3A_379 = arith.constant 0 : i32
    %dma_wait3A_380 = tpu.memref_slice %arg1[%reduce_min3A_370, %dma_wait3A_379] : memref<51200x64xf32, #tpu.memory_space<any>> -> memref<1x64xf32, #tpu.memory_space<any>>
    tpu.wait_dma2 semaphore(%arg12 : memref<!tpu.dma_semaphore, #tpu.memory_space<semaphore_mem>>) src(%dma_wait3A_380 : memref<1x64xf32, #tpu.memory_space<any>>) dst(%dma_wait3A_378 : memref<1x64xf32, #tpu.memory_space<vmem>>)
    %broadcast_in_dim3A_381 = vector.broadcast %reduce_max3A_360 : f32 to vector<1x64xf32>
    %tanh3A_382 = math.tanh %broadcast_in_dim3A_381 : vector<1x64xf32>
    %get3A_383 = arith.constant 9 : index
    %get3A_384 = arith.constant 0 : index
    %get3A_385 = vector.load %arg11[%get3A_383, %get3A_384] : memref<16x64xf32, #tpu.memory_space<vmem>>, vector<1x64xf32>
    %mul3A_386 = arith.mulf %get3A_385, %tanh3A_382 : vector<1x64xf32>
    %swap3A_387 = arith.constant 9 : index
    %swap3A_388 = arith.constant 0 : index
    %swap3A_389 = vector.load %arg11[%swap3A_387, %swap3A_388] : memref<16x64xf32, #tpu.memory_space<vmem>>, vector<1x64xf32>
    tpu.vector_store %arg11[%swap3A_387, %swap3A_388], %mul3A_386 {strides = array<i32>} : memref<16x64xf32, #tpu.memory_space<vmem>>, vector<1x64xf32>,
    %get3A_390 = arith.constant 0 : index
    %get3A_391 = arith.constant 0 : index
    %get3A_392 = vector.load %arg11[%get3A_390, %get3A_391] : memref<16x64xf32, #tpu.memory_space<vmem>>, vector<16x64xf32>
    %get3A_393 = arith.constant 0 : index
    %get3A_394 = arith.constant 0 : index
    %get3A_395 = vector.load %arg2[%get3A_393, %get3A_394] : memref<64x2xf32, #tpu.memory_space<vmem>>, vector<64x2xf32>
    %dot_general3A = arith.constant dense<0.000000e+00> : vector<16x2xf32>
    %dot_general3A_396 = tpu.matmul %get3A_392, %get3A_395, %dot_general3A {dimension_numbers = #tpu.dot_dimension_numbers<[1], [0], [0], [1], [0, 0, 1, 1], [], []>, transpose_lhs_hint = false} : vector<16x64xf32>, vector<64x2xf32>, vector<16x2xf32> -> vector<16x2xf32>
    %get3A_397 = arith.constant 0 : index
    %get3A_398 = vector.load %arg3[%get3A_397] : memref<2xf32, #tpu.memory_space<vmem>>, vector<2xf32>
    %broadcast_in_dim3A_399 = vector.shape_cast %get3A_398 : vector<2xf32> to vector<1x2xf32>
    %add3A_400 = vector.broadcast %broadcast_in_dim3A_399 : vector<1x2xf32> to vector<16x2xf32>
    %add3A_401 = arith.addf %dot_general3A_396, %add3A_400 : vector<16x2xf32>
    %get3A_402 = arith.constant 0 : index
    %get3A_403 = arith.constant 0 : index
    %get3A_404 = vector.load %arg4[%get3A_402, %get3A_403] : memref<64x2xf32, #tpu.memory_space<vmem>>, vector<64x2xf32>
    %dot_general3A_405 = arith.constant dense<0.000000e+00> : vector<16x2xf32>
    %dot_general3A_406 = tpu.matmul %get3A_392, %get3A_404, %dot_general3A_405 {dimension_numbers = #tpu.dot_dimension_numbers<[1], [0], [0], [1], [0, 0, 1, 1], [], []>, transpose_lhs_hint = false} : vector<16x64xf32>, vector<64x2xf32>, vector<16x2xf32> -> vector<16x2xf32>
    %get3A_407 = arith.constant 0 : index
    %get3A_408 = vector.load %arg5[%get3A_407] : memref<2xf32, #tpu.memory_space<vmem>>, vector<2xf32>
    %broadcast_in_dim3A_409 = vector.shape_cast %get3A_408 : vector<2xf32> to vector<1x2xf32>
    %add3A_410 = vector.broadcast %broadcast_in_dim3A_409 : vector<1x2xf32> to vector<16x2xf32>
    %add3A_411 = arith.addf %dot_general3A_406, %add3A_410 : vector<16x2xf32>
    %get3A_412 = arith.constant 0 : index
    %get3A_413 = arith.constant 0 : index
    %get3A_414 = vector.load %arg6[%get3A_412, %get3A_413] : memref<64x1xf32, #tpu.memory_space<vmem>>, vector<64x1xf32>
    %dot_general3A_415 = arith.constant dense<0.000000e+00> : vector<16x1xf32>
    %dot_general3A_416 = tpu.matmul %get3A_392, %get3A_414, %dot_general3A_415 {dimension_numbers = #tpu.dot_dimension_numbers<[1], [0], [0], [1], [0, 0, 1, 1], [], []>, transpose_lhs_hint = false} : vector<16x64xf32>, vector<64x1xf32>, vector<16x1xf32> -> vector<16x1xf32>
    %get3A_417 = arith.constant 0 : index
    %get3A_418 = vector.load %arg7[%get3A_417] : memref<1xf32, #tpu.memory_space<vmem>>, vector<1xf32>
    %broadcast_in_dim3A_419 = vector.shape_cast %get3A_418 : vector<1xf32> to vector<1x1xf32>
    %add3A_420 = vector.broadcast %broadcast_in_dim3A_419 : vector<1x1xf32> to vector<16x1xf32>
    %add3A_421 = arith.addf %dot_general3A_416, %add3A_420 : vector<16x1xf32>
    %reduce_max3A_422 = arith.constant dense<0xFF800000> : vector<16xf32>
    %reduce_max3A_423 = vector.multi_reduction <maximumf>, %add3A_421, %reduce_max3A_422 [1] : vector<16x1xf32> to vector<16xf32>
    %broadcast_in_dim3A_424 = vector.shape_cast %reduce_max3A_423 : vector<16xf32> to vector<16x1xf32>
    %sub3A = arith.subf %add3A_421, %broadcast_in_dim3A_424 : vector<16x1xf32>
    %exp3A = math.exp %sub3A : vector<16x1xf32>
    %reduce_sum3A = arith.constant dense<0.000000e+00> : vector<16xf32>
    %reduce_sum3A_425 = vector.multi_reduction <add>, %exp3A, %reduce_sum3A [1] : vector<16x1xf32> to vector<16xf32>
    %broadcast_in_dim3A_426 = vector.shape_cast %reduce_sum3A_425 : vector<16xf32> to vector<16x1xf32>
    %div3A = arith.divf %exp3A, %broadcast_in_dim3A_426 : vector<16x1xf32>
    %slice3A = vector.extract_strided_slice %add3A_401 {offsets = [0, 0], sizes = [10, 2], strides = [1, 1]} : vector<16x2xf32> to vector<10x2xf32>
    %swap3A_427 = arith.constant 0 : index
    %swap3A_428 = arith.constant 0 : index
    %swap3A_429 = vector.load %arg8[%swap3A_427, %swap3A_428] : memref<10x2xf32, #tpu.memory_space<vmem>>, vector<10x2xf32>
    tpu.vector_store %arg8[%swap3A_427, %swap3A_428], %slice3A {strides = array<i32>} : memref<10x2xf32, #tpu.memory_space<vmem>>, vector<10x2xf32>,
    %slice3A_430 = vector.extract_strided_slice %add3A_411 {offsets = [0, 0], sizes = [10, 2], strides = [1, 1]} : vector<16x2xf32> to vector<10x2xf32>
    %swap3A_431 = arith.constant 0 : index
    %swap3A_432 = arith.constant 0 : index
    %swap3A_433 = vector.load %arg9[%swap3A_431, %swap3A_432] : memref<10x2xf32, #tpu.memory_space<vmem>>, vector<10x2xf32>
    tpu.vector_store %arg9[%swap3A_431, %swap3A_432], %slice3A_430 {strides = array<i32>} : memref<10x2xf32, #tpu.memory_space<vmem>>, vector<10x2xf32>,
    %slice3A_434 = vector.extract_strided_slice %div3A {offsets = [0, 0], sizes = [10, 1], strides = [1, 1]} : vector<16x1xf32> to vector<10x1xf32>
    %swap3A_435 = arith.constant 0 : index
    %swap3A_436 = arith.constant 0 : index
    %swap3A_437 = vector.load %arg10[%swap3A_435, %swap3A_436] : memref<10x1xf32, #tpu.memory_space<vmem>>, vector<10x1xf32>
    tpu.vector_store %arg10[%swap3A_435, %swap3A_436], %slice3A_434 {strides = array<i32>} : memref<10x1xf32, #tpu.memory_space<vmem>>, vector<10x1xf32>,
    return
  }
}

</mosaic_0001>

<sc_bundles>
// kernel: kernel.11.cloned.1.call-start
scs
__scs_entry_jumppad:
0x0: {  	(pc) =	sbr.rel $0x88, $3  }
0x1: {  	(tag) =	ssettag $0x0;
	lr =	simm.s32 $0x1  }
0x2: {  	[smem:$0x3F92] =	sst lr;
	_ =	strace $0xD0000000  }
0x3: {  	_ = 	snop  }
0x4: {  	_ = 	snop  }
0x5: {  	_ = 	snop  }
0x6: {  	_ = 	snop  }
0x7: {  	_ = 	snop  }
__scs_overlays_trampoline_lowered:
0x8: {  	[smem:$0x3FA1] =	sst s0  }
0x9: {  	[smem:$0x3FA2] =	sst s1  }
0xa: {  	[smem:$0x3FA3] =	sst s2  }
0xb: {  	[smem:$0x3FA4] =	sst s3  }
0xc: {  	[smem:$0x3FA5] =	sst s4  }
0xd: {  	[smem:$0x3FA6] =	sst s5  }
0xe: {  	[smem:$0x3FA7] =	sst s6  }
0xf: {  	[smem:$0x3FA8] =	sst s7  }
0x10: {  	[smem:$0x3FA9] =	sst s8  }
0x11: {  	[smem:$0x3FAA] =	sst s9;
	s0 =	simm.s32 @!p0 $0x0  }
0x12: {  	s1 =	sld [smem:$0x3F90];
	s0 =	simm.s32 @p0 $0x1  }
0x13: {  	[smem:$0x3FAB] =	sst s0;
	s0 =	simm.s32 @!p1 $0x0  }
0x14: {  	s2 =	sld [smem:$0x3F8F];
	s0 =	simm.s32 @p1 $0x1  }
0x15: {  	[smem:$0x3FAC] =	sst s0;
	s0 =	simm.s32 @!p2 $0x0  }
0x16: {  	s3 =	sld [smem:$0x3FDB];
	s0 =	simm.s32 @p2 $0x1  }
0x17: {  	s4 =	simm.s32 $0x1BF5;
	[smem:$0x3FAE] =	sst s0  }
0x18: {  	s0 =	sld [smem:$0x3F91];
	_ =	swait.ge [sflag:s4], $0x0  }
0x19: {  	s7 =	sld [smem:$0x3F92]  }
0x1a: {  	s8 =	sadd.s32 $0xFFFFE003, lr  }
0x1b: {  	s9 =	sadd.s32 $0xFFFFFEF7, lr;
	s5 =	simm.s32 $0xFFFFFFFF;
	p2 =	slt.u32 s8, $0xFFFFF086  }
0x1c: {  	p1 =	slt.u32 s9, $0xF7A;
	s5 =	simm.s32 @!p2 $0x0  }
0x1d: {  	s5 =	simm.s32 @p1 $0x1;
	p0 =	seq.s32 s7, s2  }
0x1e: {  	s7 =	smul.u32 @!p0 $0xF7A, s2;
	p2 =	seq.s32 @!p0 s5, $0x0  }
0x1f: {  	s9 =	smul.u32 $0xF7A, s1;
	s8 =	simm.s32 @!p0 $0x1BF5;
	p2 =	por !p2, p0  }
0x20: {  	[sflag:s8] =	ssyncset.s32 @!p0 $0xFFFFF086;
	s6 =	sadd.s32 @!p0 s3, s7;
	s7 =	simm.s32 @!p0 $0x108  }
0x21: {  	s3 =	sadd.s32 s3, s9;
	s6 =	sadd.s32 @!p0 $0x88, s6;
	s7 =	simm.s32 @p2 $0x1082  }
0x22: {  	[simem:s7], [sflag:s8] =	dma.local @!p0 [hbm:s6], $0xF7A  }
0x23: {  	s9 =	sor.u32 $0xD0000000, s2;
	s6 =	simm.s32 $0x108;
	_ =	swait.ge @!p0 [sflag:s8], $0x0  }
0x24: {  	s3 =	sadd.s32 $0x88, s3;
	s6 =	simm.s32 @!p1 $0x1082;
	[sflag:s4] =	ssyncset.s32 $0xFFFFF086  }
0x25: {  	[simem:s6], [sflag:s4] =	dma.local [hbm:s3], $0xF7A  }
0x26: {  	[smem:$0x3F92] =	sst s1;
	(tag) =	ssettag s2;
	_ =	strace s9  }
0x27: {  	s1 =	sld [smem:$0x3FA2]  }
0x28: {  	s2 =	sld [smem:$0x3FA3]  }
0x29: {  	s4 =	sld [smem:$0x3FA5]  }
0x2a: {  	p0 =	seq.s32 s5, $0x0;
	s5 =	sld [smem:$0x3FA6]  }
0x2b: {  	s6 =	sld [smem:$0x3FA7]  }
0x2c: {  	s7 =	sld [smem:$0x3FA8]  }
0x2d: {  	s3 =	simm.s32 $0x108;
	s8 =	sld [smem:$0x3FA9]  }
0x2e: {  	s3 =	simm.s32 @!p0 $0x1082;
	s9 =	sld [smem:$0x3FAA]  }
0x2f: {  	lr =	sadd.s32 s0, s3;
	s0 =	sld [smem:$0x3FA1]  }
0x30: {  	s3 =	sld [smem:$0x3FA4]  }
0x31: {  	[smem:$0x3FAD] =	sst s10  }
0x32: {  	s10 =	sld [smem:$0x3FAB];
	_ =	sdelay $0x3  }
0x33: {  	p0 =	seq.s32 s10, $0x1;
	s10 =	sld [smem:$0x3FAD];
	_ =	sdelay $0x3  }
0x34: {  	[smem:$0x3FAD] =	sst s10  }
0x35: {  	s10 =	sld [smem:$0x3FAC];
	_ =	sdelay $0x3  }
0x36: {  	p1 =	seq.s32 s10, $0x1;
	s10 =	sld [smem:$0x3FAD];
	_ =	sdelay $0x3  }
0x37: {  	[smem:$0x3FAD] =	sst s10  }
0x38: {  	s10 =	sld [smem:$0x3FAE]  }
0x39: {  	_ = 	snop;
	(pc) =	sbr.ind lr, $3  }
0x3a: {  	_ = 	snop  }
0x3b: {  	_ = 	snop  }
0x3c: {  	p2 =	seq.s32 s10, $0x1;
	s10 =	sld [smem:$0x3FAD]  }
0x3d: {  	_ =	shalt  }
0x3e: {  	_ =	shalt  }
0x3f: {  	_ =	shalt  }
0x40: {  	_ =	shalt  }
0x41: {  	_ =	shalt  }
0x42: {  	_ =	shalt  }
0x43: {  	_ =	shalt  }
0x44: {  	_ =	shalt  }
0x45: {  	_ =	shalt  }
0x46: {  	_ =	shalt  }
0x47: {  	_ =	shalt  }
0x48: {  	_ =	shalt  }
0x49: {  	_ =	shalt  }
0x4a: {  	_ =	shalt  }
0x4b: {  	_ =	shalt  }
0x4c: {  	_ =	shalt  }
0x4d: {  	_ =	shalt  }
0x4e: {  	_ =	shalt  }
0x4f: {  	_ =	shalt  }
0x50: {  	_ =	shalt  }
0x51: {  	_ =	shalt  }
0x52: {  	_ =	shalt  }
0x53: {  	_ =	shalt  }
0x54: {  	_ =	shalt  }
0x55: {  	_ =	shalt  }
0x56: {  	_ =	shalt  }
0x57: {  	_ =	shalt  }
0x58: {  	_ =	shalt  }
0x59: {  	_ =	shalt  }
0x5a: {  	_ =	shalt  }
0x5b: {  	_ =	shalt  }
0x5c: {  	_ =	shalt  }
0x5d: {  	_ =	shalt  }
0x5e: {  	_ =	shalt  }
0x5f: {  	_ =	shalt  }
0x60: {  	_ =	shalt  }
0x61: {  	_ =	shalt  }
0x62: {  	_ =	shalt  }
0x63: {  	_ =	shalt  }
0x64: {  	_ =	shalt  }
0x65: {  	_ =	shalt  }
0x66: {  	_ =	shalt  }
0x67: {  	_ =	shalt  }
0x68: {  	_ =	shalt  }
0x69: {  	_ =	shalt  }
0x6a: {  	_ =	shalt  }
0x6b: {  	_ =	shalt  }
0x6c: {  	_ =	shalt  }
0x6d: {  	_ =	shalt  }
0x6e: {  	_ =	shalt  }
0x6f: {  	_ =	shalt  }
0x70: {  	_ =	shalt  }
0x71: {  	_ =	shalt  }
0x72: {  	_ =	shalt  }
0x73: {  	_ =	shalt  }
0x74: {  	_ =	shalt  }
0x75: {  	_ =	shalt  }
0x76: {  	_ =	shalt  }
0x77: {  	_ =	shalt  }
0x78: {  	_ =	shalt  }
0x79: {  	_ =	shalt  }
0x7a: {  	_ =	shalt  }
0x7b: {  	_ =	shalt  }
0x7c: {  	_ =	shalt  }
0x7d: {  	_ =	shalt  }
0x7e: {  	_ =	shalt  }
0x7f: {  	_ =	shalt  }
0x80: {  	_ =	shalt  }
0x81: {  	_ =	shalt  }
0x82: {  	_ =	shalt  }
0x83: {  	_ =	shalt  }
0x84: {  	_ =	shalt  }
0x85: {  	_ =	shalt  }
0x86: {  	_ =	shalt  }
0x87: {  	_ =	shalt  }
.Lfunc_end0:
.L_simem_size_0:
called_computation_lowered:
.L_overlay_start_0:
0x88: {  	s2 =	sld [smem:$0x3FD9]  }
0x89: {  	s3 =	sld [smem:$0x3FFE];
	_ =	sdelay $0x1  }
0x8a: {  	s1 =	srdreg.scid  }
0x8b: {  	s0 =	sand.u32 $0x1, s1  }
0x8c: {  	s16 =	sshll.u32 s0, $0xA;
	s2 =	sadd.s32 s3, s2  }
0x8d: {  	s2 =	sadd.s32 s2, s16  }
0x8e: {  	[smem:$0x3FB9] =	sst s2  }
0x8f: {  	_ = 	snop  }
0x90: {  	(tm) =	ssettm $0x1  }
0x91: {  	s17 =	sld [smem:$0x3FFB];
	_ =	sdelay $0x3  }
0x92: {  	_ =	strace s17  }
0x93: {  	s2 =	sld [smem:$0x3FFC];
	_ =	sdelay $0x3  }
0x94: {  	_ =	strace s2  }
0x95: {  	s2 =	sld [smem:$0x3FFD];
	_ =	sdelay $0x3  }
0x96: {  	_ =	strace s2  }
0x97: {  	_ =	strace $0x8FFFFFFF  }
0x98: {  	s18 =	sld [smem:$0x3FDB];
	_ =	sdelay $0x1  }
0x99: {  	s19 =	simm.s32 $_scs_section_size  }
0x9a: {  	s4 =	simm.s32 $_size__tile_overlayer_lowered;
	s5 =	simm.s32 $_tile_overlayer_lowered  }
0x9b: {  	s22 =	simm.s32 $0x1BFF;
	s21 =	sshll.u32 s5, $0x1;
	s2 =	sadd.s32 s19, s18  }
0x9c: {  	s6 =	simm.s32 $0x0;
	s20 =	sshll.u32 s4, $0x1;
	s4 =	sadd.s32 s21, s2  }
0x9d: {  	[timem:s6], [sflag:s22] =	dma.local [hbm:s4], s20  }
0x9e: {  	_ =	swait.ge [sflag:s22], s20  }
0x9f: {  	s3 =	ssub.s32 $0x0, s20;
	[sflag:s22] =	ssyncset.done $0x0  }
0xa0: {  	[sflag:s22] =	ssyncadd.s32 s3;
	_ =	sdelay $0x1  }
0xa1: {  	s23 =	simm.s32 $0x1B8B  }
0xa2: {  	_ =	swait.ge [sflag:s23], $0x1  }
0xa3: {  	[sflag:s23] =	ssyncset.done $0x0  }
0xa4: {  	s25 =	simm.s32 $0x1B8E;
	s24 =	sld [smem:$0x3FFE];
	[sflag:s23] =	ssyncadd.s32 $0xFFFFFFFF  }
0xa5: {  	s26 =	simm.s32 $execute0_lowered;
	[smem:$0x3FD2] =	sst s25  }
0xa6: {  	s4 =	sshll.u32 s26, $0x1;
	_ =	strace $0x80000046;
	[dreg:$0x1] =	wrdreg $0xFFFFFFFF  }
0xa7: {  	s28 =	simm.s32 $_size_execute0_lowered;
	s2 =	sadd.s32 s2, s4;
	[dreg:$0x0] =	wrdreg $0x0  }
0xa8: {  	s4 =	sshll.u32 s28, $0x1;
	[dreg:$0x2] =	wrdreg s2  }
0xa9: {  	[dreg:$0x3] =	wrdreg s4  }
0xaa: {  	[dreg:$0x4] =	wrdreg $0xC0  }
0xab: {  	_ =	task [dreg:s6], $0x5FFFF  }
0xac: {  	[dreg:$0x1] =	wrdreg $0xFFFFFFFF  }
0xad: {  	[dreg:$0x0] =	wrdreg $0x60  }
0xae: {  	[dreg:$0x2] =	wrdreg s24  }
0xaf: {  	[dreg:$0x3] =	wrdreg $0x8800  }
0xb0: {  	[dreg:$0x4] =	wrdreg $0x9  }
0xb1: {  	_ =	task.clear_ibuf [dreg:s6], $0x5FFFF;
	_ =	strace $0x90000046  }
0xb2: {  	s29 =	simm.s32 $0x9;
	_ =	strace $0x80000048  }
0xb3: {  	_ =	swait.ge [sflag:s29], $0x1  }
0xb4: {  	[sflag:s29] =	ssyncadd.s32 $0xFFFFFFFF  }
0xb5: {  	_ =	strace $0x90000048  }
0xb6: {  	_ =	sfence  }
0xb7: {  	s30 =	sld [smem:$0x0];
	_ =	sdelay $0x2  }
0xb8: {  	s31 =	sshll.u32 s1, $0xD;
	s1 =	sshrl.u32 s1, $0x2  }
0xb9: {  	s3 =	sand.u32 $0x4000, s31;
	s1 =	sadd.s32 s1, s30  }
0xba: {  	s0 =	sor.u32 s3, s0;
	s1 =	sshll.u32 s1, $0x11  }
0xbb: {  	s0 =	sor.u32 s1, s0  }
0xbc: {  	s0 =	sadd.s32 $0x8F2B, s0  }
0xbd: {  	[sflag:s0] =	ssyncadd.remote.s32 $0x1  }
0xbe: {  	_ =	sfence.sel $0xFFFF  }
0xbf: {  	[dreg:$0x0] =	wrdreg $0xFFFFFFFF;
	(pc) =	sbr.abs _section_cstart, $3  }
0xc0: {  	[dreg:$0x1] =	wrdreg $0xFFFFFFFF  }
0xc1: {  	_ =	task.clear_ibuf [dreg:s6], $0x2FFFF;
	_ =	strace $0x9FFFFFFF  }
0xc2: {  	(tm) =	ssettm $0x7FFFFFFF  }
0xc3: {  	_ =	shalt  }
tec
execute0_lowered:
.L_overlay_start_1:
0x0: {  	(tag) =	ssettag $0x1  }
0x1: {  	s0 =	rddreg [dreg:$0x0]  }
0x2: {  	s2 =	rddreg [dreg:$0x1];
	s3 =	simm.s32 $0x0;
	s13 =	stileid.u32  }
0x3: {  	s1 =	srdreg.scid;
	s15 =	simm.s32 $0x1;
	s16 =	simm.s32 $0x80  }
0x4: {  	s17 =	simm.s32 $0x800;
	s21 =	simm.s32 $0x5;
	s22 =	simm.s32 $0x6  }
0x5: {  	s23 =	simm.s32 $0x7;
	[smem:$0x7FF] =	sst s3;
	s4 =	smul.u32 $0xC80, s13  }
0x6: {  	s1 =	sand.u32 $0x1, s1;
	s11 =	sadd.s32 $0x3C00, s0;
	s29 =	sshll.u32 s13, $0x6  }
0x7: {  	_ =	strace $0x80000047;
	s5 =	sshll.u32 s1, $0x4;
	s7 =	ssub.s32 $0x2, s1  }
0x8: {  	s28 =	smul.u32 $0x310, s1;
	p0 =	seq.s32 s1, $0x1;
	s1 =	simm.s32 $0x36600  }
0x9: {  	s6 =	sshrl.u32 s4, $0x3;
	s5 =	sor.u32 s13, s5;
	s24 =	sshrl.u32 s7, $0x1  }
0xa: {  	s12 =	sadd.s32 s4, s2;
	s13 =	smul.u32 $0x31, s13;
	s1 =	simm.s32 @!p0 $0x38000  }
0xb: {  	s0 =	sadd.s32 s6, s0;
	s8 =	smul.u32 $0x6200, s5;
	s9 =	ssub.s32 s7, s24  }
0xc: {  	s25 =	smul.u32 $0xC40, s5;
	s5 =	sor.u32 $0x1C09, s29;
	s12 =	sshrl.u32 s12, $0x3  }
0xd: {  	s24 =	simm.s32 $0x8;
	s4 =	sadd.s32 $0x34C00, s0;
	s30 =	sadd.s32 s13, s28  }
0xe: {  	s26 =	sshrl.u32 s8, $0x3;
	s6 =	sadd.s32 s11, s25;
	s8 =	smax.u32 s9, $0x1  }
0xf: {  	s13 =	sshll.u32 s30, $0x6;
	s25 =	simm.s32 $0x0;
	s10 =	sadd.s32 s11, s26  }
0x10: {  	s9 =	sadd.s32 $0x80, s6;
	s31 =	sadd.s32 s11, s13;
	s13 =	simm.s32 $0x9  }
0x11: {  	v0 =	vimm.f32 $1.000000000e+00;
	s7 =	sadd.s32 $0x40, s10;
	s10 =	sadd.s32 s1, s0;
	s11 =	sadd.s32 $0xC0, s31  }
.LBB2_1:
0x12: {  	[tilespmem:$0x800] =	vst v0  }
0x13: {  	[tilespmem:$0x810] =	vst v0  }
0x14: {  	[tilespmem:$0x820] =	vst v0  }
0x15: {  	[tilespmem:$0x830] =	vst v0  }
0x16: {  	[tilespmem:$0x840] =	vst v0  }
0x17: {  	[tilespmem:$0x850] =	vst v0  }
0x18: {  	[tilespmem:$0x860] =	vst v0  }
0x19: {  	[tilespmem:$0x870] =	vst v0  }
0x1a: {  	[spmem:s12], [sflag:s5] =	dma.local [hbm:s4], $0x190  }
0x1b: {  	_ =	swait.ge [sflag:s13], $0x190  }
0x1c: {  	[sflag:s13] =	ssyncset.done $0x0  }
0x1d: {  	[sflag:s13] =	ssyncadd.s32 $0xFFFFFE70  }
0x1e: {  	[bflag:$0x0] =	sbarrier.arrive $0xFFFF  }
0x1f: {  	[tilespmem:s3], [sflag:$0x1] =	stream.linear.gather [hbm4b:s6+s3], $0x200, $0x38;
	[tilespmem:$0x1500] =	vst v63  }
0x20: {  	s0 =	simm.s32 $0x200  }
0x21: {  	[tilespmem:s0], [sflag:$0x2] =	stream.linear.gather [hbm4b:s7+s3], $0x200, $0x38;
	[tilespmem:$0x1500] =	vst v63  }
0x22: {  	_ =	swait.ge [sflag:s15], $0x200  }
0x23: {  	[sflag:s15] =	ssyncset.done $0x0  }
0x24: {  	[sflag:s15] =	ssyncadd.s32 $0xFFFFFE00  }
0x25: {  	[spmem:s2] =	stream.indirect.scatter.add.f32 [tilespmem:s17], [sflag:$0x5], $0x1, s3, s16, $0xb8;
	[tilespmem:$0x1500] =	vst v63  }
0x26: {  	_ = 	snop  }
0x27: {  	[spmem:s2] =	stream.indirect.scatter.add.f32 [tilespmem:s17], [sflag:$0x6], $0x1, s16, s16, $0xb8;
	[tilespmem:$0x1500] =	vst v63  }
0x28: {  	s14 =	simm.s32 $0x100;
	s20 =	simm.s32 $0x1  }
0x29: {  	[spmem:s2] =	stream.indirect.scatter.add.f32 [tilespmem:s17], [sflag:$0x7], $0x1, s14, s16, $0xb8;
	[tilespmem:$0x1500] =	vst v63  }
0x2a: {  	s18 =	simm.s32 $0x180;
	s0 =	sand.u32 $0x3, s20  }
0x2b: {  	[spmem:s2] =	stream.indirect.scatter.add.f32 [tilespmem:s17], [sflag:$0x8], $0x1, s18, s16, $0xb8;
	[tilespmem:$0x1500] =	vst v63  }
0x2c: {  	s19 =	simm.s32 $0x400;
	s1 =	sadd.s32 $0x1, s0  }
0x2d: {  	[tilespmem:s19], [sflag:$0x3] =	stream.linear.gather [hbm4b:s9+s3], $0x200, $0x38;
	[tilespmem:$0x1500] =	vst v63  }
0x2e: {  	_ =	swait.ge [sflag:s1], $0x200  }
0x2f: {  	[sflag:s1] =	ssyncset.done $0x0  }
0x30: {  	[sflag:s1] =	ssyncadd.s32 $0xFFFFFE00  }
0x31: {  	_ =	swait.ge [sflag:s21], $0x80  }
0x32: {  	[sflag:s21] =	ssyncset.done $0x0  }
0x33: {  	s14 =	sshll.u32 s0, $0x9;
	[sflag:s21] =	ssyncadd.s32 $0xFFFFFF80  }
0x34: {  	[spmem:s2] =	stream.indirect.scatter.add.f32 [tilespmem:s17], [sflag:$0x5], $0x1, s14, s16, $0xb8;
	[tilespmem:$0x1500] =	vst v63  }
0x35: {  	_ =	swait.ge [sflag:s22], $0x80  }
0x36: {  	[sflag:s22] =	ssyncset.done $0x0  }
0x37: {  	s0 =	sor.u32 $0x80, s14;
	[sflag:s22] =	ssyncadd.s32 $0xFFFFFF80  }
0x38: {  	[spmem:s2] =	stream.indirect.scatter.add.f32 [tilespmem:s17], [sflag:$0x6], $0x1, s0, s16, $0xb8;
	[tilespmem:$0x1500] =	vst v63  }
0x39: {  	s31 =	simm.s32 $0x3;
	s28 =	simm.s32 $0x4;
	_ =	swait.ge [sflag:s23], $0x80  }
0x3a: {  	s30 =	simm.s32 $0x5;
	p1 =	por $0x0, $0x0;
	[sflag:s23] =	ssyncset.done $0x0  }
0x3b: {  	s29 =	simm.s32 $0x2;
	s26 =	sor.u32 $0x100, s14;
	[sflag:s23] =	ssyncadd.s32 $0xFFFFFF80  }
0x3c: {  	[spmem:s2] =	stream.indirect.scatter.add.f32 [tilespmem:s17], [sflag:$0x7], $0x1, s26, s16, $0xb8;
	[tilespmem:$0x1500] =	vst v63  }
0x3d: {  	s18 =	sor.u32 $0x180, s14;
	s1 =	simm.s32 @!p1 $0x0;
	_ =	swait.ge [sflag:s24], $0x80  }
0x3e: {  	s14 =	sand.u32 @!p1 $0x3, s31;
	s31 =	smov.u32 s11;
	[sflag:s24] =	ssyncset.done $0x0  }
0x3f: {  	s0 =	sand.u32 $0x3, s29;
	s26 =	sadd.s32 $0x40, s11;
	[sflag:s24] =	ssyncadd.s32 $0xFFFFFF80  }
.LBB2_2:
0x40: {  	[spmem:s2] =	stream.indirect.scatter.add.f32 [tilespmem:s17], [sflag:$0x8], $0x1, s18, s16, $0xb8;
	[tilespmem:$0x1500] =	vst v63  }
0x41: {  	s19 =	smov.u32 s28;
	s28 =	smov.u32 s30  }
0x42: {  	s18 =	sadd.s32 $0x1, s0;
	s20 =	sshll.u32 @!p1 s14, $0x9;
	s14 =	sadd.s32 @!p1 $0x1, s14  }
0x43: {  	[tilespmem:s20], [sflag:s14] =	stream.linear.gather @!p1 [hbm4b:s31+s1], $0x200, $0x38;
	[tilespmem:$0x1500] =	vst v63  }
0x44: {  	s30 =	sadd.s32 $0x1, s30;
	s31 =	smov.u32 s26;
	_ =	swait.ge [sflag:s18], $0x200  }
0x45: {  	p0 =	sne.s32 s30, $0x33;
	[sflag:s18] =	ssyncset.done $0x0  }
0x46: {  	[sflag:s18] =	ssyncadd.s32 $0xFFFFFE00  }
0x47: {  	_ =	swait.ge [sflag:s21], $0x80  }
0x48: {  	[sflag:s21] =	ssyncset.done $0x0  }
0x49: {  	s14 =	sshll.u32 s0, $0x9;
	[sflag:s21] =	ssyncadd.s32 $0xFFFFFF80  }
0x4a: {  	[spmem:s2] =	stream.indirect.scatter.add.f32 [tilespmem:s17], [sflag:$0x5], $0x1, s14, s16, $0xb8;
	[tilespmem:$0x1500] =	vst v63  }
0x4b: {  	_ =	swait.ge [sflag:s22], $0x80  }
0x4c: {  	[sflag:s22] =	ssyncset.done $0x0  }
0x4d: {  	s0 =	sor.u32 $0x80, s14;
	[sflag:s22] =	ssyncadd.s32 $0xFFFFFF80  }
0x4e: {  	[spmem:s2] =	stream.indirect.scatter.add.f32 [tilespmem:s17], [sflag:$0x6], $0x1, s0, s16, $0xb8;
	[tilespmem:$0x1500] =	vst v63  }
0x4f: {  	_ =	swait.ge [sflag:s23], $0x80  }
0x50: {  	[sflag:s23] =	ssyncset.done $0x0  }
0x51: {  	s0 =	sor.u32 $0x100, s14;
	[sflag:s23] =	ssyncadd.s32 $0xFFFFFF80  }
0x52: {  	[spmem:s2] =	stream.indirect.scatter.add.f32 [tilespmem:s17], [sflag:$0x7], $0x1, s0, s16, $0xb8;
	[tilespmem:$0x1500] =	vst v63  }
.Ltmp0:
0x53: {  	_ = 	snop;
	(pc) =	sbr.rel @p0 .LBB2_2-.Ltmp0, $4  }
0x54: {  	_ =	swait.ge [sflag:s24], $0x80  }
0x55: {  	p1 =	sgt.u32 s29, $0x2E;
	s26 =	sadd.s32 $0x40, s26;
	[sflag:s24] =	ssyncset.done $0x0  }
0x56: {  	s29 =	sadd.s32 $0xFFFFFFFE, s28;
	s1 =	simm.s32 @!p1 $0x0;
	[sflag:s24] =	ssyncadd.s32 $0xFFFFFF80  }
0x57: {  	s18 =	sor.u32 $0x180, s14;
	s14 =	sand.u32 @!p1 $0x3, s19;
	s0 =	sand.u32 $0x3, s29  }
0x58: {  	[spmem:s2] =	stream.indirect.scatter.add.f32 [tilespmem:s17], [sflag:$0x8], $0x1, s18, s16, $0xb8;
	[tilespmem:$0x1500] =	vst v63  }
0x59: {  	s30 =	sadd.s32 $0x1, s0;
	s19 =	sshll.u32 @!p1 s14, $0x9;
	s14 =	sadd.s32 @!p1 $0x1, s14  }
0x5a: {  	[tilespmem:s19], [sflag:s14] =	stream.linear.gather @!p1 [hbm4b:s31+s1], $0x200, $0x38;
	[tilespmem:$0x1500] =	vst v63  }
0x5b: {  	_ =	swait.ge [sflag:s30], $0x200  }
0x5c: {  	[sflag:s30] =	ssyncset.done $0x0  }
0x5d: {  	[sflag:s30] =	ssyncadd.s32 $0xFFFFFE00  }
0x5e: {  	_ =	swait.ge [sflag:s21], $0x80  }
0x5f: {  	[sflag:s21] =	ssyncset.done $0x0  }
0x60: {  	s20 =	sshll.u32 s0, $0x9;
	[sflag:s21] =	ssyncadd.s32 $0xFFFFFF80  }
0x61: {  	[spmem:s2] =	stream.indirect.scatter.add.f32 [tilespmem:s17], [sflag:$0x5], $0x1, s20, s16, $0xb8;
	[tilespmem:$0x1500] =	vst v63  }
0x62: {  	_ =	swait.ge [sflag:s22], $0x80  }
0x63: {  	[sflag:s22] =	ssyncset.done $0x0  }
0x64: {  	s30 =	sor.u32 $0x80, s20;
	[sflag:s22] =	ssyncadd.s32 $0xFFFFFF80  }
0x65: {  	[spmem:s2] =	stream.indirect.scatter.add.f32 [tilespmem:s17], [sflag:$0x6], $0x1, s30, s16, $0xb8;
	[tilespmem:$0x1500] =	vst v63  }
0x66: {  	_ =	swait.ge [sflag:s23], $0x80  }
0x67: {  	[sflag:s23] =	ssyncset.done $0x0  }
0x68: {  	s31 =	sor.u32 $0x100, s20;
	[sflag:s23] =	ssyncadd.s32 $0xFFFFFF80  }
0x69: {  	[spmem:s2] =	stream.indirect.scatter.add.f32 [tilespmem:s17], [sflag:$0x7], $0x1, s31, s16, $0xb8;
	[tilespmem:$0x1500] =	vst v63  }
0x6a: {  	_ =	swait.ge [sflag:s24], $0x80  }
0x6b: {  	p0 =	sgt.u32 s29, $0x2E;
	[sflag:s24] =	ssyncset.done $0x0  }
0x6c: {  	s0 =	sor.u32 $0x180, s20;
	s1 =	sand.u32 @!p0 $0x3, s28;
	[sflag:s24] =	ssyncadd.s32 $0xFFFFFF80  }
0x6d: {  	[spmem:s2] =	stream.indirect.scatter.add.f32 [tilespmem:s17], [sflag:$0x8], $0x1, s0, s16, $0xb8;
	[tilespmem:$0x1500] =	vst v63  }
0x6e: {  	s14 =	sshll.u32 @!p0 s1, $0x9;
	s1 =	sadd.s32 @!p0 $0x1, s1;
	s0 =	simm.s32 @!p0 $0x0  }
0x6f: {  	[tilespmem:s14], [sflag:s1] =	stream.linear.gather @!p0 [hbm4b:s26+s0], $0x200, $0x38;
	[tilespmem:$0x1500] =	vst v63  }
0x70: {  	_ =	swait.ge [sflag:s21], $0x80  }
0x71: {  	[sflag:s21] =	ssyncset.done $0x0  }
0x72: {  	[sflag:s21] =	ssyncadd.s32 $0xFFFFFF80  }
0x73: {  	_ =	swait.ge [sflag:s22], $0x80  }
0x74: {  	[sflag:s22] =	ssyncset.done $0x0  }
0x75: {  	[sflag:s22] =	ssyncadd.s32 $0xFFFFFF80  }
0x76: {  	_ =	swait.ge [sflag:s23], $0x80  }
0x77: {  	[sflag:s23] =	ssyncset.done $0x0  }
0x78: {  	[sflag:s23] =	ssyncadd.s32 $0xFFFFFF80  }
0x79: {  	_ =	swait.ge [sflag:s24], $0x80  }
0x7a: {  	s25 =	sadd.s32 $0x1, s25;
	[sflag:s24] =	ssyncset.done $0x0  }
0x7b: {  	p0 =	sne.s32 s25, s8;
	[sflag:s24] =	ssyncadd.s32 $0xFFFFFF80  }
.Ltmp1:
0x7c: {  	[bflag:$0x0] =	sbarrier.arrive $0xFFFF;
	(pc) =	sbr.rel @p0 .LBB2_1-.Ltmp1, $4  }
0x7d: {  	[hbm:s10], [sflag:s5] =	dma.local [spmem:s12], $0x190  }
0x7e: {  	_ =	swait.ge [sflag:s13], $0x190  }
0x7f: {  	[sflag:s13] =	ssyncset.done $0x0  }
0x80: {  	[sflag:s13] =	ssyncadd.s32 $0xFFFFFE70  }
0x81: {  	_ =	sfence.sel $0x180000  }
0x82: {  	[bflag:$0x0] =	sbarrier.arrive $0xFFFF  }
0x83: {  	_ =	strace $0x90000047  }
0x84: {  	s0 =	stileid.u32;
	[bflag:$0x2] =	sbarrier.arrive $0xFFFF  }
0x85: {  	p0 =	sne.s32 s0, $0x0;
	s0 =	rddreg [dreg:$0x2]  }
0x86: {  	s0 =	sadd.s32 @!p0 $0x100000, s0  }
0x87: {  	[sflag:s0] =	ssyncadd.tile.s32 @!p0 $0x1;
	_ =	shalt  }
.Lfunc_end2:
_tile_overlayer_lowered:
.L_overlay_start_2:
0x88: {  	(tag) =	ssettag $0x2  }
0x89: {  	s0 =	rddreg [dreg:$0x0];
	s2 =	stileid.u32  }
0x8a: {  	s1 =	rddreg [dreg:$0x1];
	p0 =	sne.s32 s2, $0x0  }
0x8b: {  	s3 =	rddreg [dreg:$0x2];
	[bflag:$0x3] =	sbarrier.arrive $0xFFFF;
	s2 =	simm.s32 @!p0 $0x1C09  }
0x8c: {  	[timem:s3], [sflag:s2] =	dma.local @!p0 [hbm:s0], s1  }
0x8d: {  	s0 =	simm.s32 @!p0 $0x9  }
0x8e: {  	_ =	swait.ge @!p0 [sflag:s0], s1  }
0x8f: {  	s1 =	ssub.s32 @!p0 $0x0, s1;
	[sflag:s0] =	ssyncset.done @!p0 $0x0  }
0x90: {  	[sflag:s0] =	ssyncadd.s32 @!p0 s1  }
0x91: {  	[bflag:$0x3] =	sbarrier.arrive $0xFFFF  }
0x92: {  	_ =	shalt  }

// kernel: kernel.14.cloned.1.call-start
scs
__scs_entry_jumppad:
0x0: {  	(pc) =	sbr.rel $0x88, $3  }
0x1: {  	(tag) =	ssettag $0x0;
	lr =	simm.s32 $0x1  }
0x2: {  	[smem:$0x3F92] =	sst lr;
	_ =	strace $0xD0000000  }
0x3: {  	_ = 	snop  }
0x4: {  	_ = 	snop  }
0x5: {  	_ = 	snop  }
0x6: {  	_ = 	snop  }
0x7: {  	_ = 	snop  }
__scs_overlays_trampoline_lowered:
0x8: {  	[smem:$0x3FA1] =	sst s0  }
0x9: {  	[smem:$0x3FA2] =	sst s1  }
0xa: {  	[smem:$0x3FA3] =	sst s2  }
0xb: {  	[smem:$0x3FA4] =	sst s3  }
0xc: {  	[smem:$0x3FA5] =	sst s4  }
0xd: {  	[smem:$0x3FA6] =	sst s5  }
0xe: {  	[smem:$0x3FA7] =	sst s6  }
0xf: {  	[smem:$0x3FA8] =	sst s7  }
0x10: {  	[smem:$0x3FA9] =	sst s8  }
0x11: {  	[smem:$0x3FAA] =	sst s9;
	s0 =	simm.s32 @!p0 $0x0  }
0x12: {  	s1 =	sld [smem:$0x3F90];
	s0 =	simm.s32 @p0 $0x1  }
0x13: {  	[smem:$0x3FAB] =	sst s0;
	s0 =	simm.s32 @!p1 $0x0  }
0x14: {  	s2 =	sld [smem:$0x3F8F];
	s0 =	simm.s32 @p1 $0x1  }
0x15: {  	[smem:$0x3FAC] =	sst s0;
	s0 =	simm.s32 @!p2 $0x0  }
0x16: {  	s3 =	sld [smem:$0x3FDB];
	s0 =	simm.s32 @p2 $0x1  }
0x17: {  	s4 =	simm.s32 $0x1BF5;
	[smem:$0x3FAE] =	sst s0  }
0x18: {  	s0 =	sld [smem:$0x3F91];
	_ =	swait.ge [sflag:s4], $0x0  }
0x19: {  	s7 =	sld [smem:$0x3F92]  }
0x1a: {  	s8 =	sadd.s32 $0xFFFFE003, lr  }
0x1b: {  	s9 =	sadd.s32 $0xFFFFFEF7, lr;
	s5 =	simm.s32 $0xFFFFFFFF;
	p2 =	slt.u32 s8, $0xFFFFF086  }
0x1c: {  	p1 =	slt.u32 s9, $0xF7A;
	s5 =	simm.s32 @!p2 $0x0  }
0x1d: {  	s5 =	simm.s32 @p1 $0x1;
	p0 =	seq.s32 s7, s2  }
0x1e: {  	s7 =	smul.u32 @!p0 $0xF7A, s2;
	p2 =	seq.s32 @!p0 s5, $0x0  }
0x1f: {  	s9 =	smul.u32 $0xF7A, s1;
	s8 =	simm.s32 @!p0 $0x1BF5;
	p2 =	por !p2, p0  }
0x20: {  	[sflag:s8] =	ssyncset.s32 @!p0 $0xFFFFF086;
	s6 =	sadd.s32 @!p0 s3, s7;
	s7 =	simm.s32 @!p0 $0x108  }
0x21: {  	s3 =	sadd.s32 s3, s9;
	s6 =	sadd.s32 @!p0 $0x88, s6;
	s7 =	simm.s32 @p2 $0x1082  }
0x22: {  	[simem:s7], [sflag:s8] =	dma.local @!p0 [hbm:s6], $0xF7A  }
0x23: {  	s9 =	sor.u32 $0xD0000000, s2;
	s6 =	simm.s32 $0x108;
	_ =	swait.ge @!p0 [sflag:s8], $0x0  }
0x24: {  	s3 =	sadd.s32 $0x88, s3;
	s6 =	simm.s32 @!p1 $0x1082;
	[sflag:s4] =	ssyncset.s32 $0xFFFFF086  }
0x25: {  	[simem:s6], [sflag:s4] =	dma.local [hbm:s3], $0xF7A  }
0x26: {  	[smem:$0x3F92] =	sst s1;
	(tag) =	ssettag s2;
	_ =	strace s9  }
0x27: {  	s1 =	sld [smem:$0x3FA2]  }
0x28: {  	s2 =	sld [smem:$0x3FA3]  }
0x29: {  	s4 =	sld [smem:$0x3FA5]  }
0x2a: {  	p0 =	seq.s32 s5, $0x0;
	s5 =	sld [smem:$0x3FA6]  }
0x2b: {  	s6 =	sld [smem:$0x3FA7]  }
0x2c: {  	s7 =	sld [smem:$0x3FA8]  }
0x2d: {  	s3 =	simm.s32 $0x108;
	s8 =	sld [smem:$0x3FA9]  }
0x2e: {  	s3 =	simm.s32 @!p0 $0x1082;
	s9 =	sld [smem:$0x3FAA]  }
0x2f: {  	lr =	sadd.s32 s0, s3;
	s0 =	sld [smem:$0x3FA1]  }
0x30: {  	s3 =	sld [smem:$0x3FA4]  }
0x31: {  	[smem:$0x3FAD] =	sst s10  }
0x32: {  	s10 =	sld [smem:$0x3FAB];
	_ =	sdelay $0x3  }
0x33: {  	p0 =	seq.s32 s10, $0x1;
	s10 =	sld [smem:$0x3FAD];
	_ =	sdelay $0x3  }
0x34: {  	[smem:$0x3FAD] =	sst s10  }
0x35: {  	s10 =	sld [smem:$0x3FAC];
	_ =	sdelay $0x3  }
0x36: {  	p1 =	seq.s32 s10, $0x1;
	s10 =	sld [smem:$0x3FAD];
	_ =	sdelay $0x3  }
0x37: {  	[smem:$0x3FAD] =	sst s10  }
0x38: {  	s10 =	sld [smem:$0x3FAE]  }
0x39: {  	_ = 	snop;
	(pc) =	sbr.ind lr, $3  }
0x3a: {  	_ = 	snop  }
0x3b: {  	_ = 	snop  }
0x3c: {  	p2 =	seq.s32 s10, $0x1;
	s10 =	sld [smem:$0x3FAD]  }
0x3d: {  	_ =	shalt  }
0x3e: {  	_ =	shalt  }
0x3f: {  	_ =	shalt  }
0x40: {  	_ =	shalt  }
0x41: {  	_ =	shalt  }
0x42: {  	_ =	shalt  }
0x43: {  	_ =	shalt  }
0x44: {  	_ =	shalt  }
0x45: {  	_ =	shalt  }
0x46: {  	_ =	shalt  }
0x47: {  	_ =	shalt  }
0x48: {  	_ =	shalt  }
0x49: {  	_ =	shalt  }
0x4a: {  	_ =	shalt  }
0x4b: {  	_ =	shalt  }
0x4c: {  	_ =	shalt  }
0x4d: {  	_ =	shalt  }
0x4e: {  	_ =	shalt  }
0x4f: {  	_ =	shalt  }
0x50: {  	_ =	shalt  }
0x51: {  	_ =	shalt  }
0x52: {  	_ =	shalt  }
0x53: {  	_ =	shalt  }
0x54: {  	_ =	shalt  }
0x55: {  	_ =	shalt  }
0x56: {  	_ =	shalt  }
0x57: {  	_ =	shalt  }
0x58: {  	_ =	shalt  }
0x59: {  	_ =	shalt  }
0x5a: {  	_ =	shalt  }
0x5b: {  	_ =	shalt  }
0x5c: {  	_ =	shalt  }
0x5d: {  	_ =	shalt  }
0x5e: {  	_ =	shalt  }
0x5f: {  	_ =	shalt  }
0x60: {  	_ =	shalt  }
0x61: {  	_ =	shalt  }
0x62: {  	_ =	shalt  }
0x63: {  	_ =	shalt  }
0x64: {  	_ =	shalt  }
0x65: {  	_ =	shalt  }
0x66: {  	_ =	shalt  }
0x67: {  	_ =	shalt  }
0x68: {  	_ =	shalt  }
0x69: {  	_ =	shalt  }
0x6a: {  	_ =	shalt  }
0x6b: {  	_ =	shalt  }
0x6c: {  	_ =	shalt  }
0x6d: {  	_ =	shalt  }
0x6e: {  	_ =	shalt  }
0x6f: {  	_ =	shalt  }
0x70: {  	_ =	shalt  }
0x71: {  	_ =	shalt  }
0x72: {  	_ =	shalt  }
0x73: {  	_ =	shalt  }
0x74: {  	_ =	shalt  }
0x75: {  	_ =	shalt  }
0x76: {  	_ =	shalt  }
0x77: {  	_ =	shalt  }
0x78: {  	_ =	shalt  }
0x79: {  	_ =	shalt  }
0x7a: {  	_ =	shalt  }
0x7b: {  	_ =	shalt  }
0x7c: {  	_ =	shalt  }
0x7d: {  	_ =	shalt  }
0x7e: {  	_ =	shalt  }
0x7f: {  	_ =	shalt  }
0x80: {  	_ =	shalt  }
0x81: {  	_ =	shalt  }
0x82: {  	_ =	shalt  }
0x83: {  	_ =	shalt  }
0x84: {  	_ =	shalt  }
0x85: {  	_ =	shalt  }
0x86: {  	_ =	shalt  }
0x87: {  	_ =	shalt  }
.Lfunc_end0:
.L_simem_size_0:
called_computation.1_lowered:
.L_overlay_start_0:
0x88: {  	s2 =	sld [smem:$0x3FD9]  }
0x89: {  	s3 =	sld [smem:$0x3FFE];
	_ =	sdelay $0x1  }
0x8a: {  	s1 =	srdreg.scid  }
0x8b: {  	s0 =	sand.u32 $0x1, s1  }
0x8c: {  	s16 =	sshll.u32 s0, $0xA;
	s2 =	sadd.s32 s3, s2  }
0x8d: {  	s2 =	sadd.s32 s2, s16  }
0x8e: {  	[smem:$0x3FB9] =	sst s2  }
0x8f: {  	_ = 	snop  }
0x90: {  	(tm) =	ssettm $0x1  }
0x91: {  	s17 =	sld [smem:$0x3FFB];
	_ =	sdelay $0x3  }
0x92: {  	_ =	strace s17  }
0x93: {  	s2 =	sld [smem:$0x3FFC];
	_ =	sdelay $0x3  }
0x94: {  	_ =	strace s2  }
0x95: {  	s2 =	sld [smem:$0x3FFD];
	_ =	sdelay $0x3  }
0x96: {  	_ =	strace s2  }
0x97: {  	_ =	strace $0x8FFFFFFF  }
0x98: {  	s18 =	sld [smem:$0x3FDB];
	_ =	sdelay $0x1  }
0x99: {  	s19 =	simm.s32 $_scs_section_size  }
0x9a: {  	s4 =	simm.s32 $_size__tile_overlayer_lowered;
	s5 =	simm.s32 $_tile_overlayer_lowered  }
0x9b: {  	s22 =	simm.s32 $0x1BFF;
	s21 =	sshll.u32 s5, $0x1;
	s2 =	sadd.s32 s19, s18  }
0x9c: {  	s6 =	simm.s32 $0x0;
	s20 =	sshll.u32 s4, $0x1;
	s4 =	sadd.s32 s21, s2  }
0x9d: {  	[timem:s6], [sflag:s22] =	dma.local [hbm:s4], s20  }
0x9e: {  	_ =	swait.ge [sflag:s22], s20  }
0x9f: {  	s3 =	ssub.s32 $0x0, s20;
	[sflag:s22] =	ssyncset.done $0x0  }
0xa0: {  	[sflag:s22] =	ssyncadd.s32 s3;
	_ =	sdelay $0x1  }
0xa1: {  	s23 =	simm.s32 $0x1B8B  }
0xa2: {  	_ =	swait.ge [sflag:s23], $0x1  }
0xa3: {  	[sflag:s23] =	ssyncset.done $0x0  }
0xa4: {  	s25 =	simm.s32 $0x1B8E;
	s24 =	sld [smem:$0x3FFE];
	[sflag:s23] =	ssyncadd.s32 $0xFFFFFFFF  }
0xa5: {  	s26 =	simm.s32 $execute0_lowered;
	[smem:$0x3FD2] =	sst s25  }
0xa6: {  	s4 =	sshll.u32 s26, $0x1;
	_ =	strace $0x80000049;
	[dreg:$0x1] =	wrdreg $0xFFFFFFFF  }
0xa7: {  	s28 =	simm.s32 $_size_execute0_lowered;
	s2 =	sadd.s32 s2, s4;
	[dreg:$0x0] =	wrdreg $0x0  }
0xa8: {  	s4 =	sshll.u32 s28, $0x1;
	[dreg:$0x2] =	wrdreg s2  }
0xa9: {  	[dreg:$0x3] =	wrdreg s4  }
0xaa: {  	[dreg:$0x4] =	wrdreg $0xC0  }
0xab: {  	_ =	task [dreg:s6], $0x5FFFF  }
0xac: {  	[dreg:$0x1] =	wrdreg $0xFFFFFFFF  }
0xad: {  	[dreg:$0x0] =	wrdreg $0x60  }
0xae: {  	[dreg:$0x2] =	wrdreg s24  }
0xaf: {  	[dreg:$0x3] =	wrdreg $0x30000  }
0xb0: {  	[dreg:$0x4] =	wrdreg $0x9  }
0xb1: {  	_ =	task.clear_ibuf [dreg:s6], $0x5FFFF;
	_ =	strace $0x90000049  }
0xb2: {  	s29 =	simm.s32 $0x9;
	_ =	strace $0x8000004B  }
0xb3: {  	_ =	swait.ge [sflag:s29], $0x1  }
0xb4: {  	[sflag:s29] =	ssyncadd.s32 $0xFFFFFFFF  }
0xb5: {  	_ =	strace $0x9000004B  }
0xb6: {  	_ =	sfence  }
0xb7: {  	s30 =	sld [smem:$0x0];
	_ =	sdelay $0x2  }
0xb8: {  	s31 =	sshll.u32 s1, $0xD;
	s1 =	sshrl.u32 s1, $0x2  }
0xb9: {  	s3 =	sand.u32 $0x4000, s31;
	s1 =	sadd.s32 s1, s30  }
0xba: {  	s0 =	sor.u32 s3, s0;
	s1 =	sshll.u32 s1, $0x11  }
0xbb: {  	s0 =	sor.u32 s1, s0  }
0xbc: {  	s0 =	sadd.s32 $0x8F2B, s0  }
0xbd: {  	[sflag:s0] =	ssyncadd.remote.s32 $0x1  }
0xbe: {  	_ =	sfence.sel $0xFFFF  }
0xbf: {  	[dreg:$0x0] =	wrdreg $0xFFFFFFFF;
	(pc) =	sbr.abs _section_cstart, $3  }
0xc0: {  	[dreg:$0x1] =	wrdreg $0xFFFFFFFF  }
0xc1: {  	_ =	task.clear_ibuf [dreg:s6], $0x2FFFF;
	_ =	strace $0x9FFFFFFF  }
0xc2: {  	(tm) =	ssettm $0x7FFFFFFF  }
0xc3: {  	_ =	shalt  }
tec
execute0_lowered:
.L_overlay_start_1:
0x0: {  	(tag) =	ssettag $0x1  }
0x1: {  	s0 =	rddreg [dreg:$0x0]  }
0x2: {  	s1 =	rddreg [dreg:$0x1]  }
0x3: {  	s3 =	simm.s32 $0x0;
	s12 =	stileid.u32;
	s4 =	srdreg.scid  }
0x4: {  	s16 =	simm.s32 $0xD;
	s28 =	simm.s32 $0x3;
	s29 =	simm.s32 $0x4  }
0x5: {  	s30 =	simm.s32 $0x9;
	s31 =	simm.s32 $0xA;
	s17 =	simm.s32 $0x0  }
0x6: {  	[smem:$0x7FF] =	sst s3;
	s2 =	sadd.s32 $0x101A00, s0;
	s5 =	sadd.s32 $0x1C400, s0  }
0x7: {  	s6 =	smul.u32 $0xC800, s12;
	s7 =	sand.u32 $0x1, s4;
	s4 =	sadd.s32 $0x34C00, s0  }
0x8: {  	s22 =	sshll.u32 s12, $0x6;
	_ =	strace $0x8000004A;
	s8 =	ssub.s32 $0x2, s7  }
0x9: {  	s9 =	sshll.u32 s7, $0x4;
	s23 =	smul.u32 $0x310, s7;
	p0 =	seq.s32 s7, $0x1  }
0xa: {  	s7 =	simm.s32 $0x66C00;
	s10 =	sshrl.u32 s6, $0x3;
	s11 =	sshrl.u32 s8, $0x1  }
0xb: {  	s9 =	sor.u32 s12, s9;
	s15 =	sadd.s32 s6, s1;
	s6 =	sor.u32 $0x1C0D, s22  }
0xc: {  	s12 =	smul.u32 $0x31, s12;
	s7 =	simm.s32 @!p0 $0x7FC00;
	s22 =	simm.s32 $0x1800  }
0xd: {  	s0 =	sadd.s32 s10, s0;
	s8 =	ssub.s32 s8, s11;
	s20 =	smul.u32 $0x6200, s9  }
0xe: {  	s9 =	smul.u32 $0xC40, s9;
	s15 =	sshrl.u32 s15, $0x3;
	s21 =	sadd.s32 $0x4DC00, s0  }
0xf: {  	s25 =	sadd.s32 s12, s23;
	s8 =	smax.u32 s8, $0x1;
	s12 =	sadd.s32 s7, s0  }
0x10: {  	s23 =	simm.s32 $0x2000;
	s0 =	simm.s32 $0xB;
	[dreg:$0x3] =	wrdreg s21  }
0x11: {  	s10 =	sshrl.u32 s20, $0x3;
	s13 =	sadd.s32 s2, s9;
	[dreg:$0x8] =	wrdreg s8  }
0x12: {  	s9 =	sadd.s32 s5, s9;
	s20 =	simm.s32 $0x80;
	[dreg:$0x4] =	wrdreg s13  }
0x13: {  	s21 =	simm.s32 $0x1000;
	s10 =	sadd.s32 $0x40, s10;
	[dreg:$0x5] =	wrdreg s9  }
0x14: {  	s9 =	sshll.u32 s25, $0x6;
	s25 =	simm.s32 $0x1;
	s24 =	sadd.s32 s2, s10  }
0x15: {  	s10 =	sadd.s32 s5, s10;
	s26 =	sadd.s32 $0x80, s9;
	[dreg:$0x6] =	wrdreg s24  }
0x16: {  	[dreg:$0x7] =	wrdreg s10;
	s13 =	sadd.s32 s26, s2;
	s14 =	sadd.s32 s26, s5  }
0x17: {  	s24 =	simm.s32 $0x2800;
	s26 =	simm.s32 $0x2;
	s2 =	simm.s32 $0xC  }
.LBB2_1:
0x18: {  	s5 =	rddreg [dreg:$0x3]  }
0x19: {  	[spmem:s15], [sflag:s6] =	dma.local [hbm:s5], $0x1900  }
0x1a: {  	_ =	swait.ge [sflag:s16], $0x1900  }
0x1b: {  	[sflag:s16] =	ssyncset.done $0x0  }
0x1c: {  	[sflag:s16] =	ssyncadd.s32 $0xFFFFE700  }
0x1d: {  	[bflag:$0x0] =	sbarrier.arrive $0xFFFF  }
0x1e: {  	s18 =	rddreg [dreg:$0x4]  }
0x1f: {  	[tilespmem:s3], [sflag:$0x5] =	stream.linear.gather [hbm4b:s18+s3], $0x200, $0x38;
	[tilespmem:$0xF800] =	vst v63  }
0x20: {  	s7 =	simm.s32 $0x800;
	s19 =	rddreg [dreg:$0x5];
	s18 =	simm.s32 $0x0  }
0x21: {  	[tilespmem:s7], [sflag:$0x5] =	stream.linear.gather [hbm4b:s19+s3], $0x200, $0x38;
	[tilespmem:$0xF800] =	vst v63  }
0x22: {  	s9 =	simm.s32 $0x200;
	s8 =	rddreg [dreg:$0x6];
	s5 =	sand.u32 $0x3, s18  }
0x23: {  	[tilespmem:s9], [sflag:$0x6] =	stream.linear.gather [hbm4b:s8+s3], $0x200, $0x38;
	[tilespmem:$0xF800] =	vst v63  }
0x24: {  	s11 =	simm.s32 $0xA00;
	s10 =	rddreg [dreg:$0x7];
	s19 =	sadd.s32 $0x5, s5  }
0x25: {  	[tilespmem:s11], [sflag:$0x6] =	stream.linear.gather [hbm4b:s10+s3], $0x200, $0x38;
	[tilespmem:$0xF800] =	vst v63  }
0x26: {  	_ =	swait.ge [sflag:s19], $0x200  }
0x27: {  	[sflag:s19] =	ssyncset.done $0x0  }
0x28: {  	[sflag:s19] =	ssyncadd.s32 $0xFFFFFE00  }
0x29: {  	_ =	swait.ge [sflag:s19], $0x200  }
0x2a: {  	[sflag:s19] =	ssyncset.done $0x0  }
0x2b: {  	s5 =	sshll.u32 s5, $0x9;
	[sflag:s19] =	ssyncadd.s32 $0xFFFFFE00  }
0x2c: {  	[tilespmem:s21], [sflag:$0x1] =	stream.indirect.gather [hbm4b:s4+s20], $0x10, s5, s20, $0xb8;
	[tilespmem:$0xF800] =	vst v63  }
0x2d: {  	s8 =	sor.u32 $0x80, s5  }
0x2e: {  	[tilespmem:s22], [sflag:$0x2] =	stream.indirect.gather [hbm4b:s4+s20], $0x10, s8, s20, $0xb8;
	[tilespmem:$0xF800] =	vst v63  }
0x2f: {  	s9 =	sor.u32 $0x100, s5  }
0x30: {  	[tilespmem:s23], [sflag:$0x3] =	stream.indirect.gather [hbm4b:s4+s20], $0x10, s9, s20, $0xb8;
	[tilespmem:$0xF800] =	vst v63  }
0x31: {  	s10 =	sor.u32 $0x180, s5  }
0x32: {  	[tilespmem:s24], [sflag:$0x4] =	stream.indirect.gather [hbm4b:s4+s20], $0x10, s10, s20, $0xb8;
	[tilespmem:$0xF800] =	vst v63  }
0x33: {  	_ =	swait.ge [sflag:s25], $0x800  }
0x34: {  	[sflag:s25] =	ssyncset.done $0x0  }
0x35: {  	s11 =	sor.u32 $0x800, s5;
	[sflag:s25] =	ssyncadd.s32 $0xFFFFF800  }
0x36: {  	[spmem:s1] =	stream.indirect.scatter.add.f32 [tilespmem:s21], [sflag:$0x9], $0x10, s11, s20, $0xb8;
	[tilespmem:$0xF800] =	vst v63  }
0x37: {  	_ =	swait.ge [sflag:s26], $0x800  }
0x38: {  	[sflag:s26] =	ssyncset.done $0x0  }
0x39: {  	s18 =	sor.u32 $0x880, s5;
	[sflag:s26] =	ssyncadd.s32 $0xFFFFF800  }
0x3a: {  	[spmem:s1] =	stream.indirect.scatter.add.f32 [tilespmem:s22], [sflag:$0xA], $0x10, s18, s20, $0xb8;
	[tilespmem:$0xF800] =	vst v63  }
0x3b: {  	_ =	swait.ge [sflag:s28], $0x800  }
0x3c: {  	[sflag:s28] =	ssyncset.done $0x0  }
0x3d: {  	s19 =	sor.u32 $0x900, s5;
	[sflag:s28] =	ssyncadd.s32 $0xFFFFF800  }
0x3e: {  	[spmem:s1] =	stream.indirect.scatter.add.f32 [tilespmem:s23], [sflag:$0xB], $0x10, s19, s20, $0xb8;
	[tilespmem:$0xF800] =	vst v63  }
0x3f: {  	_ =	swait.ge [sflag:s29], $0x800  }
0x40: {  	p0 =	por $0x0, $0x0;
	[sflag:s29] =	ssyncset.done $0x0  }
0x41: {  	s7 =	sand.u32 @!p0 $0x3, s26;
	s5 =	sor.u32 $0x980, s5;
	[sflag:s29] =	ssyncadd.s32 $0xFFFFF800  }
0x42: {  	[spmem:s1] =	stream.indirect.scatter.add.f32 [tilespmem:s24], [sflag:$0xC], $0x10, s5, s20, $0xb8;
	[tilespmem:$0xF800] =	vst v63  }
0x43: {  	s8 =	sadd.s32 @!p0 $0x5, s7;
	s7 =	sshll.u32 @!p0 s7, $0x9;
	s5 =	simm.s32 @!p0 $0x0  }
0x44: {  	[tilespmem:s7], [sflag:s8] =	stream.linear.gather @!p0 [hbm4b:s13+s5], $0x200, $0x38;
	[tilespmem:$0xF800] =	vst v63  }
0x45: {  	s7 =	sor.u32 @!p0 $0x800, s7  }
0x46: {  	[tilespmem:s7], [sflag:s8] =	stream.linear.gather @!p0 [hbm4b:s14+s5], $0x200, $0x38;
	[tilespmem:$0xF800] =	vst v63  }
0x47: {  	_ =	swait.ge [sflag:s30], $0x800  }
0x48: {  	[sflag:s30] =	ssyncset.done $0x0  }
0x49: {  	[sflag:s30] =	ssyncadd.s32 $0xFFFFF800  }
0x4a: {  	_ =	swait.ge [sflag:s31], $0x800  }
0x4b: {  	[sflag:s31] =	ssyncset.done $0x0  }
0x4c: {  	[sflag:s31] =	ssyncadd.s32 $0xFFFFF800  }
0x4d: {  	_ =	swait.ge [sflag:s0], $0x800  }
0x4e: {  	s18 =	sadd.s32 $0x40, s14;
	s19 =	sadd.s32 $0x40, s13;
	[sflag:s0] =	ssyncset.done $0x0  }
0x4f: {  	s5 =	simm.s32 $0x3;
	s8 =	simm.s32 $0x1;
	[sflag:s0] =	ssyncadd.s32 $0xFFFFF800  }
0x50: {  	s7 =	simm.s32 $0x4;
	s10 =	sand.u32 $0x3, s8;
	_ =	swait.ge [sflag:s2], $0x800  }
.LBB2_2:
0x51: {  	s11 =	sadd.s32 $0x5, s10  }
0x52: {  	[sflag:s2] =	ssyncset.done $0x0;
	s9 =	smov.u32 s7;
	s7 =	sadd.s32 $0x1, s7  }
0x53: {  	p0 =	sne.s32 s7, $0x33;
	[sflag:s2] =	ssyncadd.s32 $0xFFFFF800  }
0x54: {  	_ =	swait.ge [sflag:s11], $0x200  }
0x55: {  	[sflag:s11] =	ssyncset.done $0x0  }
0x56: {  	[sflag:s11] =	ssyncadd.s32 $0xFFFFFE00  }
0x57: {  	_ =	swait.ge [sflag:s11], $0x200  }
0x58: {  	s10 =	sshll.u32 s10, $0x9;
	[sflag:s11] =	ssyncset.done $0x0  }
0x59: {  	[sflag:s11] =	ssyncadd.s32 $0xFFFFFE00  }
0x5a: {  	[tilespmem:s21], [sflag:$0x1] =	stream.indirect.gather [hbm4b:s4+s20], $0x10, s10, s20, $0xb8;
	[tilespmem:$0xF800] =	vst v63  }
0x5b: {  	s11 =	sor.u32 $0x80, s10  }
0x5c: {  	[tilespmem:s22], [sflag:$0x2] =	stream.indirect.gather [hbm4b:s4+s20], $0x10, s11, s20, $0xb8;
	[tilespmem:$0xF800] =	vst v63  }
0x5d: {  	s11 =	sor.u32 $0x100, s10  }
0x5e: {  	[tilespmem:s23], [sflag:$0x3] =	stream.indirect.gather [hbm4b:s4+s20], $0x10, s11, s20, $0xb8;
	[tilespmem:$0xF800] =	vst v63  }
0x5f: {  	s11 =	sor.u32 $0x180, s10  }
0x60: {  	[tilespmem:s24], [sflag:$0x4] =	stream.indirect.gather [hbm4b:s4+s20], $0x10, s11, s20, $0xb8;
	[tilespmem:$0xF800] =	vst v63  }
0x61: {  	_ =	swait.ge [sflag:s25], $0x800  }
0x62: {  	s11 =	sor.u32 $0x800, s10;
	[sflag:s25] =	ssyncset.done $0x0  }
0x63: {  	[sflag:s25] =	ssyncadd.s32 $0xFFFFF800  }
0x64: {  	[spmem:s1] =	stream.indirect.scatter.add.f32 [tilespmem:s21], [sflag:$0x9], $0x10, s11, s20, $0xb8;
	[tilespmem:$0xF800] =	vst v63  }
0x65: {  	_ =	swait.ge [sflag:s26], $0x800  }
0x66: {  	s11 =	sor.u32 $0x880, s10;
	[sflag:s26] =	ssyncset.done $0x0  }
0x67: {  	[sflag:s26] =	ssyncadd.s32 $0xFFFFF800  }
0x68: {  	[spmem:s1] =	stream.indirect.scatter.add.f32 [tilespmem:s22], [sflag:$0xA], $0x10, s11, s20, $0xb8;
	[tilespmem:$0xF800] =	vst v63  }
0x69: {  	_ =	swait.ge [sflag:s28], $0x800  }
0x6a: {  	s11 =	sor.u32 $0x900, s10;
	[sflag:s28] =	ssyncset.done $0x0  }
0x6b: {  	[sflag:s28] =	ssyncadd.s32 $0xFFFFF800  }
0x6c: {  	[spmem:s1] =	stream.indirect.scatter.add.f32 [tilespmem:s23], [sflag:$0xB], $0x10, s11, s20, $0xb8;
	[tilespmem:$0xF800] =	vst v63  }
0x6d: {  	_ =	swait.ge [sflag:s29], $0x800  }
0x6e: {  	p1 =	sgt.u32 s8, $0x2E;
	s10 =	sor.u32 $0x980, s10;
	[sflag:s29] =	ssyncset.done $0x0  }
0x6f: {  	s5 =	sand.u32 @!p1 $0x3, s5;
	s8 =	simm.s32 @!p1 $0x0;
	[sflag:s29] =	ssyncadd.s32 $0xFFFFF800  }
0x70: {  	[spmem:s1] =	stream.indirect.scatter.add.f32 [tilespmem:s24], [sflag:$0xC], $0x10, s10, s20, $0xb8;
	[tilespmem:$0xF800] =	vst v63  }
0x71: {  	s11 =	sshll.u32 @!p1 s5, $0x9;
	s10 =	sadd.s32 @!p1 $0x5, s5;
	s5 =	smov.u32 s9  }
0x72: {  	[tilespmem:s11], [sflag:s10] =	stream.linear.gather @!p1 [hbm4b:s19+s8], $0x200, $0x38;
	[tilespmem:$0xF800] =	vst v63  }
0x73: {  	s9 =	sor.u32 @!p1 $0x800, s11  }
0x74: {  	[tilespmem:s9], [sflag:s10] =	stream.linear.gather @!p1 [hbm4b:s18+s8], $0x200, $0x38;
	[tilespmem:$0xF800] =	vst v63  }
0x75: {  	_ =	swait.ge [sflag:s30], $0x800  }
0x76: {  	[sflag:s30] =	ssyncset.done $0x0  }
0x77: {  	[sflag:s30] =	ssyncadd.s32 $0xFFFFF800  }
0x78: {  	_ =	swait.ge [sflag:s31], $0x800  }
0x79: {  	[sflag:s31] =	ssyncset.done $0x0  }
.Ltmp0:
0x7a: {  	[sflag:s31] =	ssyncadd.s32 $0xFFFFF800;
	(pc) =	sbr.rel @p0 .LBB2_2-.Ltmp0, $4  }
0x7b: {  	_ =	swait.ge [sflag:s0], $0x800  }
0x7c: {  	[sflag:s0] =	ssyncset.done $0x0  }
0x7d: {  	s8 =	sadd.s32 $0xFFFFFFFE, s5;
	s18 =	sadd.s32 $0x40, s18;
	[sflag:s0] =	ssyncadd.s32 $0xFFFFF800  }
0x7e: {  	s19 =	sadd.s32 $0x40, s19;
	s10 =	sand.u32 $0x3, s8;
	_ =	swait.ge [sflag:s2], $0x800  }
0x7f: {  	[sflag:s2] =	ssyncset.done $0x0  }
0x80: {  	s7 =	sadd.s32 $0x5, s10;
	[sflag:s2] =	ssyncadd.s32 $0xFFFFF800  }
0x81: {  	_ =	swait.ge [sflag:s7], $0x200  }
0x82: {  	[sflag:s7] =	ssyncset.done $0x0  }
0x83: {  	[sflag:s7] =	ssyncadd.s32 $0xFFFFFE00  }
0x84: {  	_ =	swait.ge [sflag:s7], $0x200  }
0x85: {  	[sflag:s7] =	ssyncset.done $0x0  }
0x86: {  	s9 =	sshll.u32 s10, $0x9;
	[sflag:s7] =	ssyncadd.s32 $0xFFFFFE00  }
0x87: {  	[tilespmem:s21], [sflag:$0x1] =	stream.indirect.gather [hbm4b:s4+s20], $0x10, s9, s20, $0xb8;
	[tilespmem:$0xF800] =	vst v63  }
0x88: {  	s11 =	sor.u32 $0x80, s9  }
0x89: {  	[tilespmem:s22], [sflag:$0x2] =	stream.indirect.gather [hbm4b:s4+s20], $0x10, s11, s20, $0xb8;
	[tilespmem:$0xF800] =	vst v63  }
0x8a: {  	s10 =	sor.u32 $0x100, s9  }
0x8b: {  	[tilespmem:s23], [sflag:$0x3] =	stream.indirect.gather [hbm4b:s4+s20], $0x10, s10, s20, $0xb8;
	[tilespmem:$0xF800] =	vst v63  }
0x8c: {  	s11 =	sor.u32 $0x180, s9  }
0x8d: {  	[tilespmem:s24], [sflag:$0x4] =	stream.indirect.gather [hbm4b:s4+s20], $0x10, s11, s20, $0xb8;
	[tilespmem:$0xF800] =	vst v63  }
0x8e: {  	_ =	swait.ge [sflag:s25], $0x800  }
0x8f: {  	[sflag:s25] =	ssyncset.done $0x0  }
0x90: {  	s10 =	sor.u32 $0x800, s9;
	[sflag:s25] =	ssyncadd.s32 $0xFFFFF800  }
0x91: {  	[spmem:s1] =	stream.indirect.scatter.add.f32 [tilespmem:s21], [sflag:$0x9], $0x10, s10, s20, $0xb8;
	[tilespmem:$0xF800] =	vst v63  }
0x92: {  	_ =	swait.ge [sflag:s26], $0x800  }
0x93: {  	[sflag:s26] =	ssyncset.done $0x0  }
0x94: {  	s11 =	sor.u32 $0x880, s9;
	[sflag:s26] =	ssyncadd.s32 $0xFFFFF800  }
0x95: {  	[spmem:s1] =	stream.indirect.scatter.add.f32 [tilespmem:s22], [sflag:$0xA], $0x10, s11, s20, $0xb8;
	[tilespmem:$0xF800] =	vst v63  }
0x96: {  	_ =	swait.ge [sflag:s28], $0x800  }
0x97: {  	[sflag:s28] =	ssyncset.done $0x0  }
0x98: {  	s10 =	sor.u32 $0x900, s9;
	[sflag:s28] =	ssyncadd.s32 $0xFFFFF800  }
0x99: {  	[spmem:s1] =	stream.indirect.scatter.add.f32 [tilespmem:s23], [sflag:$0xB], $0x10, s10, s20, $0xb8;
	[tilespmem:$0xF800] =	vst v63  }
0x9a: {  	_ =	swait.ge [sflag:s29], $0x800  }
0x9b: {  	p0 =	sgt.u32 s8, $0x2E;
	[sflag:s29] =	ssyncset.done $0x0  }
0x9c: {  	s5 =	sand.u32 @!p0 $0x3, s5;
	s11 =	sor.u32 $0x980, s9;
	[sflag:s29] =	ssyncadd.s32 $0xFFFFF800  }
0x9d: {  	[spmem:s1] =	stream.indirect.scatter.add.f32 [tilespmem:s24], [sflag:$0xC], $0x10, s11, s20, $0xb8;
	[tilespmem:$0xF800] =	vst v63  }
0x9e: {  	s8 =	sadd.s32 @!p0 $0x5, s5;
	s5 =	sshll.u32 @!p0 s5, $0x9;
	s7 =	simm.s32 @!p0 $0x0  }
0x9f: {  	[tilespmem:s5], [sflag:s8] =	stream.linear.gather @!p0 [hbm4b:s19+s7], $0x200, $0x38;
	[tilespmem:$0xF800] =	vst v63  }
0xa0: {  	s5 =	sor.u32 @!p0 $0x800, s5  }
0xa1: {  	[tilespmem:s5], [sflag:s8] =	stream.linear.gather @!p0 [hbm4b:s18+s7], $0x200, $0x38;
	[tilespmem:$0xF800] =	vst v63  }
0xa2: {  	_ =	swait.ge [sflag:s30], $0x800  }
0xa3: {  	[sflag:s30] =	ssyncset.done $0x0  }
0xa4: {  	[sflag:s30] =	ssyncadd.s32 $0xFFFFF800  }
0xa5: {  	_ =	swait.ge [sflag:s31], $0x800  }
0xa6: {  	[sflag:s31] =	ssyncset.done $0x0  }
0xa7: {  	[sflag:s31] =	ssyncadd.s32 $0xFFFFF800  }
0xa8: {  	_ =	swait.ge [sflag:s0], $0x800  }
0xa9: {  	[sflag:s0] =	ssyncset.done $0x0  }
0xaa: {  	[sflag:s0] =	ssyncadd.s32 $0xFFFFF800  }
0xab: {  	_ =	swait.ge [sflag:s2], $0x800  }
0xac: {  	[sflag:s2] =	ssyncset.done $0x0  }
0xad: {  	[sflag:s2] =	ssyncadd.s32 $0xFFFFF800  }
0xae: {  	[bflag:$0x0] =	sbarrier.arrive $0xFFFF  }
0xaf: {  	[hbm:s12], [sflag:s6] =	dma.local [spmem:s15], $0x1900  }
0xb0: {  	_ =	swait.ge [sflag:s16], $0x1900  }
0xb1: {  	s17 =	sadd.s32 $0x1, s17;
	s19 =	rddreg [dreg:$0x8]  }
0xb2: {  	p0 =	sne.s32 s17, s19  }
.Ltmp1:
0xb3: {  	_ = 	snop;
	(pc) =	sbr.rel @p0 .LBB2_1-.Ltmp1, $3  }
0xb4: {  	_ =	sdelay $0x1  }
0xb5: {  	[sflag:s16] =	ssyncset.done $0x0  }
0xb6: {  	[sflag:s16] =	ssyncadd.s32 $0xFFFFE700  }
0xb7: {  	_ =	sfence.sel $0x180000  }
0xb8: {  	[bflag:$0x0] =	sbarrier.arrive $0xFFFF  }
0xb9: {  	_ =	strace $0x9000004A  }
0xba: {  	s0 =	stileid.u32;
	[bflag:$0x2] =	sbarrier.arrive $0xFFFF  }
0xbb: {  	p0 =	sne.s32 s0, $0x0;
	s0 =	rddreg [dreg:$0x2]  }
0xbc: {  	s0 =	sadd.s32 @!p0 $0x100000, s0  }
0xbd: {  	[sflag:s0] =	ssyncadd.tile.s32 @!p0 $0x1;
	_ =	shalt  }
.Lfunc_end2:
_tile_overlayer_lowered:
.L_overlay_start_2:
0xbe: {  	(tag) =	ssettag $0x2  }
0xbf: {  	s0 =	rddreg [dreg:$0x0];
	s2 =	stileid.u32  }
0xc0: {  	s1 =	rddreg [dreg:$0x1];
	p0 =	sne.s32 s2, $0x0  }
0xc1: {  	s3 =	rddreg [dreg:$0x2];
	[bflag:$0x3] =	sbarrier.arrive $0xFFFF;
	s2 =	simm.s32 @!p0 $0x1C0D  }
0xc2: {  	[timem:s3], [sflag:s2] =	dma.local @!p0 [hbm:s0], s1  }
0xc3: {  	s0 =	simm.s32 @!p0 $0xD  }
0xc4: {  	_ =	swait.ge @!p0 [sflag:s0], s1  }
0xc5: {  	s1 =	ssub.s32 @!p0 $0x0, s1;
	[sflag:s0] =	ssyncset.done @!p0 $0x0  }
0xc6: {  	[sflag:s0] =	ssyncadd.s32 @!p0 s1  }
0xc7: {  	[bflag:$0x3] =	sbarrier.arrive $0xFFFF  }
0xc8: {  	_ =	shalt  }

// kernel: kernel.17.cloned.1.call-start
scs
__scs_entry_jumppad:
0x0: {  	(pc) =	sbr.rel $0x88, $3  }
0x1: {  	(tag) =	ssettag $0x0;
	lr =	simm.s32 $0x1  }
0x2: {  	[smem:$0x3F92] =	sst lr;
	_ =	strace $0xD0000000  }
0x3: {  	_ = 	snop  }
0x4: {  	_ = 	snop  }
0x5: {  	_ = 	snop  }
0x6: {  	_ = 	snop  }
0x7: {  	_ = 	snop  }
__scs_overlays_trampoline_lowered:
0x8: {  	[smem:$0x3FA1] =	sst s0  }
0x9: {  	[smem:$0x3FA2] =	sst s1  }
0xa: {  	[smem:$0x3FA3] =	sst s2  }
0xb: {  	[smem:$0x3FA4] =	sst s3  }
0xc: {  	[smem:$0x3FA5] =	sst s4  }
0xd: {  	[smem:$0x3FA6] =	sst s5  }
0xe: {  	[smem:$0x3FA7] =	sst s6  }
0xf: {  	[smem:$0x3FA8] =	sst s7  }
0x10: {  	[smem:$0x3FA9] =	sst s8  }
0x11: {  	[smem:$0x3FAA] =	sst s9;
	s0 =	simm.s32 @!p0 $0x0  }
0x12: {  	s1 =	sld [smem:$0x3F90];
	s0 =	simm.s32 @p0 $0x1  }
0x13: {  	[smem:$0x3FAB] =	sst s0;
	s0 =	simm.s32 @!p1 $0x0  }
0x14: {  	s2 =	sld [smem:$0x3F8F];
	s0 =	simm.s32 @p1 $0x1  }
0x15: {  	[smem:$0x3FAC] =	sst s0;
	s0 =	simm.s32 @!p2 $0x0  }
0x16: {  	s3 =	sld [smem:$0x3FDB];
	s0 =	simm.s32 @p2 $0x1  }
0x17: {  	s4 =	simm.s32 $0x1BF5;
	[smem:$0x3FAE] =	sst s0  }
0x18: {  	s0 =	sld [smem:$0x3F91];
	_ =	swait.ge [sflag:s4], $0x0  }
0x19: {  	s7 =	sld [smem:$0x3F92]  }
0x1a: {  	s8 =	sadd.s32 $0xFFFFE003, lr  }
0x1b: {  	s9 =	sadd.s32 $0xFFFFFEF7, lr;
	s5 =	simm.s32 $0xFFFFFFFF;
	p2 =	slt.u32 s8, $0xFFFFF086  }
0x1c: {  	p1 =	slt.u32 s9, $0xF7A;
	s5 =	simm.s32 @!p2 $0x0  }
0x1d: {  	s5 =	simm.s32 @p1 $0x1;
	p0 =	seq.s32 s7, s2  }
0x1e: {  	s7 =	smul.u32 @!p0 $0xF7A, s2;
	p2 =	seq.s32 @!p0 s5, $0x0  }
0x1f: {  	s9 =	smul.u32 $0xF7A, s1;
	s8 =	simm.s32 @!p0 $0x1BF5;
	p2 =	por !p2, p0  }
0x20: {  	[sflag:s8] =	ssyncset.s32 @!p0 $0xFFFFF086;
	s6 =	sadd.s32 @!p0 s3, s7;
	s7 =	simm.s32 @!p0 $0x108  }
0x21: {  	s3 =	sadd.s32 s3, s9;
	s6 =	sadd.s32 @!p0 $0x88, s6;
	s7 =	simm.s32 @p2 $0x1082  }
0x22: {  	[simem:s7], [sflag:s8] =	dma.local @!p0 [hbm:s6], $0xF7A  }
0x23: {  	s9 =	sor.u32 $0xD0000000, s2;
	s6 =	simm.s32 $0x108;
	_ =	swait.ge @!p0 [sflag:s8], $0x0  }
0x24: {  	s3 =	sadd.s32 $0x88, s3;
	s6 =	simm.s32 @!p1 $0x1082;
	[sflag:s4] =	ssyncset.s32 $0xFFFFF086  }
0x25: {  	[simem:s6], [sflag:s4] =	dma.local [hbm:s3], $0xF7A  }
0x26: {  	[smem:$0x3F92] =	sst s1;
	(tag) =	ssettag s2;
	_ =	strace s9  }
0x27: {  	s1 =	sld [smem:$0x3FA2]  }
0x28: {  	s2 =	sld [smem:$0x3FA3]  }
0x29: {  	s4 =	sld [smem:$0x3FA5]  }
0x2a: {  	p0 =	seq.s32 s5, $0x0;
	s5 =	sld [smem:$0x3FA6]  }
0x2b: {  	s6 =	sld [smem:$0x3FA7]  }
0x2c: {  	s7 =	sld [smem:$0x3FA8]  }
0x2d: {  	s3 =	simm.s32 $0x108;
	s8 =	sld [smem:$0x3FA9]  }
0x2e: {  	s3 =	simm.s32 @!p0 $0x1082;
	s9 =	sld [smem:$0x3FAA]  }
0x2f: {  	lr =	sadd.s32 s0, s3;
	s0 =	sld [smem:$0x3FA1]  }
0x30: {  	s3 =	sld [smem:$0x3FA4]  }
0x31: {  	[smem:$0x3FAD] =	sst s10  }
0x32: {  	s10 =	sld [smem:$0x3FAB];
	_ =	sdelay $0x3  }
0x33: {  	p0 =	seq.s32 s10, $0x1;
	s10 =	sld [smem:$0x3FAD];
	_ =	sdelay $0x3  }
0x34: {  	[smem:$0x3FAD] =	sst s10  }
0x35: {  	s10 =	sld [smem:$0x3FAC];
	_ =	sdelay $0x3  }
0x36: {  	p1 =	seq.s32 s10, $0x1;
	s10 =	sld [smem:$0x3FAD];
	_ =	sdelay $0x3  }
0x37: {  	[smem:$0x3FAD] =	sst s10  }
0x38: {  	s10 =	sld [smem:$0x3FAE]  }
0x39: {  	_ = 	snop;
	(pc) =	sbr.ind lr, $3  }
0x3a: {  	_ = 	snop  }
0x3b: {  	_ = 	snop  }
0x3c: {  	p2 =	seq.s32 s10, $0x1;
	s10 =	sld [smem:$0x3FAD]  }
0x3d: {  	_ =	shalt  }
0x3e: {  	_ =	shalt  }
0x3f: {  	_ =	shalt  }
0x40: {  	_ =	shalt  }
0x41: {  	_ =	shalt  }
0x42: {  	_ =	shalt  }
0x43: {  	_ =	shalt  }
0x44: {  	_ =	shalt  }
0x45: {  	_ =	shalt  }
0x46: {  	_ =	shalt  }
0x47: {  	_ =	shalt  }
0x48: {  	_ =	shalt  }
0x49: {  	_ =	shalt  }
0x4a: {  	_ =	shalt  }
0x4b: {  	_ =	shalt  }
0x4c: {  	_ =	shalt  }
0x4d: {  	_ =	shalt  }
0x4e: {  	_ =	shalt  }
0x4f: {  	_ =	shalt  }
0x50: {  	_ =	shalt  }
0x51: {  	_ =	shalt  }
0x52: {  	_ =	shalt  }
0x53: {  	_ =	shalt  }
0x54: {  	_ =	shalt  }
0x55: {  	_ =	shalt  }
0x56: {  	_ =	shalt  }
0x57: {  	_ =	shalt  }
0x58: {  	_ =	shalt  }
0x59: {  	_ =	shalt  }
0x5a: {  	_ =	shalt  }
0x5b: {  	_ =	shalt  }
0x5c: {  	_ =	shalt  }
0x5d: {  	_ =	shalt  }
0x5e: {  	_ =	shalt  }
0x5f: {  	_ =	shalt  }
0x60: {  	_ =	shalt  }
0x61: {  	_ =	shalt  }
0x62: {  	_ =	shalt  }
0x63: {  	_ =	shalt  }
0x64: {  	_ =	shalt  }
0x65: {  	_ =	shalt  }
0x66: {  	_ =	shalt  }
0x67: {  	_ =	shalt  }
0x68: {  	_ =	shalt  }
0x69: {  	_ =	shalt  }
0x6a: {  	_ =	shalt  }
0x6b: {  	_ =	shalt  }
0x6c: {  	_ =	shalt  }
0x6d: {  	_ =	shalt  }
0x6e: {  	_ =	shalt  }
0x6f: {  	_ =	shalt  }
0x70: {  	_ =	shalt  }
0x71: {  	_ =	shalt  }
0x72: {  	_ =	shalt  }
0x73: {  	_ =	shalt  }
0x74: {  	_ =	shalt  }
0x75: {  	_ =	shalt  }
0x76: {  	_ =	shalt  }
0x77: {  	_ =	shalt  }
0x78: {  	_ =	shalt  }
0x79: {  	_ =	shalt  }
0x7a: {  	_ =	shalt  }
0x7b: {  	_ =	shalt  }
0x7c: {  	_ =	shalt  }
0x7d: {  	_ =	shalt  }
0x7e: {  	_ =	shalt  }
0x7f: {  	_ =	shalt  }
0x80: {  	_ =	shalt  }
0x81: {  	_ =	shalt  }
0x82: {  	_ =	shalt  }
0x83: {  	_ =	shalt  }
0x84: {  	_ =	shalt  }
0x85: {  	_ =	shalt  }
0x86: {  	_ =	shalt  }
0x87: {  	_ =	shalt  }
.Lfunc_end0:
.L_simem_size_0:
called_computation.2_lowered:
.L_overlay_start_0:
0x88: {  	s2 =	sld [smem:$0x3FD9]  }
0x89: {  	s3 =	sld [smem:$0x3FFE];
	_ =	sdelay $0x1  }
0x8a: {  	s1 =	srdreg.scid  }
0x8b: {  	s0 =	sand.u32 $0x1, s1  }
0x8c: {  	s16 =	sshll.u32 s0, $0xA;
	s2 =	sadd.s32 s3, s2  }
0x8d: {  	s2 =	sadd.s32 s2, s16  }
0x8e: {  	[smem:$0x3FB9] =	sst s2  }
0x8f: {  	_ = 	snop  }
0x90: {  	(tm) =	ssettm $0x1  }
0x91: {  	s17 =	sld [smem:$0x3FFB];
	_ =	sdelay $0x3  }
0x92: {  	_ =	strace s17  }
0x93: {  	s2 =	sld [smem:$0x3FFC];
	_ =	sdelay $0x3  }
0x94: {  	_ =	strace s2  }
0x95: {  	s2 =	sld [smem:$0x3FFD];
	_ =	sdelay $0x3  }
0x96: {  	_ =	strace s2  }
0x97: {  	_ =	strace $0x8FFFFFFF  }
0x98: {  	s18 =	sld [smem:$0x3FDB];
	_ =	sdelay $0x1  }
0x99: {  	s19 =	simm.s32 $_scs_section_size  }
0x9a: {  	s4 =	simm.s32 $_size__tile_overlayer_lowered;
	s5 =	simm.s32 $_tile_overlayer_lowered  }
0x9b: {  	s22 =	simm.s32 $0x1BFF;
	s21 =	sshll.u32 s5, $0x1;
	s2 =	sadd.s32 s19, s18  }
0x9c: {  	s6 =	simm.s32 $0x0;
	s20 =	sshll.u32 s4, $0x1;
	s4 =	sadd.s32 s21, s2  }
0x9d: {  	[timem:s6], [sflag:s22] =	dma.local [hbm:s4], s20  }
0x9e: {  	_ =	swait.ge [sflag:s22], s20  }
0x9f: {  	s3 =	ssub.s32 $0x0, s20;
	[sflag:s22] =	ssyncset.done $0x0  }
0xa0: {  	[sflag:s22] =	ssyncadd.s32 s3;
	_ =	sdelay $0x1  }
0xa1: {  	s23 =	simm.s32 $0x1B8B  }
0xa2: {  	_ =	swait.ge [sflag:s23], $0x1  }
0xa3: {  	[sflag:s23] =	ssyncset.done $0x0  }
0xa4: {  	s25 =	simm.s32 $0x1B8E;
	s24 =	sld [smem:$0x3FFE];
	[sflag:s23] =	ssyncadd.s32 $0xFFFFFFFF  }
0xa5: {  	s26 =	simm.s32 $execute0_lowered;
	[smem:$0x3FD2] =	sst s25  }
0xa6: {  	s4 =	sshll.u32 s26, $0x1;
	_ =	strace $0x8000004C;
	[dreg:$0x1] =	wrdreg $0xFFFFFFFF  }
0xa7: {  	s28 =	simm.s32 $_size_execute0_lowered;
	s2 =	sadd.s32 s2, s4;
	[dreg:$0x0] =	wrdreg $0x0  }
0xa8: {  	s4 =	sshll.u32 s28, $0x1;
	[dreg:$0x2] =	wrdreg s2  }
0xa9: {  	[dreg:$0x3] =	wrdreg s4  }
0xaa: {  	[dreg:$0x4] =	wrdreg $0xC0  }
0xab: {  	_ =	task [dreg:s6], $0x5FFFF  }
0xac: {  	[dreg:$0x1] =	wrdreg $0xFFFFFFFF  }
0xad: {  	[dreg:$0x0] =	wrdreg $0x60  }
0xae: {  	[dreg:$0x2] =	wrdreg s24  }
0xaf: {  	[dreg:$0x3] =	wrdreg $0x50000  }
0xb0: {  	[dreg:$0x4] =	wrdreg $0x9  }
0xb1: {  	_ =	task.clear_ibuf [dreg:s6], $0x5FFFF;
	_ =	strace $0x9000004C  }
0xb2: {  	s29 =	simm.s32 $0x9;
	_ =	strace $0x8000004E  }
0xb3: {  	_ =	swait.ge [sflag:s29], $0x1  }
0xb4: {  	[sflag:s29] =	ssyncadd.s32 $0xFFFFFFFF  }
0xb5: {  	_ =	strace $0x9000004E  }
0xb6: {  	_ =	sfence  }
0xb7: {  	s30 =	sld [smem:$0x0];
	_ =	sdelay $0x2  }
0xb8: {  	s31 =	sshll.u32 s1, $0xD;
	s1 =	sshrl.u32 s1, $0x2  }
0xb9: {  	s3 =	sand.u32 $0x4000, s31;
	s1 =	sadd.s32 s1, s30  }
0xba: {  	s0 =	sor.u32 s3, s0;
	s1 =	sshll.u32 s1, $0x11  }
0xbb: {  	s0 =	sor.u32 s1, s0  }
0xbc: {  	s0 =	sadd.s32 $0x8F2B, s0  }
0xbd: {  	[sflag:s0] =	ssyncadd.remote.s32 $0x1  }
0xbe: {  	_ =	sfence.sel $0xFFFF  }
0xbf: {  	[dreg:$0x0] =	wrdreg $0xFFFFFFFF;
	(pc) =	sbr.abs _section_cstart, $3  }
0xc0: {  	[dreg:$0x1] =	wrdreg $0xFFFFFFFF  }
0xc1: {  	_ =	task.clear_ibuf [dreg:s6], $0x2FFFF;
	_ =	strace $0x9FFFFFFF  }
0xc2: {  	(tm) =	ssettm $0x7FFFFFFF  }
0xc3: {  	_ =	shalt  }
tec
execute0_lowered:
.L_overlay_start_1:
0x0: {  	(tag) =	ssettag $0x1  }
0x1: {  	s0 =	rddreg [dreg:$0x0]  }
0x2: {  	s1 =	rddreg [dreg:$0x1]  }
0x3: {  	s2 =	simm.s32 $0x0;
	s3 =	srdreg.scid;
	s12 =	stileid.u32  }
0x4: {  	s16 =	simm.s32 $0xD;
	s28 =	simm.s32 $0x3;
	s29 =	simm.s32 $0x4  }
0x5: {  	s30 =	simm.s32 $0x9;
	s31 =	simm.s32 $0xA;
	s17 =	simm.s32 $0x0  }
0x6: {  	[smem:$0x7FF] =	sst s2;
	s3 =	sand.u32 $0x1, s3;
	s5 =	smul.u32 $0x19000, s12  }
0x7: {  	s6 =	sadd.s32 $0x101A00, s0;
	s8 =	sadd.s32 $0x1C400, s0;
	s20 =	smul.u32 $0x1880, s12  }
0x8: {  	s22 =	sshll.u32 s12, $0x6;
	s4 =	smul.u32 $0x32000, s3;
	_ =	strace $0x8000004D  }
0x9: {  	s7 =	ssub.s32 $0x2, s3;
	p0 =	seq.s32 s3, $0x1;
	s3 =	simm.s32 $0xCAC00  }
0xa: {  	s9 =	sshrl.u32 s5, $0x3;
	s10 =	sshrl.u32 s7, $0x1;
	s11 =	sadd.s32 s5, s1  }
0xb: {  	s5 =	sor.u32 $0x1C0D, s22;
	s23 =	sadd.s32 s6, s20;
	s24 =	sadd.s32 s8, s20  }
0xc: {  	s3 =	simm.s32 @!p0 $0x11A200;
	s22 =	simm.s32 $0x2000;
	s4 =	sadd.s32 s4, s0  }
0xd: {  	s0 =	sadd.s32 s9, s0;
	s19 =	ssub.s32 s7, s10;
	s10 =	sor.u32 $0x40, s20  }
0xe: {  	[dreg:$0x4] =	wrdreg s24;
	s13 =	sadd.s32 $0x80, s24;
	s12 =	smov.u32 s23  }
0xf: {  	s14 =	sadd.s32 $0x80, s23;
	s15 =	sshrl.u32 s11, $0x3;
	s21 =	sadd.s32 $0x98C00, s0  }
0x10: {  	s20 =	simm.s32 $0x80;
	s6 =	sadd.s32 s6, s10;
	[dreg:$0x3] =	wrdreg s21  }
0x11: {  	s23 =	simm.s32 $0x3000;
	s25 =	sadd.s32 s8, s10;
	[dreg:$0x5] =	wrdreg s6  }
0x12: {  	s24 =	simm.s32 $0x4000;
	s26 =	smax.u32 s19, $0x1;
	[dreg:$0x6] =	wrdreg s25  }
0x13: {  	s10 =	sadd.s32 $0x34C00, s4;
	s0 =	sadd.s32 s3, s0;
	[dreg:$0x7] =	wrdreg s26  }
0x14: {  	s3 =	simm.s32 $0xC;
	[dreg:$0x8] =	wrdreg s0;
	s21 =	simm.s32 $0x1000  }
0x15: {  	s25 =	simm.s32 $0x1;
	s26 =	simm.s32 $0x2;
	s0 =	simm.s32 $0xB  }
.LBB2_1:
0x16: {  	s4 =	rddreg [dreg:$0x3]  }
0x17: {  	[spmem:s15], [sflag:s5] =	dma.local [hbm:s4], $0x3200  }
0x18: {  	_ =	swait.ge [sflag:s16], $0x3200  }
0x19: {  	[sflag:s16] =	ssyncset.done $0x0  }
0x1a: {  	[sflag:s16] =	ssyncadd.s32 $0xFFFFCE00  }
0x1b: {  	[bflag:$0x0] =	sbarrier.arrive $0xFFFF  }
0x1c: {  	[tilespmem:s2], [sflag:$0x5] =	stream.linear.gather [hbm4b:s12+s2], $0x200, $0x38;
	[tilespmem:$0x1E000] =	vst v63  }
0x1d: {  	s6 =	simm.s32 $0x800;
	s18 =	simm.s32 $0x0;
	s19 =	rddreg [dreg:$0x4]  }
0x1e: {  	[tilespmem:s6], [sflag:$0x5] =	stream.linear.gather [hbm4b:s19+s2], $0x200, $0x38;
	[tilespmem:$0x1E000] =	vst v63  }
0x1f: {  	s8 =	simm.s32 $0x200;
	s4 =	sand.u32 $0x3, s18;
	s7 =	rddreg [dreg:$0x5]  }
0x20: {  	[tilespmem:s8], [sflag:$0x6] =	stream.linear.gather [hbm4b:s7+s2], $0x200, $0x38;
	[tilespmem:$0x1E000] =	vst v63  }
0x21: {  	s11 =	simm.s32 $0xA00;
	s9 =	rddreg [dreg:$0x6];
	s19 =	sadd.s32 $0x5, s4  }
0x22: {  	[tilespmem:s11], [sflag:$0x6] =	stream.linear.gather [hbm4b:s9+s2], $0x200, $0x38;
	[tilespmem:$0x1E000] =	vst v63  }
0x23: {  	_ =	swait.ge [sflag:s19], $0x200  }
0x24: {  	[sflag:s19] =	ssyncset.done $0x0  }
0x25: {  	[sflag:s19] =	ssyncadd.s32 $0xFFFFFE00  }
0x26: {  	_ =	swait.ge [sflag:s19], $0x200  }
0x27: {  	[sflag:s19] =	ssyncset.done $0x0  }
0x28: {  	s4 =	sshll.u32 s4, $0x9;
	[sflag:s19] =	ssyncadd.s32 $0xFFFFFE00  }
0x29: {  	[tilespmem:s21], [sflag:$0x1] =	stream.indirect.gather [hbm4b:s10+s20], $0x20, s4, s20, $0xb8;
	[tilespmem:$0x1E000] =	vst v63  }
0x2a: {  	s7 =	sor.u32 $0x80, s4  }
0x2b: {  	[tilespmem:s22], [sflag:$0x2] =	stream.indirect.gather [hbm4b:s10+s20], $0x20, s7, s20, $0xb8;
	[tilespmem:$0x1E000] =	vst v63  }
0x2c: {  	s8 =	sor.u32 $0x100, s4  }
0x2d: {  	[tilespmem:s23], [sflag:$0x3] =	stream.indirect.gather [hbm4b:s10+s20], $0x20, s8, s20, $0xb8;
	[tilespmem:$0x1E000] =	vst v63  }
0x2e: {  	s9 =	sor.u32 $0x180, s4  }
0x2f: {  	[tilespmem:s24], [sflag:$0x4] =	stream.indirect.gather [hbm4b:s10+s20], $0x20, s9, s20, $0xb8;
	[tilespmem:$0x1E000] =	vst v63  }
0x30: {  	_ =	swait.ge [sflag:s25], $0x1000  }
0x31: {  	[sflag:s25] =	ssyncset.done $0x0  }
0x32: {  	s11 =	sor.u32 $0x800, s4;
	[sflag:s25] =	ssyncadd.s32 $0xFFFFF000  }
0x33: {  	[spmem:s1] =	stream.indirect.scatter.add.f32 [tilespmem:s21], [sflag:$0x9], $0x20, s11, s20, $0xb8;
	[tilespmem:$0x1E000] =	vst v63  }
0x34: {  	_ =	swait.ge [sflag:s26], $0x1000  }
0x35: {  	[sflag:s26] =	ssyncset.done $0x0  }
0x36: {  	s18 =	sor.u32 $0x880, s4;
	[sflag:s26] =	ssyncadd.s32 $0xFFFFF000  }
0x37: {  	[spmem:s1] =	stream.indirect.scatter.add.f32 [tilespmem:s22], [sflag:$0xA], $0x20, s18, s20, $0xb8;
	[tilespmem:$0x1E000] =	vst v63  }
0x38: {  	_ =	swait.ge [sflag:s28], $0x1000  }
0x39: {  	[sflag:s28] =	ssyncset.done $0x0  }
0x3a: {  	s19 =	sor.u32 $0x900, s4;
	[sflag:s28] =	ssyncadd.s32 $0xFFFFF000  }
0x3b: {  	[spmem:s1] =	stream.indirect.scatter.add.f32 [tilespmem:s23], [sflag:$0xB], $0x20, s19, s20, $0xb8;
	[tilespmem:$0x1E000] =	vst v63  }
0x3c: {  	_ =	swait.ge [sflag:s29], $0x1000  }
0x3d: {  	p0 =	por $0x0, $0x0;
	[sflag:s29] =	ssyncset.done $0x0  }
0x3e: {  	s6 =	sand.u32 @!p0 $0x3, s26;
	s4 =	sor.u32 $0x980, s4;
	[sflag:s29] =	ssyncadd.s32 $0xFFFFF000  }
0x3f: {  	[spmem:s1] =	stream.indirect.scatter.add.f32 [tilespmem:s24], [sflag:$0xC], $0x20, s4, s20, $0xb8;
	[tilespmem:$0x1E000] =	vst v63  }
0x40: {  	s8 =	sadd.s32 @!p0 $0x5, s6;
	s6 =	sshll.u32 @!p0 s6, $0x9;
	s4 =	simm.s32 @!p0 $0x0  }
0x41: {  	[tilespmem:s6], [sflag:s8] =	stream.linear.gather @!p0 [hbm4b:s14+s4], $0x200, $0x38;
	[tilespmem:$0x1E000] =	vst v63  }
0x42: {  	s6 =	sor.u32 @!p0 $0x800, s6  }
0x43: {  	[tilespmem:s6], [sflag:s8] =	stream.linear.gather @!p0 [hbm4b:s13+s4], $0x200, $0x38;
	[tilespmem:$0x1E000] =	vst v63  }
0x44: {  	_ =	swait.ge [sflag:s30], $0x1000  }
0x45: {  	[sflag:s30] =	ssyncset.done $0x0  }
0x46: {  	[sflag:s30] =	ssyncadd.s32 $0xFFFFF000  }
0x47: {  	_ =	swait.ge [sflag:s31], $0x1000  }
0x48: {  	[sflag:s31] =	ssyncset.done $0x0  }
0x49: {  	[sflag:s31] =	ssyncadd.s32 $0xFFFFF000  }
0x4a: {  	s9 =	simm.s32 $0x1;
	_ =	swait.ge [sflag:s0], $0x1000  }
0x4b: {  	s11 =	sand.u32 $0x3, s9;
	[sflag:s0] =	ssyncset.done $0x0  }
0x4c: {  	s18 =	sadd.s32 $0x40, s14;
	s19 =	sadd.s32 $0x40, s13;
	[sflag:s0] =	ssyncadd.s32 $0xFFFFF000  }
0x4d: {  	s4 =	simm.s32 $0x3;
	s8 =	simm.s32 $0x4;
	_ =	swait.ge [sflag:s3], $0x1000  }
.LBB2_2:
0x4e: {  	s7 =	sadd.s32 $0x5, s11  }
0x4f: {  	[sflag:s3] =	ssyncset.done $0x0;
	s6 =	smov.u32 s8;
	s8 =	sadd.s32 $0x1, s8  }
0x50: {  	p0 =	sne.s32 s8, $0x64;
	[sflag:s3] =	ssyncadd.s32 $0xFFFFF000  }
0x51: {  	_ =	swait.ge [sflag:s7], $0x200  }
0x52: {  	[sflag:s7] =	ssyncset.done $0x0  }
0x53: {  	[sflag:s7] =	ssyncadd.s32 $0xFFFFFE00  }
0x54: {  	_ =	swait.ge [sflag:s7], $0x200  }
0x55: {  	s11 =	sshll.u32 s11, $0x9;
	[sflag:s7] =	ssyncset.done $0x0  }
0x56: {  	[sflag:s7] =	ssyncadd.s32 $0xFFFFFE00  }
0x57: {  	[tilespmem:s21], [sflag:$0x1] =	stream.indirect.gather [hbm4b:s10+s20], $0x20, s11, s20, $0xb8;
	[tilespmem:$0x1E000] =	vst v63  }
0x58: {  	s7 =	sor.u32 $0x80, s11  }
0x59: {  	[tilespmem:s22], [sflag:$0x2] =	stream.indirect.gather [hbm4b:s10+s20], $0x20, s7, s20, $0xb8;
	[tilespmem:$0x1E000] =	vst v63  }
0x5a: {  	s7 =	sor.u32 $0x100, s11  }
0x5b: {  	[tilespmem:s23], [sflag:$0x3] =	stream.indirect.gather [hbm4b:s10+s20], $0x20, s7, s20, $0xb8;
	[tilespmem:$0x1E000] =	vst v63  }
0x5c: {  	s7 =	sor.u32 $0x180, s11  }
0x5d: {  	[tilespmem:s24], [sflag:$0x4] =	stream.indirect.gather [hbm4b:s10+s20], $0x20, s7, s20, $0xb8;
	[tilespmem:$0x1E000] =	vst v63  }
0x5e: {  	_ =	swait.ge [sflag:s25], $0x1000  }
0x5f: {  	s7 =	sor.u32 $0x800, s11;
	[sflag:s25] =	ssyncset.done $0x0  }
0x60: {  	[sflag:s25] =	ssyncadd.s32 $0xFFFFF000  }
0x61: {  	[spmem:s1] =	stream.indirect.scatter.add.f32 [tilespmem:s21], [sflag:$0x9], $0x20, s7, s20, $0xb8;
	[tilespmem:$0x1E000] =	vst v63  }
0x62: {  	_ =	swait.ge [sflag:s26], $0x1000  }
0x63: {  	s7 =	sor.u32 $0x880, s11;
	[sflag:s26] =	ssyncset.done $0x0  }
0x64: {  	[sflag:s26] =	ssyncadd.s32 $0xFFFFF000  }
0x65: {  	[spmem:s1] =	stream.indirect.scatter.add.f32 [tilespmem:s22], [sflag:$0xA], $0x20, s7, s20, $0xb8;
	[tilespmem:$0x1E000] =	vst v63  }
0x66: {  	_ =	swait.ge [sflag:s28], $0x1000  }
0x67: {  	s7 =	sor.u32 $0x900, s11;
	[sflag:s28] =	ssyncset.done $0x0  }
0x68: {  	[sflag:s28] =	ssyncadd.s32 $0xFFFFF000  }
0x69: {  	[spmem:s1] =	stream.indirect.scatter.add.f32 [tilespmem:s23], [sflag:$0xB], $0x20, s7, s20, $0xb8;
	[tilespmem:$0x1E000] =	vst v63  }
0x6a: {  	_ =	swait.ge [sflag:s29], $0x1000  }
0x6b: {  	p1 =	sgt.u32 s9, $0x5F;
	s7 =	sor.u32 $0x980, s11;
	[sflag:s29] =	ssyncset.done $0x0  }
0x6c: {  	s4 =	sand.u32 @!p1 $0x3, s4;
	s9 =	simm.s32 @!p1 $0x0;
	[sflag:s29] =	ssyncadd.s32 $0xFFFFF000  }
0x6d: {  	[spmem:s1] =	stream.indirect.scatter.add.f32 [tilespmem:s24], [sflag:$0xC], $0x20, s7, s20, $0xb8;
	[tilespmem:$0x1E000] =	vst v63  }
0x6e: {  	s11 =	sshll.u32 @!p1 s4, $0x9;
	s7 =	sadd.s32 @!p1 $0x5, s4;
	s4 =	smov.u32 s6  }
0x6f: {  	[tilespmem:s11], [sflag:s7] =	stream.linear.gather @!p1 [hbm4b:s18+s9], $0x200, $0x38;
	[tilespmem:$0x1E000] =	vst v63  }
0x70: {  	s6 =	sor.u32 @!p1 $0x800, s11  }
0x71: {  	[tilespmem:s6], [sflag:s7] =	stream.linear.gather @!p1 [hbm4b:s19+s9], $0x200, $0x38;
	[tilespmem:$0x1E000] =	vst v63  }
0x72: {  	_ =	swait.ge [sflag:s30], $0x1000  }
0x73: {  	[sflag:s30] =	ssyncset.done $0x0  }
0x74: {  	[sflag:s30] =	ssyncadd.s32 $0xFFFFF000  }
0x75: {  	_ =	swait.ge [sflag:s31], $0x1000  }
0x76: {  	[sflag:s31] =	ssyncset.done $0x0  }
.Ltmp0:
0x77: {  	[sflag:s31] =	ssyncadd.s32 $0xFFFFF000;
	(pc) =	sbr.rel @p0 .LBB2_2-.Ltmp0, $4  }
0x78: {  	_ =	swait.ge [sflag:s0], $0x1000  }
0x79: {  	[sflag:s0] =	ssyncset.done $0x0  }
0x7a: {  	s18 =	sadd.s32 $0x40, s18;
	s9 =	sadd.s32 $0xFFFFFFFE, s4;
	[sflag:s0] =	ssyncadd.s32 $0xFFFFF000  }
0x7b: {  	s19 =	sadd.s32 $0x40, s19;
	s11 =	sand.u32 $0x3, s9;
	_ =	swait.ge [sflag:s3], $0x1000  }
0x7c: {  	[sflag:s3] =	ssyncset.done $0x0  }
0x7d: {  	s6 =	sadd.s32 $0x5, s11;
	[sflag:s3] =	ssyncadd.s32 $0xFFFFF000  }
0x7e: {  	_ =	swait.ge [sflag:s6], $0x200  }
0x7f: {  	[sflag:s6] =	ssyncset.done $0x0  }
0x80: {  	[sflag:s6] =	ssyncadd.s32 $0xFFFFFE00  }
0x81: {  	_ =	swait.ge [sflag:s6], $0x200  }
0x82: {  	[sflag:s6] =	ssyncset.done $0x0  }
0x83: {  	s7 =	sshll.u32 s11, $0x9;
	[sflag:s6] =	ssyncadd.s32 $0xFFFFFE00  }
0x84: {  	[tilespmem:s21], [sflag:$0x1] =	stream.indirect.gather [hbm4b:s10+s20], $0x20, s7, s20, $0xb8;
	[tilespmem:$0x1E000] =	vst v63  }
0x85: {  	s11 =	sor.u32 $0x80, s7  }
0x86: {  	[tilespmem:s22], [sflag:$0x2] =	stream.indirect.gather [hbm4b:s10+s20], $0x20, s11, s20, $0xb8;
	[tilespmem:$0x1E000] =	vst v63  }
0x87: {  	s8 =	sor.u32 $0x100, s7  }
0x88: {  	[tilespmem:s23], [sflag:$0x3] =	stream.indirect.gather [hbm4b:s10+s20], $0x20, s8, s20, $0xb8;
	[tilespmem:$0x1E000] =	vst v63  }
0x89: {  	s11 =	sor.u32 $0x180, s7  }
0x8a: {  	[tilespmem:s24], [sflag:$0x4] =	stream.indirect.gather [hbm4b:s10+s20], $0x20, s11, s20, $0xb8;
	[tilespmem:$0x1E000] =	vst v63  }
0x8b: {  	_ =	swait.ge [sflag:s25], $0x1000  }
0x8c: {  	[sflag:s25] =	ssyncset.done $0x0  }
0x8d: {  	s8 =	sor.u32 $0x800, s7;
	[sflag:s25] =	ssyncadd.s32 $0xFFFFF000  }
0x8e: {  	[spmem:s1] =	stream.indirect.scatter.add.f32 [tilespmem:s21], [sflag:$0x9], $0x20, s8, s20, $0xb8;
	[tilespmem:$0x1E000] =	vst v63  }
0x8f: {  	_ =	swait.ge [sflag:s26], $0x1000  }
0x90: {  	[sflag:s26] =	ssyncset.done $0x0  }
0x91: {  	s11 =	sor.u32 $0x880, s7;
	[sflag:s26] =	ssyncadd.s32 $0xFFFFF000  }
0x92: {  	[spmem:s1] =	stream.indirect.scatter.add.f32 [tilespmem:s22], [sflag:$0xA], $0x20, s11, s20, $0xb8;
	[tilespmem:$0x1E000] =	vst v63  }
0x93: {  	_ =	swait.ge [sflag:s28], $0x1000  }
0x94: {  	[sflag:s28] =	ssyncset.done $0x0  }
0x95: {  	s8 =	sor.u32 $0x900, s7;
	[sflag:s28] =	ssyncadd.s32 $0xFFFFF000  }
0x96: {  	[spmem:s1] =	stream.indirect.scatter.add.f32 [tilespmem:s23], [sflag:$0xB], $0x20, s8, s20, $0xb8;
	[tilespmem:$0x1E000] =	vst v63  }
0x97: {  	_ =	swait.ge [sflag:s29], $0x1000  }
0x98: {  	p0 =	sgt.u32 s9, $0x5F;
	[sflag:s29] =	ssyncset.done $0x0  }
0x99: {  	s4 =	sand.u32 @!p0 $0x3, s4;
	s11 =	sor.u32 $0x980, s7;
	[sflag:s29] =	ssyncadd.s32 $0xFFFFF000  }
0x9a: {  	[spmem:s1] =	stream.indirect.scatter.add.f32 [tilespmem:s24], [sflag:$0xC], $0x20, s11, s20, $0xb8;
	[tilespmem:$0x1E000] =	vst v63  }
0x9b: {  	s6 =	simm.s32 @!p0 $0x0;
	s7 =	sadd.s32 @!p0 $0x5, s4;
	s4 =	sshll.u32 @!p0 s4, $0x9  }
0x9c: {  	[tilespmem:s4], [sflag:s7] =	stream.linear.gather @!p0 [hbm4b:s18+s6], $0x200, $0x38;
	[tilespmem:$0x1E000] =	vst v63  }
0x9d: {  	s4 =	sor.u32 @!p0 $0x800, s4  }
0x9e: {  	[tilespmem:s4], [sflag:s7] =	stream.linear.gather @!p0 [hbm4b:s19+s6], $0x200, $0x38;
	[tilespmem:$0x1E000] =	vst v63  }
0x9f: {  	_ =	swait.ge [sflag:s30], $0x1000  }
0xa0: {  	[sflag:s30] =	ssyncset.done $0x0  }
0xa1: {  	[sflag:s30] =	ssyncadd.s32 $0xFFFFF000  }
0xa2: {  	_ =	swait.ge [sflag:s31], $0x1000  }
0xa3: {  	[sflag:s31] =	ssyncset.done $0x0  }
0xa4: {  	[sflag:s31] =	ssyncadd.s32 $0xFFFFF000  }
0xa5: {  	_ =	swait.ge [sflag:s0], $0x1000  }
0xa6: {  	[sflag:s0] =	ssyncset.done $0x0  }
0xa7: {  	[sflag:s0] =	ssyncadd.s32 $0xFFFFF000  }
0xa8: {  	_ =	swait.ge [sflag:s3], $0x1000  }
0xa9: {  	[sflag:s3] =	ssyncset.done $0x0  }
0xaa: {  	[sflag:s3] =	ssyncadd.s32 $0xFFFFF000  }
0xab: {  	[bflag:$0x0] =	sbarrier.arrive $0xFFFF  }
0xac: {  	s18 =	rddreg [dreg:$0x8]  }
0xad: {  	[hbm:s18], [sflag:s5] =	dma.local [spmem:s15], $0x3200  }
0xae: {  	_ =	swait.ge [sflag:s16], $0x3200  }
0xaf: {  	s17 =	sadd.s32 $0x1, s17;
	s19 =	rddreg [dreg:$0x7]  }
0xb0: {  	p0 =	sne.s32 s17, s19  }
.Ltmp1:
0xb1: {  	_ = 	snop;
	(pc) =	sbr.rel @p0 .LBB2_1-.Ltmp1, $3  }
0xb2: {  	_ =	sdelay $0x1  }
0xb3: {  	[sflag:s16] =	ssyncset.done $0x0  }
0xb4: {  	[sflag:s16] =	ssyncadd.s32 $0xFFFFCE00  }
0xb5: {  	_ =	sfence.sel $0x180000  }
0xb6: {  	[bflag:$0x0] =	sbarrier.arrive $0xFFFF  }
0xb7: {  	_ =	strace $0x9000004D  }
0xb8: {  	s0 =	stileid.u32;
	[bflag:$0x2] =	sbarrier.arrive $0xFFFF  }
0xb9: {  	p0 =	sne.s32 s0, $0x0;
	s0 =	rddreg [dreg:$0x2]  }
0xba: {  	s0 =	sadd.s32 @!p0 $0x100000, s0  }
0xbb: {  	[sflag:s0] =	ssyncadd.tile.s32 @!p0 $0x1;
	_ =	shalt  }
.Lfunc_end2:
_tile_overlayer_lowered:
.L_overlay_start_2:
0xbc: {  	(tag) =	ssettag $0x2  }
0xbd: {  	s0 =	rddreg [dreg:$0x0];
	s2 =	stileid.u32  }
0xbe: {  	s1 =	rddreg [dreg:$0x1];
	p0 =	sne.s32 s2, $0x0  }
0xbf: {  	s3 =	rddreg [dreg:$0x2];
	[bflag:$0x3] =	sbarrier.arrive $0xFFFF;
	s2 =	simm.s32 @!p0 $0x1C0D  }
0xc0: {  	[timem:s3], [sflag:s2] =	dma.local @!p0 [hbm:s0], s1  }
0xc1: {  	s0 =	simm.s32 @!p0 $0xD  }
0xc2: {  	_ =	swait.ge @!p0 [sflag:s0], s1  }
0xc3: {  	s1 =	ssub.s32 @!p0 $0x0, s1;
	[sflag:s0] =	ssyncset.done @!p0 $0x0  }
0xc4: {  	[sflag:s0] =	ssyncadd.s32 @!p0 s1  }
0xc5: {  	[bflag:$0x3] =	sbarrier.arrive $0xFFFF  }
0xc6: {  	_ =	shalt  }

// kernel: kernel.20.cloned.1.call-start
scs
__scs_entry_jumppad:
0x0: {  	(pc) =	sbr.rel $0x88, $3  }
0x1: {  	(tag) =	ssettag $0x0;
	lr =	simm.s32 $0x1  }
0x2: {  	[smem:$0x3F92] =	sst lr;
	_ =	strace $0xD0000000  }
0x3: {  	_ = 	snop  }
0x4: {  	_ = 	snop  }
0x5: {  	_ = 	snop  }
0x6: {  	_ = 	snop  }
0x7: {  	_ = 	snop  }
__scs_overlays_trampoline_lowered:
0x8: {  	[smem:$0x3FA1] =	sst s0  }
0x9: {  	[smem:$0x3FA2] =	sst s1  }
0xa: {  	[smem:$0x3FA3] =	sst s2  }
0xb: {  	[smem:$0x3FA4] =	sst s3  }
0xc: {  	[smem:$0x3FA5] =	sst s4  }
0xd: {  	[smem:$0x3FA6] =	sst s5  }
0xe: {  	[smem:$0x3FA7] =	sst s6  }
0xf: {  	[smem:$0x3FA8] =	sst s7  }
0x10: {  	[smem:$0x3FA9] =	sst s8  }
0x11: {  	[smem:$0x3FAA] =	sst s9;
	s0 =	simm.s32 @!p0 $0x0  }
0x12: {  	s1 =	sld [smem:$0x3F90];
	s0 =	simm.s32 @p0 $0x1  }
0x13: {  	[smem:$0x3FAB] =	sst s0;
	s0 =	simm.s32 @!p1 $0x0  }
0x14: {  	s2 =	sld [smem:$0x3F8F];
	s0 =	simm.s32 @p1 $0x1  }
0x15: {  	[smem:$0x3FAC] =	sst s0;
	s0 =	simm.s32 @!p2 $0x0  }
0x16: {  	s3 =	sld [smem:$0x3FDB];
	s0 =	simm.s32 @p2 $0x1  }
0x17: {  	s4 =	simm.s32 $0x1BF5;
	[smem:$0x3FAE] =	sst s0  }
0x18: {  	s0 =	sld [smem:$0x3F91];
	_ =	swait.ge [sflag:s4], $0x0  }
0x19: {  	s7 =	sld [smem:$0x3F92]  }
0x1a: {  	s8 =	sadd.s32 $0xFFFFE003, lr  }
0x1b: {  	s9 =	sadd.s32 $0xFFFFFEF7, lr;
	s5 =	simm.s32 $0xFFFFFFFF;
	p2 =	slt.u32 s8, $0xFFFFF086  }
0x1c: {  	p1 =	slt.u32 s9, $0xF7A;
	s5 =	simm.s32 @!p2 $0x0  }
0x1d: {  	s5 =	simm.s32 @p1 $0x1;
	p0 =	seq.s32 s7, s2  }
0x1e: {  	s7 =	smul.u32 @!p0 $0xF7A, s2;
	p2 =	seq.s32 @!p0 s5, $0x0  }
0x1f: {  	s9 =	smul.u32 $0xF7A, s1;
	s8 =	simm.s32 @!p0 $0x1BF5;
	p2 =	por !p2, p0  }
0x20: {  	[sflag:s8] =	ssyncset.s32 @!p0 $0xFFFFF086;
	s6 =	sadd.s32 @!p0 s3, s7;
	s7 =	simm.s32 @!p0 $0x108  }
0x21: {  	s3 =	sadd.s32 s3, s9;
	s6 =	sadd.s32 @!p0 $0x88, s6;
	s7 =	simm.s32 @p2 $0x1082  }
0x22: {  	[simem:s7], [sflag:s8] =	dma.local @!p0 [hbm:s6], $0xF7A  }
0x23: {  	s9 =	sor.u32 $0xD0000000, s2;
	s6 =	simm.s32 $0x108;
	_ =	swait.ge @!p0 [sflag:s8], $0x0  }
0x24: {  	s3 =	sadd.s32 $0x88, s3;
	s6 =	simm.s32 @!p1 $0x1082;
	[sflag:s4] =	ssyncset.s32 $0xFFFFF086  }
0x25: {  	[simem:s6], [sflag:s4] =	dma.local [hbm:s3], $0xF7A  }
0x26: {  	[smem:$0x3F92] =	sst s1;
	(tag) =	ssettag s2;
	_ =	strace s9  }
0x27: {  	s1 =	sld [smem:$0x3FA2]  }
0x28: {  	s2 =	sld [smem:$0x3FA3]  }
0x29: {  	s4 =	sld [smem:$0x3FA5]  }
0x2a: {  	p0 =	seq.s32 s5, $0x0;
	s5 =	sld [smem:$0x3FA6]  }
0x2b: {  	s6 =	sld [smem:$0x3FA7]  }
0x2c: {  	s7 =	sld [smem:$0x3FA8]  }
0x2d: {  	s3 =	simm.s32 $0x108;
	s8 =	sld [smem:$0x3FA9]  }
0x2e: {  	s3 =	simm.s32 @!p0 $0x1082;
	s9 =	sld [smem:$0x3FAA]  }
0x2f: {  	lr =	sadd.s32 s0, s3;
	s0 =	sld [smem:$0x3FA1]  }
0x30: {  	s3 =	sld [smem:$0x3FA4]  }
0x31: {  	[smem:$0x3FAD] =	sst s10  }
0x32: {  	s10 =	sld [smem:$0x3FAB];
	_ =	sdelay $0x3  }
0x33: {  	p0 =	seq.s32 s10, $0x1;
	s10 =	sld [smem:$0x3FAD];
	_ =	sdelay $0x3  }
0x34: {  	[smem:$0x3FAD] =	sst s10  }
0x35: {  	s10 =	sld [smem:$0x3FAC];
	_ =	sdelay $0x3  }
0x36: {  	p1 =	seq.s32 s10, $0x1;
	s10 =	sld [smem:$0x3FAD];
	_ =	sdelay $0x3  }
0x37: {  	[smem:$0x3FAD] =	sst s10  }
0x38: {  	s10 =	sld [smem:$0x3FAE]  }
0x39: {  	_ = 	snop;
	(pc) =	sbr.ind lr, $3  }
0x3a: {  	_ = 	snop  }
0x3b: {  	_ = 	snop  }
0x3c: {  	p2 =	seq.s32 s10, $0x1;
	s10 =	sld [smem:$0x3FAD]  }
0x3d: {  	_ =	shalt  }
0x3e: {  	_ =	shalt  }
0x3f: {  	_ =	shalt  }
0x40: {  	_ =	shalt  }
0x41: {  	_ =	shalt  }
0x42: {  	_ =	shalt  }
0x43: {  	_ =	shalt  }
0x44: {  	_ =	shalt  }
0x45: {  	_ =	shalt  }
0x46: {  	_ =	shalt  }
0x47: {  	_ =	shalt  }
0x48: {  	_ =	shalt  }
0x49: {  	_ =	shalt  }
0x4a: {  	_ =	shalt  }
0x4b: {  	_ =	shalt  }
0x4c: {  	_ =	shalt  }
0x4d: {  	_ =	shalt  }
0x4e: {  	_ =	shalt  }
0x4f: {  	_ =	shalt  }
0x50: {  	_ =	shalt  }
0x51: {  	_ =	shalt  }
0x52: {  	_ =	shalt  }
0x53: {  	_ =	shalt  }
0x54: {  	_ =	shalt  }
0x55: {  	_ =	shalt  }
0x56: {  	_ =	shalt  }
0x57: {  	_ =	shalt  }
0x58: {  	_ =	shalt  }
0x59: {  	_ =	shalt  }
0x5a: {  	_ =	shalt  }
0x5b: {  	_ =	shalt  }
0x5c: {  	_ =	shalt  }
0x5d: {  	_ =	shalt  }
0x5e: {  	_ =	shalt  }
0x5f: {  	_ =	shalt  }
0x60: {  	_ =	shalt  }
0x61: {  	_ =	shalt  }
0x62: {  	_ =	shalt  }
0x63: {  	_ =	shalt  }
0x64: {  	_ =	shalt  }
0x65: {  	_ =	shalt  }
0x66: {  	_ =	shalt  }
0x67: {  	_ =	shalt  }
0x68: {  	_ =	shalt  }
0x69: {  	_ =	shalt  }
0x6a: {  	_ =	shalt  }
0x6b: {  	_ =	shalt  }
0x6c: {  	_ =	shalt  }
0x6d: {  	_ =	shalt  }
0x6e: {  	_ =	shalt  }
0x6f: {  	_ =	shalt  }
0x70: {  	_ =	shalt  }
0x71: {  	_ =	shalt  }
0x72: {  	_ =	shalt  }
0x73: {  	_ =	shalt  }
0x74: {  	_ =	shalt  }
0x75: {  	_ =	shalt  }
0x76: {  	_ =	shalt  }
0x77: {  	_ =	shalt  }
0x78: {  	_ =	shalt  }
0x79: {  	_ =	shalt  }
0x7a: {  	_ =	shalt  }
0x7b: {  	_ =	shalt  }
0x7c: {  	_ =	shalt  }
0x7d: {  	_ =	shalt  }
0x7e: {  	_ =	shalt  }
0x7f: {  	_ =	shalt  }
0x80: {  	_ =	shalt  }
0x81: {  	_ =	shalt  }
0x82: {  	_ =	shalt  }
0x83: {  	_ =	shalt  }
0x84: {  	_ =	shalt  }
0x85: {  	_ =	shalt  }
0x86: {  	_ =	shalt  }
0x87: {  	_ =	shalt  }
.Lfunc_end0:
.L_simem_size_0:
called_computation.3_lowered:
.L_overlay_start_0:
0x88: {  	s2 =	sld [smem:$0x3FD9]  }
0x89: {  	s3 =	sld [smem:$0x3FFE];
	_ =	sdelay $0x1  }
0x8a: {  	s1 =	srdreg.scid  }
0x8b: {  	s0 =	sand.u32 $0x1, s1  }
0x8c: {  	s16 =	sshll.u32 s0, $0xA;
	s2 =	sadd.s32 s3, s2  }
0x8d: {  	s2 =	sadd.s32 s2, s16  }
0x8e: {  	[smem:$0x3FB9] =	sst s2  }
0x8f: {  	_ = 	snop  }
0x90: {  	(tm) =	ssettm $0x1  }
0x91: {  	s17 =	sld [smem:$0x3FFB];
	_ =	sdelay $0x3  }
0x92: {  	_ =	strace s17  }
0x93: {  	s2 =	sld [smem:$0x3FFC];
	_ =	sdelay $0x3  }
0x94: {  	_ =	strace s2  }
0x95: {  	s2 =	sld [smem:$0x3FFD];
	_ =	sdelay $0x3  }
0x96: {  	_ =	strace s2  }
0x97: {  	_ =	strace $0x8FFFFFFF  }
0x98: {  	s18 =	sld [smem:$0x3FDB];
	_ =	sdelay $0x1  }
0x99: {  	s19 =	simm.s32 $_scs_section_size  }
0x9a: {  	s4 =	simm.s32 $_size__tile_overlayer_lowered;
	s5 =	simm.s32 $_tile_overlayer_lowered  }
0x9b: {  	s22 =	simm.s32 $0x1BFF;
	s21 =	sshll.u32 s5, $0x1;
	s2 =	sadd.s32 s19, s18  }
0x9c: {  	s6 =	simm.s32 $0x0;
	s20 =	sshll.u32 s4, $0x1;
	s4 =	sadd.s32 s21, s2  }
0x9d: {  	[timem:s6], [sflag:s22] =	dma.local [hbm:s4], s20  }
0x9e: {  	_ =	swait.ge [sflag:s22], s20  }
0x9f: {  	s3 =	ssub.s32 $0x0, s20;
	[sflag:s22] =	ssyncset.done $0x0  }
0xa0: {  	[sflag:s22] =	ssyncadd.s32 s3;
	_ =	sdelay $0x1  }
0xa1: {  	s23 =	simm.s32 $0x1B8B  }
0xa2: {  	_ =	swait.ge [sflag:s23], $0x1  }
0xa3: {  	[sflag:s23] =	ssyncset.done $0x0  }
0xa4: {  	s25 =	simm.s32 $0x1B8E;
	s24 =	sld [smem:$0x3FFE];
	[sflag:s23] =	ssyncadd.s32 $0xFFFFFFFF  }
0xa5: {  	s26 =	simm.s32 $execute0_lowered;
	[smem:$0x3FD2] =	sst s25  }
0xa6: {  	s4 =	sshll.u32 s26, $0x1;
	_ =	strace $0x8000004F;
	[dreg:$0x1] =	wrdreg $0xFFFFFFFF  }
0xa7: {  	s28 =	simm.s32 $_size_execute0_lowered;
	s2 =	sadd.s32 s2, s4;
	[dreg:$0x0] =	wrdreg $0x0  }
0xa8: {  	s4 =	sshll.u32 s28, $0x1;
	[dreg:$0x2] =	wrdreg s2  }
0xa9: {  	[dreg:$0x3] =	wrdreg s4  }
0xaa: {  	[dreg:$0x4] =	wrdreg $0xC0  }
0xab: {  	_ =	task [dreg:s6], $0x5FFFF  }
0xac: {  	[dreg:$0x1] =	wrdreg $0xFFFFFFFF  }
0xad: {  	[dreg:$0x0] =	wrdreg $0x60  }
0xae: {  	[dreg:$0x2] =	wrdreg s24  }
0xaf: {  	[dreg:$0x3] =	wrdreg $0x50000  }
0xb0: {  	[dreg:$0x4] =	wrdreg $0x9  }
0xb1: {  	_ =	task.clear_ibuf [dreg:s6], $0x5FFFF;
	_ =	strace $0x9000004F  }
0xb2: {  	s29 =	simm.s32 $0x9;
	_ =	strace $0x80000051  }
0xb3: {  	_ =	swait.ge [sflag:s29], $0x1  }
0xb4: {  	[sflag:s29] =	ssyncadd.s32 $0xFFFFFFFF  }
0xb5: {  	_ =	strace $0x90000051  }
0xb6: {  	_ =	sfence  }
0xb7: {  	s30 =	sld [smem:$0x0];
	_ =	sdelay $0x2  }
0xb8: {  	s31 =	sshll.u32 s1, $0xD;
	s1 =	sshrl.u32 s1, $0x2  }
0xb9: {  	s3 =	sand.u32 $0x4000, s31;
	s1 =	sadd.s32 s1, s30  }
0xba: {  	s0 =	sor.u32 s3, s0;
	s1 =	sshll.u32 s1, $0x11  }
0xbb: {  	s0 =	sor.u32 s1, s0  }
0xbc: {  	s0 =	sadd.s32 $0x8F2B, s0  }
0xbd: {  	[sflag:s0] =	ssyncadd.remote.s32 $0x1  }
0xbe: {  	_ =	sfence.sel $0xFFFF  }
0xbf: {  	[dreg:$0x0] =	wrdreg $0xFFFFFFFF;
	(pc) =	sbr.abs _section_cstart, $3  }
0xc0: {  	[dreg:$0x1] =	wrdreg $0xFFFFFFFF  }
0xc1: {  	_ =	task.clear_ibuf [dreg:s6], $0x2FFFF;
	_ =	strace $0x9FFFFFFF  }
0xc2: {  	(tm) =	ssettm $0x7FFFFFFF  }
0xc3: {  	_ =	shalt  }
tec
execute0_lowered:
.L_overlay_start_1:
0x0: {  	(tag) =	ssettag $0x1  }
0x1: {  	s0 =	rddreg [dreg:$0x0]  }
0x2: {  	s1 =	rddreg [dreg:$0x1]  }
0x3: {  	s2 =	simm.s32 $0x0;
	s3 =	srdreg.scid;
	s12 =	stileid.u32  }
0x4: {  	s16 =	simm.s32 $0xD;
	s28 =	simm.s32 $0x3;
	s29 =	simm.s32 $0x4  }
0x5: {  	s30 =	simm.s32 $0x9;
	s31 =	simm.s32 $0xA;
	s17 =	simm.s32 $0x0  }
0x6: {  	[smem:$0x7FF] =	sst s2;
	s3 =	sand.u32 $0x1, s3;
	s5 =	smul.u32 $0x19000, s12  }
0x7: {  	s6 =	sadd.s32 $0x101A00, s0;
	s8 =	sadd.s32 $0x1C400, s0;
	s20 =	smul.u32 $0x1880, s12  }
0x8: {  	s22 =	sshll.u32 s12, $0x6;
	s4 =	smul.u32 $0x32000, s3;
	_ =	strace $0x80000050  }
0x9: {  	s7 =	ssub.s32 $0x2, s3;
	p0 =	seq.s32 s3, $0x1;
	s3 =	simm.s32 $0xCAC00  }
0xa: {  	s9 =	sshrl.u32 s5, $0x3;
	s10 =	sshrl.u32 s7, $0x1;
	s11 =	sadd.s32 s5, s1  }
0xb: {  	s5 =	sor.u32 $0x1C0D, s22;
	s23 =	sadd.s32 s6, s20;
	s24 =	sadd.s32 s8, s20  }
0xc: {  	s3 =	simm.s32 @!p0 $0x43A200;
	s22 =	simm.s32 $0x2000;
	s4 =	sadd.s32 s4, s0  }
0xd: {  	s0 =	sadd.s32 s9, s0;
	s19 =	ssub.s32 s7, s10;
	s10 =	sor.u32 $0x40, s20  }
0xe: {  	[dreg:$0x4] =	wrdreg s24;
	s13 =	sadd.s32 $0x80, s24;
	s12 =	smov.u32 s23  }
0xf: {  	s14 =	sadd.s32 $0x80, s23;
	s15 =	sshrl.u32 s11, $0x3;
	s21 =	sadd.s32 $0x98C00, s0  }
0x10: {  	s20 =	simm.s32 $0x80;
	s6 =	sadd.s32 s6, s10;
	[dreg:$0x3] =	wrdreg s21  }
0x11: {  	s23 =	simm.s32 $0x3000;
	s25 =	sadd.s32 s8, s10;
	[dreg:$0x5] =	wrdreg s6  }
0x12: {  	s24 =	simm.s32 $0x4000;
	s26 =	smax.u32 s19, $0x1;
	[dreg:$0x6] =	wrdreg s25  }
0x13: {  	s10 =	sadd.s32 $0x34C00, s4;
	s0 =	sadd.s32 s3, s0;
	[dreg:$0x7] =	wrdreg s26  }
0x14: {  	s3 =	simm.s32 $0xC;
	[dreg:$0x8] =	wrdreg s0;
	s21 =	simm.s32 $0x1000  }
0x15: {  	s25 =	simm.s32 $0x1;
	s26 =	simm.s32 $0x2;
	s0 =	simm.s32 $0xB  }
.LBB2_1:
0x16: {  	s4 =	rddreg [dreg:$0x3]  }
0x17: {  	[spmem:s15], [sflag:s5] =	dma.local [hbm:s4], $0x3200  }
0x18: {  	_ =	swait.ge [sflag:s16], $0x3200  }
0x19: {  	[sflag:s16] =	ssyncset.done $0x0  }
0x1a: {  	[sflag:s16] =	ssyncadd.s32 $0xFFFFCE00  }
0x1b: {  	[bflag:$0x0] =	sbarrier.arrive $0xFFFF  }
0x1c: {  	[tilespmem:s2], [sflag:$0x5] =	stream.linear.gather [hbm4b:s12+s2], $0x200, $0x38;
	[tilespmem:$0x1E000] =	vst v63  }
0x1d: {  	s6 =	simm.s32 $0x800;
	s18 =	simm.s32 $0x0;
	s19 =	rddreg [dreg:$0x4]  }
0x1e: {  	[tilespmem:s6], [sflag:$0x5] =	stream.linear.gather [hbm4b:s19+s2], $0x200, $0x38;
	[tilespmem:$0x1E000] =	vst v63  }
0x1f: {  	s8 =	simm.s32 $0x200;
	s4 =	sand.u32 $0x3, s18;
	s7 =	rddreg [dreg:$0x5]  }
0x20: {  	[tilespmem:s8], [sflag:$0x6] =	stream.linear.gather [hbm4b:s7+s2], $0x200, $0x38;
	[tilespmem:$0x1E000] =	vst v63  }
0x21: {  	s11 =	simm.s32 $0xA00;
	s9 =	rddreg [dreg:$0x6];
	s19 =	sadd.s32 $0x5, s4  }
0x22: {  	[tilespmem:s11], [sflag:$0x6] =	stream.linear.gather [hbm4b:s9+s2], $0x200, $0x38;
	[tilespmem:$0x1E000] =	vst v63  }
0x23: {  	_ =	swait.ge [sflag:s19], $0x200  }
0x24: {  	[sflag:s19] =	ssyncset.done $0x0  }
0x25: {  	[sflag:s19] =	ssyncadd.s32 $0xFFFFFE00  }
0x26: {  	_ =	swait.ge [sflag:s19], $0x200  }
0x27: {  	[sflag:s19] =	ssyncset.done $0x0  }
0x28: {  	s4 =	sshll.u32 s4, $0x9;
	[sflag:s19] =	ssyncadd.s32 $0xFFFFFE00  }
0x29: {  	[tilespmem:s21], [sflag:$0x1] =	stream.indirect.gather [hbm4b:s10+s20], $0x20, s4, s20, $0xb8;
	[tilespmem:$0x1E000] =	vst v63  }
0x2a: {  	s7 =	sor.u32 $0x80, s4  }
0x2b: {  	[tilespmem:s22], [sflag:$0x2] =	stream.indirect.gather [hbm4b:s10+s20], $0x20, s7, s20, $0xb8;
	[tilespmem:$0x1E000] =	vst v63  }
0x2c: {  	s8 =	sor.u32 $0x100, s4  }
0x2d: {  	[tilespmem:s23], [sflag:$0x3] =	stream.indirect.gather [hbm4b:s10+s20], $0x20, s8, s20, $0xb8;
	[tilespmem:$0x1E000] =	vst v63  }
0x2e: {  	s9 =	sor.u32 $0x180, s4  }
0x2f: {  	[tilespmem:s24], [sflag:$0x4] =	stream.indirect.gather [hbm4b:s10+s20], $0x20, s9, s20, $0xb8;
	[tilespmem:$0x1E000] =	vst v63  }
0x30: {  	_ =	swait.ge [sflag:s25], $0x1000  }
0x31: {  	[sflag:s25] =	ssyncset.done $0x0  }
0x32: {  	s11 =	sor.u32 $0x800, s4;
	[sflag:s25] =	ssyncadd.s32 $0xFFFFF000  }
0x33: {  	[spmem:s1] =	stream.indirect.scatter.add.f32 [tilespmem:s21], [sflag:$0x9], $0x20, s11, s20, $0xb8;
	[tilespmem:$0x1E000] =	vst v63  }
0x34: {  	_ =	swait.ge [sflag:s26], $0x1000  }
0x35: {  	[sflag:s26] =	ssyncset.done $0x0  }
0x36: {  	s18 =	sor.u32 $0x880, s4;
	[sflag:s26] =	ssyncadd.s32 $0xFFFFF000  }
0x37: {  	[spmem:s1] =	stream.indirect.scatter.add.f32 [tilespmem:s22], [sflag:$0xA], $0x20, s18, s20, $0xb8;
	[tilespmem:$0x1E000] =	vst v63  }
0x38: {  	_ =	swait.ge [sflag:s28], $0x1000  }
0x39: {  	[sflag:s28] =	ssyncset.done $0x0  }
0x3a: {  	s19 =	sor.u32 $0x900, s4;
	[sflag:s28] =	ssyncadd.s32 $0xFFFFF000  }
0x3b: {  	[spmem:s1] =	stream.indirect.scatter.add.f32 [tilespmem:s23], [sflag:$0xB], $0x20, s19, s20, $0xb8;
	[tilespmem:$0x1E000] =	vst v63  }
0x3c: {  	_ =	swait.ge [sflag:s29], $0x1000  }
0x3d: {  	p0 =	por $0x0, $0x0;
	[sflag:s29] =	ssyncset.done $0x0  }
0x3e: {  	s6 =	sand.u32 @!p0 $0x3, s26;
	s4 =	sor.u32 $0x980, s4;
	[sflag:s29] =	ssyncadd.s32 $0xFFFFF000  }
0x3f: {  	[spmem:s1] =	stream.indirect.scatter.add.f32 [tilespmem:s24], [sflag:$0xC], $0x20, s4, s20, $0xb8;
	[tilespmem:$0x1E000] =	vst v63  }
0x40: {  	s8 =	sadd.s32 @!p0 $0x5, s6;
	s6 =	sshll.u32 @!p0 s6, $0x9;
	s4 =	simm.s32 @!p0 $0x0  }
0x41: {  	[tilespmem:s6], [sflag:s8] =	stream.linear.gather @!p0 [hbm4b:s14+s4], $0x200, $0x38;
	[tilespmem:$0x1E000] =	vst v63  }
0x42: {  	s6 =	sor.u32 @!p0 $0x800, s6  }
0x43: {  	[tilespmem:s6], [sflag:s8] =	stream.linear.gather @!p0 [hbm4b:s13+s4], $0x200, $0x38;
	[tilespmem:$0x1E000] =	vst v63  }
0x44: {  	_ =	swait.ge [sflag:s30], $0x1000  }
0x45: {  	[sflag:s30] =	ssyncset.done $0x0  }
0x46: {  	[sflag:s30] =	ssyncadd.s32 $0xFFFFF000  }
0x47: {  	_ =	swait.ge [sflag:s31], $0x1000  }
0x48: {  	[sflag:s31] =	ssyncset.done $0x0  }
0x49: {  	[sflag:s31] =	ssyncadd.s32 $0xFFFFF000  }
0x4a: {  	s9 =	simm.s32 $0x1;
	_ =	swait.ge [sflag:s0], $0x1000  }
0x4b: {  	s11 =	sand.u32 $0x3, s9;
	[sflag:s0] =	ssyncset.done $0x0  }
0x4c: {  	s18 =	sadd.s32 $0x40, s14;
	s19 =	sadd.s32 $0x40, s13;
	[sflag:s0] =	ssyncadd.s32 $0xFFFFF000  }
0x4d: {  	s4 =	simm.s32 $0x3;
	s8 =	simm.s32 $0x4;
	_ =	swait.ge [sflag:s3], $0x1000  }
.LBB2_2:
0x4e: {  	s7 =	sadd.s32 $0x5, s11  }
0x4f: {  	[sflag:s3] =	ssyncset.done $0x0;
	s6 =	smov.u32 s8;
	s8 =	sadd.s32 $0x1, s8  }
0x50: {  	p0 =	sne.s32 s8, $0x64;
	[sflag:s3] =	ssyncadd.s32 $0xFFFFF000  }
0x51: {  	_ =	swait.ge [sflag:s7], $0x200  }
0x52: {  	[sflag:s7] =	ssyncset.done $0x0  }
0x53: {  	[sflag:s7] =	ssyncadd.s32 $0xFFFFFE00  }
0x54: {  	_ =	swait.ge [sflag:s7], $0x200  }
0x55: {  	s11 =	sshll.u32 s11, $0x9;
	[sflag:s7] =	ssyncset.done $0x0  }
0x56: {  	[sflag:s7] =	ssyncadd.s32 $0xFFFFFE00  }
0x57: {  	[tilespmem:s21], [sflag:$0x1] =	stream.indirect.gather [hbm4b:s10+s20], $0x20, s11, s20, $0xb8;
	[tilespmem:$0x1E000] =	vst v63  }
0x58: {  	s7 =	sor.u32 $0x80, s11  }
0x59: {  	[tilespmem:s22], [sflag:$0x2] =	stream.indirect.gather [hbm4b:s10+s20], $0x20, s7, s20, $0xb8;
	[tilespmem:$0x1E000] =	vst v63  }
0x5a: {  	s7 =	sor.u32 $0x100, s11  }
0x5b: {  	[tilespmem:s23], [sflag:$0x3] =	stream.indirect.gather [hbm4b:s10+s20], $0x20, s7, s20, $0xb8;
	[tilespmem:$0x1E000] =	vst v63  }
0x5c: {  	s7 =	sor.u32 $0x180, s11  }
0x5d: {  	[tilespmem:s24], [sflag:$0x4] =	stream.indirect.gather [hbm4b:s10+s20], $0x20, s7, s20, $0xb8;
	[tilespmem:$0x1E000] =	vst v63  }
0x5e: {  	_ =	swait.ge [sflag:s25], $0x1000  }
0x5f: {  	s7 =	sor.u32 $0x800, s11;
	[sflag:s25] =	ssyncset.done $0x0  }
0x60: {  	[sflag:s25] =	ssyncadd.s32 $0xFFFFF000  }
0x61: {  	[spmem:s1] =	stream.indirect.scatter.add.f32 [tilespmem:s21], [sflag:$0x9], $0x20, s7, s20, $0xb8;
	[tilespmem:$0x1E000] =	vst v63  }
0x62: {  	_ =	swait.ge [sflag:s26], $0x1000  }
0x63: {  	s7 =	sor.u32 $0x880, s11;
	[sflag:s26] =	ssyncset.done $0x0  }
0x64: {  	[sflag:s26] =	ssyncadd.s32 $0xFFFFF000  }
0x65: {  	[spmem:s1] =	stream.indirect.scatter.add.f32 [tilespmem:s22], [sflag:$0xA], $0x20, s7, s20, $0xb8;
	[tilespmem:$0x1E000] =	vst v63  }
0x66: {  	_ =	swait.ge [sflag:s28], $0x1000  }
0x67: {  	s7 =	sor.u32 $0x900, s11;
	[sflag:s28] =	ssyncset.done $0x0  }
0x68: {  	[sflag:s28] =	ssyncadd.s32 $0xFFFFF000  }
0x69: {  	[spmem:s1] =	stream.indirect.scatter.add.f32 [tilespmem:s23], [sflag:$0xB], $0x20, s7, s20, $0xb8;
	[tilespmem:$0x1E000] =	vst v63  }
0x6a: {  	_ =	swait.ge [sflag:s29], $0x1000  }
0x6b: {  	p1 =	sgt.u32 s9, $0x5F;
	s7 =	sor.u32 $0x980, s11;
	[sflag:s29] =	ssyncset.done $0x0  }
0x6c: {  	s4 =	sand.u32 @!p1 $0x3, s4;
	s9 =	simm.s32 @!p1 $0x0;
	[sflag:s29] =	ssyncadd.s32 $0xFFFFF000  }
0x6d: {  	[spmem:s1] =	stream.indirect.scatter.add.f32 [tilespmem:s24], [sflag:$0xC], $0x20, s7, s20, $0xb8;
	[tilespmem:$0x1E000] =	vst v63  }
0x6e: {  	s11 =	sshll.u32 @!p1 s4, $0x9;
	s7 =	sadd.s32 @!p1 $0x5, s4;
	s4 =	smov.u32 s6  }
0x6f: {  	[tilespmem:s11], [sflag:s7] =	stream.linear.gather @!p1 [hbm4b:s18+s9], $0x200, $0x38;
	[tilespmem:$0x1E000] =	vst v63  }
0x70: {  	s6 =	sor.u32 @!p1 $0x800, s11  }
0x71: {  	[tilespmem:s6], [sflag:s7] =	stream.linear.gather @!p1 [hbm4b:s19+s9], $0x200, $0x38;
	[tilespmem:$0x1E000] =	vst v63  }
0x72: {  	_ =	swait.ge [sflag:s30], $0x1000  }
0x73: {  	[sflag:s30] =	ssyncset.done $0x0  }
0x74: {  	[sflag:s30] =	ssyncadd.s32 $0xFFFFF000  }
0x75: {  	_ =	swait.ge [sflag:s31], $0x1000  }
0x76: {  	[sflag:s31] =	ssyncset.done $0x0  }
.Ltmp0:
0x77: {  	[sflag:s31] =	ssyncadd.s32 $0xFFFFF000;
	(pc) =	sbr.rel @p0 .LBB2_2-.Ltmp0, $4  }
0x78: {  	_ =	swait.ge [sflag:s0], $0x1000  }
0x79: {  	[sflag:s0] =	ssyncset.done $0x0  }
0x7a: {  	s18 =	sadd.s32 $0x40, s18;
	s9 =	sadd.s32 $0xFFFFFFFE, s4;
	[sflag:s0] =	ssyncadd.s32 $0xFFFFF000  }
0x7b: {  	s19 =	sadd.s32 $0x40, s19;
	s11 =	sand.u32 $0x3, s9;
	_ =	swait.ge [sflag:s3], $0x1000  }
0x7c: {  	[sflag:s3] =	ssyncset.done $0x0  }
0x7d: {  	s6 =	sadd.s32 $0x5, s11;
	[sflag:s3] =	ssyncadd.s32 $0xFFFFF000  }
0x7e: {  	_ =	swait.ge [sflag:s6], $0x200  }
0x7f: {  	[sflag:s6] =	ssyncset.done $0x0  }
0x80: {  	[sflag:s6] =	ssyncadd.s32 $0xFFFFFE00  }
0x81: {  	_ =	swait.ge [sflag:s6], $0x200  }
0x82: {  	[sflag:s6] =	ssyncset.done $0x0  }
0x83: {  	s7 =	sshll.u32 s11, $0x9;
	[sflag:s6] =	ssyncadd.s32 $0xFFFFFE00  }
0x84: {  	[tilespmem:s21], [sflag:$0x1] =	stream.indirect.gather [hbm4b:s10+s20], $0x20, s7, s20, $0xb8;
	[tilespmem:$0x1E000] =	vst v63  }
0x85: {  	s11 =	sor.u32 $0x80, s7  }
0x86: {  	[tilespmem:s22], [sflag:$0x2] =	stream.indirect.gather [hbm4b:s10+s20], $0x20, s11, s20, $0xb8;
	[tilespmem:$0x1E000] =	vst v63  }
0x87: {  	s8 =	sor.u32 $0x100, s7  }
0x88: {  	[tilespmem:s23], [sflag:$0x3] =	stream.indirect.gather [hbm4b:s10+s20], $0x20, s8, s20, $0xb8;
	[tilespmem:$0x1E000] =	vst v63  }
0x89: {  	s11 =	sor.u32 $0x180, s7  }
0x8a: {  	[tilespmem:s24], [sflag:$0x4] =	stream.indirect.gather [hbm4b:s10+s20], $0x20, s11, s20, $0xb8;
	[tilespmem:$0x1E000] =	vst v63  }
0x8b: {  	_ =	swait.ge [sflag:s25], $0x1000  }
0x8c: {  	[sflag:s25] =	ssyncset.done $0x0  }
0x8d: {  	s8 =	sor.u32 $0x800, s7;
	[sflag:s25] =	ssyncadd.s32 $0xFFFFF000  }
0x8e: {  	[spmem:s1] =	stream.indirect.scatter.add.f32 [tilespmem:s21], [sflag:$0x9], $0x20, s8, s20, $0xb8;
	[tilespmem:$0x1E000] =	vst v63  }
0x8f: {  	_ =	swait.ge [sflag:s26], $0x1000  }
0x90: {  	[sflag:s26] =	ssyncset.done $0x0  }
0x91: {  	s11 =	sor.u32 $0x880, s7;
	[sflag:s26] =	ssyncadd.s32 $0xFFFFF000  }
0x92: {  	[spmem:s1] =	stream.indirect.scatter.add.f32 [tilespmem:s22], [sflag:$0xA], $0x20, s11, s20, $0xb8;
	[tilespmem:$0x1E000] =	vst v63  }
0x93: {  	_ =	swait.ge [sflag:s28], $0x1000  }
0x94: {  	[sflag:s28] =	ssyncset.done $0x0  }
0x95: {  	s8 =	sor.u32 $0x900, s7;
	[sflag:s28] =	ssyncadd.s32 $0xFFFFF000  }
0x96: {  	[spmem:s1] =	stream.indirect.scatter.add.f32 [tilespmem:s23], [sflag:$0xB], $0x20, s8, s20, $0xb8;
	[tilespmem:$0x1E000] =	vst v63  }
0x97: {  	_ =	swait.ge [sflag:s29], $0x1000  }
0x98: {  	p0 =	sgt.u32 s9, $0x5F;
	[sflag:s29] =	ssyncset.done $0x0  }
0x99: {  	s4 =	sand.u32 @!p0 $0x3, s4;
	s11 =	sor.u32 $0x980, s7;
	[sflag:s29] =	ssyncadd.s32 $0xFFFFF000  }
0x9a: {  	[spmem:s1] =	stream.indirect.scatter.add.f32 [tilespmem:s24], [sflag:$0xC], $0x20, s11, s20, $0xb8;
	[tilespmem:$0x1E000] =	vst v63  }
0x9b: {  	s6 =	simm.s32 @!p0 $0x0;
	s7 =	sadd.s32 @!p0 $0x5, s4;
	s4 =	sshll.u32 @!p0 s4, $0x9  }
0x9c: {  	[tilespmem:s4], [sflag:s7] =	stream.linear.gather @!p0 [hbm4b:s18+s6], $0x200, $0x38;
	[tilespmem:$0x1E000] =	vst v63  }
0x9d: {  	s4 =	sor.u32 @!p0 $0x800, s4  }
0x9e: {  	[tilespmem:s4], [sflag:s7] =	stream.linear.gather @!p0 [hbm4b:s19+s6], $0x200, $0x38;
	[tilespmem:$0x1E000] =	vst v63  }
0x9f: {  	_ =	swait.ge [sflag:s30], $0x1000  }
0xa0: {  	[sflag:s30] =	ssyncset.done $0x0  }
0xa1: {  	[sflag:s30] =	ssyncadd.s32 $0xFFFFF000  }
0xa2: {  	_ =	swait.ge [sflag:s31], $0x1000  }
0xa3: {  	[sflag:s31] =	ssyncset.done $0x0  }
0xa4: {  	[sflag:s31] =	ssyncadd.s32 $0xFFFFF000  }
0xa5: {  	_ =	swait.ge [sflag:s0], $0x1000  }
0xa6: {  	[sflag:s0] =	ssyncset.done $0x0  }
0xa7: {  	[sflag:s0] =	ssyncadd.s32 $0xFFFFF000  }
0xa8: {  	_ =	swait.ge [sflag:s3], $0x1000  }
0xa9: {  	[sflag:s3] =	ssyncset.done $0x0  }
0xaa: {  	[sflag:s3] =	ssyncadd.s32 $0xFFFFF000  }
0xab: {  	[bflag:$0x0] =	sbarrier.arrive $0xFFFF  }
0xac: {  	s18 =	rddreg [dreg:$0x8]  }
0xad: {  	[hbm:s18], [sflag:s5] =	dma.local [spmem:s15], $0x3200  }
0xae: {  	_ =	swait.ge [sflag:s16], $0x3200  }
0xaf: {  	s17 =	sadd.s32 $0x1, s17;
	s19 =	rddreg [dreg:$0x7]  }
0xb0: {  	p0 =	sne.s32 s17, s19  }
.Ltmp1:
0xb1: {  	_ = 	snop;
	(pc) =	sbr.rel @p0 .LBB2_1-.Ltmp1, $3  }
0xb2: {  	_ =	sdelay $0x1  }
0xb3: {  	[sflag:s16] =	ssyncset.done $0x0  }
0xb4: {  	[sflag:s16] =	ssyncadd.s32 $0xFFFFCE00  }
0xb5: {  	_ =	sfence.sel $0x180000  }
0xb6: {  	[bflag:$0x0] =	sbarrier.arrive $0xFFFF  }
0xb7: {  	_ =	strace $0x90000050  }
0xb8: {  	s0 =	stileid.u32;
	[bflag:$0x2] =	sbarrier.arrive $0xFFFF  }
0xb9: {  	p0 =	sne.s32 s0, $0x0;
	s0 =	rddreg [dreg:$0x2]  }
0xba: {  	s0 =	sadd.s32 @!p0 $0x100000, s0  }
0xbb: {  	[sflag:s0] =	ssyncadd.tile.s32 @!p0 $0x1;
	_ =	shalt  }
.Lfunc_end2:
_tile_overlayer_lowered:
.L_overlay_start_2:
0xbc: {  	(tag) =	ssettag $0x2  }
0xbd: {  	s0 =	rddreg [dreg:$0x0];
	s2 =	stileid.u32  }
0xbe: {  	s1 =	rddreg [dreg:$0x1];
	p0 =	sne.s32 s2, $0x0  }
0xbf: {  	s3 =	rddreg [dreg:$0x2];
	[bflag:$0x3] =	sbarrier.arrive $0xFFFF;
	s2 =	simm.s32 @!p0 $0x1C0D  }
0xc0: {  	[timem:s3], [sflag:s2] =	dma.local @!p0 [hbm:s0], s1  }
0xc1: {  	s0 =	simm.s32 @!p0 $0xD  }
0xc2: {  	_ =	swait.ge @!p0 [sflag:s0], s1  }
0xc3: {  	s1 =	ssub.s32 @!p0 $0x0, s1;
	[sflag:s0] =	ssyncset.done @!p0 $0x0  }
0xc4: {  	[sflag:s0] =	ssyncadd.s32 @!p0 s1  }
0xc5: {  	[bflag:$0x3] =	sbarrier.arrive $0xFFFF  }
0xc6: {  	_ =	shalt  }

</sc_bundles>
